<compile_context>
chip_gen: v7x
topology: tpu7x:2x2x1
jax: 0.10.2.dev20260603
libtpu: 0.0.44.dev20260713+nightly
codegen_flags: <defaults>
</compile_context>

<pallas_src>
import functools

import jax
import jax.numpy as jnp
from jax import lax
from jax.experimental import pallas as pl
from jax.experimental.pallas import tpu as pltpu
from jax.experimental.pallas import tpu_sc as plsc

VOCAB = 100000
EMB_DIM = 64
BATCH = 4096
SEQ = 50

_INFO = plsc.get_sparse_core_info()
NC = _INFO.num_cores
NS = _INFO.num_subcores
NW = NC * NS
CHUNK = 128

_MESH = plsc.VectorSubcoreMesh(core_axis_name="c", subcore_axis_name="s")


@functools.partial(
    pl.kernel,
    out_type=jax.ShapeDtypeStruct((SEQ, 8, NW, 8, CHUNK), jnp.float32),
    mesh=_MESH,
    scratch_types=[
        pltpu.VMEM((SEQ, CHUNK), jnp.int32),
        pltpu.VMEM((CHUNK, EMB_DIM), jnp.float32),
        pltpu.VMEM((CHUNK, EMB_DIM), jnp.float32),
        pltpu.VMEM((8, 8, CHUNK + 1), jnp.float32),
        pltpu.VMEM((8, 8, CHUNK + 1), jnp.float32),
        pltpu.SemaphoreType.DMA,
        pltpu.SemaphoreType.DMA,
        pltpu.SemaphoreType.DMA,
        pltpu.SemaphoreType.DMA,
    ],
    compiler_params=pltpu.CompilerParams(
        use_tc_tiling_on_sc=False, needs_layout_passes=False
    ),
)
def _gather_kernel(idx_hbm, table_hbm, out_hbm, idx_v, g0, g1, t0, t1,
                   sg0, sg1, sw0, sw1):
    wid = lax.axis_index("s") * NC + lax.axis_index("c")
    pltpu.sync_copy(idx_hbm.at[wid], idx_v)

    bufs_g = (g0, g1)
    bufs_t = (t0, t1)
    sems_g = (sg0, sg1)
    sems_w = (sw0, sw1)

    def fire_gather(s, p):
        return pltpu.async_copy(
            table_hbm.at[idx_v.at[s]], bufs_g[p], sems_g[p]
        )

    def transpose(p):
        src = bufs_g[p]
        dst = bufs_t[p]
        lanes = lax.iota(jnp.int32, 16)
        for c in range(EMB_DIM // 16):
            e_vec = c * 16 + lanes
            te_vec = e_vec // 8
            re_vec = e_vec % 8

            @plsc.parallel_loop(0, CHUNK, unroll=16)
            def _(rb):
                vals = src[rb, pl.ds(c * 16, 16)]
                rb_vec = jnp.full((16,), rb, jnp.int32)
                plsc.store_scatter(dst, [te_vec, re_vec, rb_vec], vals)

    def fire_write(s, p):
        for te in range(8):
            pltpu.async_copy(
                bufs_t[p].at[te, pl.ds(0, 8), pl.ds(0, CHUNK)],
                out_hbm.at[s, te, wid],
                sems_w[p],
            )

    fire_gather(0, 0)
    fire_gather(1, 1)

    def step(s2, _):
        for p in range(2):
            s = s2 * 2 + p
            pltpu.make_async_copy(
                table_hbm.at[idx_v.at[s]], bufs_g[p], sems_g[p]
            ).wait()

            @pl.when(s2 >= 1)
            def _():
                for te in range(8):
                    pltpu.make_async_copy(
                        bufs_t[p].at[te, pl.ds(0, 8), pl.ds(0, CHUNK)],
                        out_hbm.at[s - 2, te, wid],
                        sems_w[p],
                    ).wait()

            transpose(p)
            fire_write(s, p)

            @pl.when(s2 < SEQ // 2 - 1)
            def _():
                fire_gather(s + 2, p)
        return 0

    lax.fori_loop(0, SEQ // 2, step, 0)
    for p in range(2):
        for te in range(8):
            pltpu.make_async_copy(
                bufs_t[p].at[te, pl.ds(0, 8), pl.ds(0, CHUNK)],
                out_hbm.at[SEQ - 2 + p, te, wid],
                sems_w[p],
            ).wait()


def kernel(input_ids, table):
    idx5 = (
        input_ids.T.astype(jnp.int32)
        .reshape(SEQ, NW, CHUNK)
        .transpose(1, 0, 2)
    )
    o5 = _gather_kernel(idx5, table)
    return o5.transpose(2, 4, 0, 1, 3).reshape(BATCH, SEQ, EMB_DIM)

# --- scband reference (transcript-rebuilt; emitter-appended) ---
"""Pipeline reference for scband-text-encoder-stub-58488864637201 (READ-ONLY COPY).

The authoritative reference and input builder live on the scoring server;
editing this copy changes nothing except your own understanding.
"""

import jax, jax.numpy as jnp
import numpy as np

VOCAB = 100000
EMB_DIM = 64
BATCH = 4096
SEQ = 50

def setup_inputs(seed: int = 0) -> dict:
    key = jax.random.key(seed)
    k_idx, k_tab = jax.random.split(key)
    input_ids = jax.random.randint(k_idx, (BATCH, SEQ), 0, VOCAB, dtype=jnp.int64 if jax.config.jax_enable_x64 else jnp.int32)
    table = jax.random.normal(k_tab, (VOCAB, EMB_DIM), dtype=jnp.float32)
    return {"input_ids": input_ids, "table": table}

def reference(input_ids, table):
    # Faithful to TextEncoderStub.forward for non-None, non-empty input_ids:
    # a plain embedding lookup returning [batch, seq_len, emb_dim].
    return jnp.take(table, input_ids, axis=0)

if __name__ == "__main__":
    import jax
    _d = setup_inputs()
    print(jax.jit(kernel)(*tuple(_d.values())))

</pallas_src>

<mosaic_0001>
#map = affine_map<(d0, d1) -> (0, 0, 0)>
#map1 = affine_map<(d0, d1) -> (0, 0)>
#map2 = affine_map<(d0, d1) -> (0, 0, 0, 0, 0)>
module attributes {stable_mosaic.version = 14 : i64} {
  func.func @_gather_kernel(%arg0: i32, %arg1: i32, %arg2: memref<32x50x128xi32, #tpu.memory_space<hbm>>, %arg3: memref<100000x64xf32, #tpu.memory_space<hbm>>, %arg4: memref<50x8x32x8x128xf32, #tpu.memory_space<hbm>>, %arg5: memref<50x128xi32, #tpu.memory_space<vmem>>, %arg6: memref<128x64xf32, #tpu.memory_space<vmem>>, %arg7: memref<128x64xf32, #tpu.memory_space<vmem>>, %arg8: memref<8x8x129xf32, #tpu.memory_space<vmem>>, %arg9: memref<8x8x129xf32, #tpu.memory_space<vmem>>, %arg10: memref<!tpu.dma_semaphore, #tpu.memory_space<semaphore_mem>>, %arg11: memref<!tpu.dma_semaphore, #tpu.memory_space<semaphore_mem>>, %arg12: memref<!tpu.dma_semaphore, #tpu.memory_space<semaphore_mem>>, %arg13: memref<!tpu.dma_semaphore, #tpu.memory_space<semaphore_mem>>) attributes {dimension_semantics = [#tpu.dimension_semantics<core_parallel>, #tpu.dimension_semantics<subcore_parallel>], iteration_bounds = array<i64: 2, 16>, scalar_prefetch = 0 : i64, scratch_operands = 9 : i64, tpu.core_type = #tpu.core_type<sc_vector_subcore>, window_params = [{transform_indices = #map}, {transform_indices = #map1}, {transform_indices = #map2}]} {
    %mul3A = arith.constant 2 : i32
    %mul3A_0 = arith.muli %arg1, %mul3A : i32
    %add3A = arith.addi %mul3A_0, %arg0 : i32
    "tpu.region"() ({
      %run_scoped3A = tpu.sem_alloc : memref<!tpu.dma_semaphore, #tpu.memory_space<semaphore_mem>>
      %dma_start3A_323 = arith.constant 0 : i32
      %dma_start3A_324 = arith.constant 0 : i32
      %dma_start3A_325 = tpu.memref_slice %arg2[%add3A, %dma_start3A_323, %dma_start3A_324] : memref<32x50x128xi32, #tpu.memory_space<hbm>> -> memref<1x50x128xi32, #tpu.memory_space<hbm>>
      %dma_start3A_326 = tpu.memref_squeeze %dma_start3A_325 : memref<1x50x128xi32, #tpu.memory_space<hbm>> -> memref<50x128xi32, #tpu.memory_space<hbm>>
      %dma_start3A_327 = arith.constant 0 : i32
      %dma_start3A_328 = arith.constant 0 : i32
      %dma_start3A_329 = tpu.memref_slice %arg2[%add3A, %dma_start3A_327, %dma_start3A_328] : memref<32x50x128xi32, #tpu.memory_space<hbm>> -> memref<1x50x128xi32, #tpu.memory_space<hbm>>
      %dma_start3A_330 = tpu.memref_squeeze %dma_start3A_329 : memref<1x50x128xi32, #tpu.memory_space<hbm>> -> memref<50x128xi32, #tpu.memory_space<hbm>>
      tpu.enqueue_dma source(%dma_start3A_330 : memref<50x128xi32, #tpu.memory_space<hbm>>) target(%arg5 : memref<50x128xi32, #tpu.memory_space<vmem>>) target_semaphore(%run_scoped3A : memref<!tpu.dma_semaphore, #tpu.memory_space<semaphore_mem>>)
      %dma_wait3A_331 = arith.constant 0 : i32
      %dma_wait3A_332 = arith.constant 0 : i32
      %dma_wait3A_333 = tpu.memref_slice %arg2[%add3A, %dma_wait3A_331, %dma_wait3A_332] : memref<32x50x128xi32, #tpu.memory_space<hbm>> -> memref<1x50x128xi32, #tpu.memory_space<hbm>>
      %dma_wait3A_334 = tpu.memref_squeeze %dma_wait3A_333 : memref<1x50x128xi32, #tpu.memory_space<hbm>> -> memref<50x128xi32, #tpu.memory_space<hbm>>
      %dma_wait3A_335 = arith.constant 0 : i32
      %dma_wait3A_336 = arith.constant 0 : i32
      %dma_wait3A_337 = tpu.memref_slice %arg2[%add3A, %dma_wait3A_335, %dma_wait3A_336] : memref<32x50x128xi32, #tpu.memory_space<hbm>> -> memref<1x50x128xi32, #tpu.memory_space<hbm>>
      %dma_wait3A_338 = tpu.memref_squeeze %dma_wait3A_337 : memref<1x50x128xi32, #tpu.memory_space<hbm>> -> memref<50x128xi32, #tpu.memory_space<hbm>>
      tpu.wait_dma2 semaphore(%run_scoped3A : memref<!tpu.dma_semaphore, #tpu.memory_space<semaphore_mem>>) src(%dma_wait3A_338 : memref<50x128xi32, #tpu.memory_space<hbm>>) dst(%arg5 : memref<50x128xi32, #tpu.memory_space<vmem>>)
      tpu.yield
    }) : () -> ()
    %dma_start3A = arith.constant 0 : i32
    %dma_start3A_1 = arith.constant 0 : i32
    %dma_start3A_2 = tpu.memref_slice %arg5[%dma_start3A, %dma_start3A_1] : memref<50x128xi32, #tpu.memory_space<vmem>> -> memref<1x128xi32, #tpu.memory_space<vmem>>
    %dma_start3A_3 = tpu.memref_squeeze %dma_start3A_2 : memref<1x128xi32, #tpu.memory_space<vmem>> -> memref<128xi32, #tpu.memory_space<vmem>>
    %dma_start3A_4 = arith.constant 0 : i32
    %dma_start3A_5 = arith.constant 0 : i32
    %dma_start3A_6 = tpu.memref_slice %arg3[%dma_start3A_4, %dma_start3A_5] : memref<100000x64xf32, #tpu.memory_space<hbm>> -> memref<100000x64xf32, #tpu.memory_space<hbm>>
    tpu.enqueue_indirect_dma source(%dma_start3A_6 : memref<100000x64xf32, #tpu.memory_space<hbm>>) target(%arg6 : memref<128x64xf32, #tpu.memory_space<vmem>>) offsets(%dma_start3A_3 : memref<128xi32, #tpu.memory_space<vmem>>) semaphore(%arg10 : memref<!tpu.dma_semaphore, #tpu.memory_space<semaphore_mem>>)
    %dma_start3A_7 = arith.constant 1 : i32
    %dma_start3A_8 = arith.constant 0 : i32
    %dma_start3A_9 = tpu.memref_slice %arg5[%dma_start3A_7, %dma_start3A_8] : memref<50x128xi32, #tpu.memory_space<vmem>> -> memref<1x128xi32, #tpu.memory_space<vmem>>
    %dma_start3A_10 = tpu.memref_squeeze %dma_start3A_9 : memref<1x128xi32, #tpu.memory_space<vmem>> -> memref<128xi32, #tpu.memory_space<vmem>>
    %dma_start3A_11 = arith.constant 0 : i32
    %dma_start3A_12 = arith.constant 0 : i32
    %dma_start3A_13 = tpu.memref_slice %arg3[%dma_start3A_11, %dma_start3A_12] : memref<100000x64xf32, #tpu.memory_space<hbm>> -> memref<100000x64xf32, #tpu.memory_space<hbm>>
    tpu.enqueue_indirect_dma source(%dma_start3A_13 : memref<100000x64xf32, #tpu.memory_space<hbm>>) target(%arg7 : memref<128x64xf32, #tpu.memory_space<vmem>>) offsets(%dma_start3A_10 : memref<128xi32, #tpu.memory_space<vmem>>) semaphore(%arg11 : memref<!tpu.dma_semaphore, #tpu.memory_space<semaphore_mem>>)
    %scan3A = arith.constant 0 : i32
    %scan3A_14 = arith.constant 0 : i32
    %scan3A_15 = arith.constant 25 : i32
    %scan3A_16 = arith.addi %scan3A_14, %scan3A_15 : i32
    %scan3A_17 = arith.constant 1 : i32
    %scan3A_18 = scf.for %scan3A_323 = %scan3A_14 to %scan3A_16 step %scan3A_17 iter_args(%scan3A_324 = %scan3A) -> (i32)  : i32 {
      %mul3A_325 = arith.constant 2 : i32
      %mul3A_326 = arith.muli %scan3A_323, %mul3A_325 : i32
      %add3A_327 = arith.constant 0 : i32
      %add3A_328 = arith.addi %mul3A_326, %add3A_327 : i32
      %dma_wait3A_329 = arith.constant 0 : i32
      %dma_wait3A_330 = tpu.memref_slice %arg5[%add3A_328, %dma_wait3A_329] : memref<50x128xi32, #tpu.memory_space<vmem>> -> memref<1x128xi32, #tpu.memory_space<vmem>>
      %dma_wait3A_331 = tpu.memref_squeeze %dma_wait3A_330 : memref<1x128xi32, #tpu.memory_space<vmem>> -> memref<128xi32, #tpu.memory_space<vmem>>
      %dma_wait3A_332 = arith.constant 0 : i32
      %dma_wait3A_333 = arith.constant 0 : i32
      %dma_wait3A_334 = tpu.memref_slice %arg3[%dma_wait3A_332, %dma_wait3A_333] : memref<100000x64xf32, #tpu.memory_space<hbm>> -> memref<100000x64xf32, #tpu.memory_space<hbm>>
      tpu.wait_indirect_dma semaphore(%arg10 : memref<!tpu.dma_semaphore, #tpu.memory_space<semaphore_mem>>) src(%dma_wait3A_334 : memref<100000x64xf32, #tpu.memory_space<hbm>>) dst(%arg6 : memref<128x64xf32, #tpu.memory_space<vmem>>)
      %ge3A = arith.constant 1 : i32
      %ge3A_335 = arith.cmpi sge, %scan3A_323, %ge3A : i32
      %convert_element_type3A = arith.extui %ge3A_335 : i1 to i32
      %cond3A = arith.constant 0 : i32
      %cond3A_336 = arith.cmpi ne, %convert_element_type3A, %cond3A : i32
      scf.if %cond3A_336 {
        %sub3A_1113 = arith.constant 2 : i32
        %sub3A_1114 = arith.subi %add3A_328, %sub3A_1113 : i32
        %dma_wait3A_1115 = arith.constant 0 : i32
        %dma_wait3A_1116 = arith.constant 0 : i32
        %dma_wait3A_1117 = arith.constant 0 : i32
        %dma_wait3A_1118 = arith.constant 0 : i32
        %dma_wait3A_1119 = tpu.memref_slice %arg8[%dma_wait3A_1115, %dma_wait3A_1117, %dma_wait3A_1118] : memref<8x8x129xf32, #tpu.memory_space<vmem>> -> memref<1x8x128xf32, #tpu.memory_space<vmem>>
        %dma_wait3A_1120 = tpu.memref_squeeze %dma_wait3A_1119 : memref<1x8x128xf32, #tpu.memory_space<vmem>> -> memref<8x128xf32, #tpu.memory_space<vmem>>
        %dma_wait3A_1121 = arith.constant 0 : i32
        %dma_wait3A_1122 = arith.constant 0 : i32
        %dma_wait3A_1123 = tpu.memref_slice %arg4[%sub3A_1114, %dma_wait3A_1116, %add3A, %dma_wait3A_1121, %dma_wait3A_1122] : memref<50x8x32x8x128xf32, #tpu.memory_space<hbm>> -> memref<1x1x1x8x128xf32, #tpu.memory_space<hbm>>
        %dma_wait3A_1124 = tpu.memref_squeeze %dma_wait3A_1123 : memref<1x1x1x8x128xf32, #tpu.memory_space<hbm>> -> memref<8x128xf32, #tpu.memory_space<hbm>>
        %dma_wait3A_1125 = arith.constant 0 : i32
        %dma_wait3A_1126 = arith.constant 0 : i32
        %dma_wait3A_1127 = tpu.memref_slice %arg4[%sub3A_1114, %dma_wait3A_1116, %add3A, %dma_wait3A_1125, %dma_wait3A_1126] : memref<50x8x32x8x128xf32, #tpu.memory_space<hbm>> -> memref<1x1x1x8x128xf32, #tpu.memory_space<hbm>>
        %dma_wait3A_1128 = tpu.memref_squeeze %dma_wait3A_1127 : memref<1x1x1x8x128xf32, #tpu.memory_space<hbm>> -> memref<8x128xf32, #tpu.memory_space<hbm>>
        %dma_wait3A_1129 = arith.constant 0 : i32
        %dma_wait3A_1130 = arith.constant 0 : i32
        %dma_wait3A_1131 = tpu.memref_slice %arg8[%dma_wait3A_1115, %dma_wait3A_1129, %dma_wait3A_1130] : memref<8x8x129xf32, #tpu.memory_space<vmem>> -> memref<1x8x128xf32, #tpu.memory_space<vmem>>
        %dma_wait3A_1132 = tpu.memref_squeeze %dma_wait3A_1131 : memref<1x8x128xf32, #tpu.memory_space<vmem>> -> memref<8x128xf32, #tpu.memory_space<vmem>>
        tpu.wait_dma2 semaphore(%arg12 : memref<!tpu.dma_semaphore, #tpu.memory_space<semaphore_mem>>) src(%dma_wait3A_1132 : memref<8x128xf32, #tpu.memory_space<vmem>>) dst(%dma_wait3A_1128 : memref<8x128xf32, #tpu.memory_space<hbm>>)
        %sub3A_1133 = arith.constant 2 : i32
        %sub3A_1134 = arith.subi %add3A_328, %sub3A_1133 : i32
        %dma_wait3A_1135 = arith.constant 1 : i32
        %dma_wait3A_1136 = arith.constant 1 : i32
        %dma_wait3A_1137 = arith.constant 0 : i32
        %dma_wait3A_1138 = arith.constant 0 : i32
        %dma_wait3A_1139 = tpu.memref_slice %arg8[%dma_wait3A_1135, %dma_wait3A_1137, %dma_wait3A_1138] : memref<8x8x129xf32, #tpu.memory_space<vmem>> -> memref<1x8x128xf32, #tpu.memory_space<vmem>>
        %dma_wait3A_1140 = tpu.memref_squeeze %dma_wait3A_1139 : memref<1x8x128xf32, #tpu.memory_space<vmem>> -> memref<8x128xf32, #tpu.memory_space<vmem>>
        %dma_wait3A_1141 = arith.constant 0 : i32
        %dma_wait3A_1142 = arith.constant 0 : i32
        %dma_wait3A_1143 = tpu.memref_slice %arg4[%sub3A_1134, %dma_wait3A_1136, %add3A, %dma_wait3A_1141, %dma_wait3A_1142] : memref<50x8x32x8x128xf32, #tpu.memory_space<hbm>> -> memref<1x1x1x8x128xf32, #tpu.memory_space<hbm>>
        %dma_wait3A_1144 = tpu.memref_squeeze %dma_wait3A_1143 : memref<1x1x1x8x128xf32, #tpu.memory_space<hbm>> -> memref<8x128xf32, #tpu.memory_space<hbm>>
        %dma_wait3A_1145 = arith.constant 0 : i32
        %dma_wait3A_1146 = arith.constant 0 : i32
        %dma_wait3A_1147 = tpu.memref_slice %arg4[%sub3A_1134, %dma_wait3A_1136, %add3A, %dma_wait3A_1145, %dma_wait3A_1146] : memref<50x8x32x8x128xf32, #tpu.memory_space<hbm>> -> memref<1x1x1x8x128xf32, #tpu.memory_space<hbm>>
        %dma_wait3A_1148 = tpu.memref_squeeze %dma_wait3A_1147 : memref<1x1x1x8x128xf32, #tpu.memory_space<hbm>> -> memref<8x128xf32, #tpu.memory_space<hbm>>
        %dma_wait3A_1149 = arith.constant 0 : i32
        %dma_wait3A_1150 = arith.constant 0 : i32
        %dma_wait3A_1151 = tpu.memref_slice %arg8[%dma_wait3A_1135, %dma_wait3A_1149, %dma_wait3A_1150] : memref<8x8x129xf32, #tpu.memory_space<vmem>> -> memref<1x8x128xf32, #tpu.memory_space<vmem>>
        %dma_wait3A_1152 = tpu.memref_squeeze %dma_wait3A_1151 : memref<1x8x128xf32, #tpu.memory_space<vmem>> -> memref<8x128xf32, #tpu.memory_space<vmem>>
        tpu.wait_dma2 semaphore(%arg12 : memref<!tpu.dma_semaphore, #tpu.memory_space<semaphore_mem>>) src(%dma_wait3A_1152 : memref<8x128xf32, #tpu.memory_space<vmem>>) dst(%dma_wait3A_1148 : memref<8x128xf32, #tpu.memory_space<hbm>>)
        %sub3A_1153 = arith.constant 2 : i32
        %sub3A_1154 = arith.subi %add3A_328, %sub3A_1153 : i32
        %dma_wait3A_1155 = arith.constant 2 : i32
        %dma_wait3A_1156 = arith.constant 2 : i32
        %dma_wait3A_1157 = arith.constant 0 : i32
        %dma_wait3A_1158 = arith.constant 0 : i32
        %dma_wait3A_1159 = tpu.memref_slice %arg8[%dma_wait3A_1155, %dma_wait3A_1157, %dma_wait3A_1158] : memref<8x8x129xf32, #tpu.memory_space<vmem>> -> memref<1x8x128xf32, #tpu.memory_space<vmem>>
        %dma_wait3A_1160 = tpu.memref_squeeze %dma_wait3A_1159 : memref<1x8x128xf32, #tpu.memory_space<vmem>> -> memref<8x128xf32, #tpu.memory_space<vmem>>
        %dma_wait3A_1161 = arith.constant 0 : i32
        %dma_wait3A_1162 = arith.constant 0 : i32
        %dma_wait3A_1163 = tpu.memref_slice %arg4[%sub3A_1154, %dma_wait3A_1156, %add3A, %dma_wait3A_1161, %dma_wait3A_1162] : memref<50x8x32x8x128xf32, #tpu.memory_space<hbm>> -> memref<1x1x1x8x128xf32, #tpu.memory_space<hbm>>
        %dma_wait3A_1164 = tpu.memref_squeeze %dma_wait3A_1163 : memref<1x1x1x8x128xf32, #tpu.memory_space<hbm>> -> memref<8x128xf32, #tpu.memory_space<hbm>>
        %dma_wait3A_1165 = arith.constant 0 : i32
        %dma_wait3A_1166 = arith.constant 0 : i32
        %dma_wait3A_1167 = tpu.memref_slice %arg4[%sub3A_1154, %dma_wait3A_1156, %add3A, %dma_wait3A_1165, %dma_wait3A_1166] : memref<50x8x32x8x128xf32, #tpu.memory_space<hbm>> -> memref<1x1x1x8x128xf32, #tpu.memory_space<hbm>>
        %dma_wait3A_1168 = tpu.memref_squeeze %dma_wait3A_1167 : memref<1x1x1x8x128xf32, #tpu.memory_space<hbm>> -> memref<8x128xf32, #tpu.memory_space<hbm>>
        %dma_wait3A_1169 = arith.constant 0 : i32
        %dma_wait3A_1170 = arith.constant 0 : i32
        %dma_wait3A_1171 = tpu.memref_slice %arg8[%dma_wait3A_1155, %dma_wait3A_1169, %dma_wait3A_1170] : memref<8x8x129xf32, #tpu.memory_space<vmem>> -> memref<1x8x128xf32, #tpu.memory_space<vmem>>
        %dma_wait3A_1172 = tpu.memref_squeeze %dma_wait3A_1171 : memref<1x8x128xf32, #tpu.memory_space<vmem>> -> memref<8x128xf32, #tpu.memory_space<vmem>>
        tpu.wait_dma2 semaphore(%arg12 : memref<!tpu.dma_semaphore, #tpu.memory_space<semaphore_mem>>) src(%dma_wait3A_1172 : memref<8x128xf32, #tpu.memory_space<vmem>>) dst(%dma_wait3A_1168 : memref<8x128xf32, #tpu.memory_space<hbm>>)
        %sub3A_1173 = arith.constant 2 : i32
        %sub3A_1174 = arith.subi %add3A_328, %sub3A_1173 : i32
        %dma_wait3A_1175 = arith.constant 3 : i32
        %dma_wait3A_1176 = arith.constant 3 : i32
        %dma_wait3A_1177 = arith.constant 0 : i32
        %dma_wait3A_1178 = arith.constant 0 : i32
        %dma_wait3A_1179 = tpu.memref_slice %arg8[%dma_wait3A_1175, %dma_wait3A_1177, %dma_wait3A_1178] : memref<8x8x129xf32, #tpu.memory_space<vmem>> -> memref<1x8x128xf32, #tpu.memory_space<vmem>>
        %dma_wait3A_1180 = tpu.memref_squeeze %dma_wait3A_1179 : memref<1x8x128xf32, #tpu.memory_space<vmem>> -> memref<8x128xf32, #tpu.memory_space<vmem>>
        %dma_wait3A_1181 = arith.constant 0 : i32
        %dma_wait3A_1182 = arith.constant 0 : i32
        %dma_wait3A_1183 = tpu.memref_slice %arg4[%sub3A_1174, %dma_wait3A_1176, %add3A, %dma_wait3A_1181, %dma_wait3A_1182] : memref<50x8x32x8x128xf32, #tpu.memory_space<hbm>> -> memref<1x1x1x8x128xf32, #tpu.memory_space<hbm>>
        %dma_wait3A_1184 = tpu.memref_squeeze %dma_wait3A_1183 : memref<1x1x1x8x128xf32, #tpu.memory_space<hbm>> -> memref<8x128xf32, #tpu.memory_space<hbm>>
        %dma_wait3A_1185 = arith.constant 0 : i32
        %dma_wait3A_1186 = arith.constant 0 : i32
        %dma_wait3A_1187 = tpu.memref_slice %arg4[%sub3A_1174, %dma_wait3A_1176, %add3A, %dma_wait3A_1185, %dma_wait3A_1186] : memref<50x8x32x8x128xf32, #tpu.memory_space<hbm>> -> memref<1x1x1x8x128xf32, #tpu.memory_space<hbm>>
        %dma_wait3A_1188 = tpu.memref_squeeze %dma_wait3A_1187 : memref<1x1x1x8x128xf32, #tpu.memory_space<hbm>> -> memref<8x128xf32, #tpu.memory_space<hbm>>
        %dma_wait3A_1189 = arith.constant 0 : i32
        %dma_wait3A_1190 = arith.constant 0 : i32
        %dma_wait3A_1191 = tpu.memref_slice %arg8[%dma_wait3A_1175, %dma_wait3A_1189, %dma_wait3A_1190] : memref<8x8x129xf32, #tpu.memory_space<vmem>> -> memref<1x8x128xf32, #tpu.memory_space<vmem>>
        %dma_wait3A_1192 = tpu.memref_squeeze %dma_wait3A_1191 : memref<1x8x128xf32, #tpu.memory_space<vmem>> -> memref<8x128xf32, #tpu.memory_space<vmem>>
        tpu.wait_dma2 semaphore(%arg12 : memref<!tpu.dma_semaphore, #tpu.memory_space<semaphore_mem>>) src(%dma_wait3A_1192 : memref<8x128xf32, #tpu.memory_space<vmem>>) dst(%dma_wait3A_1188 : memref<8x128xf32, #tpu.memory_space<hbm>>)
        %sub3A_1193 = arith.constant 2 : i32
        %sub3A_1194 = arith.subi %add3A_328, %sub3A_1193 : i32
        %dma_wait3A_1195 = arith.constant 4 : i32
        %dma_wait3A_1196 = arith.constant 4 : i32
        %dma_wait3A_1197 = arith.constant 0 : i32
        %dma_wait3A_1198 = arith.constant 0 : i32
        %dma_wait3A_1199 = tpu.memref_slice %arg8[%dma_wait3A_1195, %dma_wait3A_1197, %dma_wait3A_1198] : memref<8x8x129xf32, #tpu.memory_space<vmem>> -> memref<1x8x128xf32, #tpu.memory_space<vmem>>
        %dma_wait3A_1200 = tpu.memref_squeeze %dma_wait3A_1199 : memref<1x8x128xf32, #tpu.memory_space<vmem>> -> memref<8x128xf32, #tpu.memory_space<vmem>>
        %dma_wait3A_1201 = arith.constant 0 : i32
        %dma_wait3A_1202 = arith.constant 0 : i32
        %dma_wait3A_1203 = tpu.memref_slice %arg4[%sub3A_1194, %dma_wait3A_1196, %add3A, %dma_wait3A_1201, %dma_wait3A_1202] : memref<50x8x32x8x128xf32, #tpu.memory_space<hbm>> -> memref<1x1x1x8x128xf32, #tpu.memory_space<hbm>>
        %dma_wait3A_1204 = tpu.memref_squeeze %dma_wait3A_1203 : memref<1x1x1x8x128xf32, #tpu.memory_space<hbm>> -> memref<8x128xf32, #tpu.memory_space<hbm>>
        %dma_wait3A_1205 = arith.constant 0 : i32
        %dma_wait3A_1206 = arith.constant 0 : i32
        %dma_wait3A_1207 = tpu.memref_slice %arg4[%sub3A_1194, %dma_wait3A_1196, %add3A, %dma_wait3A_1205, %dma_wait3A_1206] : memref<50x8x32x8x128xf32, #tpu.memory_space<hbm>> -> memref<1x1x1x8x128xf32, #tpu.memory_space<hbm>>
        %dma_wait3A_1208 = tpu.memref_squeeze %dma_wait3A_1207 : memref<1x1x1x8x128xf32, #tpu.memory_space<hbm>> -> memref<8x128xf32, #tpu.memory_space<hbm>>
        %dma_wait3A_1209 = arith.constant 0 : i32
        %dma_wait3A_1210 = arith.constant 0 : i32
        %dma_wait3A_1211 = tpu.memref_slice %arg8[%dma_wait3A_1195, %dma_wait3A_1209, %dma_wait3A_1210] : memref<8x8x129xf32, #tpu.memory_space<vmem>> -> memref<1x8x128xf32, #tpu.memory_space<vmem>>
        %dma_wait3A_1212 = tpu.memref_squeeze %dma_wait3A_1211 : memref<1x8x128xf32, #tpu.memory_space<vmem>> -> memref<8x128xf32, #tpu.memory_space<vmem>>
        tpu.wait_dma2 semaphore(%arg12 : memref<!tpu.dma_semaphore, #tpu.memory_space<semaphore_mem>>) src(%dma_wait3A_1212 : memref<8x128xf32, #tpu.memory_space<vmem>>) dst(%dma_wait3A_1208 : memref<8x128xf32, #tpu.memory_space<hbm>>)
        %sub3A_1213 = arith.constant 2 : i32
        %sub3A_1214 = arith.subi %add3A_328, %sub3A_1213 : i32
        %dma_wait3A_1215 = arith.constant 5 : i32
        %dma_wait3A_1216 = arith.constant 5 : i32
        %dma_wait3A_1217 = arith.constant 0 : i32
        %dma_wait3A_1218 = arith.constant 0 : i32
        %dma_wait3A_1219 = tpu.memref_slice %arg8[%dma_wait3A_1215, %dma_wait3A_1217, %dma_wait3A_1218] : memref<8x8x129xf32, #tpu.memory_space<vmem>> -> memref<1x8x128xf32, #tpu.memory_space<vmem>>
        %dma_wait3A_1220 = tpu.memref_squeeze %dma_wait3A_1219 : memref<1x8x128xf32, #tpu.memory_space<vmem>> -> memref<8x128xf32, #tpu.memory_space<vmem>>
        %dma_wait3A_1221 = arith.constant 0 : i32
        %dma_wait3A_1222 = arith.constant 0 : i32
        %dma_wait3A_1223 = tpu.memref_slice %arg4[%sub3A_1214, %dma_wait3A_1216, %add3A, %dma_wait3A_1221, %dma_wait3A_1222] : memref<50x8x32x8x128xf32, #tpu.memory_space<hbm>> -> memref<1x1x1x8x128xf32, #tpu.memory_space<hbm>>
        %dma_wait3A_1224 = tpu.memref_squeeze %dma_wait3A_1223 : memref<1x1x1x8x128xf32, #tpu.memory_space<hbm>> -> memref<8x128xf32, #tpu.memory_space<hbm>>
        %dma_wait3A_1225 = arith.constant 0 : i32
        %dma_wait3A_1226 = arith.constant 0 : i32
        %dma_wait3A_1227 = tpu.memref_slice %arg4[%sub3A_1214, %dma_wait3A_1216, %add3A, %dma_wait3A_1225, %dma_wait3A_1226] : memref<50x8x32x8x128xf32, #tpu.memory_space<hbm>> -> memref<1x1x1x8x128xf32, #tpu.memory_space<hbm>>
        %dma_wait3A_1228 = tpu.memref_squeeze %dma_wait3A_1227 : memref<1x1x1x8x128xf32, #tpu.memory_space<hbm>> -> memref<8x128xf32, #tpu.memory_space<hbm>>
        %dma_wait3A_1229 = arith.constant 0 : i32
        %dma_wait3A_1230 = arith.constant 0 : i32
        %dma_wait3A_1231 = tpu.memref_slice %arg8[%dma_wait3A_1215, %dma_wait3A_1229, %dma_wait3A_1230] : memref<8x8x129xf32, #tpu.memory_space<vmem>> -> memref<1x8x128xf32, #tpu.memory_space<vmem>>
        %dma_wait3A_1232 = tpu.memref_squeeze %dma_wait3A_1231 : memref<1x8x128xf32, #tpu.memory_space<vmem>> -> memref<8x128xf32, #tpu.memory_space<vmem>>
        tpu.wait_dma2 semaphore(%arg12 : memref<!tpu.dma_semaphore, #tpu.memory_space<semaphore_mem>>) src(%dma_wait3A_1232 : memref<8x128xf32, #tpu.memory_space<vmem>>) dst(%dma_wait3A_1228 : memref<8x128xf32, #tpu.memory_space<hbm>>)
        %sub3A_1233 = arith.constant 2 : i32
        %sub3A_1234 = arith.subi %add3A_328, %sub3A_1233 : i32
        %dma_wait3A_1235 = arith.constant 6 : i32
        %dma_wait3A_1236 = arith.constant 6 : i32
        %dma_wait3A_1237 = arith.constant 0 : i32
        %dma_wait3A_1238 = arith.constant 0 : i32
        %dma_wait3A_1239 = tpu.memref_slice %arg8[%dma_wait3A_1235, %dma_wait3A_1237, %dma_wait3A_1238] : memref<8x8x129xf32, #tpu.memory_space<vmem>> -> memref<1x8x128xf32, #tpu.memory_space<vmem>>
        %dma_wait3A_1240 = tpu.memref_squeeze %dma_wait3A_1239 : memref<1x8x128xf32, #tpu.memory_space<vmem>> -> memref<8x128xf32, #tpu.memory_space<vmem>>
        %dma_wait3A_1241 = arith.constant 0 : i32
        %dma_wait3A_1242 = arith.constant 0 : i32
        %dma_wait3A_1243 = tpu.memref_slice %arg4[%sub3A_1234, %dma_wait3A_1236, %add3A, %dma_wait3A_1241, %dma_wait3A_1242] : memref<50x8x32x8x128xf32, #tpu.memory_space<hbm>> -> memref<1x1x1x8x128xf32, #tpu.memory_space<hbm>>
        %dma_wait3A_1244 = tpu.memref_squeeze %dma_wait3A_1243 : memref<1x1x1x8x128xf32, #tpu.memory_space<hbm>> -> memref<8x128xf32, #tpu.memory_space<hbm>>
        %dma_wait3A_1245 = arith.constant 0 : i32
        %dma_wait3A_1246 = arith.constant 0 : i32
        %dma_wait3A_1247 = tpu.memref_slice %arg4[%sub3A_1234, %dma_wait3A_1236, %add3A, %dma_wait3A_1245, %dma_wait3A_1246] : memref<50x8x32x8x128xf32, #tpu.memory_space<hbm>> -> memref<1x1x1x8x128xf32, #tpu.memory_space<hbm>>
        %dma_wait3A_1248 = tpu.memref_squeeze %dma_wait3A_1247 : memref<1x1x1x8x128xf32, #tpu.memory_space<hbm>> -> memref<8x128xf32, #tpu.memory_space<hbm>>
        %dma_wait3A_1249 = arith.constant 0 : i32
        %dma_wait3A_1250 = arith.constant 0 : i32
        %dma_wait3A_1251 = tpu.memref_slice %arg8[%dma_wait3A_1235, %dma_wait3A_1249, %dma_wait3A_1250] : memref<8x8x129xf32, #tpu.memory_space<vmem>> -> memref<1x8x128xf32, #tpu.memory_space<vmem>>
        %dma_wait3A_1252 = tpu.memref_squeeze %dma_wait3A_1251 : memref<1x8x128xf32, #tpu.memory_space<vmem>> -> memref<8x128xf32, #tpu.memory_space<vmem>>
        tpu.wait_dma2 semaphore(%arg12 : memref<!tpu.dma_semaphore, #tpu.memory_space<semaphore_mem>>) src(%dma_wait3A_1252 : memref<8x128xf32, #tpu.memory_space<vmem>>) dst(%dma_wait3A_1248 : memref<8x128xf32, #tpu.memory_space<hbm>>)
        %sub3A_1253 = arith.constant 2 : i32
        %sub3A_1254 = arith.subi %add3A_328, %sub3A_1253 : i32
        %dma_wait3A_1255 = arith.constant 7 : i32
        %dma_wait3A_1256 = arith.constant 7 : i32
        %dma_wait3A_1257 = arith.constant 0 : i32
        %dma_wait3A_1258 = arith.constant 0 : i32
        %dma_wait3A_1259 = tpu.memref_slice %arg8[%dma_wait3A_1255, %dma_wait3A_1257, %dma_wait3A_1258] : memref<8x8x129xf32, #tpu.memory_space<vmem>> -> memref<1x8x128xf32, #tpu.memory_space<vmem>>
        %dma_wait3A_1260 = tpu.memref_squeeze %dma_wait3A_1259 : memref<1x8x128xf32, #tpu.memory_space<vmem>> -> memref<8x128xf32, #tpu.memory_space<vmem>>
        %dma_wait3A_1261 = arith.constant 0 : i32
        %dma_wait3A_1262 = arith.constant 0 : i32
        %dma_wait3A_1263 = tpu.memref_slice %arg4[%sub3A_1254, %dma_wait3A_1256, %add3A, %dma_wait3A_1261, %dma_wait3A_1262] : memref<50x8x32x8x128xf32, #tpu.memory_space<hbm>> -> memref<1x1x1x8x128xf32, #tpu.memory_space<hbm>>
        %dma_wait3A_1264 = tpu.memref_squeeze %dma_wait3A_1263 : memref<1x1x1x8x128xf32, #tpu.memory_space<hbm>> -> memref<8x128xf32, #tpu.memory_space<hbm>>
        %dma_wait3A_1265 = arith.constant 0 : i32
        %dma_wait3A_1266 = arith.constant 0 : i32
        %dma_wait3A_1267 = tpu.memref_slice %arg4[%sub3A_1254, %dma_wait3A_1256, %add3A, %dma_wait3A_1265, %dma_wait3A_1266] : memref<50x8x32x8x128xf32, #tpu.memory_space<hbm>> -> memref<1x1x1x8x128xf32, #tpu.memory_space<hbm>>
        %dma_wait3A_1268 = tpu.memref_squeeze %dma_wait3A_1267 : memref<1x1x1x8x128xf32, #tpu.memory_space<hbm>> -> memref<8x128xf32, #tpu.memory_space<hbm>>
        %dma_wait3A_1269 = arith.constant 0 : i32
        %dma_wait3A_1270 = arith.constant 0 : i32
        %dma_wait3A_1271 = tpu.memref_slice %arg8[%dma_wait3A_1255, %dma_wait3A_1269, %dma_wait3A_1270] : memref<8x8x129xf32, #tpu.memory_space<vmem>> -> memref<1x8x128xf32, #tpu.memory_space<vmem>>
        %dma_wait3A_1272 = tpu.memref_squeeze %dma_wait3A_1271 : memref<1x8x128xf32, #tpu.memory_space<vmem>> -> memref<8x128xf32, #tpu.memory_space<vmem>>
        tpu.wait_dma2 semaphore(%arg12 : memref<!tpu.dma_semaphore, #tpu.memory_space<semaphore_mem>>) src(%dma_wait3A_1272 : memref<8x128xf32, #tpu.memory_space<vmem>>) dst(%dma_wait3A_1268 : memref<8x128xf32, #tpu.memory_space<hbm>>)
      } else {
      }
      %iota3A = tpu.iota {dimensions = array<i32: 0>} : vector<16xi32>
      %add3A_337 = arith.constant 0 : i32
      %add3A_338 = vector.broadcast %add3A_337 : i32 to vector<16xi32>
      %add3A_339 = arith.addi %add3A_338, %iota3A : vector<16xi32>
      %jit3A = arith.constant 8 : i32
      %div3A = vector.broadcast %jit3A : i32 to vector<16xi32>
      %div3A_340 = arith.divsi %add3A_339, %div3A : vector<16xi32>
      %sign3A = arith.constant 0 : i32
      %sign3A_341 = vector.broadcast %sign3A : i32 to vector<16xi32>
      %sign3A_342 = arith.cmpi sgt, %add3A_339, %sign3A_341 : vector<16xi32>
      %sign3A_343 = arith.extui %sign3A_342 : vector<16xi1> to vector<16xi32>
      %sign3A_344 = arith.constant 0 : i32
      %sign3A_345 = vector.broadcast %sign3A_344 : i32 to vector<16xi32>
      %sign3A_346 = arith.cmpi slt, %add3A_339, %sign3A_345 : vector<16xi32>
      %sign3A_347 = arith.extui %sign3A_346 : vector<16xi1> to vector<16xi32>
      %sign3A_348 = arith.subi %sign3A_343, %sign3A_347 : vector<16xi32>
      %sign3A_349 = arith.constant 0 : i32
      %sign3A_350 = arith.cmpi sgt, %jit3A, %sign3A_349 : i32
      %sign3A_351 = arith.extui %sign3A_350 : i1 to i32
      %sign3A_352 = arith.constant 0 : i32
      %sign3A_353 = arith.cmpi slt, %jit3A, %sign3A_352 : i32
      %sign3A_354 = arith.extui %sign3A_353 : i1 to i32
      %sign3A_355 = arith.subi %sign3A_351, %sign3A_354 : i32
      %ne3A = vector.broadcast %sign3A_355 : i32 to vector<16xi32>
      %ne3A_356 = arith.cmpi ne, %sign3A_348, %ne3A : vector<16xi32>
      %rem3A = vector.broadcast %jit3A : i32 to vector<16xi32>
      %rem3A_357 = arith.remsi %add3A_339, %rem3A : vector<16xi32>
      %ne3A_358 = arith.constant 0 : i32
      %ne3A_359 = vector.broadcast %ne3A_358 : i32 to vector<16xi32>
      %ne3A_360 = arith.cmpi ne, %rem3A_357, %ne3A_359 : vector<16xi32>
      %and3A = arith.andi %ne3A_356, %ne3A_360 : vector<16xi1>
      %sub3A = arith.constant 1 : i32
      %sub3A_361 = vector.broadcast %sub3A : i32 to vector<16xi32>
      %sub3A_362 = arith.subi %div3A_340, %sub3A_361 : vector<16xi32>
      %select_n3A = arith.select %and3A, %sub3A_362, %div3A_340 : vector<16xi1>, vector<16xi32>
      %jit3A_363 = arith.constant 8 : i32
      %eq3A = arith.constant 0 : i32
      %eq3A_364 = arith.cmpi eq, %jit3A_363, %eq3A : i32
      %jit3A_365 = arith.constant 1 : i32
      %select_n3A_366 = arith.select %eq3A_364, %jit3A_365, %jit3A_363 : i32
      %rem3A_367 = vector.broadcast %select_n3A_366 : i32 to vector<16xi32>
      %rem3A_368 = arith.remsi %add3A_339, %rem3A_367 : vector<16xi32>
      %ne3A_369 = arith.constant 0 : i32
      %ne3A_370 = vector.broadcast %ne3A_369 : i32 to vector<16xi32>
      %ne3A_371 = arith.cmpi ne, %rem3A_368, %ne3A_370 : vector<16xi32>
      %lt3A = arith.constant 0 : i32
      %lt3A_372 = vector.broadcast %lt3A : i32 to vector<16xi32>
      %lt3A_373 = arith.cmpi slt, %rem3A_368, %lt3A_372 : vector<16xi32>
      %lt3A_374 = arith.constant 0 : i32
      %lt3A_375 = arith.cmpi slt, %select_n3A_366, %lt3A_374 : i32
      %ne3A_376 = vector.broadcast %lt3A_375 : i1 to vector<16xi1>
      %ne3A_377 = vector.broadcast %ne3A_376 : vector<16xi1> to vector<16xi1>
      %ne3A_378 = arith.xori %lt3A_373, %ne3A_377 : vector<16xi1>
      %and3A_379 = arith.andi %ne3A_378, %ne3A_371 : vector<16xi1>
      %add3A_380 = vector.broadcast %select_n3A_366 : i32 to vector<16xi32>
      %add3A_381 = arith.addi %rem3A_368, %add3A_380 : vector<16xi32>
      %select_n3A_382 = arith.select %and3A_379, %add3A_381, %rem3A_368 : vector<16xi1>, vector<16xi32>
      %parallel_loop3A = arith.constant 0 : i32
      %parallel_loop3A_383 = arith.constant 128 : i32
      %parallel_loop3A_384 = arith.constant 1 : i32
      scf.for %parallel_loop3A_1113 = %parallel_loop3A to %parallel_loop3A_383 step %parallel_loop3A_384  : i32 {
        %parallel_loop3A_1114 = arith.index_cast %parallel_loop3A_1113 : i32 to index
        %parallel_loop3A_1115 = arith.constant 0 : index
        %parallel_loop3A_1116 = tpu.vector_load %arg6[%parallel_loop3A_1114, %parallel_loop3A_1115] {strides = array<i32>} : memref<128x64xf32, #tpu.memory_space<vmem>>, vector<16xf32>,
        %parallel_loop3A_1117 = vector.broadcast %parallel_loop3A_1113 : i32 to vector<16xi32>
        tpu.vector_store_idx %arg8[%select_n3A, %select_n3A_382, %parallel_loop3A_1117], %parallel_loop3A_1116 : memref<8x8x129xf32, #tpu.memory_space<vmem>>[vector<16xi32>, vector<16xi32>, vector<16xi32>], vector<16xf32>,
      } {sc.loop_unroll_factor = 16 : i64, sc.parallel_access}
      %add3A_385 = arith.constant 16 : i32
      %add3A_386 = vector.broadcast %add3A_385 : i32 to vector<16xi32>
      %add3A_387 = arith.addi %add3A_386, %iota3A : vector<16xi32>
      %jit3A_388 = arith.constant 8 : i32
      %div3A_389 = vector.broadcast %jit3A_388 : i32 to vector<16xi32>
      %div3A_390 = arith.divsi %add3A_387, %div3A_389 : vector<16xi32>
      %sign3A_391 = arith.constant 0 : i32
      %sign3A_392 = vector.broadcast %sign3A_391 : i32 to vector<16xi32>
      %sign3A_393 = arith.cmpi sgt, %add3A_387, %sign3A_392 : vector<16xi32>
      %sign3A_394 = arith.extui %sign3A_393 : vector<16xi1> to vector<16xi32>
      %sign3A_395 = arith.constant 0 : i32
      %sign3A_396 = vector.broadcast %sign3A_395 : i32 to vector<16xi32>
      %sign3A_397 = arith.cmpi slt, %add3A_387, %sign3A_396 : vector<16xi32>
      %sign3A_398 = arith.extui %sign3A_397 : vector<16xi1> to vector<16xi32>
      %sign3A_399 = arith.subi %sign3A_394, %sign3A_398 : vector<16xi32>
      %sign3A_400 = arith.constant 0 : i32
      %sign3A_401 = arith.cmpi sgt, %jit3A_388, %sign3A_400 : i32
      %sign3A_402 = arith.extui %sign3A_401 : i1 to i32
      %sign3A_403 = arith.constant 0 : i32
      %sign3A_404 = arith.cmpi slt, %jit3A_388, %sign3A_403 : i32
      %sign3A_405 = arith.extui %sign3A_404 : i1 to i32
      %sign3A_406 = arith.subi %sign3A_402, %sign3A_405 : i32
      %ne3A_407 = vector.broadcast %sign3A_406 : i32 to vector<16xi32>
      %ne3A_408 = arith.cmpi ne, %sign3A_399, %ne3A_407 : vector<16xi32>
      %rem3A_409 = vector.broadcast %jit3A_388 : i32 to vector<16xi32>
      %rem3A_410 = arith.remsi %add3A_387, %rem3A_409 : vector<16xi32>
      %ne3A_411 = arith.constant 0 : i32
      %ne3A_412 = vector.broadcast %ne3A_411 : i32 to vector<16xi32>
      %ne3A_413 = arith.cmpi ne, %rem3A_410, %ne3A_412 : vector<16xi32>
      %and3A_414 = arith.andi %ne3A_408, %ne3A_413 : vector<16xi1>
      %sub3A_415 = arith.constant 1 : i32
      %sub3A_416 = vector.broadcast %sub3A_415 : i32 to vector<16xi32>
      %sub3A_417 = arith.subi %div3A_390, %sub3A_416 : vector<16xi32>
      %select_n3A_418 = arith.select %and3A_414, %sub3A_417, %div3A_390 : vector<16xi1>, vector<16xi32>
      %jit3A_419 = arith.constant 8 : i32
      %eq3A_420 = arith.constant 0 : i32
      %eq3A_421 = arith.cmpi eq, %jit3A_419, %eq3A_420 : i32
      %jit3A_422 = arith.constant 1 : i32
      %select_n3A_423 = arith.select %eq3A_421, %jit3A_422, %jit3A_419 : i32
      %rem3A_424 = vector.broadcast %select_n3A_423 : i32 to vector<16xi32>
      %rem3A_425 = arith.remsi %add3A_387, %rem3A_424 : vector<16xi32>
      %ne3A_426 = arith.constant 0 : i32
      %ne3A_427 = vector.broadcast %ne3A_426 : i32 to vector<16xi32>
      %ne3A_428 = arith.cmpi ne, %rem3A_425, %ne3A_427 : vector<16xi32>
      %lt3A_429 = arith.constant 0 : i32
      %lt3A_430 = vector.broadcast %lt3A_429 : i32 to vector<16xi32>
      %lt3A_431 = arith.cmpi slt, %rem3A_425, %lt3A_430 : vector<16xi32>
      %lt3A_432 = arith.constant 0 : i32
      %lt3A_433 = arith.cmpi slt, %select_n3A_423, %lt3A_432 : i32
      %ne3A_434 = vector.broadcast %lt3A_433 : i1 to vector<16xi1>
      %ne3A_435 = vector.broadcast %ne3A_434 : vector<16xi1> to vector<16xi1>
      %ne3A_436 = arith.xori %lt3A_431, %ne3A_435 : vector<16xi1>
      %and3A_437 = arith.andi %ne3A_436, %ne3A_428 : vector<16xi1>
      %add3A_438 = vector.broadcast %select_n3A_423 : i32 to vector<16xi32>
      %add3A_439 = arith.addi %rem3A_425, %add3A_438 : vector<16xi32>
      %select_n3A_440 = arith.select %and3A_437, %add3A_439, %rem3A_425 : vector<16xi1>, vector<16xi32>
      %parallel_loop3A_441 = arith.constant 0 : i32
      %parallel_loop3A_442 = arith.constant 128 : i32
      %parallel_loop3A_443 = arith.constant 1 : i32
      scf.for %parallel_loop3A_1113 = %parallel_loop3A_441 to %parallel_loop3A_442 step %parallel_loop3A_443  : i32 {
        %parallel_loop3A_1114 = arith.index_cast %parallel_loop3A_1113 : i32 to index
        %parallel_loop3A_1115 = arith.constant 16 : index
        %parallel_loop3A_1116 = tpu.vector_load %arg6[%parallel_loop3A_1114, %parallel_loop3A_1115] {strides = array<i32>} : memref<128x64xf32, #tpu.memory_space<vmem>>, vector<16xf32>,
        %parallel_loop3A_1117 = vector.broadcast %parallel_loop3A_1113 : i32 to vector<16xi32>
        tpu.vector_store_idx %arg8[%select_n3A_418, %select_n3A_440, %parallel_loop3A_1117], %parallel_loop3A_1116 : memref<8x8x129xf32, #tpu.memory_space<vmem>>[vector<16xi32>, vector<16xi32>, vector<16xi32>], vector<16xf32>,
      } {sc.loop_unroll_factor = 16 : i64, sc.parallel_access}
      %add3A_444 = arith.constant 32 : i32
      %add3A_445 = vector.broadcast %add3A_444 : i32 to vector<16xi32>
      %add3A_446 = arith.addi %add3A_445, %iota3A : vector<16xi32>
      %jit3A_447 = arith.constant 8 : i32
      %div3A_448 = vector.broadcast %jit3A_447 : i32 to vector<16xi32>
      %div3A_449 = arith.divsi %add3A_446, %div3A_448 : vector<16xi32>
      %sign3A_450 = arith.constant 0 : i32
      %sign3A_451 = vector.broadcast %sign3A_450 : i32 to vector<16xi32>
      %sign3A_452 = arith.cmpi sgt, %add3A_446, %sign3A_451 : vector<16xi32>
      %sign3A_453 = arith.extui %sign3A_452 : vector<16xi1> to vector<16xi32>
      %sign3A_454 = arith.constant 0 : i32
      %sign3A_455 = vector.broadcast %sign3A_454 : i32 to vector<16xi32>
      %sign3A_456 = arith.cmpi slt, %add3A_446, %sign3A_455 : vector<16xi32>
      %sign3A_457 = arith.extui %sign3A_456 : vector<16xi1> to vector<16xi32>
      %sign3A_458 = arith.subi %sign3A_453, %sign3A_457 : vector<16xi32>
      %sign3A_459 = arith.constant 0 : i32
      %sign3A_460 = arith.cmpi sgt, %jit3A_447, %sign3A_459 : i32
      %sign3A_461 = arith.extui %sign3A_460 : i1 to i32
      %sign3A_462 = arith.constant 0 : i32
      %sign3A_463 = arith.cmpi slt, %jit3A_447, %sign3A_462 : i32
      %sign3A_464 = arith.extui %sign3A_463 : i1 to i32
      %sign3A_465 = arith.subi %sign3A_461, %sign3A_464 : i32
      %ne3A_466 = vector.broadcast %sign3A_465 : i32 to vector<16xi32>
      %ne3A_467 = arith.cmpi ne, %sign3A_458, %ne3A_466 : vector<16xi32>
      %rem3A_468 = vector.broadcast %jit3A_447 : i32 to vector<16xi32>
      %rem3A_469 = arith.remsi %add3A_446, %rem3A_468 : vector<16xi32>
      %ne3A_470 = arith.constant 0 : i32
      %ne3A_471 = vector.broadcast %ne3A_470 : i32 to vector<16xi32>
      %ne3A_472 = arith.cmpi ne, %rem3A_469, %ne3A_471 : vector<16xi32>
      %and3A_473 = arith.andi %ne3A_467, %ne3A_472 : vector<16xi1>
      %sub3A_474 = arith.constant 1 : i32
      %sub3A_475 = vector.broadcast %sub3A_474 : i32 to vector<16xi32>
      %sub3A_476 = arith.subi %div3A_449, %sub3A_475 : vector<16xi32>
      %select_n3A_477 = arith.select %and3A_473, %sub3A_476, %div3A_449 : vector<16xi1>, vector<16xi32>
      %jit3A_478 = arith.constant 8 : i32
      %eq3A_479 = arith.constant 0 : i32
      %eq3A_480 = arith.cmpi eq, %jit3A_478, %eq3A_479 : i32
      %jit3A_481 = arith.constant 1 : i32
      %select_n3A_482 = arith.select %eq3A_480, %jit3A_481, %jit3A_478 : i32
      %rem3A_483 = vector.broadcast %select_n3A_482 : i32 to vector<16xi32>
      %rem3A_484 = arith.remsi %add3A_446, %rem3A_483 : vector<16xi32>
      %ne3A_485 = arith.constant 0 : i32
      %ne3A_486 = vector.broadcast %ne3A_485 : i32 to vector<16xi32>
      %ne3A_487 = arith.cmpi ne, %rem3A_484, %ne3A_486 : vector<16xi32>
      %lt3A_488 = arith.constant 0 : i32
      %lt3A_489 = vector.broadcast %lt3A_488 : i32 to vector<16xi32>
      %lt3A_490 = arith.cmpi slt, %rem3A_484, %lt3A_489 : vector<16xi32>
      %lt3A_491 = arith.constant 0 : i32
      %lt3A_492 = arith.cmpi slt, %select_n3A_482, %lt3A_491 : i32
      %ne3A_493 = vector.broadcast %lt3A_492 : i1 to vector<16xi1>
      %ne3A_494 = vector.broadcast %ne3A_493 : vector<16xi1> to vector<16xi1>
      %ne3A_495 = arith.xori %lt3A_490, %ne3A_494 : vector<16xi1>
      %and3A_496 = arith.andi %ne3A_495, %ne3A_487 : vector<16xi1>
      %add3A_497 = vector.broadcast %select_n3A_482 : i32 to vector<16xi32>
      %add3A_498 = arith.addi %rem3A_484, %add3A_497 : vector<16xi32>
      %select_n3A_499 = arith.select %and3A_496, %add3A_498, %rem3A_484 : vector<16xi1>, vector<16xi32>
      %parallel_loop3A_500 = arith.constant 0 : i32
      %parallel_loop3A_501 = arith.constant 128 : i32
      %parallel_loop3A_502 = arith.constant 1 : i32
      scf.for %parallel_loop3A_1113 = %parallel_loop3A_500 to %parallel_loop3A_501 step %parallel_loop3A_502  : i32 {
        %parallel_loop3A_1114 = arith.index_cast %parallel_loop3A_1113 : i32 to index
        %parallel_loop3A_1115 = arith.constant 32 : index
        %parallel_loop3A_1116 = tpu.vector_load %arg6[%parallel_loop3A_1114, %parallel_loop3A_1115] {strides = array<i32>} : memref<128x64xf32, #tpu.memory_space<vmem>>, vector<16xf32>,
        %parallel_loop3A_1117 = vector.broadcast %parallel_loop3A_1113 : i32 to vector<16xi32>
        tpu.vector_store_idx %arg8[%select_n3A_477, %select_n3A_499, %parallel_loop3A_1117], %parallel_loop3A_1116 : memref<8x8x129xf32, #tpu.memory_space<vmem>>[vector<16xi32>, vector<16xi32>, vector<16xi32>], vector<16xf32>,
      } {sc.loop_unroll_factor = 16 : i64, sc.parallel_access}
      %add3A_503 = arith.constant 48 : i32
      %add3A_504 = vector.broadcast %add3A_503 : i32 to vector<16xi32>
      %add3A_505 = arith.addi %add3A_504, %iota3A : vector<16xi32>
      %jit3A_506 = arith.constant 8 : i32
      %div3A_507 = vector.broadcast %jit3A_506 : i32 to vector<16xi32>
      %div3A_508 = arith.divsi %add3A_505, %div3A_507 : vector<16xi32>
      %sign3A_509 = arith.constant 0 : i32
      %sign3A_510 = vector.broadcast %sign3A_509 : i32 to vector<16xi32>
      %sign3A_511 = arith.cmpi sgt, %add3A_505, %sign3A_510 : vector<16xi32>
      %sign3A_512 = arith.extui %sign3A_511 : vector<16xi1> to vector<16xi32>
      %sign3A_513 = arith.constant 0 : i32
      %sign3A_514 = vector.broadcast %sign3A_513 : i32 to vector<16xi32>
      %sign3A_515 = arith.cmpi slt, %add3A_505, %sign3A_514 : vector<16xi32>
      %sign3A_516 = arith.extui %sign3A_515 : vector<16xi1> to vector<16xi32>
      %sign3A_517 = arith.subi %sign3A_512, %sign3A_516 : vector<16xi32>
      %sign3A_518 = arith.constant 0 : i32
      %sign3A_519 = arith.cmpi sgt, %jit3A_506, %sign3A_518 : i32
      %sign3A_520 = arith.extui %sign3A_519 : i1 to i32
      %sign3A_521 = arith.constant 0 : i32
      %sign3A_522 = arith.cmpi slt, %jit3A_506, %sign3A_521 : i32
      %sign3A_523 = arith.extui %sign3A_522 : i1 to i32
      %sign3A_524 = arith.subi %sign3A_520, %sign3A_523 : i32
      %ne3A_525 = vector.broadcast %sign3A_524 : i32 to vector<16xi32>
      %ne3A_526 = arith.cmpi ne, %sign3A_517, %ne3A_525 : vector<16xi32>
      %rem3A_527 = vector.broadcast %jit3A_506 : i32 to vector<16xi32>
      %rem3A_528 = arith.remsi %add3A_505, %rem3A_527 : vector<16xi32>
      %ne3A_529 = arith.constant 0 : i32
      %ne3A_530 = vector.broadcast %ne3A_529 : i32 to vector<16xi32>
      %ne3A_531 = arith.cmpi ne, %rem3A_528, %ne3A_530 : vector<16xi32>
      %and3A_532 = arith.andi %ne3A_526, %ne3A_531 : vector<16xi1>
      %sub3A_533 = arith.constant 1 : i32
      %sub3A_534 = vector.broadcast %sub3A_533 : i32 to vector<16xi32>
      %sub3A_535 = arith.subi %div3A_508, %sub3A_534 : vector<16xi32>
      %select_n3A_536 = arith.select %and3A_532, %sub3A_535, %div3A_508 : vector<16xi1>, vector<16xi32>
      %jit3A_537 = arith.constant 8 : i32
      %eq3A_538 = arith.constant 0 : i32
      %eq3A_539 = arith.cmpi eq, %jit3A_537, %eq3A_538 : i32
      %jit3A_540 = arith.constant 1 : i32
      %select_n3A_541 = arith.select %eq3A_539, %jit3A_540, %jit3A_537 : i32
      %rem3A_542 = vector.broadcast %select_n3A_541 : i32 to vector<16xi32>
      %rem3A_543 = arith.remsi %add3A_505, %rem3A_542 : vector<16xi32>
      %ne3A_544 = arith.constant 0 : i32
      %ne3A_545 = vector.broadcast %ne3A_544 : i32 to vector<16xi32>
      %ne3A_546 = arith.cmpi ne, %rem3A_543, %ne3A_545 : vector<16xi32>
      %lt3A_547 = arith.constant 0 : i32
      %lt3A_548 = vector.broadcast %lt3A_547 : i32 to vector<16xi32>
      %lt3A_549 = arith.cmpi slt, %rem3A_543, %lt3A_548 : vector<16xi32>
      %lt3A_550 = arith.constant 0 : i32
      %lt3A_551 = arith.cmpi slt, %select_n3A_541, %lt3A_550 : i32
      %ne3A_552 = vector.broadcast %lt3A_551 : i1 to vector<16xi1>
      %ne3A_553 = vector.broadcast %ne3A_552 : vector<16xi1> to vector<16xi1>
      %ne3A_554 = arith.xori %lt3A_549, %ne3A_553 : vector<16xi1>
      %and3A_555 = arith.andi %ne3A_554, %ne3A_546 : vector<16xi1>
      %add3A_556 = vector.broadcast %select_n3A_541 : i32 to vector<16xi32>
      %add3A_557 = arith.addi %rem3A_543, %add3A_556 : vector<16xi32>
      %select_n3A_558 = arith.select %and3A_555, %add3A_557, %rem3A_543 : vector<16xi1>, vector<16xi32>
      %parallel_loop3A_559 = arith.constant 0 : i32
      %parallel_loop3A_560 = arith.constant 128 : i32
      %parallel_loop3A_561 = arith.constant 1 : i32
      scf.for %parallel_loop3A_1113 = %parallel_loop3A_559 to %parallel_loop3A_560 step %parallel_loop3A_561  : i32 {
        %parallel_loop3A_1114 = arith.index_cast %parallel_loop3A_1113 : i32 to index
        %parallel_loop3A_1115 = arith.constant 48 : index
        %parallel_loop3A_1116 = tpu.vector_load %arg6[%parallel_loop3A_1114, %parallel_loop3A_1115] {strides = array<i32>} : memref<128x64xf32, #tpu.memory_space<vmem>>, vector<16xf32>,
        %parallel_loop3A_1117 = vector.broadcast %parallel_loop3A_1113 : i32 to vector<16xi32>
        tpu.vector_store_idx %arg8[%select_n3A_536, %select_n3A_558, %parallel_loop3A_1117], %parallel_loop3A_1116 : memref<8x8x129xf32, #tpu.memory_space<vmem>>[vector<16xi32>, vector<16xi32>, vector<16xi32>], vector<16xf32>,
      } {sc.loop_unroll_factor = 16 : i64, sc.parallel_access}
      %dma_start3A_562 = arith.constant 0 : i32
      %dma_start3A_563 = arith.constant 0 : i32
      %dma_start3A_564 = arith.constant 0 : i32
      %dma_start3A_565 = arith.constant 0 : i32
      %dma_start3A_566 = tpu.memref_slice %arg8[%dma_start3A_562, %dma_start3A_564, %dma_start3A_565] : memref<8x8x129xf32, #tpu.memory_space<vmem>> -> memref<1x8x128xf32, #tpu.memory_space<vmem>>
      %dma_start3A_567 = tpu.memref_squeeze %dma_start3A_566 : memref<1x8x128xf32, #tpu.memory_space<vmem>> -> memref<8x128xf32, #tpu.memory_space<vmem>>
      %dma_start3A_568 = arith.constant 0 : i32
      %dma_start3A_569 = arith.constant 0 : i32
      %dma_start3A_570 = tpu.memref_slice %arg4[%add3A_328, %dma_start3A_563, %add3A, %dma_start3A_568, %dma_start3A_569] : memref<50x8x32x8x128xf32, #tpu.memory_space<hbm>> -> memref<1x1x1x8x128xf32, #tpu.memory_space<hbm>>
      %dma_start3A_571 = tpu.memref_squeeze %dma_start3A_570 : memref<1x1x1x8x128xf32, #tpu.memory_space<hbm>> -> memref<8x128xf32, #tpu.memory_space<hbm>>
      %dma_start3A_572 = arith.constant 0 : i32
      %dma_start3A_573 = arith.constant 0 : i32
      %dma_start3A_574 = tpu.memref_slice %arg4[%add3A_328, %dma_start3A_563, %add3A, %dma_start3A_572, %dma_start3A_573] : memref<50x8x32x8x128xf32, #tpu.memory_space<hbm>> -> memref<1x1x1x8x128xf32, #tpu.memory_space<hbm>>
      %dma_start3A_575 = tpu.memref_squeeze %dma_start3A_574 : memref<1x1x1x8x128xf32, #tpu.memory_space<hbm>> -> memref<8x128xf32, #tpu.memory_space<hbm>>
      %dma_start3A_576 = arith.constant 0 : i32
      %dma_start3A_577 = arith.constant 0 : i32
      %dma_start3A_578 = tpu.memref_slice %arg8[%dma_start3A_562, %dma_start3A_576, %dma_start3A_577] : memref<8x8x129xf32, #tpu.memory_space<vmem>> -> memref<1x8x128xf32, #tpu.memory_space<vmem>>
      %dma_start3A_579 = tpu.memref_squeeze %dma_start3A_578 : memref<1x8x128xf32, #tpu.memory_space<vmem>> -> memref<8x128xf32, #tpu.memory_space<vmem>>
      tpu.enqueue_dma source(%dma_start3A_579 : memref<8x128xf32, #tpu.memory_space<vmem>>) target(%dma_start3A_575 : memref<8x128xf32, #tpu.memory_space<hbm>>) target_semaphore(%arg12 : memref<!tpu.dma_semaphore, #tpu.memory_space<semaphore_mem>>)
      %dma_start3A_580 = arith.constant 1 : i32
      %dma_start3A_581 = arith.constant 1 : i32
      %dma_start3A_582 = arith.constant 0 : i32
      %dma_start3A_583 = arith.constant 0 : i32
      %dma_start3A_584 = tpu.memref_slice %arg8[%dma_start3A_580, %dma_start3A_582, %dma_start3A_583] : memref<8x8x129xf32, #tpu.memory_space<vmem>> -> memref<1x8x128xf32, #tpu.memory_space<vmem>>
      %dma_start3A_585 = tpu.memref_squeeze %dma_start3A_584 : memref<1x8x128xf32, #tpu.memory_space<vmem>> -> memref<8x128xf32, #tpu.memory_space<vmem>>
      %dma_start3A_586 = arith.constant 0 : i32
      %dma_start3A_587 = arith.constant 0 : i32
      %dma_start3A_588 = tpu.memref_slice %arg4[%add3A_328, %dma_start3A_581, %add3A, %dma_start3A_586, %dma_start3A_587] : memref<50x8x32x8x128xf32, #tpu.memory_space<hbm>> -> memref<1x1x1x8x128xf32, #tpu.memory_space<hbm>>
      %dma_start3A_589 = tpu.memref_squeeze %dma_start3A_588 : memref<1x1x1x8x128xf32, #tpu.memory_space<hbm>> -> memref<8x128xf32, #tpu.memory_space<hbm>>
      %dma_start3A_590 = arith.constant 0 : i32
      %dma_start3A_591 = arith.constant 0 : i32
      %dma_start3A_592 = tpu.memref_slice %arg4[%add3A_328, %dma_start3A_581, %add3A, %dma_start3A_590, %dma_start3A_591] : memref<50x8x32x8x128xf32, #tpu.memory_space<hbm>> -> memref<1x1x1x8x128xf32, #tpu.memory_space<hbm>>
      %dma_start3A_593 = tpu.memref_squeeze %dma_start3A_592 : memref<1x1x1x8x128xf32, #tpu.memory_space<hbm>> -> memref<8x128xf32, #tpu.memory_space<hbm>>
      %dma_start3A_594 = arith.constant 0 : i32
      %dma_start3A_595 = arith.constant 0 : i32
      %dma_start3A_596 = tpu.memref_slice %arg8[%dma_start3A_580, %dma_start3A_594, %dma_start3A_595] : memref<8x8x129xf32, #tpu.memory_space<vmem>> -> memref<1x8x128xf32, #tpu.memory_space<vmem>>
      %dma_start3A_597 = tpu.memref_squeeze %dma_start3A_596 : memref<1x8x128xf32, #tpu.memory_space<vmem>> -> memref<8x128xf32, #tpu.memory_space<vmem>>
      tpu.enqueue_dma source(%dma_start3A_597 : memref<8x128xf32, #tpu.memory_space<vmem>>) target(%dma_start3A_593 : memref<8x128xf32, #tpu.memory_space<hbm>>) target_semaphore(%arg12 : memref<!tpu.dma_semaphore, #tpu.memory_space<semaphore_mem>>)
      %dma_start3A_598 = arith.constant 2 : i32
      %dma_start3A_599 = arith.constant 2 : i32
      %dma_start3A_600 = arith.constant 0 : i32
      %dma_start3A_601 = arith.constant 0 : i32
      %dma_start3A_602 = tpu.memref_slice %arg8[%dma_start3A_598, %dma_start3A_600, %dma_start3A_601] : memref<8x8x129xf32, #tpu.memory_space<vmem>> -> memref<1x8x128xf32, #tpu.memory_space<vmem>>
      %dma_start3A_603 = tpu.memref_squeeze %dma_start3A_602 : memref<1x8x128xf32, #tpu.memory_space<vmem>> -> memref<8x128xf32, #tpu.memory_space<vmem>>
      %dma_start3A_604 = arith.constant 0 : i32
      %dma_start3A_605 = arith.constant 0 : i32
      %dma_start3A_606 = tpu.memref_slice %arg4[%add3A_328, %dma_start3A_599, %add3A, %dma_start3A_604, %dma_start3A_605] : memref<50x8x32x8x128xf32, #tpu.memory_space<hbm>> -> memref<1x1x1x8x128xf32, #tpu.memory_space<hbm>>
      %dma_start3A_607 = tpu.memref_squeeze %dma_start3A_606 : memref<1x1x1x8x128xf32, #tpu.memory_space<hbm>> -> memref<8x128xf32, #tpu.memory_space<hbm>>
      %dma_start3A_608 = arith.constant 0 : i32
      %dma_start3A_609 = arith.constant 0 : i32
      %dma_start3A_610 = tpu.memref_slice %arg4[%add3A_328, %dma_start3A_599, %add3A, %dma_start3A_608, %dma_start3A_609] : memref<50x8x32x8x128xf32, #tpu.memory_space<hbm>> -> memref<1x1x1x8x128xf32, #tpu.memory_space<hbm>>
      %dma_start3A_611 = tpu.memref_squeeze %dma_start3A_610 : memref<1x1x1x8x128xf32, #tpu.memory_space<hbm>> -> memref<8x128xf32, #tpu.memory_space<hbm>>
      %dma_start3A_612 = arith.constant 0 : i32
      %dma_start3A_613 = arith.constant 0 : i32
      %dma_start3A_614 = tpu.memref_slice %arg8[%dma_start3A_598, %dma_start3A_612, %dma_start3A_613] : memref<8x8x129xf32, #tpu.memory_space<vmem>> -> memref<1x8x128xf32, #tpu.memory_space<vmem>>
      %dma_start3A_615 = tpu.memref_squeeze %dma_start3A_614 : memref<1x8x128xf32, #tpu.memory_space<vmem>> -> memref<8x128xf32, #tpu.memory_space<vmem>>
      tpu.enqueue_dma source(%dma_start3A_615 : memref<8x128xf32, #tpu.memory_space<vmem>>) target(%dma_start3A_611 : memref<8x128xf32, #tpu.memory_space<hbm>>) target_semaphore(%arg12 : memref<!tpu.dma_semaphore, #tpu.memory_space<semaphore_mem>>)
      %dma_start3A_616 = arith.constant 3 : i32
      %dma_start3A_617 = arith.constant 3 : i32
      %dma_start3A_618 = arith.constant 0 : i32
      %dma_start3A_619 = arith.constant 0 : i32
      %dma_start3A_620 = tpu.memref_slice %arg8[%dma_start3A_616, %dma_start3A_618, %dma_start3A_619] : memref<8x8x129xf32, #tpu.memory_space<vmem>> -> memref<1x8x128xf32, #tpu.memory_space<vmem>>
      %dma_start3A_621 = tpu.memref_squeeze %dma_start3A_620 : memref<1x8x128xf32, #tpu.memory_space<vmem>> -> memref<8x128xf32, #tpu.memory_space<vmem>>
      %dma_start3A_622 = arith.constant 0 : i32
      %dma_start3A_623 = arith.constant 0 : i32
      %dma_start3A_624 = tpu.memref_slice %arg4[%add3A_328, %dma_start3A_617, %add3A, %dma_start3A_622, %dma_start3A_623] : memref<50x8x32x8x128xf32, #tpu.memory_space<hbm>> -> memref<1x1x1x8x128xf32, #tpu.memory_space<hbm>>
      %dma_start3A_625 = tpu.memref_squeeze %dma_start3A_624 : memref<1x1x1x8x128xf32, #tpu.memory_space<hbm>> -> memref<8x128xf32, #tpu.memory_space<hbm>>
      %dma_start3A_626 = arith.constant 0 : i32
      %dma_start3A_627 = arith.constant 0 : i32
      %dma_start3A_628 = tpu.memref_slice %arg4[%add3A_328, %dma_start3A_617, %add3A, %dma_start3A_626, %dma_start3A_627] : memref<50x8x32x8x128xf32, #tpu.memory_space<hbm>> -> memref<1x1x1x8x128xf32, #tpu.memory_space<hbm>>
      %dma_start3A_629 = tpu.memref_squeeze %dma_start3A_628 : memref<1x1x1x8x128xf32, #tpu.memory_space<hbm>> -> memref<8x128xf32, #tpu.memory_space<hbm>>
      %dma_start3A_630 = arith.constant 0 : i32
      %dma_start3A_631 = arith.constant 0 : i32
      %dma_start3A_632 = tpu.memref_slice %arg8[%dma_start3A_616, %dma_start3A_630, %dma_start3A_631] : memref<8x8x129xf32, #tpu.memory_space<vmem>> -> memref<1x8x128xf32, #tpu.memory_space<vmem>>
      %dma_start3A_633 = tpu.memref_squeeze %dma_start3A_632 : memref<1x8x128xf32, #tpu.memory_space<vmem>> -> memref<8x128xf32, #tpu.memory_space<vmem>>
      tpu.enqueue_dma source(%dma_start3A_633 : memref<8x128xf32, #tpu.memory_space<vmem>>) target(%dma_start3A_629 : memref<8x128xf32, #tpu.memory_space<hbm>>) target_semaphore(%arg12 : memref<!tpu.dma_semaphore, #tpu.memory_space<semaphore_mem>>)
      %dma_start3A_634 = arith.constant 4 : i32
      %dma_start3A_635 = arith.constant 4 : i32
      %dma_start3A_636 = arith.constant 0 : i32
      %dma_start3A_637 = arith.constant 0 : i32
      %dma_start3A_638 = tpu.memref_slice %arg8[%dma_start3A_634, %dma_start3A_636, %dma_start3A_637] : memref<8x8x129xf32, #tpu.memory_space<vmem>> -> memref<1x8x128xf32, #tpu.memory_space<vmem>>
      %dma_start3A_639 = tpu.memref_squeeze %dma_start3A_638 : memref<1x8x128xf32, #tpu.memory_space<vmem>> -> memref<8x128xf32, #tpu.memory_space<vmem>>
      %dma_start3A_640 = arith.constant 0 : i32
      %dma_start3A_641 = arith.constant 0 : i32
      %dma_start3A_642 = tpu.memref_slice %arg4[%add3A_328, %dma_start3A_635, %add3A, %dma_start3A_640, %dma_start3A_641] : memref<50x8x32x8x128xf32, #tpu.memory_space<hbm>> -> memref<1x1x1x8x128xf32, #tpu.memory_space<hbm>>
      %dma_start3A_643 = tpu.memref_squeeze %dma_start3A_642 : memref<1x1x1x8x128xf32, #tpu.memory_space<hbm>> -> memref<8x128xf32, #tpu.memory_space<hbm>>
      %dma_start3A_644 = arith.constant 0 : i32
      %dma_start3A_645 = arith.constant 0 : i32
      %dma_start3A_646 = tpu.memref_slice %arg4[%add3A_328, %dma_start3A_635, %add3A, %dma_start3A_644, %dma_start3A_645] : memref<50x8x32x8x128xf32, #tpu.memory_space<hbm>> -> memref<1x1x1x8x128xf32, #tpu.memory_space<hbm>>
      %dma_start3A_647 = tpu.memref_squeeze %dma_start3A_646 : memref<1x1x1x8x128xf32, #tpu.memory_space<hbm>> -> memref<8x128xf32, #tpu.memory_space<hbm>>
      %dma_start3A_648 = arith.constant 0 : i32
      %dma_start3A_649 = arith.constant 0 : i32
      %dma_start3A_650 = tpu.memref_slice %arg8[%dma_start3A_634, %dma_start3A_648, %dma_start3A_649] : memref<8x8x129xf32, #tpu.memory_space<vmem>> -> memref<1x8x128xf32, #tpu.memory_space<vmem>>
      %dma_start3A_651 = tpu.memref_squeeze %dma_start3A_650 : memref<1x8x128xf32, #tpu.memory_space<vmem>> -> memref<8x128xf32, #tpu.memory_space<vmem>>
      tpu.enqueue_dma source(%dma_start3A_651 : memref<8x128xf32, #tpu.memory_space<vmem>>) target(%dma_start3A_647 : memref<8x128xf32, #tpu.memory_space<hbm>>) target_semaphore(%arg12 : memref<!tpu.dma_semaphore, #tpu.memory_space<semaphore_mem>>)
      %dma_start3A_652 = arith.constant 5 : i32
      %dma_start3A_653 = arith.constant 5 : i32
      %dma_start3A_654 = arith.constant 0 : i32
      %dma_start3A_655 = arith.constant 0 : i32
      %dma_start3A_656 = tpu.memref_slice %arg8[%dma_start3A_652, %dma_start3A_654, %dma_start3A_655] : memref<8x8x129xf32, #tpu.memory_space<vmem>> -> memref<1x8x128xf32, #tpu.memory_space<vmem>>
      %dma_start3A_657 = tpu.memref_squeeze %dma_start3A_656 : memref<1x8x128xf32, #tpu.memory_space<vmem>> -> memref<8x128xf32, #tpu.memory_space<vmem>>
      %dma_start3A_658 = arith.constant 0 : i32
      %dma_start3A_659 = arith.constant 0 : i32
      %dma_start3A_660 = tpu.memref_slice %arg4[%add3A_328, %dma_start3A_653, %add3A, %dma_start3A_658, %dma_start3A_659] : memref<50x8x32x8x128xf32, #tpu.memory_space<hbm>> -> memref<1x1x1x8x128xf32, #tpu.memory_space<hbm>>
      %dma_start3A_661 = tpu.memref_squeeze %dma_start3A_660 : memref<1x1x1x8x128xf32, #tpu.memory_space<hbm>> -> memref<8x128xf32, #tpu.memory_space<hbm>>
      %dma_start3A_662 = arith.constant 0 : i32
      %dma_start3A_663 = arith.constant 0 : i32
      %dma_start3A_664 = tpu.memref_slice %arg4[%add3A_328, %dma_start3A_653, %add3A, %dma_start3A_662, %dma_start3A_663] : memref<50x8x32x8x128xf32, #tpu.memory_space<hbm>> -> memref<1x1x1x8x128xf32, #tpu.memory_space<hbm>>
      %dma_start3A_665 = tpu.memref_squeeze %dma_start3A_664 : memref<1x1x1x8x128xf32, #tpu.memory_space<hbm>> -> memref<8x128xf32, #tpu.memory_space<hbm>>
      %dma_start3A_666 = arith.constant 0 : i32
      %dma_start3A_667 = arith.constant 0 : i32
      %dma_start3A_668 = tpu.memref_slice %arg8[%dma_start3A_652, %dma_start3A_666, %dma_start3A_667] : memref<8x8x129xf32, #tpu.memory_space<vmem>> -> memref<1x8x128xf32, #tpu.memory_space<vmem>>
      %dma_start3A_669 = tpu.memref_squeeze %dma_start3A_668 : memref<1x8x128xf32, #tpu.memory_space<vmem>> -> memref<8x128xf32, #tpu.memory_space<vmem>>
      tpu.enqueue_dma source(%dma_start3A_669 : memref<8x128xf32, #tpu.memory_space<vmem>>) target(%dma_start3A_665 : memref<8x128xf32, #tpu.memory_space<hbm>>) target_semaphore(%arg12 : memref<!tpu.dma_semaphore, #tpu.memory_space<semaphore_mem>>)
      %dma_start3A_670 = arith.constant 6 : i32
      %dma_start3A_671 = arith.constant 6 : i32
      %dma_start3A_672 = arith.constant 0 : i32
      %dma_start3A_673 = arith.constant 0 : i32
      %dma_start3A_674 = tpu.memref_slice %arg8[%dma_start3A_670, %dma_start3A_672, %dma_start3A_673] : memref<8x8x129xf32, #tpu.memory_space<vmem>> -> memref<1x8x128xf32, #tpu.memory_space<vmem>>
      %dma_start3A_675 = tpu.memref_squeeze %dma_start3A_674 : memref<1x8x128xf32, #tpu.memory_space<vmem>> -> memref<8x128xf32, #tpu.memory_space<vmem>>
      %dma_start3A_676 = arith.constant 0 : i32
      %dma_start3A_677 = arith.constant 0 : i32
      %dma_start3A_678 = tpu.memref_slice %arg4[%add3A_328, %dma_start3A_671, %add3A, %dma_start3A_676, %dma_start3A_677] : memref<50x8x32x8x128xf32, #tpu.memory_space<hbm>> -> memref<1x1x1x8x128xf32, #tpu.memory_space<hbm>>
      %dma_start3A_679 = tpu.memref_squeeze %dma_start3A_678 : memref<1x1x1x8x128xf32, #tpu.memory_space<hbm>> -> memref<8x128xf32, #tpu.memory_space<hbm>>
      %dma_start3A_680 = arith.constant 0 : i32
      %dma_start3A_681 = arith.constant 0 : i32
      %dma_start3A_682 = tpu.memref_slice %arg4[%add3A_328, %dma_start3A_671, %add3A, %dma_start3A_680, %dma_start3A_681] : memref<50x8x32x8x128xf32, #tpu.memory_space<hbm>> -> memref<1x1x1x8x128xf32, #tpu.memory_space<hbm>>
      %dma_start3A_683 = tpu.memref_squeeze %dma_start3A_682 : memref<1x1x1x8x128xf32, #tpu.memory_space<hbm>> -> memref<8x128xf32, #tpu.memory_space<hbm>>
      %dma_start3A_684 = arith.constant 0 : i32
      %dma_start3A_685 = arith.constant 0 : i32
      %dma_start3A_686 = tpu.memref_slice %arg8[%dma_start3A_670, %dma_start3A_684, %dma_start3A_685] : memref<8x8x129xf32, #tpu.memory_space<vmem>> -> memref<1x8x128xf32, #tpu.memory_space<vmem>>
      %dma_start3A_687 = tpu.memref_squeeze %dma_start3A_686 : memref<1x8x128xf32, #tpu.memory_space<vmem>> -> memref<8x128xf32, #tpu.memory_space<vmem>>
      tpu.enqueue_dma source(%dma_start3A_687 : memref<8x128xf32, #tpu.memory_space<vmem>>) target(%dma_start3A_683 : memref<8x128xf32, #tpu.memory_space<hbm>>) target_semaphore(%arg12 : memref<!tpu.dma_semaphore, #tpu.memory_space<semaphore_mem>>)
      %dma_start3A_688 = arith.constant 7 : i32
      %dma_start3A_689 = arith.constant 7 : i32
      %dma_start3A_690 = arith.constant 0 : i32
      %dma_start3A_691 = arith.constant 0 : i32
      %dma_start3A_692 = tpu.memref_slice %arg8[%dma_start3A_688, %dma_start3A_690, %dma_start3A_691] : memref<8x8x129xf32, #tpu.memory_space<vmem>> -> memref<1x8x128xf32, #tpu.memory_space<vmem>>
      %dma_start3A_693 = tpu.memref_squeeze %dma_start3A_692 : memref<1x8x128xf32, #tpu.memory_space<vmem>> -> memref<8x128xf32, #tpu.memory_space<vmem>>
      %dma_start3A_694 = arith.constant 0 : i32
      %dma_start3A_695 = arith.constant 0 : i32
      %dma_start3A_696 = tpu.memref_slice %arg4[%add3A_328, %dma_start3A_689, %add3A, %dma_start3A_694, %dma_start3A_695] : memref<50x8x32x8x128xf32, #tpu.memory_space<hbm>> -> memref<1x1x1x8x128xf32, #tpu.memory_space<hbm>>
      %dma_start3A_697 = tpu.memref_squeeze %dma_start3A_696 : memref<1x1x1x8x128xf32, #tpu.memory_space<hbm>> -> memref<8x128xf32, #tpu.memory_space<hbm>>
      %dma_start3A_698 = arith.constant 0 : i32
      %dma_start3A_699 = arith.constant 0 : i32
      %dma_start3A_700 = tpu.memref_slice %arg4[%add3A_328, %dma_start3A_689, %add3A, %dma_start3A_698, %dma_start3A_699] : memref<50x8x32x8x128xf32, #tpu.memory_space<hbm>> -> memref<1x1x1x8x128xf32, #tpu.memory_space<hbm>>
      %dma_start3A_701 = tpu.memref_squeeze %dma_start3A_700 : memref<1x1x1x8x128xf32, #tpu.memory_space<hbm>> -> memref<8x128xf32, #tpu.memory_space<hbm>>
      %dma_start3A_702 = arith.constant 0 : i32
      %dma_start3A_703 = arith.constant 0 : i32
      %dma_start3A_704 = tpu.memref_slice %arg8[%dma_start3A_688, %dma_start3A_702, %dma_start3A_703] : memref<8x8x129xf32, #tpu.memory_space<vmem>> -> memref<1x8x128xf32, #tpu.memory_space<vmem>>
      %dma_start3A_705 = tpu.memref_squeeze %dma_start3A_704 : memref<1x8x128xf32, #tpu.memory_space<vmem>> -> memref<8x128xf32, #tpu.memory_space<vmem>>
      tpu.enqueue_dma source(%dma_start3A_705 : memref<8x128xf32, #tpu.memory_space<vmem>>) target(%dma_start3A_701 : memref<8x128xf32, #tpu.memory_space<hbm>>) target_semaphore(%arg12 : memref<!tpu.dma_semaphore, #tpu.memory_space<semaphore_mem>>)
      %lt3A_706 = arith.constant 24 : i32
      %lt3A_707 = arith.cmpi slt, %scan3A_323, %lt3A_706 : i32
      %convert_element_type3A_708 = arith.extui %lt3A_707 : i1 to i32
      %cond3A_709 = arith.constant 0 : i32
      %cond3A_710 = arith.cmpi ne, %convert_element_type3A_708, %cond3A_709 : i32
      scf.if %cond3A_710 {
        %add3A_1113 = arith.constant 2 : i32
        %add3A_1114 = arith.addi %add3A_328, %add3A_1113 : i32
        %dma_start3A_1115 = arith.constant 0 : i32
        %dma_start3A_1116 = tpu.memref_slice %arg5[%add3A_1114, %dma_start3A_1115] : memref<50x128xi32, #tpu.memory_space<vmem>> -> memref<1x128xi32, #tpu.memory_space<vmem>>
        %dma_start3A_1117 = tpu.memref_squeeze %dma_start3A_1116 : memref<1x128xi32, #tpu.memory_space<vmem>> -> memref<128xi32, #tpu.memory_space<vmem>>
        %dma_start3A_1118 = arith.constant 0 : i32
        %dma_start3A_1119 = arith.constant 0 : i32
        %dma_start3A_1120 = tpu.memref_slice %arg3[%dma_start3A_1118, %dma_start3A_1119] : memref<100000x64xf32, #tpu.memory_space<hbm>> -> memref<100000x64xf32, #tpu.memory_space<hbm>>
        tpu.enqueue_indirect_dma source(%dma_start3A_1120 : memref<100000x64xf32, #tpu.memory_space<hbm>>) target(%arg6 : memref<128x64xf32, #tpu.memory_space<vmem>>) offsets(%dma_start3A_1117 : memref<128xi32, #tpu.memory_space<vmem>>) semaphore(%arg10 : memref<!tpu.dma_semaphore, #tpu.memory_space<semaphore_mem>>)
      } else {
      }
      %mul3A_711 = arith.constant 2 : i32
      %mul3A_712 = arith.muli %scan3A_323, %mul3A_711 : i32
      %add3A_713 = arith.constant 1 : i32
      %add3A_714 = arith.addi %mul3A_712, %add3A_713 : i32
      %dma_wait3A_715 = arith.constant 0 : i32
      %dma_wait3A_716 = tpu.memref_slice %arg5[%add3A_714, %dma_wait3A_715] : memref<50x128xi32, #tpu.memory_space<vmem>> -> memref<1x128xi32, #tpu.memory_space<vmem>>
      %dma_wait3A_717 = tpu.memref_squeeze %dma_wait3A_716 : memref<1x128xi32, #tpu.memory_space<vmem>> -> memref<128xi32, #tpu.memory_space<vmem>>
      %dma_wait3A_718 = arith.constant 0 : i32
      %dma_wait3A_719 = arith.constant 0 : i32
      %dma_wait3A_720 = tpu.memref_slice %arg3[%dma_wait3A_718, %dma_wait3A_719] : memref<100000x64xf32, #tpu.memory_space<hbm>> -> memref<100000x64xf32, #tpu.memory_space<hbm>>
      tpu.wait_indirect_dma semaphore(%arg11 : memref<!tpu.dma_semaphore, #tpu.memory_space<semaphore_mem>>) src(%dma_wait3A_720 : memref<100000x64xf32, #tpu.memory_space<hbm>>) dst(%arg7 : memref<128x64xf32, #tpu.memory_space<vmem>>)
      %ge3A_721 = arith.constant 1 : i32
      %ge3A_722 = arith.cmpi sge, %scan3A_323, %ge3A_721 : i32
      %convert_element_type3A_723 = arith.extui %ge3A_722 : i1 to i32
      %cond3A_724 = arith.constant 0 : i32
      %cond3A_725 = arith.cmpi ne, %convert_element_type3A_723, %cond3A_724 : i32
      scf.if %cond3A_725 {
        %sub3A_1113 = arith.constant 2 : i32
        %sub3A_1114 = arith.subi %add3A_714, %sub3A_1113 : i32
        %dma_wait3A_1115 = arith.constant 0 : i32
        %dma_wait3A_1116 = arith.constant 0 : i32
        %dma_wait3A_1117 = arith.constant 0 : i32
        %dma_wait3A_1118 = arith.constant 0 : i32
        %dma_wait3A_1119 = tpu.memref_slice %arg9[%dma_wait3A_1115, %dma_wait3A_1117, %dma_wait3A_1118] : memref<8x8x129xf32, #tpu.memory_space<vmem>> -> memref<1x8x128xf32, #tpu.memory_space<vmem>>
        %dma_wait3A_1120 = tpu.memref_squeeze %dma_wait3A_1119 : memref<1x8x128xf32, #tpu.memory_space<vmem>> -> memref<8x128xf32, #tpu.memory_space<vmem>>
        %dma_wait3A_1121 = arith.constant 0 : i32
        %dma_wait3A_1122 = arith.constant 0 : i32
        %dma_wait3A_1123 = tpu.memref_slice %arg4[%sub3A_1114, %dma_wait3A_1116, %add3A, %dma_wait3A_1121, %dma_wait3A_1122] : memref<50x8x32x8x128xf32, #tpu.memory_space<hbm>> -> memref<1x1x1x8x128xf32, #tpu.memory_space<hbm>>
        %dma_wait3A_1124 = tpu.memref_squeeze %dma_wait3A_1123 : memref<1x1x1x8x128xf32, #tpu.memory_space<hbm>> -> memref<8x128xf32, #tpu.memory_space<hbm>>
        %dma_wait3A_1125 = arith.constant 0 : i32
        %dma_wait3A_1126 = arith.constant 0 : i32
        %dma_wait3A_1127 = tpu.memref_slice %arg4[%sub3A_1114, %dma_wait3A_1116, %add3A, %dma_wait3A_1125, %dma_wait3A_1126] : memref<50x8x32x8x128xf32, #tpu.memory_space<hbm>> -> memref<1x1x1x8x128xf32, #tpu.memory_space<hbm>>
        %dma_wait3A_1128 = tpu.memref_squeeze %dma_wait3A_1127 : memref<1x1x1x8x128xf32, #tpu.memory_space<hbm>> -> memref<8x128xf32, #tpu.memory_space<hbm>>
        %dma_wait3A_1129 = arith.constant 0 : i32
        %dma_wait3A_1130 = arith.constant 0 : i32
        %dma_wait3A_1131 = tpu.memref_slice %arg9[%dma_wait3A_1115, %dma_wait3A_1129, %dma_wait3A_1130] : memref<8x8x129xf32, #tpu.memory_space<vmem>> -> memref<1x8x128xf32, #tpu.memory_space<vmem>>
        %dma_wait3A_1132 = tpu.memref_squeeze %dma_wait3A_1131 : memref<1x8x128xf32, #tpu.memory_space<vmem>> -> memref<8x128xf32, #tpu.memory_space<vmem>>
        tpu.wait_dma2 semaphore(%arg13 : memref<!tpu.dma_semaphore, #tpu.memory_space<semaphore_mem>>) src(%dma_wait3A_1132 : memref<8x128xf32, #tpu.memory_space<vmem>>) dst(%dma_wait3A_1128 : memref<8x128xf32, #tpu.memory_space<hbm>>)
        %sub3A_1133 = arith.constant 2 : i32
        %sub3A_1134 = arith.subi %add3A_714, %sub3A_1133 : i32
        %dma_wait3A_1135 = arith.constant 1 : i32
        %dma_wait3A_1136 = arith.constant 1 : i32
        %dma_wait3A_1137 = arith.constant 0 : i32
        %dma_wait3A_1138 = arith.constant 0 : i32
        %dma_wait3A_1139 = tpu.memref_slice %arg9[%dma_wait3A_1135, %dma_wait3A_1137, %dma_wait3A_1138] : memref<8x8x129xf32, #tpu.memory_space<vmem>> -> memref<1x8x128xf32, #tpu.memory_space<vmem>>
        %dma_wait3A_1140 = tpu.memref_squeeze %dma_wait3A_1139 : memref<1x8x128xf32, #tpu.memory_space<vmem>> -> memref<8x128xf32, #tpu.memory_space<vmem>>
        %dma_wait3A_1141 = arith.constant 0 : i32
        %dma_wait3A_1142 = arith.constant 0 : i32
        %dma_wait3A_1143 = tpu.memref_slice %arg4[%sub3A_1134, %dma_wait3A_1136, %add3A, %dma_wait3A_1141, %dma_wait3A_1142] : memref<50x8x32x8x128xf32, #tpu.memory_space<hbm>> -> memref<1x1x1x8x128xf32, #tpu.memory_space<hbm>>
        %dma_wait3A_1144 = tpu.memref_squeeze %dma_wait3A_1143 : memref<1x1x1x8x128xf32, #tpu.memory_space<hbm>> -> memref<8x128xf32, #tpu.memory_space<hbm>>
        %dma_wait3A_1145 = arith.constant 0 : i32
        %dma_wait3A_1146 = arith.constant 0 : i32
        %dma_wait3A_1147 = tpu.memref_slice %arg4[%sub3A_1134, %dma_wait3A_1136, %add3A, %dma_wait3A_1145, %dma_wait3A_1146] : memref<50x8x32x8x128xf32, #tpu.memory_space<hbm>> -> memref<1x1x1x8x128xf32, #tpu.memory_space<hbm>>
        %dma_wait3A_1148 = tpu.memref_squeeze %dma_wait3A_1147 : memref<1x1x1x8x128xf32, #tpu.memory_space<hbm>> -> memref<8x128xf32, #tpu.memory_space<hbm>>
        %dma_wait3A_1149 = arith.constant 0 : i32
        %dma_wait3A_1150 = arith.constant 0 : i32
        %dma_wait3A_1151 = tpu.memref_slice %arg9[%dma_wait3A_1135, %dma_wait3A_1149, %dma_wait3A_1150] : memref<8x8x129xf32, #tpu.memory_space<vmem>> -> memref<1x8x128xf32, #tpu.memory_space<vmem>>
        %dma_wait3A_1152 = tpu.memref_squeeze %dma_wait3A_1151 : memref<1x8x128xf32, #tpu.memory_space<vmem>> -> memref<8x128xf32, #tpu.memory_space<vmem>>
        tpu.wait_dma2 semaphore(%arg13 : memref<!tpu.dma_semaphore, #tpu.memory_space<semaphore_mem>>) src(%dma_wait3A_1152 : memref<8x128xf32, #tpu.memory_space<vmem>>) dst(%dma_wait3A_1148 : memref<8x128xf32, #tpu.memory_space<hbm>>)
        %sub3A_1153 = arith.constant 2 : i32
        %sub3A_1154 = arith.subi %add3A_714, %sub3A_1153 : i32
        %dma_wait3A_1155 = arith.constant 2 : i32
        %dma_wait3A_1156 = arith.constant 2 : i32
        %dma_wait3A_1157 = arith.constant 0 : i32
        %dma_wait3A_1158 = arith.constant 0 : i32
        %dma_wait3A_1159 = tpu.memref_slice %arg9[%dma_wait3A_1155, %dma_wait3A_1157, %dma_wait3A_1158] : memref<8x8x129xf32, #tpu.memory_space<vmem>> -> memref<1x8x128xf32, #tpu.memory_space<vmem>>
        %dma_wait3A_1160 = tpu.memref_squeeze %dma_wait3A_1159 : memref<1x8x128xf32, #tpu.memory_space<vmem>> -> memref<8x128xf32, #tpu.memory_space<vmem>>
        %dma_wait3A_1161 = arith.constant 0 : i32
        %dma_wait3A_1162 = arith.constant 0 : i32
        %dma_wait3A_1163 = tpu.memref_slice %arg4[%sub3A_1154, %dma_wait3A_1156, %add3A, %dma_wait3A_1161, %dma_wait3A_1162] : memref<50x8x32x8x128xf32, #tpu.memory_space<hbm>> -> memref<1x1x1x8x128xf32, #tpu.memory_space<hbm>>
        %dma_wait3A_1164 = tpu.memref_squeeze %dma_wait3A_1163 : memref<1x1x1x8x128xf32, #tpu.memory_space<hbm>> -> memref<8x128xf32, #tpu.memory_space<hbm>>
        %dma_wait3A_1165 = arith.constant 0 : i32
        %dma_wait3A_1166 = arith.constant 0 : i32
        %dma_wait3A_1167 = tpu.memref_slice %arg4[%sub3A_1154, %dma_wait3A_1156, %add3A, %dma_wait3A_1165, %dma_wait3A_1166] : memref<50x8x32x8x128xf32, #tpu.memory_space<hbm>> -> memref<1x1x1x8x128xf32, #tpu.memory_space<hbm>>
        %dma_wait3A_1168 = tpu.memref_squeeze %dma_wait3A_1167 : memref<1x1x1x8x128xf32, #tpu.memory_space<hbm>> -> memref<8x128xf32, #tpu.memory_space<hbm>>
        %dma_wait3A_1169 = arith.constant 0 : i32
        %dma_wait3A_1170 = arith.constant 0 : i32
        %dma_wait3A_1171 = tpu.memref_slice %arg9[%dma_wait3A_1155, %dma_wait3A_1169, %dma_wait3A_1170] : memref<8x8x129xf32, #tpu.memory_space<vmem>> -> memref<1x8x128xf32, #tpu.memory_space<vmem>>
        %dma_wait3A_1172 = tpu.memref_squeeze %dma_wait3A_1171 : memref<1x8x128xf32, #tpu.memory_space<vmem>> -> memref<8x128xf32, #tpu.memory_space<vmem>>
        tpu.wait_dma2 semaphore(%arg13 : memref<!tpu.dma_semaphore, #tpu.memory_space<semaphore_mem>>) src(%dma_wait3A_1172 : memref<8x128xf32, #tpu.memory_space<vmem>>) dst(%dma_wait3A_1168 : memref<8x128xf32, #tpu.memory_space<hbm>>)
        %sub3A_1173 = arith.constant 2 : i32
        %sub3A_1174 = arith.subi %add3A_714, %sub3A_1173 : i32
        %dma_wait3A_1175 = arith.constant 3 : i32
        %dma_wait3A_1176 = arith.constant 3 : i32
        %dma_wait3A_1177 = arith.constant 0 : i32
        %dma_wait3A_1178 = arith.constant 0 : i32
        %dma_wait3A_1179 = tpu.memref_slice %arg9[%dma_wait3A_1175, %dma_wait3A_1177, %dma_wait3A_1178] : memref<8x8x129xf32, #tpu.memory_space<vmem>> -> memref<1x8x128xf32, #tpu.memory_space<vmem>>
        %dma_wait3A_1180 = tpu.memref_squeeze %dma_wait3A_1179 : memref<1x8x128xf32, #tpu.memory_space<vmem>> -> memref<8x128xf32, #tpu.memory_space<vmem>>
        %dma_wait3A_1181 = arith.constant 0 : i32
        %dma_wait3A_1182 = arith.constant 0 : i32
        %dma_wait3A_1183 = tpu.memref_slice %arg4[%sub3A_1174, %dma_wait3A_1176, %add3A, %dma_wait3A_1181, %dma_wait3A_1182] : memref<50x8x32x8x128xf32, #tpu.memory_space<hbm>> -> memref<1x1x1x8x128xf32, #tpu.memory_space<hbm>>
        %dma_wait3A_1184 = tpu.memref_squeeze %dma_wait3A_1183 : memref<1x1x1x8x128xf32, #tpu.memory_space<hbm>> -> memref<8x128xf32, #tpu.memory_space<hbm>>
        %dma_wait3A_1185 = arith.constant 0 : i32
        %dma_wait3A_1186 = arith.constant 0 : i32
        %dma_wait3A_1187 = tpu.memref_slice %arg4[%sub3A_1174, %dma_wait3A_1176, %add3A, %dma_wait3A_1185, %dma_wait3A_1186] : memref<50x8x32x8x128xf32, #tpu.memory_space<hbm>> -> memref<1x1x1x8x128xf32, #tpu.memory_space<hbm>>
        %dma_wait3A_1188 = tpu.memref_squeeze %dma_wait3A_1187 : memref<1x1x1x8x128xf32, #tpu.memory_space<hbm>> -> memref<8x128xf32, #tpu.memory_space<hbm>>
        %dma_wait3A_1189 = arith.constant 0 : i32
        %dma_wait3A_1190 = arith.constant 0 : i32
        %dma_wait3A_1191 = tpu.memref_slice %arg9[%dma_wait3A_1175, %dma_wait3A_1189, %dma_wait3A_1190] : memref<8x8x129xf32, #tpu.memory_space<vmem>> -> memref<1x8x128xf32, #tpu.memory_space<vmem>>
        %dma_wait3A_1192 = tpu.memref_squeeze %dma_wait3A_1191 : memref<1x8x128xf32, #tpu.memory_space<vmem>> -> memref<8x128xf32, #tpu.memory_space<vmem>>
        tpu.wait_dma2 semaphore(%arg13 : memref<!tpu.dma_semaphore, #tpu.memory_space<semaphore_mem>>) src(%dma_wait3A_1192 : memref<8x128xf32, #tpu.memory_space<vmem>>) dst(%dma_wait3A_1188 : memref<8x128xf32, #tpu.memory_space<hbm>>)
        %sub3A_1193 = arith.constant 2 : i32
        %sub3A_1194 = arith.subi %add3A_714, %sub3A_1193 : i32
        %dma_wait3A_1195 = arith.constant 4 : i32
        %dma_wait3A_1196 = arith.constant 4 : i32
        %dma_wait3A_1197 = arith.constant 0 : i32
        %dma_wait3A_1198 = arith.constant 0 : i32
        %dma_wait3A_1199 = tpu.memref_slice %arg9[%dma_wait3A_1195, %dma_wait3A_1197, %dma_wait3A_1198] : memref<8x8x129xf32, #tpu.memory_space<vmem>> -> memref<1x8x128xf32, #tpu.memory_space<vmem>>
        %dma_wait3A_1200 = tpu.memref_squeeze %dma_wait3A_1199 : memref<1x8x128xf32, #tpu.memory_space<vmem>> -> memref<8x128xf32, #tpu.memory_space<vmem>>
        %dma_wait3A_1201 = arith.constant 0 : i32
        %dma_wait3A_1202 = arith.constant 0 : i32
        %dma_wait3A_1203 = tpu.memref_slice %arg4[%sub3A_1194, %dma_wait3A_1196, %add3A, %dma_wait3A_1201, %dma_wait3A_1202] : memref<50x8x32x8x128xf32, #tpu.memory_space<hbm>> -> memref<1x1x1x8x128xf32, #tpu.memory_space<hbm>>
        %dma_wait3A_1204 = tpu.memref_squeeze %dma_wait3A_1203 : memref<1x1x1x8x128xf32, #tpu.memory_space<hbm>> -> memref<8x128xf32, #tpu.memory_space<hbm>>
        %dma_wait3A_1205 = arith.constant 0 : i32
        %dma_wait3A_1206 = arith.constant 0 : i32
        %dma_wait3A_1207 = tpu.memref_slice %arg4[%sub3A_1194, %dma_wait3A_1196, %add3A, %dma_wait3A_1205, %dma_wait3A_1206] : memref<50x8x32x8x128xf32, #tpu.memory_space<hbm>> -> memref<1x1x1x8x128xf32, #tpu.memory_space<hbm>>
        %dma_wait3A_1208 = tpu.memref_squeeze %dma_wait3A_1207 : memref<1x1x1x8x128xf32, #tpu.memory_space<hbm>> -> memref<8x128xf32, #tpu.memory_space<hbm>>
        %dma_wait3A_1209 = arith.constant 0 : i32
        %dma_wait3A_1210 = arith.constant 0 : i32
        %dma_wait3A_1211 = tpu.memref_slice %arg9[%dma_wait3A_1195, %dma_wait3A_1209, %dma_wait3A_1210] : memref<8x8x129xf32, #tpu.memory_space<vmem>> -> memref<1x8x128xf32, #tpu.memory_space<vmem>>
        %dma_wait3A_1212 = tpu.memref_squeeze %dma_wait3A_1211 : memref<1x8x128xf32, #tpu.memory_space<vmem>> -> memref<8x128xf32, #tpu.memory_space<vmem>>
        tpu.wait_dma2 semaphore(%arg13 : memref<!tpu.dma_semaphore, #tpu.memory_space<semaphore_mem>>) src(%dma_wait3A_1212 : memref<8x128xf32, #tpu.memory_space<vmem>>) dst(%dma_wait3A_1208 : memref<8x128xf32, #tpu.memory_space<hbm>>)
        %sub3A_1213 = arith.constant 2 : i32
        %sub3A_1214 = arith.subi %add3A_714, %sub3A_1213 : i32
        %dma_wait3A_1215 = arith.constant 5 : i32
        %dma_wait3A_1216 = arith.constant 5 : i32
        %dma_wait3A_1217 = arith.constant 0 : i32
        %dma_wait3A_1218 = arith.constant 0 : i32
        %dma_wait3A_1219 = tpu.memref_slice %arg9[%dma_wait3A_1215, %dma_wait3A_1217, %dma_wait3A_1218] : memref<8x8x129xf32, #tpu.memory_space<vmem>> -> memref<1x8x128xf32, #tpu.memory_space<vmem>>
        %dma_wait3A_1220 = tpu.memref_squeeze %dma_wait3A_1219 : memref<1x8x128xf32, #tpu.memory_space<vmem>> -> memref<8x128xf32, #tpu.memory_space<vmem>>
        %dma_wait3A_1221 = arith.constant 0 : i32
        %dma_wait3A_1222 = arith.constant 0 : i32
        %dma_wait3A_1223 = tpu.memref_slice %arg4[%sub3A_1214, %dma_wait3A_1216, %add3A, %dma_wait3A_1221, %dma_wait3A_1222] : memref<50x8x32x8x128xf32, #tpu.memory_space<hbm>> -> memref<1x1x1x8x128xf32, #tpu.memory_space<hbm>>
        %dma_wait3A_1224 = tpu.memref_squeeze %dma_wait3A_1223 : memref<1x1x1x8x128xf32, #tpu.memory_space<hbm>> -> memref<8x128xf32, #tpu.memory_space<hbm>>
        %dma_wait3A_1225 = arith.constant 0 : i32
        %dma_wait3A_1226 = arith.constant 0 : i32
        %dma_wait3A_1227 = tpu.memref_slice %arg4[%sub3A_1214, %dma_wait3A_1216, %add3A, %dma_wait3A_1225, %dma_wait3A_1226] : memref<50x8x32x8x128xf32, #tpu.memory_space<hbm>> -> memref<1x1x1x8x128xf32, #tpu.memory_space<hbm>>
        %dma_wait3A_1228 = tpu.memref_squeeze %dma_wait3A_1227 : memref<1x1x1x8x128xf32, #tpu.memory_space<hbm>> -> memref<8x128xf32, #tpu.memory_space<hbm>>
        %dma_wait3A_1229 = arith.constant 0 : i32
        %dma_wait3A_1230 = arith.constant 0 : i32
        %dma_wait3A_1231 = tpu.memref_slice %arg9[%dma_wait3A_1215, %dma_wait3A_1229, %dma_wait3A_1230] : memref<8x8x129xf32, #tpu.memory_space<vmem>> -> memref<1x8x128xf32, #tpu.memory_space<vmem>>
        %dma_wait3A_1232 = tpu.memref_squeeze %dma_wait3A_1231 : memref<1x8x128xf32, #tpu.memory_space<vmem>> -> memref<8x128xf32, #tpu.memory_space<vmem>>
        tpu.wait_dma2 semaphore(%arg13 : memref<!tpu.dma_semaphore, #tpu.memory_space<semaphore_mem>>) src(%dma_wait3A_1232 : memref<8x128xf32, #tpu.memory_space<vmem>>) dst(%dma_wait3A_1228 : memref<8x128xf32, #tpu.memory_space<hbm>>)
        %sub3A_1233 = arith.constant 2 : i32
        %sub3A_1234 = arith.subi %add3A_714, %sub3A_1233 : i32
        %dma_wait3A_1235 = arith.constant 6 : i32
        %dma_wait3A_1236 = arith.constant 6 : i32
        %dma_wait3A_1237 = arith.constant 0 : i32
        %dma_wait3A_1238 = arith.constant 0 : i32
        %dma_wait3A_1239 = tpu.memref_slice %arg9[%dma_wait3A_1235, %dma_wait3A_1237, %dma_wait3A_1238] : memref<8x8x129xf32, #tpu.memory_space<vmem>> -> memref<1x8x128xf32, #tpu.memory_space<vmem>>
        %dma_wait3A_1240 = tpu.memref_squeeze %dma_wait3A_1239 : memref<1x8x128xf32, #tpu.memory_space<vmem>> -> memref<8x128xf32, #tpu.memory_space<vmem>>
        %dma_wait3A_1241 = arith.constant 0 : i32
        %dma_wait3A_1242 = arith.constant 0 : i32
        %dma_wait3A_1243 = tpu.memref_slice %arg4[%sub3A_1234, %dma_wait3A_1236, %add3A, %dma_wait3A_1241, %dma_wait3A_1242] : memref<50x8x32x8x128xf32, #tpu.memory_space<hbm>> -> memref<1x1x1x8x128xf32, #tpu.memory_space<hbm>>
        %dma_wait3A_1244 = tpu.memref_squeeze %dma_wait3A_1243 : memref<1x1x1x8x128xf32, #tpu.memory_space<hbm>> -> memref<8x128xf32, #tpu.memory_space<hbm>>
        %dma_wait3A_1245 = arith.constant 0 : i32
        %dma_wait3A_1246 = arith.constant 0 : i32
        %dma_wait3A_1247 = tpu.memref_slice %arg4[%sub3A_1234, %dma_wait3A_1236, %add3A, %dma_wait3A_1245, %dma_wait3A_1246] : memref<50x8x32x8x128xf32, #tpu.memory_space<hbm>> -> memref<1x1x1x8x128xf32, #tpu.memory_space<hbm>>
        %dma_wait3A_1248 = tpu.memref_squeeze %dma_wait3A_1247 : memref<1x1x1x8x128xf32, #tpu.memory_space<hbm>> -> memref<8x128xf32, #tpu.memory_space<hbm>>
        %dma_wait3A_1249 = arith.constant 0 : i32
        %dma_wait3A_1250 = arith.constant 0 : i32
        %dma_wait3A_1251 = tpu.memref_slice %arg9[%dma_wait3A_1235, %dma_wait3A_1249, %dma_wait3A_1250] : memref<8x8x129xf32, #tpu.memory_space<vmem>> -> memref<1x8x128xf32, #tpu.memory_space<vmem>>
        %dma_wait3A_1252 = tpu.memref_squeeze %dma_wait3A_1251 : memref<1x8x128xf32, #tpu.memory_space<vmem>> -> memref<8x128xf32, #tpu.memory_space<vmem>>
        tpu.wait_dma2 semaphore(%arg13 : memref<!tpu.dma_semaphore, #tpu.memory_space<semaphore_mem>>) src(%dma_wait3A_1252 : memref<8x128xf32, #tpu.memory_space<vmem>>) dst(%dma_wait3A_1248 : memref<8x128xf32, #tpu.memory_space<hbm>>)
        %sub3A_1253 = arith.constant 2 : i32
        %sub3A_1254 = arith.subi %add3A_714, %sub3A_1253 : i32
        %dma_wait3A_1255 = arith.constant 7 : i32
        %dma_wait3A_1256 = arith.constant 7 : i32
        %dma_wait3A_1257 = arith.constant 0 : i32
        %dma_wait3A_1258 = arith.constant 0 : i32
        %dma_wait3A_1259 = tpu.memref_slice %arg9[%dma_wait3A_1255, %dma_wait3A_1257, %dma_wait3A_1258] : memref<8x8x129xf32, #tpu.memory_space<vmem>> -> memref<1x8x128xf32, #tpu.memory_space<vmem>>
        %dma_wait3A_1260 = tpu.memref_squeeze %dma_wait3A_1259 : memref<1x8x128xf32, #tpu.memory_space<vmem>> -> memref<8x128xf32, #tpu.memory_space<vmem>>
        %dma_wait3A_1261 = arith.constant 0 : i32
        %dma_wait3A_1262 = arith.constant 0 : i32
        %dma_wait3A_1263 = tpu.memref_slice %arg4[%sub3A_1254, %dma_wait3A_1256, %add3A, %dma_wait3A_1261, %dma_wait3A_1262] : memref<50x8x32x8x128xf32, #tpu.memory_space<hbm>> -> memref<1x1x1x8x128xf32, #tpu.memory_space<hbm>>
        %dma_wait3A_1264 = tpu.memref_squeeze %dma_wait3A_1263 : memref<1x1x1x8x128xf32, #tpu.memory_space<hbm>> -> memref<8x128xf32, #tpu.memory_space<hbm>>
        %dma_wait3A_1265 = arith.constant 0 : i32
        %dma_wait3A_1266 = arith.constant 0 : i32
        %dma_wait3A_1267 = tpu.memref_slice %arg4[%sub3A_1254, %dma_wait3A_1256, %add3A, %dma_wait3A_1265, %dma_wait3A_1266] : memref<50x8x32x8x128xf32, #tpu.memory_space<hbm>> -> memref<1x1x1x8x128xf32, #tpu.memory_space<hbm>>
        %dma_wait3A_1268 = tpu.memref_squeeze %dma_wait3A_1267 : memref<1x1x1x8x128xf32, #tpu.memory_space<hbm>> -> memref<8x128xf32, #tpu.memory_space<hbm>>
        %dma_wait3A_1269 = arith.constant 0 : i32
        %dma_wait3A_1270 = arith.constant 0 : i32
        %dma_wait3A_1271 = tpu.memref_slice %arg9[%dma_wait3A_1255, %dma_wait3A_1269, %dma_wait3A_1270] : memref<8x8x129xf32, #tpu.memory_space<vmem>> -> memref<1x8x128xf32, #tpu.memory_space<vmem>>
        %dma_wait3A_1272 = tpu.memref_squeeze %dma_wait3A_1271 : memref<1x8x128xf32, #tpu.memory_space<vmem>> -> memref<8x128xf32, #tpu.memory_space<vmem>>
        tpu.wait_dma2 semaphore(%arg13 : memref<!tpu.dma_semaphore, #tpu.memory_space<semaphore_mem>>) src(%dma_wait3A_1272 : memref<8x128xf32, #tpu.memory_space<vmem>>) dst(%dma_wait3A_1268 : memref<8x128xf32, #tpu.memory_space<hbm>>)
      } else {
      }
      %iota3A_726 = tpu.iota {dimensions = array<i32: 0>} : vector<16xi32>
      %add3A_727 = arith.constant 0 : i32
      %add3A_728 = vector.broadcast %add3A_727 : i32 to vector<16xi32>
      %add3A_729 = arith.addi %add3A_728, %iota3A_726 : vector<16xi32>
      %jit3A_730 = arith.constant 8 : i32
      %div3A_731 = vector.broadcast %jit3A_730 : i32 to vector<16xi32>
      %div3A_732 = arith.divsi %add3A_729, %div3A_731 : vector<16xi32>
      %sign3A_733 = arith.constant 0 : i32
      %sign3A_734 = vector.broadcast %sign3A_733 : i32 to vector<16xi32>
      %sign3A_735 = arith.cmpi sgt, %add3A_729, %sign3A_734 : vector<16xi32>
      %sign3A_736 = arith.extui %sign3A_735 : vector<16xi1> to vector<16xi32>
      %sign3A_737 = arith.constant 0 : i32
      %sign3A_738 = vector.broadcast %sign3A_737 : i32 to vector<16xi32>
      %sign3A_739 = arith.cmpi slt, %add3A_729, %sign3A_738 : vector<16xi32>
      %sign3A_740 = arith.extui %sign3A_739 : vector<16xi1> to vector<16xi32>
      %sign3A_741 = arith.subi %sign3A_736, %sign3A_740 : vector<16xi32>
      %sign3A_742 = arith.constant 0 : i32
      %sign3A_743 = arith.cmpi sgt, %jit3A_730, %sign3A_742 : i32
      %sign3A_744 = arith.extui %sign3A_743 : i1 to i32
      %sign3A_745 = arith.constant 0 : i32
      %sign3A_746 = arith.cmpi slt, %jit3A_730, %sign3A_745 : i32
      %sign3A_747 = arith.extui %sign3A_746 : i1 to i32
      %sign3A_748 = arith.subi %sign3A_744, %sign3A_747 : i32
      %ne3A_749 = vector.broadcast %sign3A_748 : i32 to vector<16xi32>
      %ne3A_750 = arith.cmpi ne, %sign3A_741, %ne3A_749 : vector<16xi32>
      %rem3A_751 = vector.broadcast %jit3A_730 : i32 to vector<16xi32>
      %rem3A_752 = arith.remsi %add3A_729, %rem3A_751 : vector<16xi32>
      %ne3A_753 = arith.constant 0 : i32
      %ne3A_754 = vector.broadcast %ne3A_753 : i32 to vector<16xi32>
      %ne3A_755 = arith.cmpi ne, %rem3A_752, %ne3A_754 : vector<16xi32>
      %and3A_756 = arith.andi %ne3A_750, %ne3A_755 : vector<16xi1>
      %sub3A_757 = arith.constant 1 : i32
      %sub3A_758 = vector.broadcast %sub3A_757 : i32 to vector<16xi32>
      %sub3A_759 = arith.subi %div3A_732, %sub3A_758 : vector<16xi32>
      %select_n3A_760 = arith.select %and3A_756, %sub3A_759, %div3A_732 : vector<16xi1>, vector<16xi32>
      %jit3A_761 = arith.constant 8 : i32
      %eq3A_762 = arith.constant 0 : i32
      %eq3A_763 = arith.cmpi eq, %jit3A_761, %eq3A_762 : i32
      %jit3A_764 = arith.constant 1 : i32
      %select_n3A_765 = arith.select %eq3A_763, %jit3A_764, %jit3A_761 : i32
      %rem3A_766 = vector.broadcast %select_n3A_765 : i32 to vector<16xi32>
      %rem3A_767 = arith.remsi %add3A_729, %rem3A_766 : vector<16xi32>
      %ne3A_768 = arith.constant 0 : i32
      %ne3A_769 = vector.broadcast %ne3A_768 : i32 to vector<16xi32>
      %ne3A_770 = arith.cmpi ne, %rem3A_767, %ne3A_769 : vector<16xi32>
      %lt3A_771 = arith.constant 0 : i32
      %lt3A_772 = vector.broadcast %lt3A_771 : i32 to vector<16xi32>
      %lt3A_773 = arith.cmpi slt, %rem3A_767, %lt3A_772 : vector<16xi32>
      %lt3A_774 = arith.constant 0 : i32
      %lt3A_775 = arith.cmpi slt, %select_n3A_765, %lt3A_774 : i32
      %ne3A_776 = vector.broadcast %lt3A_775 : i1 to vector<16xi1>
      %ne3A_777 = vector.broadcast %ne3A_776 : vector<16xi1> to vector<16xi1>
      %ne3A_778 = arith.xori %lt3A_773, %ne3A_777 : vector<16xi1>
      %and3A_779 = arith.andi %ne3A_778, %ne3A_770 : vector<16xi1>
      %add3A_780 = vector.broadcast %select_n3A_765 : i32 to vector<16xi32>
      %add3A_781 = arith.addi %rem3A_767, %add3A_780 : vector<16xi32>
      %select_n3A_782 = arith.select %and3A_779, %add3A_781, %rem3A_767 : vector<16xi1>, vector<16xi32>
      %parallel_loop3A_783 = arith.constant 0 : i32
      %parallel_loop3A_784 = arith.constant 128 : i32
      %parallel_loop3A_785 = arith.constant 1 : i32
      scf.for %parallel_loop3A_1113 = %parallel_loop3A_783 to %parallel_loop3A_784 step %parallel_loop3A_785  : i32 {
        %parallel_loop3A_1114 = arith.index_cast %parallel_loop3A_1113 : i32 to index
        %parallel_loop3A_1115 = arith.constant 0 : index
        %parallel_loop3A_1116 = tpu.vector_load %arg7[%parallel_loop3A_1114, %parallel_loop3A_1115] {strides = array<i32>} : memref<128x64xf32, #tpu.memory_space<vmem>>, vector<16xf32>,
        %parallel_loop3A_1117 = vector.broadcast %parallel_loop3A_1113 : i32 to vector<16xi32>
        tpu.vector_store_idx %arg9[%select_n3A_760, %select_n3A_782, %parallel_loop3A_1117], %parallel_loop3A_1116 : memref<8x8x129xf32, #tpu.memory_space<vmem>>[vector<16xi32>, vector<16xi32>, vector<16xi32>], vector<16xf32>,
      } {sc.loop_unroll_factor = 16 : i64, sc.parallel_access}
      %add3A_786 = arith.constant 16 : i32
      %add3A_787 = vector.broadcast %add3A_786 : i32 to vector<16xi32>
      %add3A_788 = arith.addi %add3A_787, %iota3A_726 : vector<16xi32>
      %jit3A_789 = arith.constant 8 : i32
      %div3A_790 = vector.broadcast %jit3A_789 : i32 to vector<16xi32>
      %div3A_791 = arith.divsi %add3A_788, %div3A_790 : vector<16xi32>
      %sign3A_792 = arith.constant 0 : i32
      %sign3A_793 = vector.broadcast %sign3A_792 : i32 to vector<16xi32>
      %sign3A_794 = arith.cmpi sgt, %add3A_788, %sign3A_793 : vector<16xi32>
      %sign3A_795 = arith.extui %sign3A_794 : vector<16xi1> to vector<16xi32>
      %sign3A_796 = arith.constant 0 : i32
      %sign3A_797 = vector.broadcast %sign3A_796 : i32 to vector<16xi32>
      %sign3A_798 = arith.cmpi slt, %add3A_788, %sign3A_797 : vector<16xi32>
      %sign3A_799 = arith.extui %sign3A_798 : vector<16xi1> to vector<16xi32>
      %sign3A_800 = arith.subi %sign3A_795, %sign3A_799 : vector<16xi32>
      %sign3A_801 = arith.constant 0 : i32
      %sign3A_802 = arith.cmpi sgt, %jit3A_789, %sign3A_801 : i32
      %sign3A_803 = arith.extui %sign3A_802 : i1 to i32
      %sign3A_804 = arith.constant 0 : i32
      %sign3A_805 = arith.cmpi slt, %jit3A_789, %sign3A_804 : i32
      %sign3A_806 = arith.extui %sign3A_805 : i1 to i32
      %sign3A_807 = arith.subi %sign3A_803, %sign3A_806 : i32
      %ne3A_808 = vector.broadcast %sign3A_807 : i32 to vector<16xi32>
      %ne3A_809 = arith.cmpi ne, %sign3A_800, %ne3A_808 : vector<16xi32>
      %rem3A_810 = vector.broadcast %jit3A_789 : i32 to vector<16xi32>
      %rem3A_811 = arith.remsi %add3A_788, %rem3A_810 : vector<16xi32>
      %ne3A_812 = arith.constant 0 : i32
      %ne3A_813 = vector.broadcast %ne3A_812 : i32 to vector<16xi32>
      %ne3A_814 = arith.cmpi ne, %rem3A_811, %ne3A_813 : vector<16xi32>
      %and3A_815 = arith.andi %ne3A_809, %ne3A_814 : vector<16xi1>
      %sub3A_816 = arith.constant 1 : i32
      %sub3A_817 = vector.broadcast %sub3A_816 : i32 to vector<16xi32>
      %sub3A_818 = arith.subi %div3A_791, %sub3A_817 : vector<16xi32>
      %select_n3A_819 = arith.select %and3A_815, %sub3A_818, %div3A_791 : vector<16xi1>, vector<16xi32>
      %jit3A_820 = arith.constant 8 : i32
      %eq3A_821 = arith.constant 0 : i32
      %eq3A_822 = arith.cmpi eq, %jit3A_820, %eq3A_821 : i32
      %jit3A_823 = arith.constant 1 : i32
      %select_n3A_824 = arith.select %eq3A_822, %jit3A_823, %jit3A_820 : i32
      %rem3A_825 = vector.broadcast %select_n3A_824 : i32 to vector<16xi32>
      %rem3A_826 = arith.remsi %add3A_788, %rem3A_825 : vector<16xi32>
      %ne3A_827 = arith.constant 0 : i32
      %ne3A_828 = vector.broadcast %ne3A_827 : i32 to vector<16xi32>
      %ne3A_829 = arith.cmpi ne, %rem3A_826, %ne3A_828 : vector<16xi32>
      %lt3A_830 = arith.constant 0 : i32
      %lt3A_831 = vector.broadcast %lt3A_830 : i32 to vector<16xi32>
      %lt3A_832 = arith.cmpi slt, %rem3A_826, %lt3A_831 : vector<16xi32>
      %lt3A_833 = arith.constant 0 : i32
      %lt3A_834 = arith.cmpi slt, %select_n3A_824, %lt3A_833 : i32
      %ne3A_835 = vector.broadcast %lt3A_834 : i1 to vector<16xi1>
      %ne3A_836 = vector.broadcast %ne3A_835 : vector<16xi1> to vector<16xi1>
      %ne3A_837 = arith.xori %lt3A_832, %ne3A_836 : vector<16xi1>
      %and3A_838 = arith.andi %ne3A_837, %ne3A_829 : vector<16xi1>
      %add3A_839 = vector.broadcast %select_n3A_824 : i32 to vector<16xi32>
      %add3A_840 = arith.addi %rem3A_826, %add3A_839 : vector<16xi32>
      %select_n3A_841 = arith.select %and3A_838, %add3A_840, %rem3A_826 : vector<16xi1>, vector<16xi32>
      %parallel_loop3A_842 = arith.constant 0 : i32
      %parallel_loop3A_843 = arith.constant 128 : i32
      %parallel_loop3A_844 = arith.constant 1 : i32
      scf.for %parallel_loop3A_1113 = %parallel_loop3A_842 to %parallel_loop3A_843 step %parallel_loop3A_844  : i32 {
        %parallel_loop3A_1114 = arith.index_cast %parallel_loop3A_1113 : i32 to index
        %parallel_loop3A_1115 = arith.constant 16 : index
        %parallel_loop3A_1116 = tpu.vector_load %arg7[%parallel_loop3A_1114, %parallel_loop3A_1115] {strides = array<i32>} : memref<128x64xf32, #tpu.memory_space<vmem>>, vector<16xf32>,
        %parallel_loop3A_1117 = vector.broadcast %parallel_loop3A_1113 : i32 to vector<16xi32>
        tpu.vector_store_idx %arg9[%select_n3A_819, %select_n3A_841, %parallel_loop3A_1117], %parallel_loop3A_1116 : memref<8x8x129xf32, #tpu.memory_space<vmem>>[vector<16xi32>, vector<16xi32>, vector<16xi32>], vector<16xf32>,
      } {sc.loop_unroll_factor = 16 : i64, sc.parallel_access}
      %add3A_845 = arith.constant 32 : i32
      %add3A_846 = vector.broadcast %add3A_845 : i32 to vector<16xi32>
      %add3A_847 = arith.addi %add3A_846, %iota3A_726 : vector<16xi32>
      %jit3A_848 = arith.constant 8 : i32
      %div3A_849 = vector.broadcast %jit3A_848 : i32 to vector<16xi32>
      %div3A_850 = arith.divsi %add3A_847, %div3A_849 : vector<16xi32>
      %sign3A_851 = arith.constant 0 : i32
      %sign3A_852 = vector.broadcast %sign3A_851 : i32 to vector<16xi32>
      %sign3A_853 = arith.cmpi sgt, %add3A_847, %sign3A_852 : vector<16xi32>
      %sign3A_854 = arith.extui %sign3A_853 : vector<16xi1> to vector<16xi32>
      %sign3A_855 = arith.constant 0 : i32
      %sign3A_856 = vector.broadcast %sign3A_855 : i32 to vector<16xi32>
      %sign3A_857 = arith.cmpi slt, %add3A_847, %sign3A_856 : vector<16xi32>
      %sign3A_858 = arith.extui %sign3A_857 : vector<16xi1> to vector<16xi32>
      %sign3A_859 = arith.subi %sign3A_854, %sign3A_858 : vector<16xi32>
      %sign3A_860 = arith.constant 0 : i32
      %sign3A_861 = arith.cmpi sgt, %jit3A_848, %sign3A_860 : i32
      %sign3A_862 = arith.extui %sign3A_861 : i1 to i32
      %sign3A_863 = arith.constant 0 : i32
      %sign3A_864 = arith.cmpi slt, %jit3A_848, %sign3A_863 : i32
      %sign3A_865 = arith.extui %sign3A_864 : i1 to i32
      %sign3A_866 = arith.subi %sign3A_862, %sign3A_865 : i32
      %ne3A_867 = vector.broadcast %sign3A_866 : i32 to vector<16xi32>
      %ne3A_868 = arith.cmpi ne, %sign3A_859, %ne3A_867 : vector<16xi32>
      %rem3A_869 = vector.broadcast %jit3A_848 : i32 to vector<16xi32>
      %rem3A_870 = arith.remsi %add3A_847, %rem3A_869 : vector<16xi32>
      %ne3A_871 = arith.constant 0 : i32
      %ne3A_872 = vector.broadcast %ne3A_871 : i32 to vector<16xi32>
      %ne3A_873 = arith.cmpi ne, %rem3A_870, %ne3A_872 : vector<16xi32>
      %and3A_874 = arith.andi %ne3A_868, %ne3A_873 : vector<16xi1>
      %sub3A_875 = arith.constant 1 : i32
      %sub3A_876 = vector.broadcast %sub3A_875 : i32 to vector<16xi32>
      %sub3A_877 = arith.subi %div3A_850, %sub3A_876 : vector<16xi32>
      %select_n3A_878 = arith.select %and3A_874, %sub3A_877, %div3A_850 : vector<16xi1>, vector<16xi32>
      %jit3A_879 = arith.constant 8 : i32
      %eq3A_880 = arith.constant 0 : i32
      %eq3A_881 = arith.cmpi eq, %jit3A_879, %eq3A_880 : i32
      %jit3A_882 = arith.constant 1 : i32
      %select_n3A_883 = arith.select %eq3A_881, %jit3A_882, %jit3A_879 : i32
      %rem3A_884 = vector.broadcast %select_n3A_883 : i32 to vector<16xi32>
      %rem3A_885 = arith.remsi %add3A_847, %rem3A_884 : vector<16xi32>
      %ne3A_886 = arith.constant 0 : i32
      %ne3A_887 = vector.broadcast %ne3A_886 : i32 to vector<16xi32>
      %ne3A_888 = arith.cmpi ne, %rem3A_885, %ne3A_887 : vector<16xi32>
      %lt3A_889 = arith.constant 0 : i32
      %lt3A_890 = vector.broadcast %lt3A_889 : i32 to vector<16xi32>
      %lt3A_891 = arith.cmpi slt, %rem3A_885, %lt3A_890 : vector<16xi32>
      %lt3A_892 = arith.constant 0 : i32
      %lt3A_893 = arith.cmpi slt, %select_n3A_883, %lt3A_892 : i32
      %ne3A_894 = vector.broadcast %lt3A_893 : i1 to vector<16xi1>
      %ne3A_895 = vector.broadcast %ne3A_894 : vector<16xi1> to vector<16xi1>
      %ne3A_896 = arith.xori %lt3A_891, %ne3A_895 : vector<16xi1>
      %and3A_897 = arith.andi %ne3A_896, %ne3A_888 : vector<16xi1>
      %add3A_898 = vector.broadcast %select_n3A_883 : i32 to vector<16xi32>
      %add3A_899 = arith.addi %rem3A_885, %add3A_898 : vector<16xi32>
      %select_n3A_900 = arith.select %and3A_897, %add3A_899, %rem3A_885 : vector<16xi1>, vector<16xi32>
      %parallel_loop3A_901 = arith.constant 0 : i32
      %parallel_loop3A_902 = arith.constant 128 : i32
      %parallel_loop3A_903 = arith.constant 1 : i32
      scf.for %parallel_loop3A_1113 = %parallel_loop3A_901 to %parallel_loop3A_902 step %parallel_loop3A_903  : i32 {
        %parallel_loop3A_1114 = arith.index_cast %parallel_loop3A_1113 : i32 to index
        %parallel_loop3A_1115 = arith.constant 32 : index
        %parallel_loop3A_1116 = tpu.vector_load %arg7[%parallel_loop3A_1114, %parallel_loop3A_1115] {strides = array<i32>} : memref<128x64xf32, #tpu.memory_space<vmem>>, vector<16xf32>,
        %parallel_loop3A_1117 = vector.broadcast %parallel_loop3A_1113 : i32 to vector<16xi32>
        tpu.vector_store_idx %arg9[%select_n3A_878, %select_n3A_900, %parallel_loop3A_1117], %parallel_loop3A_1116 : memref<8x8x129xf32, #tpu.memory_space<vmem>>[vector<16xi32>, vector<16xi32>, vector<16xi32>], vector<16xf32>,
      } {sc.loop_unroll_factor = 16 : i64, sc.parallel_access}
      %add3A_904 = arith.constant 48 : i32
      %add3A_905 = vector.broadcast %add3A_904 : i32 to vector<16xi32>
      %add3A_906 = arith.addi %add3A_905, %iota3A_726 : vector<16xi32>
      %jit3A_907 = arith.constant 8 : i32
      %div3A_908 = vector.broadcast %jit3A_907 : i32 to vector<16xi32>
      %div3A_909 = arith.divsi %add3A_906, %div3A_908 : vector<16xi32>
      %sign3A_910 = arith.constant 0 : i32
      %sign3A_911 = vector.broadcast %sign3A_910 : i32 to vector<16xi32>
      %sign3A_912 = arith.cmpi sgt, %add3A_906, %sign3A_911 : vector<16xi32>
      %sign3A_913 = arith.extui %sign3A_912 : vector<16xi1> to vector<16xi32>
      %sign3A_914 = arith.constant 0 : i32
      %sign3A_915 = vector.broadcast %sign3A_914 : i32 to vector<16xi32>
      %sign3A_916 = arith.cmpi slt, %add3A_906, %sign3A_915 : vector<16xi32>
      %sign3A_917 = arith.extui %sign3A_916 : vector<16xi1> to vector<16xi32>
      %sign3A_918 = arith.subi %sign3A_913, %sign3A_917 : vector<16xi32>
      %sign3A_919 = arith.constant 0 : i32
      %sign3A_920 = arith.cmpi sgt, %jit3A_907, %sign3A_919 : i32
      %sign3A_921 = arith.extui %sign3A_920 : i1 to i32
      %sign3A_922 = arith.constant 0 : i32
      %sign3A_923 = arith.cmpi slt, %jit3A_907, %sign3A_922 : i32
      %sign3A_924 = arith.extui %sign3A_923 : i1 to i32
      %sign3A_925 = arith.subi %sign3A_921, %sign3A_924 : i32
      %ne3A_926 = vector.broadcast %sign3A_925 : i32 to vector<16xi32>
      %ne3A_927 = arith.cmpi ne, %sign3A_918, %ne3A_926 : vector<16xi32>
      %rem3A_928 = vector.broadcast %jit3A_907 : i32 to vector<16xi32>
      %rem3A_929 = arith.remsi %add3A_906, %rem3A_928 : vector<16xi32>
      %ne3A_930 = arith.constant 0 : i32
      %ne3A_931 = vector.broadcast %ne3A_930 : i32 to vector<16xi32>
      %ne3A_932 = arith.cmpi ne, %rem3A_929, %ne3A_931 : vector<16xi32>
      %and3A_933 = arith.andi %ne3A_927, %ne3A_932 : vector<16xi1>
      %sub3A_934 = arith.constant 1 : i32
      %sub3A_935 = vector.broadcast %sub3A_934 : i32 to vector<16xi32>
      %sub3A_936 = arith.subi %div3A_909, %sub3A_935 : vector<16xi32>
      %select_n3A_937 = arith.select %and3A_933, %sub3A_936, %div3A_909 : vector<16xi1>, vector<16xi32>
      %jit3A_938 = arith.constant 8 : i32
      %eq3A_939 = arith.constant 0 : i32
      %eq3A_940 = arith.cmpi eq, %jit3A_938, %eq3A_939 : i32
      %jit3A_941 = arith.constant 1 : i32
      %select_n3A_942 = arith.select %eq3A_940, %jit3A_941, %jit3A_938 : i32
      %rem3A_943 = vector.broadcast %select_n3A_942 : i32 to vector<16xi32>
      %rem3A_944 = arith.remsi %add3A_906, %rem3A_943 : vector<16xi32>
      %ne3A_945 = arith.constant 0 : i32
      %ne3A_946 = vector.broadcast %ne3A_945 : i32 to vector<16xi32>
      %ne3A_947 = arith.cmpi ne, %rem3A_944, %ne3A_946 : vector<16xi32>
      %lt3A_948 = arith.constant 0 : i32
      %lt3A_949 = vector.broadcast %lt3A_948 : i32 to vector<16xi32>
      %lt3A_950 = arith.cmpi slt, %rem3A_944, %lt3A_949 : vector<16xi32>
      %lt3A_951 = arith.constant 0 : i32
      %lt3A_952 = arith.cmpi slt, %select_n3A_942, %lt3A_951 : i32
      %ne3A_953 = vector.broadcast %lt3A_952 : i1 to vector<16xi1>
      %ne3A_954 = vector.broadcast %ne3A_953 : vector<16xi1> to vector<16xi1>
      %ne3A_955 = arith.xori %lt3A_950, %ne3A_954 : vector<16xi1>
      %and3A_956 = arith.andi %ne3A_955, %ne3A_947 : vector<16xi1>
      %add3A_957 = vector.broadcast %select_n3A_942 : i32 to vector<16xi32>
      %add3A_958 = arith.addi %rem3A_944, %add3A_957 : vector<16xi32>
      %select_n3A_959 = arith.select %and3A_956, %add3A_958, %rem3A_944 : vector<16xi1>, vector<16xi32>
      %parallel_loop3A_960 = arith.constant 0 : i32
      %parallel_loop3A_961 = arith.constant 128 : i32
      %parallel_loop3A_962 = arith.constant 1 : i32
      scf.for %parallel_loop3A_1113 = %parallel_loop3A_960 to %parallel_loop3A_961 step %parallel_loop3A_962  : i32 {
        %parallel_loop3A_1114 = arith.index_cast %parallel_loop3A_1113 : i32 to index
        %parallel_loop3A_1115 = arith.constant 48 : index
        %parallel_loop3A_1116 = tpu.vector_load %arg7[%parallel_loop3A_1114, %parallel_loop3A_1115] {strides = array<i32>} : memref<128x64xf32, #tpu.memory_space<vmem>>, vector<16xf32>,
        %parallel_loop3A_1117 = vector.broadcast %parallel_loop3A_1113 : i32 to vector<16xi32>
        tpu.vector_store_idx %arg9[%select_n3A_937, %select_n3A_959, %parallel_loop3A_1117], %parallel_loop3A_1116 : memref<8x8x129xf32, #tpu.memory_space<vmem>>[vector<16xi32>, vector<16xi32>, vector<16xi32>], vector<16xf32>,
      } {sc.loop_unroll_factor = 16 : i64, sc.parallel_access}
      %dma_start3A_963 = arith.constant 0 : i32
      %dma_start3A_964 = arith.constant 0 : i32
      %dma_start3A_965 = arith.constant 0 : i32
      %dma_start3A_966 = arith.constant 0 : i32
      %dma_start3A_967 = tpu.memref_slice %arg9[%dma_start3A_963, %dma_start3A_965, %dma_start3A_966] : memref<8x8x129xf32, #tpu.memory_space<vmem>> -> memref<1x8x128xf32, #tpu.memory_space<vmem>>
      %dma_start3A_968 = tpu.memref_squeeze %dma_start3A_967 : memref<1x8x128xf32, #tpu.memory_space<vmem>> -> memref<8x128xf32, #tpu.memory_space<vmem>>
      %dma_start3A_969 = arith.constant 0 : i32
      %dma_start3A_970 = arith.constant 0 : i32
      %dma_start3A_971 = tpu.memref_slice %arg4[%add3A_714, %dma_start3A_964, %add3A, %dma_start3A_969, %dma_start3A_970] : memref<50x8x32x8x128xf32, #tpu.memory_space<hbm>> -> memref<1x1x1x8x128xf32, #tpu.memory_space<hbm>>
      %dma_start3A_972 = tpu.memref_squeeze %dma_start3A_971 : memref<1x1x1x8x128xf32, #tpu.memory_space<hbm>> -> memref<8x128xf32, #tpu.memory_space<hbm>>
      %dma_start3A_973 = arith.constant 0 : i32
      %dma_start3A_974 = arith.constant 0 : i32
      %dma_start3A_975 = tpu.memref_slice %arg4[%add3A_714, %dma_start3A_964, %add3A, %dma_start3A_973, %dma_start3A_974] : memref<50x8x32x8x128xf32, #tpu.memory_space<hbm>> -> memref<1x1x1x8x128xf32, #tpu.memory_space<hbm>>
      %dma_start3A_976 = tpu.memref_squeeze %dma_start3A_975 : memref<1x1x1x8x128xf32, #tpu.memory_space<hbm>> -> memref<8x128xf32, #tpu.memory_space<hbm>>
      %dma_start3A_977 = arith.constant 0 : i32
      %dma_start3A_978 = arith.constant 0 : i32
      %dma_start3A_979 = tpu.memref_slice %arg9[%dma_start3A_963, %dma_start3A_977, %dma_start3A_978] : memref<8x8x129xf32, #tpu.memory_space<vmem>> -> memref<1x8x128xf32, #tpu.memory_space<vmem>>
      %dma_start3A_980 = tpu.memref_squeeze %dma_start3A_979 : memref<1x8x128xf32, #tpu.memory_space<vmem>> -> memref<8x128xf32, #tpu.memory_space<vmem>>
      tpu.enqueue_dma source(%dma_start3A_980 : memref<8x128xf32, #tpu.memory_space<vmem>>) target(%dma_start3A_976 : memref<8x128xf32, #tpu.memory_space<hbm>>) target_semaphore(%arg13 : memref<!tpu.dma_semaphore, #tpu.memory_space<semaphore_mem>>)
      %dma_start3A_981 = arith.constant 1 : i32
      %dma_start3A_982 = arith.constant 1 : i32
      %dma_start3A_983 = arith.constant 0 : i32
      %dma_start3A_984 = arith.constant 0 : i32
      %dma_start3A_985 = tpu.memref_slice %arg9[%dma_start3A_981, %dma_start3A_983, %dma_start3A_984] : memref<8x8x129xf32, #tpu.memory_space<vmem>> -> memref<1x8x128xf32, #tpu.memory_space<vmem>>
      %dma_start3A_986 = tpu.memref_squeeze %dma_start3A_985 : memref<1x8x128xf32, #tpu.memory_space<vmem>> -> memref<8x128xf32, #tpu.memory_space<vmem>>
      %dma_start3A_987 = arith.constant 0 : i32
      %dma_start3A_988 = arith.constant 0 : i32
      %dma_start3A_989 = tpu.memref_slice %arg4[%add3A_714, %dma_start3A_982, %add3A, %dma_start3A_987, %dma_start3A_988] : memref<50x8x32x8x128xf32, #tpu.memory_space<hbm>> -> memref<1x1x1x8x128xf32, #tpu.memory_space<hbm>>
      %dma_start3A_990 = tpu.memref_squeeze %dma_start3A_989 : memref<1x1x1x8x128xf32, #tpu.memory_space<hbm>> -> memref<8x128xf32, #tpu.memory_space<hbm>>
      %dma_start3A_991 = arith.constant 0 : i32
      %dma_start3A_992 = arith.constant 0 : i32
      %dma_start3A_993 = tpu.memref_slice %arg4[%add3A_714, %dma_start3A_982, %add3A, %dma_start3A_991, %dma_start3A_992] : memref<50x8x32x8x128xf32, #tpu.memory_space<hbm>> -> memref<1x1x1x8x128xf32, #tpu.memory_space<hbm>>
      %dma_start3A_994 = tpu.memref_squeeze %dma_start3A_993 : memref<1x1x1x8x128xf32, #tpu.memory_space<hbm>> -> memref<8x128xf32, #tpu.memory_space<hbm>>
      %dma_start3A_995 = arith.constant 0 : i32
      %dma_start3A_996 = arith.constant 0 : i32
      %dma_start3A_997 = tpu.memref_slice %arg9[%dma_start3A_981, %dma_start3A_995, %dma_start3A_996] : memref<8x8x129xf32, #tpu.memory_space<vmem>> -> memref<1x8x128xf32, #tpu.memory_space<vmem>>
      %dma_start3A_998 = tpu.memref_squeeze %dma_start3A_997 : memref<1x8x128xf32, #tpu.memory_space<vmem>> -> memref<8x128xf32, #tpu.memory_space<vmem>>
      tpu.enqueue_dma source(%dma_start3A_998 : memref<8x128xf32, #tpu.memory_space<vmem>>) target(%dma_start3A_994 : memref<8x128xf32, #tpu.memory_space<hbm>>) target_semaphore(%arg13 : memref<!tpu.dma_semaphore, #tpu.memory_space<semaphore_mem>>)
      %dma_start3A_999 = arith.constant 2 : i32
      %dma_start3A_1000 = arith.constant 2 : i32
      %dma_start3A_1001 = arith.constant 0 : i32
      %dma_start3A_1002 = arith.constant 0 : i32
      %dma_start3A_1003 = tpu.memref_slice %arg9[%dma_start3A_999, %dma_start3A_1001, %dma_start3A_1002] : memref<8x8x129xf32, #tpu.memory_space<vmem>> -> memref<1x8x128xf32, #tpu.memory_space<vmem>>
      %dma_start3A_1004 = tpu.memref_squeeze %dma_start3A_1003 : memref<1x8x128xf32, #tpu.memory_space<vmem>> -> memref<8x128xf32, #tpu.memory_space<vmem>>
      %dma_start3A_1005 = arith.constant 0 : i32
      %dma_start3A_1006 = arith.constant 0 : i32
      %dma_start3A_1007 = tpu.memref_slice %arg4[%add3A_714, %dma_start3A_1000, %add3A, %dma_start3A_1005, %dma_start3A_1006] : memref<50x8x32x8x128xf32, #tpu.memory_space<hbm>> -> memref<1x1x1x8x128xf32, #tpu.memory_space<hbm>>
      %dma_start3A_1008 = tpu.memref_squeeze %dma_start3A_1007 : memref<1x1x1x8x128xf32, #tpu.memory_space<hbm>> -> memref<8x128xf32, #tpu.memory_space<hbm>>
      %dma_start3A_1009 = arith.constant 0 : i32
      %dma_start3A_1010 = arith.constant 0 : i32
      %dma_start3A_1011 = tpu.memref_slice %arg4[%add3A_714, %dma_start3A_1000, %add3A, %dma_start3A_1009, %dma_start3A_1010] : memref<50x8x32x8x128xf32, #tpu.memory_space<hbm>> -> memref<1x1x1x8x128xf32, #tpu.memory_space<hbm>>
      %dma_start3A_1012 = tpu.memref_squeeze %dma_start3A_1011 : memref<1x1x1x8x128xf32, #tpu.memory_space<hbm>> -> memref<8x128xf32, #tpu.memory_space<hbm>>
      %dma_start3A_1013 = arith.constant 0 : i32
      %dma_start3A_1014 = arith.constant 0 : i32
      %dma_start3A_1015 = tpu.memref_slice %arg9[%dma_start3A_999, %dma_start3A_1013, %dma_start3A_1014] : memref<8x8x129xf32, #tpu.memory_space<vmem>> -> memref<1x8x128xf32, #tpu.memory_space<vmem>>
      %dma_start3A_1016 = tpu.memref_squeeze %dma_start3A_1015 : memref<1x8x128xf32, #tpu.memory_space<vmem>> -> memref<8x128xf32, #tpu.memory_space<vmem>>
      tpu.enqueue_dma source(%dma_start3A_1016 : memref<8x128xf32, #tpu.memory_space<vmem>>) target(%dma_start3A_1012 : memref<8x128xf32, #tpu.memory_space<hbm>>) target_semaphore(%arg13 : memref<!tpu.dma_semaphore, #tpu.memory_space<semaphore_mem>>)
      %dma_start3A_1017 = arith.constant 3 : i32
      %dma_start3A_1018 = arith.constant 3 : i32
      %dma_start3A_1019 = arith.constant 0 : i32
      %dma_start3A_1020 = arith.constant 0 : i32
      %dma_start3A_1021 = tpu.memref_slice %arg9[%dma_start3A_1017, %dma_start3A_1019, %dma_start3A_1020] : memref<8x8x129xf32, #tpu.memory_space<vmem>> -> memref<1x8x128xf32, #tpu.memory_space<vmem>>
      %dma_start3A_1022 = tpu.memref_squeeze %dma_start3A_1021 : memref<1x8x128xf32, #tpu.memory_space<vmem>> -> memref<8x128xf32, #tpu.memory_space<vmem>>
      %dma_start3A_1023 = arith.constant 0 : i32
      %dma_start3A_1024 = arith.constant 0 : i32
      %dma_start3A_1025 = tpu.memref_slice %arg4[%add3A_714, %dma_start3A_1018, %add3A, %dma_start3A_1023, %dma_start3A_1024] : memref<50x8x32x8x128xf32, #tpu.memory_space<hbm>> -> memref<1x1x1x8x128xf32, #tpu.memory_space<hbm>>
      %dma_start3A_1026 = tpu.memref_squeeze %dma_start3A_1025 : memref<1x1x1x8x128xf32, #tpu.memory_space<hbm>> -> memref<8x128xf32, #tpu.memory_space<hbm>>
      %dma_start3A_1027 = arith.constant 0 : i32
      %dma_start3A_1028 = arith.constant 0 : i32
      %dma_start3A_1029 = tpu.memref_slice %arg4[%add3A_714, %dma_start3A_1018, %add3A, %dma_start3A_1027, %dma_start3A_1028] : memref<50x8x32x8x128xf32, #tpu.memory_space<hbm>> -> memref<1x1x1x8x128xf32, #tpu.memory_space<hbm>>
      %dma_start3A_1030 = tpu.memref_squeeze %dma_start3A_1029 : memref<1x1x1x8x128xf32, #tpu.memory_space<hbm>> -> memref<8x128xf32, #tpu.memory_space<hbm>>
      %dma_start3A_1031 = arith.constant 0 : i32
      %dma_start3A_1032 = arith.constant 0 : i32
      %dma_start3A_1033 = tpu.memref_slice %arg9[%dma_start3A_1017, %dma_start3A_1031, %dma_start3A_1032] : memref<8x8x129xf32, #tpu.memory_space<vmem>> -> memref<1x8x128xf32, #tpu.memory_space<vmem>>
      %dma_start3A_1034 = tpu.memref_squeeze %dma_start3A_1033 : memref<1x8x128xf32, #tpu.memory_space<vmem>> -> memref<8x128xf32, #tpu.memory_space<vmem>>
      tpu.enqueue_dma source(%dma_start3A_1034 : memref<8x128xf32, #tpu.memory_space<vmem>>) target(%dma_start3A_1030 : memref<8x128xf32, #tpu.memory_space<hbm>>) target_semaphore(%arg13 : memref<!tpu.dma_semaphore, #tpu.memory_space<semaphore_mem>>)
      %dma_start3A_1035 = arith.constant 4 : i32
      %dma_start3A_1036 = arith.constant 4 : i32
      %dma_start3A_1037 = arith.constant 0 : i32
      %dma_start3A_1038 = arith.constant 0 : i32
      %dma_start3A_1039 = tpu.memref_slice %arg9[%dma_start3A_1035, %dma_start3A_1037, %dma_start3A_1038] : memref<8x8x129xf32, #tpu.memory_space<vmem>> -> memref<1x8x128xf32, #tpu.memory_space<vmem>>
      %dma_start3A_1040 = tpu.memref_squeeze %dma_start3A_1039 : memref<1x8x128xf32, #tpu.memory_space<vmem>> -> memref<8x128xf32, #tpu.memory_space<vmem>>
      %dma_start3A_1041 = arith.constant 0 : i32
      %dma_start3A_1042 = arith.constant 0 : i32
      %dma_start3A_1043 = tpu.memref_slice %arg4[%add3A_714, %dma_start3A_1036, %add3A, %dma_start3A_1041, %dma_start3A_1042] : memref<50x8x32x8x128xf32, #tpu.memory_space<hbm>> -> memref<1x1x1x8x128xf32, #tpu.memory_space<hbm>>
      %dma_start3A_1044 = tpu.memref_squeeze %dma_start3A_1043 : memref<1x1x1x8x128xf32, #tpu.memory_space<hbm>> -> memref<8x128xf32, #tpu.memory_space<hbm>>
      %dma_start3A_1045 = arith.constant 0 : i32
      %dma_start3A_1046 = arith.constant 0 : i32
      %dma_start3A_1047 = tpu.memref_slice %arg4[%add3A_714, %dma_start3A_1036, %add3A, %dma_start3A_1045, %dma_start3A_1046] : memref<50x8x32x8x128xf32, #tpu.memory_space<hbm>> -> memref<1x1x1x8x128xf32, #tpu.memory_space<hbm>>
      %dma_start3A_1048 = tpu.memref_squeeze %dma_start3A_1047 : memref<1x1x1x8x128xf32, #tpu.memory_space<hbm>> -> memref<8x128xf32, #tpu.memory_space<hbm>>
      %dma_start3A_1049 = arith.constant 0 : i32
      %dma_start3A_1050 = arith.constant 0 : i32
      %dma_start3A_1051 = tpu.memref_slice %arg9[%dma_start3A_1035, %dma_start3A_1049, %dma_start3A_1050] : memref<8x8x129xf32, #tpu.memory_space<vmem>> -> memref<1x8x128xf32, #tpu.memory_space<vmem>>
      %dma_start3A_1052 = tpu.memref_squeeze %dma_start3A_1051 : memref<1x8x128xf32, #tpu.memory_space<vmem>> -> memref<8x128xf32, #tpu.memory_space<vmem>>
      tpu.enqueue_dma source(%dma_start3A_1052 : memref<8x128xf32, #tpu.memory_space<vmem>>) target(%dma_start3A_1048 : memref<8x128xf32, #tpu.memory_space<hbm>>) target_semaphore(%arg13 : memref<!tpu.dma_semaphore, #tpu.memory_space<semaphore_mem>>)
      %dma_start3A_1053 = arith.constant 5 : i32
      %dma_start3A_1054 = arith.constant 5 : i32
      %dma_start3A_1055 = arith.constant 0 : i32
      %dma_start3A_1056 = arith.constant 0 : i32
      %dma_start3A_1057 = tpu.memref_slice %arg9[%dma_start3A_1053, %dma_start3A_1055, %dma_start3A_1056] : memref<8x8x129xf32, #tpu.memory_space<vmem>> -> memref<1x8x128xf32, #tpu.memory_space<vmem>>
      %dma_start3A_1058 = tpu.memref_squeeze %dma_start3A_1057 : memref<1x8x128xf32, #tpu.memory_space<vmem>> -> memref<8x128xf32, #tpu.memory_space<vmem>>
      %dma_start3A_1059 = arith.constant 0 : i32
      %dma_start3A_1060 = arith.constant 0 : i32
      %dma_start3A_1061 = tpu.memref_slice %arg4[%add3A_714, %dma_start3A_1054, %add3A, %dma_start3A_1059, %dma_start3A_1060] : memref<50x8x32x8x128xf32, #tpu.memory_space<hbm>> -> memref<1x1x1x8x128xf32, #tpu.memory_space<hbm>>
      %dma_start3A_1062 = tpu.memref_squeeze %dma_start3A_1061 : memref<1x1x1x8x128xf32, #tpu.memory_space<hbm>> -> memref<8x128xf32, #tpu.memory_space<hbm>>
      %dma_start3A_1063 = arith.constant 0 : i32
      %dma_start3A_1064 = arith.constant 0 : i32
      %dma_start3A_1065 = tpu.memref_slice %arg4[%add3A_714, %dma_start3A_1054, %add3A, %dma_start3A_1063, %dma_start3A_1064] : memref<50x8x32x8x128xf32, #tpu.memory_space<hbm>> -> memref<1x1x1x8x128xf32, #tpu.memory_space<hbm>>
      %dma_start3A_1066 = tpu.memref_squeeze %dma_start3A_1065 : memref<1x1x1x8x128xf32, #tpu.memory_space<hbm>> -> memref<8x128xf32, #tpu.memory_space<hbm>>
      %dma_start3A_1067 = arith.constant 0 : i32
      %dma_start3A_1068 = arith.constant 0 : i32
      %dma_start3A_1069 = tpu.memref_slice %arg9[%dma_start3A_1053, %dma_start3A_1067, %dma_start3A_1068] : memref<8x8x129xf32, #tpu.memory_space<vmem>> -> memref<1x8x128xf32, #tpu.memory_space<vmem>>
      %dma_start3A_1070 = tpu.memref_squeeze %dma_start3A_1069 : memref<1x8x128xf32, #tpu.memory_space<vmem>> -> memref<8x128xf32, #tpu.memory_space<vmem>>
      tpu.enqueue_dma source(%dma_start3A_1070 : memref<8x128xf32, #tpu.memory_space<vmem>>) target(%dma_start3A_1066 : memref<8x128xf32, #tpu.memory_space<hbm>>) target_semaphore(%arg13 : memref<!tpu.dma_semaphore, #tpu.memory_space<semaphore_mem>>)
      %dma_start3A_1071 = arith.constant 6 : i32
      %dma_start3A_1072 = arith.constant 6 : i32
      %dma_start3A_1073 = arith.constant 0 : i32
      %dma_start3A_1074 = arith.constant 0 : i32
      %dma_start3A_1075 = tpu.memref_slice %arg9[%dma_start3A_1071, %dma_start3A_1073, %dma_start3A_1074] : memref<8x8x129xf32, #tpu.memory_space<vmem>> -> memref<1x8x128xf32, #tpu.memory_space<vmem>>
      %dma_start3A_1076 = tpu.memref_squeeze %dma_start3A_1075 : memref<1x8x128xf32, #tpu.memory_space<vmem>> -> memref<8x128xf32, #tpu.memory_space<vmem>>
      %dma_start3A_1077 = arith.constant 0 : i32
      %dma_start3A_1078 = arith.constant 0 : i32
      %dma_start3A_1079 = tpu.memref_slice %arg4[%add3A_714, %dma_start3A_1072, %add3A, %dma_start3A_1077, %dma_start3A_1078] : memref<50x8x32x8x128xf32, #tpu.memory_space<hbm>> -> memref<1x1x1x8x128xf32, #tpu.memory_space<hbm>>
      %dma_start3A_1080 = tpu.memref_squeeze %dma_start3A_1079 : memref<1x1x1x8x128xf32, #tpu.memory_space<hbm>> -> memref<8x128xf32, #tpu.memory_space<hbm>>
      %dma_start3A_1081 = arith.constant 0 : i32
      %dma_start3A_1082 = arith.constant 0 : i32
      %dma_start3A_1083 = tpu.memref_slice %arg4[%add3A_714, %dma_start3A_1072, %add3A, %dma_start3A_1081, %dma_start3A_1082] : memref<50x8x32x8x128xf32, #tpu.memory_space<hbm>> -> memref<1x1x1x8x128xf32, #tpu.memory_space<hbm>>
      %dma_start3A_1084 = tpu.memref_squeeze %dma_start3A_1083 : memref<1x1x1x8x128xf32, #tpu.memory_space<hbm>> -> memref<8x128xf32, #tpu.memory_space<hbm>>
      %dma_start3A_1085 = arith.constant 0 : i32
      %dma_start3A_1086 = arith.constant 0 : i32
      %dma_start3A_1087 = tpu.memref_slice %arg9[%dma_start3A_1071, %dma_start3A_1085, %dma_start3A_1086] : memref<8x8x129xf32, #tpu.memory_space<vmem>> -> memref<1x8x128xf32, #tpu.memory_space<vmem>>
      %dma_start3A_1088 = tpu.memref_squeeze %dma_start3A_1087 : memref<1x8x128xf32, #tpu.memory_space<vmem>> -> memref<8x128xf32, #tpu.memory_space<vmem>>
      tpu.enqueue_dma source(%dma_start3A_1088 : memref<8x128xf32, #tpu.memory_space<vmem>>) target(%dma_start3A_1084 : memref<8x128xf32, #tpu.memory_space<hbm>>) target_semaphore(%arg13 : memref<!tpu.dma_semaphore, #tpu.memory_space<semaphore_mem>>)
      %dma_start3A_1089 = arith.constant 7 : i32
      %dma_start3A_1090 = arith.constant 7 : i32
      %dma_start3A_1091 = arith.constant 0 : i32
      %dma_start3A_1092 = arith.constant 0 : i32
      %dma_start3A_1093 = tpu.memref_slice %arg9[%dma_start3A_1089, %dma_start3A_1091, %dma_start3A_1092] : memref<8x8x129xf32, #tpu.memory_space<vmem>> -> memref<1x8x128xf32, #tpu.memory_space<vmem>>
      %dma_start3A_1094 = tpu.memref_squeeze %dma_start3A_1093 : memref<1x8x128xf32, #tpu.memory_space<vmem>> -> memref<8x128xf32, #tpu.memory_space<vmem>>
      %dma_start3A_1095 = arith.constant 0 : i32
      %dma_start3A_1096 = arith.constant 0 : i32
      %dma_start3A_1097 = tpu.memref_slice %arg4[%add3A_714, %dma_start3A_1090, %add3A, %dma_start3A_1095, %dma_start3A_1096] : memref<50x8x32x8x128xf32, #tpu.memory_space<hbm>> -> memref<1x1x1x8x128xf32, #tpu.memory_space<hbm>>
      %dma_start3A_1098 = tpu.memref_squeeze %dma_start3A_1097 : memref<1x1x1x8x128xf32, #tpu.memory_space<hbm>> -> memref<8x128xf32, #tpu.memory_space<hbm>>
      %dma_start3A_1099 = arith.constant 0 : i32
      %dma_start3A_1100 = arith.constant 0 : i32
      %dma_start3A_1101 = tpu.memref_slice %arg4[%add3A_714, %dma_start3A_1090, %add3A, %dma_start3A_1099, %dma_start3A_1100] : memref<50x8x32x8x128xf32, #tpu.memory_space<hbm>> -> memref<1x1x1x8x128xf32, #tpu.memory_space<hbm>>
      %dma_start3A_1102 = tpu.memref_squeeze %dma_start3A_1101 : memref<1x1x1x8x128xf32, #tpu.memory_space<hbm>> -> memref<8x128xf32, #tpu.memory_space<hbm>>
      %dma_start3A_1103 = arith.constant 0 : i32
      %dma_start3A_1104 = arith.constant 0 : i32
      %dma_start3A_1105 = tpu.memref_slice %arg9[%dma_start3A_1089, %dma_start3A_1103, %dma_start3A_1104] : memref<8x8x129xf32, #tpu.memory_space<vmem>> -> memref<1x8x128xf32, #tpu.memory_space<vmem>>
      %dma_start3A_1106 = tpu.memref_squeeze %dma_start3A_1105 : memref<1x8x128xf32, #tpu.memory_space<vmem>> -> memref<8x128xf32, #tpu.memory_space<vmem>>
      tpu.enqueue_dma source(%dma_start3A_1106 : memref<8x128xf32, #tpu.memory_space<vmem>>) target(%dma_start3A_1102 : memref<8x128xf32, #tpu.memory_space<hbm>>) target_semaphore(%arg13 : memref<!tpu.dma_semaphore, #tpu.memory_space<semaphore_mem>>)
      %lt3A_1107 = arith.constant 24 : i32
      %lt3A_1108 = arith.cmpi slt, %scan3A_323, %lt3A_1107 : i32
      %convert_element_type3A_1109 = arith.extui %lt3A_1108 : i1 to i32
      %cond3A_1110 = arith.constant 0 : i32
      %cond3A_1111 = arith.cmpi ne, %convert_element_type3A_1109, %cond3A_1110 : i32
      scf.if %cond3A_1111 {
        %add3A_1113 = arith.constant 2 : i32
        %add3A_1114 = arith.addi %add3A_714, %add3A_1113 : i32
        %dma_start3A_1115 = arith.constant 0 : i32
        %dma_start3A_1116 = tpu.memref_slice %arg5[%add3A_1114, %dma_start3A_1115] : memref<50x128xi32, #tpu.memory_space<vmem>> -> memref<1x128xi32, #tpu.memory_space<vmem>>
        %dma_start3A_1117 = tpu.memref_squeeze %dma_start3A_1116 : memref<1x128xi32, #tpu.memory_space<vmem>> -> memref<128xi32, #tpu.memory_space<vmem>>
        %dma_start3A_1118 = arith.constant 0 : i32
        %dma_start3A_1119 = arith.constant 0 : i32
        %dma_start3A_1120 = tpu.memref_slice %arg3[%dma_start3A_1118, %dma_start3A_1119] : memref<100000x64xf32, #tpu.memory_space<hbm>> -> memref<100000x64xf32, #tpu.memory_space<hbm>>
        tpu.enqueue_indirect_dma source(%dma_start3A_1120 : memref<100000x64xf32, #tpu.memory_space<hbm>>) target(%arg7 : memref<128x64xf32, #tpu.memory_space<vmem>>) offsets(%dma_start3A_1117 : memref<128xi32, #tpu.memory_space<vmem>>) semaphore(%arg11 : memref<!tpu.dma_semaphore, #tpu.memory_space<semaphore_mem>>)
      } else {
      }
      %scan3A_1112 = arith.constant 0 : i32
      scf.yield %scan3A_1112 : i32
    }
    %scan3A_19 = arith.constant 25 : i32
    %dma_wait3A = arith.constant 0 : i32
    %dma_wait3A_20 = arith.constant 48 : i32
    %dma_wait3A_21 = arith.constant 0 : i32
    %dma_wait3A_22 = arith.constant 0 : i32
    %dma_wait3A_23 = arith.constant 0 : i32
    %dma_wait3A_24 = tpu.memref_slice %arg8[%dma_wait3A, %dma_wait3A_22, %dma_wait3A_23] : memref<8x8x129xf32, #tpu.memory_space<vmem>> -> memref<1x8x128xf32, #tpu.memory_space<vmem>>
    %dma_wait3A_25 = tpu.memref_squeeze %dma_wait3A_24 : memref<1x8x128xf32, #tpu.memory_space<vmem>> -> memref<8x128xf32, #tpu.memory_space<vmem>>
    %dma_wait3A_26 = arith.constant 0 : i32
    %dma_wait3A_27 = arith.constant 0 : i32
    %dma_wait3A_28 = tpu.memref_slice %arg4[%dma_wait3A_20, %dma_wait3A_21, %add3A, %dma_wait3A_26, %dma_wait3A_27] : memref<50x8x32x8x128xf32, #tpu.memory_space<hbm>> -> memref<1x1x1x8x128xf32, #tpu.memory_space<hbm>>
    %dma_wait3A_29 = tpu.memref_squeeze %dma_wait3A_28 : memref<1x1x1x8x128xf32, #tpu.memory_space<hbm>> -> memref<8x128xf32, #tpu.memory_space<hbm>>
    %dma_wait3A_30 = arith.constant 0 : i32
    %dma_wait3A_31 = arith.constant 0 : i32
    %dma_wait3A_32 = tpu.memref_slice %arg4[%dma_wait3A_20, %dma_wait3A_21, %add3A, %dma_wait3A_30, %dma_wait3A_31] : memref<50x8x32x8x128xf32, #tpu.memory_space<hbm>> -> memref<1x1x1x8x128xf32, #tpu.memory_space<hbm>>
    %dma_wait3A_33 = tpu.memref_squeeze %dma_wait3A_32 : memref<1x1x1x8x128xf32, #tpu.memory_space<hbm>> -> memref<8x128xf32, #tpu.memory_space<hbm>>
    %dma_wait3A_34 = arith.constant 0 : i32
    %dma_wait3A_35 = arith.constant 0 : i32
    %dma_wait3A_36 = tpu.memref_slice %arg8[%dma_wait3A, %dma_wait3A_34, %dma_wait3A_35] : memref<8x8x129xf32, #tpu.memory_space<vmem>> -> memref<1x8x128xf32, #tpu.memory_space<vmem>>
    %dma_wait3A_37 = tpu.memref_squeeze %dma_wait3A_36 : memref<1x8x128xf32, #tpu.memory_space<vmem>> -> memref<8x128xf32, #tpu.memory_space<vmem>>
    tpu.wait_dma2 semaphore(%arg12 : memref<!tpu.dma_semaphore, #tpu.memory_space<semaphore_mem>>) src(%dma_wait3A_37 : memref<8x128xf32, #tpu.memory_space<vmem>>) dst(%dma_wait3A_33 : memref<8x128xf32, #tpu.memory_space<hbm>>)
    %dma_wait3A_38 = arith.constant 1 : i32
    %dma_wait3A_39 = arith.constant 48 : i32
    %dma_wait3A_40 = arith.constant 1 : i32
    %dma_wait3A_41 = arith.constant 0 : i32
    %dma_wait3A_42 = arith.constant 0 : i32
    %dma_wait3A_43 = tpu.memref_slice %arg8[%dma_wait3A_38, %dma_wait3A_41, %dma_wait3A_42] : memref<8x8x129xf32, #tpu.memory_space<vmem>> -> memref<1x8x128xf32, #tpu.memory_space<vmem>>
    %dma_wait3A_44 = tpu.memref_squeeze %dma_wait3A_43 : memref<1x8x128xf32, #tpu.memory_space<vmem>> -> memref<8x128xf32, #tpu.memory_space<vmem>>
    %dma_wait3A_45 = arith.constant 0 : i32
    %dma_wait3A_46 = arith.constant 0 : i32
    %dma_wait3A_47 = tpu.memref_slice %arg4[%dma_wait3A_39, %dma_wait3A_40, %add3A, %dma_wait3A_45, %dma_wait3A_46] : memref<50x8x32x8x128xf32, #tpu.memory_space<hbm>> -> memref<1x1x1x8x128xf32, #tpu.memory_space<hbm>>
    %dma_wait3A_48 = tpu.memref_squeeze %dma_wait3A_47 : memref<1x1x1x8x128xf32, #tpu.memory_space<hbm>> -> memref<8x128xf32, #tpu.memory_space<hbm>>
    %dma_wait3A_49 = arith.constant 0 : i32
    %dma_wait3A_50 = arith.constant 0 : i32
    %dma_wait3A_51 = tpu.memref_slice %arg4[%dma_wait3A_39, %dma_wait3A_40, %add3A, %dma_wait3A_49, %dma_wait3A_50] : memref<50x8x32x8x128xf32, #tpu.memory_space<hbm>> -> memref<1x1x1x8x128xf32, #tpu.memory_space<hbm>>
    %dma_wait3A_52 = tpu.memref_squeeze %dma_wait3A_51 : memref<1x1x1x8x128xf32, #tpu.memory_space<hbm>> -> memref<8x128xf32, #tpu.memory_space<hbm>>
    %dma_wait3A_53 = arith.constant 0 : i32
    %dma_wait3A_54 = arith.constant 0 : i32
    %dma_wait3A_55 = tpu.memref_slice %arg8[%dma_wait3A_38, %dma_wait3A_53, %dma_wait3A_54] : memref<8x8x129xf32, #tpu.memory_space<vmem>> -> memref<1x8x128xf32, #tpu.memory_space<vmem>>
    %dma_wait3A_56 = tpu.memref_squeeze %dma_wait3A_55 : memref<1x8x128xf32, #tpu.memory_space<vmem>> -> memref<8x128xf32, #tpu.memory_space<vmem>>
    tpu.wait_dma2 semaphore(%arg12 : memref<!tpu.dma_semaphore, #tpu.memory_space<semaphore_mem>>) src(%dma_wait3A_56 : memref<8x128xf32, #tpu.memory_space<vmem>>) dst(%dma_wait3A_52 : memref<8x128xf32, #tpu.memory_space<hbm>>)
    %dma_wait3A_57 = arith.constant 2 : i32
    %dma_wait3A_58 = arith.constant 48 : i32
    %dma_wait3A_59 = arith.constant 2 : i32
    %dma_wait3A_60 = arith.constant 0 : i32
    %dma_wait3A_61 = arith.constant 0 : i32
    %dma_wait3A_62 = tpu.memref_slice %arg8[%dma_wait3A_57, %dma_wait3A_60, %dma_wait3A_61] : memref<8x8x129xf32, #tpu.memory_space<vmem>> -> memref<1x8x128xf32, #tpu.memory_space<vmem>>
    %dma_wait3A_63 = tpu.memref_squeeze %dma_wait3A_62 : memref<1x8x128xf32, #tpu.memory_space<vmem>> -> memref<8x128xf32, #tpu.memory_space<vmem>>
    %dma_wait3A_64 = arith.constant 0 : i32
    %dma_wait3A_65 = arith.constant 0 : i32
    %dma_wait3A_66 = tpu.memref_slice %arg4[%dma_wait3A_58, %dma_wait3A_59, %add3A, %dma_wait3A_64, %dma_wait3A_65] : memref<50x8x32x8x128xf32, #tpu.memory_space<hbm>> -> memref<1x1x1x8x128xf32, #tpu.memory_space<hbm>>
    %dma_wait3A_67 = tpu.memref_squeeze %dma_wait3A_66 : memref<1x1x1x8x128xf32, #tpu.memory_space<hbm>> -> memref<8x128xf32, #tpu.memory_space<hbm>>
    %dma_wait3A_68 = arith.constant 0 : i32
    %dma_wait3A_69 = arith.constant 0 : i32
    %dma_wait3A_70 = tpu.memref_slice %arg4[%dma_wait3A_58, %dma_wait3A_59, %add3A, %dma_wait3A_68, %dma_wait3A_69] : memref<50x8x32x8x128xf32, #tpu.memory_space<hbm>> -> memref<1x1x1x8x128xf32, #tpu.memory_space<hbm>>
    %dma_wait3A_71 = tpu.memref_squeeze %dma_wait3A_70 : memref<1x1x1x8x128xf32, #tpu.memory_space<hbm>> -> memref<8x128xf32, #tpu.memory_space<hbm>>
    %dma_wait3A_72 = arith.constant 0 : i32
    %dma_wait3A_73 = arith.constant 0 : i32
    %dma_wait3A_74 = tpu.memref_slice %arg8[%dma_wait3A_57, %dma_wait3A_72, %dma_wait3A_73] : memref<8x8x129xf32, #tpu.memory_space<vmem>> -> memref<1x8x128xf32, #tpu.memory_space<vmem>>
    %dma_wait3A_75 = tpu.memref_squeeze %dma_wait3A_74 : memref<1x8x128xf32, #tpu.memory_space<vmem>> -> memref<8x128xf32, #tpu.memory_space<vmem>>
    tpu.wait_dma2 semaphore(%arg12 : memref<!tpu.dma_semaphore, #tpu.memory_space<semaphore_mem>>) src(%dma_wait3A_75 : memref<8x128xf32, #tpu.memory_space<vmem>>) dst(%dma_wait3A_71 : memref<8x128xf32, #tpu.memory_space<hbm>>)
    %dma_wait3A_76 = arith.constant 3 : i32
    %dma_wait3A_77 = arith.constant 48 : i32
    %dma_wait3A_78 = arith.constant 3 : i32
    %dma_wait3A_79 = arith.constant 0 : i32
    %dma_wait3A_80 = arith.constant 0 : i32
    %dma_wait3A_81 = tpu.memref_slice %arg8[%dma_wait3A_76, %dma_wait3A_79, %dma_wait3A_80] : memref<8x8x129xf32, #tpu.memory_space<vmem>> -> memref<1x8x128xf32, #tpu.memory_space<vmem>>
    %dma_wait3A_82 = tpu.memref_squeeze %dma_wait3A_81 : memref<1x8x128xf32, #tpu.memory_space<vmem>> -> memref<8x128xf32, #tpu.memory_space<vmem>>
    %dma_wait3A_83 = arith.constant 0 : i32
    %dma_wait3A_84 = arith.constant 0 : i32
    %dma_wait3A_85 = tpu.memref_slice %arg4[%dma_wait3A_77, %dma_wait3A_78, %add3A, %dma_wait3A_83, %dma_wait3A_84] : memref<50x8x32x8x128xf32, #tpu.memory_space<hbm>> -> memref<1x1x1x8x128xf32, #tpu.memory_space<hbm>>
    %dma_wait3A_86 = tpu.memref_squeeze %dma_wait3A_85 : memref<1x1x1x8x128xf32, #tpu.memory_space<hbm>> -> memref<8x128xf32, #tpu.memory_space<hbm>>
    %dma_wait3A_87 = arith.constant 0 : i32
    %dma_wait3A_88 = arith.constant 0 : i32
    %dma_wait3A_89 = tpu.memref_slice %arg4[%dma_wait3A_77, %dma_wait3A_78, %add3A, %dma_wait3A_87, %dma_wait3A_88] : memref<50x8x32x8x128xf32, #tpu.memory_space<hbm>> -> memref<1x1x1x8x128xf32, #tpu.memory_space<hbm>>
    %dma_wait3A_90 = tpu.memref_squeeze %dma_wait3A_89 : memref<1x1x1x8x128xf32, #tpu.memory_space<hbm>> -> memref<8x128xf32, #tpu.memory_space<hbm>>
    %dma_wait3A_91 = arith.constant 0 : i32
    %dma_wait3A_92 = arith.constant 0 : i32
    %dma_wait3A_93 = tpu.memref_slice %arg8[%dma_wait3A_76, %dma_wait3A_91, %dma_wait3A_92] : memref<8x8x129xf32, #tpu.memory_space<vmem>> -> memref<1x8x128xf32, #tpu.memory_space<vmem>>
    %dma_wait3A_94 = tpu.memref_squeeze %dma_wait3A_93 : memref<1x8x128xf32, #tpu.memory_space<vmem>> -> memref<8x128xf32, #tpu.memory_space<vmem>>
    tpu.wait_dma2 semaphore(%arg12 : memref<!tpu.dma_semaphore, #tpu.memory_space<semaphore_mem>>) src(%dma_wait3A_94 : memref<8x128xf32, #tpu.memory_space<vmem>>) dst(%dma_wait3A_90 : memref<8x128xf32, #tpu.memory_space<hbm>>)
    %dma_wait3A_95 = arith.constant 4 : i32
    %dma_wait3A_96 = arith.constant 48 : i32
    %dma_wait3A_97 = arith.constant 4 : i32
    %dma_wait3A_98 = arith.constant 0 : i32
    %dma_wait3A_99 = arith.constant 0 : i32
    %dma_wait3A_100 = tpu.memref_slice %arg8[%dma_wait3A_95, %dma_wait3A_98, %dma_wait3A_99] : memref<8x8x129xf32, #tpu.memory_space<vmem>> -> memref<1x8x128xf32, #tpu.memory_space<vmem>>
    %dma_wait3A_101 = tpu.memref_squeeze %dma_wait3A_100 : memref<1x8x128xf32, #tpu.memory_space<vmem>> -> memref<8x128xf32, #tpu.memory_space<vmem>>
    %dma_wait3A_102 = arith.constant 0 : i32
    %dma_wait3A_103 = arith.constant 0 : i32
    %dma_wait3A_104 = tpu.memref_slice %arg4[%dma_wait3A_96, %dma_wait3A_97, %add3A, %dma_wait3A_102, %dma_wait3A_103] : memref<50x8x32x8x128xf32, #tpu.memory_space<hbm>> -> memref<1x1x1x8x128xf32, #tpu.memory_space<hbm>>
    %dma_wait3A_105 = tpu.memref_squeeze %dma_wait3A_104 : memref<1x1x1x8x128xf32, #tpu.memory_space<hbm>> -> memref<8x128xf32, #tpu.memory_space<hbm>>
    %dma_wait3A_106 = arith.constant 0 : i32
    %dma_wait3A_107 = arith.constant 0 : i32
    %dma_wait3A_108 = tpu.memref_slice %arg4[%dma_wait3A_96, %dma_wait3A_97, %add3A, %dma_wait3A_106, %dma_wait3A_107] : memref<50x8x32x8x128xf32, #tpu.memory_space<hbm>> -> memref<1x1x1x8x128xf32, #tpu.memory_space<hbm>>
    %dma_wait3A_109 = tpu.memref_squeeze %dma_wait3A_108 : memref<1x1x1x8x128xf32, #tpu.memory_space<hbm>> -> memref<8x128xf32, #tpu.memory_space<hbm>>
    %dma_wait3A_110 = arith.constant 0 : i32
    %dma_wait3A_111 = arith.constant 0 : i32
    %dma_wait3A_112 = tpu.memref_slice %arg8[%dma_wait3A_95, %dma_wait3A_110, %dma_wait3A_111] : memref<8x8x129xf32, #tpu.memory_space<vmem>> -> memref<1x8x128xf32, #tpu.memory_space<vmem>>
    %dma_wait3A_113 = tpu.memref_squeeze %dma_wait3A_112 : memref<1x8x128xf32, #tpu.memory_space<vmem>> -> memref<8x128xf32, #tpu.memory_space<vmem>>
    tpu.wait_dma2 semaphore(%arg12 : memref<!tpu.dma_semaphore, #tpu.memory_space<semaphore_mem>>) src(%dma_wait3A_113 : memref<8x128xf32, #tpu.memory_space<vmem>>) dst(%dma_wait3A_109 : memref<8x128xf32, #tpu.memory_space<hbm>>)
    %dma_wait3A_114 = arith.constant 5 : i32
    %dma_wait3A_115 = arith.constant 48 : i32
    %dma_wait3A_116 = arith.constant 5 : i32
    %dma_wait3A_117 = arith.constant 0 : i32
    %dma_wait3A_118 = arith.constant 0 : i32
    %dma_wait3A_119 = tpu.memref_slice %arg8[%dma_wait3A_114, %dma_wait3A_117, %dma_wait3A_118] : memref<8x8x129xf32, #tpu.memory_space<vmem>> -> memref<1x8x128xf32, #tpu.memory_space<vmem>>
    %dma_wait3A_120 = tpu.memref_squeeze %dma_wait3A_119 : memref<1x8x128xf32, #tpu.memory_space<vmem>> -> memref<8x128xf32, #tpu.memory_space<vmem>>
    %dma_wait3A_121 = arith.constant 0 : i32
    %dma_wait3A_122 = arith.constant 0 : i32
    %dma_wait3A_123 = tpu.memref_slice %arg4[%dma_wait3A_115, %dma_wait3A_116, %add3A, %dma_wait3A_121, %dma_wait3A_122] : memref<50x8x32x8x128xf32, #tpu.memory_space<hbm>> -> memref<1x1x1x8x128xf32, #tpu.memory_space<hbm>>
    %dma_wait3A_124 = tpu.memref_squeeze %dma_wait3A_123 : memref<1x1x1x8x128xf32, #tpu.memory_space<hbm>> -> memref<8x128xf32, #tpu.memory_space<hbm>>
    %dma_wait3A_125 = arith.constant 0 : i32
    %dma_wait3A_126 = arith.constant 0 : i32
    %dma_wait3A_127 = tpu.memref_slice %arg4[%dma_wait3A_115, %dma_wait3A_116, %add3A, %dma_wait3A_125, %dma_wait3A_126] : memref<50x8x32x8x128xf32, #tpu.memory_space<hbm>> -> memref<1x1x1x8x128xf32, #tpu.memory_space<hbm>>
    %dma_wait3A_128 = tpu.memref_squeeze %dma_wait3A_127 : memref<1x1x1x8x128xf32, #tpu.memory_space<hbm>> -> memref<8x128xf32, #tpu.memory_space<hbm>>
    %dma_wait3A_129 = arith.constant 0 : i32
    %dma_wait3A_130 = arith.constant 0 : i32
    %dma_wait3A_131 = tpu.memref_slice %arg8[%dma_wait3A_114, %dma_wait3A_129, %dma_wait3A_130] : memref<8x8x129xf32, #tpu.memory_space<vmem>> -> memref<1x8x128xf32, #tpu.memory_space<vmem>>
    %dma_wait3A_132 = tpu.memref_squeeze %dma_wait3A_131 : memref<1x8x128xf32, #tpu.memory_space<vmem>> -> memref<8x128xf32, #tpu.memory_space<vmem>>
    tpu.wait_dma2 semaphore(%arg12 : memref<!tpu.dma_semaphore, #tpu.memory_space<semaphore_mem>>) src(%dma_wait3A_132 : memref<8x128xf32, #tpu.memory_space<vmem>>) dst(%dma_wait3A_128 : memref<8x128xf32, #tpu.memory_space<hbm>>)
    %dma_wait3A_133 = arith.constant 6 : i32
    %dma_wait3A_134 = arith.constant 48 : i32
    %dma_wait3A_135 = arith.constant 6 : i32
    %dma_wait3A_136 = arith.constant 0 : i32
    %dma_wait3A_137 = arith.constant 0 : i32
    %dma_wait3A_138 = tpu.memref_slice %arg8[%dma_wait3A_133, %dma_wait3A_136, %dma_wait3A_137] : memref<8x8x129xf32, #tpu.memory_space<vmem>> -> memref<1x8x128xf32, #tpu.memory_space<vmem>>
    %dma_wait3A_139 = tpu.memref_squeeze %dma_wait3A_138 : memref<1x8x128xf32, #tpu.memory_space<vmem>> -> memref<8x128xf32, #tpu.memory_space<vmem>>
    %dma_wait3A_140 = arith.constant 0 : i32
    %dma_wait3A_141 = arith.constant 0 : i32
    %dma_wait3A_142 = tpu.memref_slice %arg4[%dma_wait3A_134, %dma_wait3A_135, %add3A, %dma_wait3A_140, %dma_wait3A_141] : memref<50x8x32x8x128xf32, #tpu.memory_space<hbm>> -> memref<1x1x1x8x128xf32, #tpu.memory_space<hbm>>
    %dma_wait3A_143 = tpu.memref_squeeze %dma_wait3A_142 : memref<1x1x1x8x128xf32, #tpu.memory_space<hbm>> -> memref<8x128xf32, #tpu.memory_space<hbm>>
    %dma_wait3A_144 = arith.constant 0 : i32
    %dma_wait3A_145 = arith.constant 0 : i32
    %dma_wait3A_146 = tpu.memref_slice %arg4[%dma_wait3A_134, %dma_wait3A_135, %add3A, %dma_wait3A_144, %dma_wait3A_145] : memref<50x8x32x8x128xf32, #tpu.memory_space<hbm>> -> memref<1x1x1x8x128xf32, #tpu.memory_space<hbm>>
    %dma_wait3A_147 = tpu.memref_squeeze %dma_wait3A_146 : memref<1x1x1x8x128xf32, #tpu.memory_space<hbm>> -> memref<8x128xf32, #tpu.memory_space<hbm>>
    %dma_wait3A_148 = arith.constant 0 : i32
    %dma_wait3A_149 = arith.constant 0 : i32
    %dma_wait3A_150 = tpu.memref_slice %arg8[%dma_wait3A_133, %dma_wait3A_148, %dma_wait3A_149] : memref<8x8x129xf32, #tpu.memory_space<vmem>> -> memref<1x8x128xf32, #tpu.memory_space<vmem>>
    %dma_wait3A_151 = tpu.memref_squeeze %dma_wait3A_150 : memref<1x8x128xf32, #tpu.memory_space<vmem>> -> memref<8x128xf32, #tpu.memory_space<vmem>>
    tpu.wait_dma2 semaphore(%arg12 : memref<!tpu.dma_semaphore, #tpu.memory_space<semaphore_mem>>) src(%dma_wait3A_151 : memref<8x128xf32, #tpu.memory_space<vmem>>) dst(%dma_wait3A_147 : memref<8x128xf32, #tpu.memory_space<hbm>>)
    %dma_wait3A_152 = arith.constant 7 : i32
    %dma_wait3A_153 = arith.constant 48 : i32
    %dma_wait3A_154 = arith.constant 7 : i32
    %dma_wait3A_155 = arith.constant 0 : i32
    %dma_wait3A_156 = arith.constant 0 : i32
    %dma_wait3A_157 = tpu.memref_slice %arg8[%dma_wait3A_152, %dma_wait3A_155, %dma_wait3A_156] : memref<8x8x129xf32, #tpu.memory_space<vmem>> -> memref<1x8x128xf32, #tpu.memory_space<vmem>>
    %dma_wait3A_158 = tpu.memref_squeeze %dma_wait3A_157 : memref<1x8x128xf32, #tpu.memory_space<vmem>> -> memref<8x128xf32, #tpu.memory_space<vmem>>
    %dma_wait3A_159 = arith.constant 0 : i32
    %dma_wait3A_160 = arith.constant 0 : i32
    %dma_wait3A_161 = tpu.memref_slice %arg4[%dma_wait3A_153, %dma_wait3A_154, %add3A, %dma_wait3A_159, %dma_wait3A_160] : memref<50x8x32x8x128xf32, #tpu.memory_space<hbm>> -> memref<1x1x1x8x128xf32, #tpu.memory_space<hbm>>
    %dma_wait3A_162 = tpu.memref_squeeze %dma_wait3A_161 : memref<1x1x1x8x128xf32, #tpu.memory_space<hbm>> -> memref<8x128xf32, #tpu.memory_space<hbm>>
    %dma_wait3A_163 = arith.constant 0 : i32
    %dma_wait3A_164 = arith.constant 0 : i32
    %dma_wait3A_165 = tpu.memref_slice %arg4[%dma_wait3A_153, %dma_wait3A_154, %add3A, %dma_wait3A_163, %dma_wait3A_164] : memref<50x8x32x8x128xf32, #tpu.memory_space<hbm>> -> memref<1x1x1x8x128xf32, #tpu.memory_space<hbm>>
    %dma_wait3A_166 = tpu.memref_squeeze %dma_wait3A_165 : memref<1x1x1x8x128xf32, #tpu.memory_space<hbm>> -> memref<8x128xf32, #tpu.memory_space<hbm>>
    %dma_wait3A_167 = arith.constant 0 : i32
    %dma_wait3A_168 = arith.constant 0 : i32
    %dma_wait3A_169 = tpu.memref_slice %arg8[%dma_wait3A_152, %dma_wait3A_167, %dma_wait3A_168] : memref<8x8x129xf32, #tpu.memory_space<vmem>> -> memref<1x8x128xf32, #tpu.memory_space<vmem>>
    %dma_wait3A_170 = tpu.memref_squeeze %dma_wait3A_169 : memref<1x8x128xf32, #tpu.memory_space<vmem>> -> memref<8x128xf32, #tpu.memory_space<vmem>>
    tpu.wait_dma2 semaphore(%arg12 : memref<!tpu.dma_semaphore, #tpu.memory_space<semaphore_mem>>) src(%dma_wait3A_170 : memref<8x128xf32, #tpu.memory_space<vmem>>) dst(%dma_wait3A_166 : memref<8x128xf32, #tpu.memory_space<hbm>>)
    %dma_wait3A_171 = arith.constant 0 : i32
    %dma_wait3A_172 = arith.constant 49 : i32
    %dma_wait3A_173 = arith.constant 0 : i32
    %dma_wait3A_174 = arith.constant 0 : i32
    %dma_wait3A_175 = arith.constant 0 : i32
    %dma_wait3A_176 = tpu.memref_slice %arg9[%dma_wait3A_171, %dma_wait3A_174, %dma_wait3A_175] : memref<8x8x129xf32, #tpu.memory_space<vmem>> -> memref<1x8x128xf32, #tpu.memory_space<vmem>>
    %dma_wait3A_177 = tpu.memref_squeeze %dma_wait3A_176 : memref<1x8x128xf32, #tpu.memory_space<vmem>> -> memref<8x128xf32, #tpu.memory_space<vmem>>
    %dma_wait3A_178 = arith.constant 0 : i32
    %dma_wait3A_179 = arith.constant 0 : i32
    %dma_wait3A_180 = tpu.memref_slice %arg4[%dma_wait3A_172, %dma_wait3A_173, %add3A, %dma_wait3A_178, %dma_wait3A_179] : memref<50x8x32x8x128xf32, #tpu.memory_space<hbm>> -> memref<1x1x1x8x128xf32, #tpu.memory_space<hbm>>
    %dma_wait3A_181 = tpu.memref_squeeze %dma_wait3A_180 : memref<1x1x1x8x128xf32, #tpu.memory_space<hbm>> -> memref<8x128xf32, #tpu.memory_space<hbm>>
    %dma_wait3A_182 = arith.constant 0 : i32
    %dma_wait3A_183 = arith.constant 0 : i32
    %dma_wait3A_184 = tpu.memref_slice %arg4[%dma_wait3A_172, %dma_wait3A_173, %add3A, %dma_wait3A_182, %dma_wait3A_183] : memref<50x8x32x8x128xf32, #tpu.memory_space<hbm>> -> memref<1x1x1x8x128xf32, #tpu.memory_space<hbm>>
    %dma_wait3A_185 = tpu.memref_squeeze %dma_wait3A_184 : memref<1x1x1x8x128xf32, #tpu.memory_space<hbm>> -> memref<8x128xf32, #tpu.memory_space<hbm>>
    %dma_wait3A_186 = arith.constant 0 : i32
    %dma_wait3A_187 = arith.constant 0 : i32
    %dma_wait3A_188 = tpu.memref_slice %arg9[%dma_wait3A_171, %dma_wait3A_186, %dma_wait3A_187] : memref<8x8x129xf32, #tpu.memory_space<vmem>> -> memref<1x8x128xf32, #tpu.memory_space<vmem>>
    %dma_wait3A_189 = tpu.memref_squeeze %dma_wait3A_188 : memref<1x8x128xf32, #tpu.memory_space<vmem>> -> memref<8x128xf32, #tpu.memory_space<vmem>>
    tpu.wait_dma2 semaphore(%arg13 : memref<!tpu.dma_semaphore, #tpu.memory_space<semaphore_mem>>) src(%dma_wait3A_189 : memref<8x128xf32, #tpu.memory_space<vmem>>) dst(%dma_wait3A_185 : memref<8x128xf32, #tpu.memory_space<hbm>>)
    %dma_wait3A_190 = arith.constant 1 : i32
    %dma_wait3A_191 = arith.constant 49 : i32
    %dma_wait3A_192 = arith.constant 1 : i32
    %dma_wait3A_193 = arith.constant 0 : i32
    %dma_wait3A_194 = arith.constant 0 : i32
    %dma_wait3A_195 = tpu.memref_slice %arg9[%dma_wait3A_190, %dma_wait3A_193, %dma_wait3A_194] : memref<8x8x129xf32, #tpu.memory_space<vmem>> -> memref<1x8x128xf32, #tpu.memory_space<vmem>>
    %dma_wait3A_196 = tpu.memref_squeeze %dma_wait3A_195 : memref<1x8x128xf32, #tpu.memory_space<vmem>> -> memref<8x128xf32, #tpu.memory_space<vmem>>
    %dma_wait3A_197 = arith.constant 0 : i32
    %dma_wait3A_198 = arith.constant 0 : i32
    %dma_wait3A_199 = tpu.memref_slice %arg4[%dma_wait3A_191, %dma_wait3A_192, %add3A, %dma_wait3A_197, %dma_wait3A_198] : memref<50x8x32x8x128xf32, #tpu.memory_space<hbm>> -> memref<1x1x1x8x128xf32, #tpu.memory_space<hbm>>
    %dma_wait3A_200 = tpu.memref_squeeze %dma_wait3A_199 : memref<1x1x1x8x128xf32, #tpu.memory_space<hbm>> -> memref<8x128xf32, #tpu.memory_space<hbm>>
    %dma_wait3A_201 = arith.constant 0 : i32
    %dma_wait3A_202 = arith.constant 0 : i32
    %dma_wait3A_203 = tpu.memref_slice %arg4[%dma_wait3A_191, %dma_wait3A_192, %add3A, %dma_wait3A_201, %dma_wait3A_202] : memref<50x8x32x8x128xf32, #tpu.memory_space<hbm>> -> memref<1x1x1x8x128xf32, #tpu.memory_space<hbm>>
    %dma_wait3A_204 = tpu.memref_squeeze %dma_wait3A_203 : memref<1x1x1x8x128xf32, #tpu.memory_space<hbm>> -> memref<8x128xf32, #tpu.memory_space<hbm>>
    %dma_wait3A_205 = arith.constant 0 : i32
    %dma_wait3A_206 = arith.constant 0 : i32
    %dma_wait3A_207 = tpu.memref_slice %arg9[%dma_wait3A_190, %dma_wait3A_205, %dma_wait3A_206] : memref<8x8x129xf32, #tpu.memory_space<vmem>> -> memref<1x8x128xf32, #tpu.memory_space<vmem>>
    %dma_wait3A_208 = tpu.memref_squeeze %dma_wait3A_207 : memref<1x8x128xf32, #tpu.memory_space<vmem>> -> memref<8x128xf32, #tpu.memory_space<vmem>>
    tpu.wait_dma2 semaphore(%arg13 : memref<!tpu.dma_semaphore, #tpu.memory_space<semaphore_mem>>) src(%dma_wait3A_208 : memref<8x128xf32, #tpu.memory_space<vmem>>) dst(%dma_wait3A_204 : memref<8x128xf32, #tpu.memory_space<hbm>>)
    %dma_wait3A_209 = arith.constant 2 : i32
    %dma_wait3A_210 = arith.constant 49 : i32
    %dma_wait3A_211 = arith.constant 2 : i32
    %dma_wait3A_212 = arith.constant 0 : i32
    %dma_wait3A_213 = arith.constant 0 : i32
    %dma_wait3A_214 = tpu.memref_slice %arg9[%dma_wait3A_209, %dma_wait3A_212, %dma_wait3A_213] : memref<8x8x129xf32, #tpu.memory_space<vmem>> -> memref<1x8x128xf32, #tpu.memory_space<vmem>>
    %dma_wait3A_215 = tpu.memref_squeeze %dma_wait3A_214 : memref<1x8x128xf32, #tpu.memory_space<vmem>> -> memref<8x128xf32, #tpu.memory_space<vmem>>
    %dma_wait3A_216 = arith.constant 0 : i32
    %dma_wait3A_217 = arith.constant 0 : i32
    %dma_wait3A_218 = tpu.memref_slice %arg4[%dma_wait3A_210, %dma_wait3A_211, %add3A, %dma_wait3A_216, %dma_wait3A_217] : memref<50x8x32x8x128xf32, #tpu.memory_space<hbm>> -> memref<1x1x1x8x128xf32, #tpu.memory_space<hbm>>
    %dma_wait3A_219 = tpu.memref_squeeze %dma_wait3A_218 : memref<1x1x1x8x128xf32, #tpu.memory_space<hbm>> -> memref<8x128xf32, #tpu.memory_space<hbm>>
    %dma_wait3A_220 = arith.constant 0 : i32
    %dma_wait3A_221 = arith.constant 0 : i32
    %dma_wait3A_222 = tpu.memref_slice %arg4[%dma_wait3A_210, %dma_wait3A_211, %add3A, %dma_wait3A_220, %dma_wait3A_221] : memref<50x8x32x8x128xf32, #tpu.memory_space<hbm>> -> memref<1x1x1x8x128xf32, #tpu.memory_space<hbm>>
    %dma_wait3A_223 = tpu.memref_squeeze %dma_wait3A_222 : memref<1x1x1x8x128xf32, #tpu.memory_space<hbm>> -> memref<8x128xf32, #tpu.memory_space<hbm>>
    %dma_wait3A_224 = arith.constant 0 : i32
    %dma_wait3A_225 = arith.constant 0 : i32
    %dma_wait3A_226 = tpu.memref_slice %arg9[%dma_wait3A_209, %dma_wait3A_224, %dma_wait3A_225] : memref<8x8x129xf32, #tpu.memory_space<vmem>> -> memref<1x8x128xf32, #tpu.memory_space<vmem>>
    %dma_wait3A_227 = tpu.memref_squeeze %dma_wait3A_226 : memref<1x8x128xf32, #tpu.memory_space<vmem>> -> memref<8x128xf32, #tpu.memory_space<vmem>>
    tpu.wait_dma2 semaphore(%arg13 : memref<!tpu.dma_semaphore, #tpu.memory_space<semaphore_mem>>) src(%dma_wait3A_227 : memref<8x128xf32, #tpu.memory_space<vmem>>) dst(%dma_wait3A_223 : memref<8x128xf32, #tpu.memory_space<hbm>>)
    %dma_wait3A_228 = arith.constant 3 : i32
    %dma_wait3A_229 = arith.constant 49 : i32
    %dma_wait3A_230 = arith.constant 3 : i32
    %dma_wait3A_231 = arith.constant 0 : i32
    %dma_wait3A_232 = arith.constant 0 : i32
    %dma_wait3A_233 = tpu.memref_slice %arg9[%dma_wait3A_228, %dma_wait3A_231, %dma_wait3A_232] : memref<8x8x129xf32, #tpu.memory_space<vmem>> -> memref<1x8x128xf32, #tpu.memory_space<vmem>>
    %dma_wait3A_234 = tpu.memref_squeeze %dma_wait3A_233 : memref<1x8x128xf32, #tpu.memory_space<vmem>> -> memref<8x128xf32, #tpu.memory_space<vmem>>
    %dma_wait3A_235 = arith.constant 0 : i32
    %dma_wait3A_236 = arith.constant 0 : i32
    %dma_wait3A_237 = tpu.memref_slice %arg4[%dma_wait3A_229, %dma_wait3A_230, %add3A, %dma_wait3A_235, %dma_wait3A_236] : memref<50x8x32x8x128xf32, #tpu.memory_space<hbm>> -> memref<1x1x1x8x128xf32, #tpu.memory_space<hbm>>
    %dma_wait3A_238 = tpu.memref_squeeze %dma_wait3A_237 : memref<1x1x1x8x128xf32, #tpu.memory_space<hbm>> -> memref<8x128xf32, #tpu.memory_space<hbm>>
    %dma_wait3A_239 = arith.constant 0 : i32
    %dma_wait3A_240 = arith.constant 0 : i32
    %dma_wait3A_241 = tpu.memref_slice %arg4[%dma_wait3A_229, %dma_wait3A_230, %add3A, %dma_wait3A_239, %dma_wait3A_240] : memref<50x8x32x8x128xf32, #tpu.memory_space<hbm>> -> memref<1x1x1x8x128xf32, #tpu.memory_space<hbm>>
    %dma_wait3A_242 = tpu.memref_squeeze %dma_wait3A_241 : memref<1x1x1x8x128xf32, #tpu.memory_space<hbm>> -> memref<8x128xf32, #tpu.memory_space<hbm>>
    %dma_wait3A_243 = arith.constant 0 : i32
    %dma_wait3A_244 = arith.constant 0 : i32
    %dma_wait3A_245 = tpu.memref_slice %arg9[%dma_wait3A_228, %dma_wait3A_243, %dma_wait3A_244] : memref<8x8x129xf32, #tpu.memory_space<vmem>> -> memref<1x8x128xf32, #tpu.memory_space<vmem>>
    %dma_wait3A_246 = tpu.memref_squeeze %dma_wait3A_245 : memref<1x8x128xf32, #tpu.memory_space<vmem>> -> memref<8x128xf32, #tpu.memory_space<vmem>>
    tpu.wait_dma2 semaphore(%arg13 : memref<!tpu.dma_semaphore, #tpu.memory_space<semaphore_mem>>) src(%dma_wait3A_246 : memref<8x128xf32, #tpu.memory_space<vmem>>) dst(%dma_wait3A_242 : memref<8x128xf32, #tpu.memory_space<hbm>>)
    %dma_wait3A_247 = arith.constant 4 : i32
    %dma_wait3A_248 = arith.constant 49 : i32
    %dma_wait3A_249 = arith.constant 4 : i32
    %dma_wait3A_250 = arith.constant 0 : i32
    %dma_wait3A_251 = arith.constant 0 : i32
    %dma_wait3A_252 = tpu.memref_slice %arg9[%dma_wait3A_247, %dma_wait3A_250, %dma_wait3A_251] : memref<8x8x129xf32, #tpu.memory_space<vmem>> -> memref<1x8x128xf32, #tpu.memory_space<vmem>>
    %dma_wait3A_253 = tpu.memref_squeeze %dma_wait3A_252 : memref<1x8x128xf32, #tpu.memory_space<vmem>> -> memref<8x128xf32, #tpu.memory_space<vmem>>
    %dma_wait3A_254 = arith.constant 0 : i32
    %dma_wait3A_255 = arith.constant 0 : i32
    %dma_wait3A_256 = tpu.memref_slice %arg4[%dma_wait3A_248, %dma_wait3A_249, %add3A, %dma_wait3A_254, %dma_wait3A_255] : memref<50x8x32x8x128xf32, #tpu.memory_space<hbm>> -> memref<1x1x1x8x128xf32, #tpu.memory_space<hbm>>
    %dma_wait3A_257 = tpu.memref_squeeze %dma_wait3A_256 : memref<1x1x1x8x128xf32, #tpu.memory_space<hbm>> -> memref<8x128xf32, #tpu.memory_space<hbm>>
    %dma_wait3A_258 = arith.constant 0 : i32
    %dma_wait3A_259 = arith.constant 0 : i32
    %dma_wait3A_260 = tpu.memref_slice %arg4[%dma_wait3A_248, %dma_wait3A_249, %add3A, %dma_wait3A_258, %dma_wait3A_259] : memref<50x8x32x8x128xf32, #tpu.memory_space<hbm>> -> memref<1x1x1x8x128xf32, #tpu.memory_space<hbm>>
    %dma_wait3A_261 = tpu.memref_squeeze %dma_wait3A_260 : memref<1x1x1x8x128xf32, #tpu.memory_space<hbm>> -> memref<8x128xf32, #tpu.memory_space<hbm>>
    %dma_wait3A_262 = arith.constant 0 : i32
    %dma_wait3A_263 = arith.constant 0 : i32
    %dma_wait3A_264 = tpu.memref_slice %arg9[%dma_wait3A_247, %dma_wait3A_262, %dma_wait3A_263] : memref<8x8x129xf32, #tpu.memory_space<vmem>> -> memref<1x8x128xf32, #tpu.memory_space<vmem>>
    %dma_wait3A_265 = tpu.memref_squeeze %dma_wait3A_264 : memref<1x8x128xf32, #tpu.memory_space<vmem>> -> memref<8x128xf32, #tpu.memory_space<vmem>>
    tpu.wait_dma2 semaphore(%arg13 : memref<!tpu.dma_semaphore, #tpu.memory_space<semaphore_mem>>) src(%dma_wait3A_265 : memref<8x128xf32, #tpu.memory_space<vmem>>) dst(%dma_wait3A_261 : memref<8x128xf32, #tpu.memory_space<hbm>>)
    %dma_wait3A_266 = arith.constant 5 : i32
    %dma_wait3A_267 = arith.constant 49 : i32
    %dma_wait3A_268 = arith.constant 5 : i32
    %dma_wait3A_269 = arith.constant 0 : i32
    %dma_wait3A_270 = arith.constant 0 : i32
    %dma_wait3A_271 = tpu.memref_slice %arg9[%dma_wait3A_266, %dma_wait3A_269, %dma_wait3A_270] : memref<8x8x129xf32, #tpu.memory_space<vmem>> -> memref<1x8x128xf32, #tpu.memory_space<vmem>>
    %dma_wait3A_272 = tpu.memref_squeeze %dma_wait3A_271 : memref<1x8x128xf32, #tpu.memory_space<vmem>> -> memref<8x128xf32, #tpu.memory_space<vmem>>
    %dma_wait3A_273 = arith.constant 0 : i32
    %dma_wait3A_274 = arith.constant 0 : i32
    %dma_wait3A_275 = tpu.memref_slice %arg4[%dma_wait3A_267, %dma_wait3A_268, %add3A, %dma_wait3A_273, %dma_wait3A_274] : memref<50x8x32x8x128xf32, #tpu.memory_space<hbm>> -> memref<1x1x1x8x128xf32, #tpu.memory_space<hbm>>
    %dma_wait3A_276 = tpu.memref_squeeze %dma_wait3A_275 : memref<1x1x1x8x128xf32, #tpu.memory_space<hbm>> -> memref<8x128xf32, #tpu.memory_space<hbm>>
    %dma_wait3A_277 = arith.constant 0 : i32
    %dma_wait3A_278 = arith.constant 0 : i32
    %dma_wait3A_279 = tpu.memref_slice %arg4[%dma_wait3A_267, %dma_wait3A_268, %add3A, %dma_wait3A_277, %dma_wait3A_278] : memref<50x8x32x8x128xf32, #tpu.memory_space<hbm>> -> memref<1x1x1x8x128xf32, #tpu.memory_space<hbm>>
    %dma_wait3A_280 = tpu.memref_squeeze %dma_wait3A_279 : memref<1x1x1x8x128xf32, #tpu.memory_space<hbm>> -> memref<8x128xf32, #tpu.memory_space<hbm>>
    %dma_wait3A_281 = arith.constant 0 : i32
    %dma_wait3A_282 = arith.constant 0 : i32
    %dma_wait3A_283 = tpu.memref_slice %arg9[%dma_wait3A_266, %dma_wait3A_281, %dma_wait3A_282] : memref<8x8x129xf32, #tpu.memory_space<vmem>> -> memref<1x8x128xf32, #tpu.memory_space<vmem>>
    %dma_wait3A_284 = tpu.memref_squeeze %dma_wait3A_283 : memref<1x8x128xf32, #tpu.memory_space<vmem>> -> memref<8x128xf32, #tpu.memory_space<vmem>>
    tpu.wait_dma2 semaphore(%arg13 : memref<!tpu.dma_semaphore, #tpu.memory_space<semaphore_mem>>) src(%dma_wait3A_284 : memref<8x128xf32, #tpu.memory_space<vmem>>) dst(%dma_wait3A_280 : memref<8x128xf32, #tpu.memory_space<hbm>>)
    %dma_wait3A_285 = arith.constant 6 : i32
    %dma_wait3A_286 = arith.constant 49 : i32
    %dma_wait3A_287 = arith.constant 6 : i32
    %dma_wait3A_288 = arith.constant 0 : i32
    %dma_wait3A_289 = arith.constant 0 : i32
    %dma_wait3A_290 = tpu.memref_slice %arg9[%dma_wait3A_285, %dma_wait3A_288, %dma_wait3A_289] : memref<8x8x129xf32, #tpu.memory_space<vmem>> -> memref<1x8x128xf32, #tpu.memory_space<vmem>>
    %dma_wait3A_291 = tpu.memref_squeeze %dma_wait3A_290 : memref<1x8x128xf32, #tpu.memory_space<vmem>> -> memref<8x128xf32, #tpu.memory_space<vmem>>
    %dma_wait3A_292 = arith.constant 0 : i32
    %dma_wait3A_293 = arith.constant 0 : i32
    %dma_wait3A_294 = tpu.memref_slice %arg4[%dma_wait3A_286, %dma_wait3A_287, %add3A, %dma_wait3A_292, %dma_wait3A_293] : memref<50x8x32x8x128xf32, #tpu.memory_space<hbm>> -> memref<1x1x1x8x128xf32, #tpu.memory_space<hbm>>
    %dma_wait3A_295 = tpu.memref_squeeze %dma_wait3A_294 : memref<1x1x1x8x128xf32, #tpu.memory_space<hbm>> -> memref<8x128xf32, #tpu.memory_space<hbm>>
    %dma_wait3A_296 = arith.constant 0 : i32
    %dma_wait3A_297 = arith.constant 0 : i32
    %dma_wait3A_298 = tpu.memref_slice %arg4[%dma_wait3A_286, %dma_wait3A_287, %add3A, %dma_wait3A_296, %dma_wait3A_297] : memref<50x8x32x8x128xf32, #tpu.memory_space<hbm>> -> memref<1x1x1x8x128xf32, #tpu.memory_space<hbm>>
    %dma_wait3A_299 = tpu.memref_squeeze %dma_wait3A_298 : memref<1x1x1x8x128xf32, #tpu.memory_space<hbm>> -> memref<8x128xf32, #tpu.memory_space<hbm>>
    %dma_wait3A_300 = arith.constant 0 : i32
    %dma_wait3A_301 = arith.constant 0 : i32
    %dma_wait3A_302 = tpu.memref_slice %arg9[%dma_wait3A_285, %dma_wait3A_300, %dma_wait3A_301] : memref<8x8x129xf32, #tpu.memory_space<vmem>> -> memref<1x8x128xf32, #tpu.memory_space<vmem>>
    %dma_wait3A_303 = tpu.memref_squeeze %dma_wait3A_302 : memref<1x8x128xf32, #tpu.memory_space<vmem>> -> memref<8x128xf32, #tpu.memory_space<vmem>>
    tpu.wait_dma2 semaphore(%arg13 : memref<!tpu.dma_semaphore, #tpu.memory_space<semaphore_mem>>) src(%dma_wait3A_303 : memref<8x128xf32, #tpu.memory_space<vmem>>) dst(%dma_wait3A_299 : memref<8x128xf32, #tpu.memory_space<hbm>>)
    %dma_wait3A_304 = arith.constant 7 : i32
    %dma_wait3A_305 = arith.constant 49 : i32
    %dma_wait3A_306 = arith.constant 7 : i32
    %dma_wait3A_307 = arith.constant 0 : i32
    %dma_wait3A_308 = arith.constant 0 : i32
    %dma_wait3A_309 = tpu.memref_slice %arg9[%dma_wait3A_304, %dma_wait3A_307, %dma_wait3A_308] : memref<8x8x129xf32, #tpu.memory_space<vmem>> -> memref<1x8x128xf32, #tpu.memory_space<vmem>>
    %dma_wait3A_310 = tpu.memref_squeeze %dma_wait3A_309 : memref<1x8x128xf32, #tpu.memory_space<vmem>> -> memref<8x128xf32, #tpu.memory_space<vmem>>
    %dma_wait3A_311 = arith.constant 0 : i32
    %dma_wait3A_312 = arith.constant 0 : i32
    %dma_wait3A_313 = tpu.memref_slice %arg4[%dma_wait3A_305, %dma_wait3A_306, %add3A, %dma_wait3A_311, %dma_wait3A_312] : memref<50x8x32x8x128xf32, #tpu.memory_space<hbm>> -> memref<1x1x1x8x128xf32, #tpu.memory_space<hbm>>
    %dma_wait3A_314 = tpu.memref_squeeze %dma_wait3A_313 : memref<1x1x1x8x128xf32, #tpu.memory_space<hbm>> -> memref<8x128xf32, #tpu.memory_space<hbm>>
    %dma_wait3A_315 = arith.constant 0 : i32
    %dma_wait3A_316 = arith.constant 0 : i32
    %dma_wait3A_317 = tpu.memref_slice %arg4[%dma_wait3A_305, %dma_wait3A_306, %add3A, %dma_wait3A_315, %dma_wait3A_316] : memref<50x8x32x8x128xf32, #tpu.memory_space<hbm>> -> memref<1x1x1x8x128xf32, #tpu.memory_space<hbm>>
    %dma_wait3A_318 = tpu.memref_squeeze %dma_wait3A_317 : memref<1x1x1x8x128xf32, #tpu.memory_space<hbm>> -> memref<8x128xf32, #tpu.memory_space<hbm>>
    %dma_wait3A_319 = arith.constant 0 : i32
    %dma_wait3A_320 = arith.constant 0 : i32
    %dma_wait3A_321 = tpu.memref_slice %arg9[%dma_wait3A_304, %dma_wait3A_319, %dma_wait3A_320] : memref<8x8x129xf32, #tpu.memory_space<vmem>> -> memref<1x8x128xf32, #tpu.memory_space<vmem>>
    %dma_wait3A_322 = tpu.memref_squeeze %dma_wait3A_321 : memref<1x8x128xf32, #tpu.memory_space<vmem>> -> memref<8x128xf32, #tpu.memory_space<vmem>>
    tpu.wait_dma2 semaphore(%arg13 : memref<!tpu.dma_semaphore, #tpu.memory_space<semaphore_mem>>) src(%dma_wait3A_322 : memref<8x128xf32, #tpu.memory_space<vmem>>) dst(%dma_wait3A_318 : memref<8x128xf32, #tpu.memory_space<hbm>>)
    return
  }
}

</mosaic_0001>

<sc_bundles>
// kernel: kernel.3.cloned.1.call-start
scs
__scs_entry_jumppad:
0x0: {  	(pc) =	sbr.rel $0x88, $3  }
0x1: {  	(tag) =	ssettag $0x0;
	lr =	simm.s32 $0x1  }
0x2: {  	[smem:$0x3F9F] =	sst lr;
	_ =	strace $0xD0000000  }
0x3: {  	_ = 	snop  }
0x4: {  	_ = 	snop  }
0x5: {  	_ = 	snop  }
0x6: {  	_ = 	snop  }
0x7: {  	_ = 	snop  }
__scs_overlays_trampoline_lowered:
0x8: {  	[smem:$0x3FAE] =	sst s0  }
0x9: {  	[smem:$0x3FAF] =	sst s1  }
0xa: {  	[smem:$0x3FB0] =	sst s2  }
0xb: {  	[smem:$0x3FB1] =	sst s3  }
0xc: {  	[smem:$0x3FB2] =	sst s4  }
0xd: {  	[smem:$0x3FB3] =	sst s5  }
0xe: {  	[smem:$0x3FB4] =	sst s6  }
0xf: {  	[smem:$0x3FB5] =	sst s7  }
0x10: {  	[smem:$0x3FB6] =	sst s8  }
0x11: {  	[smem:$0x3FB7] =	sst s9;
	s0 =	simm.s32 @!p0 $0x0  }
0x12: {  	s1 =	sld [smem:$0x3F9D];
	s0 =	simm.s32 @p0 $0x1  }
0x13: {  	[smem:$0x3FB8] =	sst s0;
	s0 =	simm.s32 @!p1 $0x0  }
0x14: {  	s2 =	sld [smem:$0x3F9C];
	s0 =	simm.s32 @p1 $0x1  }
0x15: {  	[smem:$0x3FB9] =	sst s0;
	s0 =	simm.s32 @!p2 $0x0  }
0x16: {  	s3 =	sld [smem:$0x3FDB];
	s0 =	simm.s32 @p2 $0x1  }
0x17: {  	s4 =	simm.s32 $0x1BF5;
	[smem:$0x3FBB] =	sst s0  }
0x18: {  	s0 =	sld [smem:$0x3F9E];
	_ =	swait.ge [sflag:s4], $0x0  }
0x19: {  	s7 =	sld [smem:$0x3F9F]  }
0x1a: {  	s8 =	sadd.s32 $0xFFFFE003, lr  }
0x1b: {  	s9 =	sadd.s32 $0xFFFFFEF7, lr;
	s5 =	simm.s32 $0xFFFFFFFF;
	p2 =	slt.u32 s8, $0xFFFFF086  }
0x1c: {  	p1 =	slt.u32 s9, $0xF7A;
	s5 =	simm.s32 @!p2 $0x0  }
0x1d: {  	s5 =	simm.s32 @p1 $0x1;
	p0 =	seq.s32 s7, s2  }
0x1e: {  	s7 =	smul.u32 @!p0 $0xF7A, s2;
	p2 =	seq.s32 @!p0 s5, $0x0  }
0x1f: {  	s9 =	smul.u32 $0xF7A, s1;
	s8 =	simm.s32 @!p0 $0x1BF5;
	p2 =	por !p2, p0  }
0x20: {  	[sflag:s8] =	ssyncset.s32 @!p0 $0xFFFFF086;
	s6 =	sadd.s32 @!p0 s3, s7;
	s7 =	simm.s32 @!p0 $0x108  }
0x21: {  	s3 =	sadd.s32 s3, s9;
	s6 =	sadd.s32 @!p0 $0x88, s6;
	s7 =	simm.s32 @p2 $0x1082  }
0x22: {  	[simem:s7], [sflag:s8] =	dma.local @!p0 [hbm:s6], $0xF7A  }
0x23: {  	s9 =	sor.u32 $0xD0000000, s2;
	s6 =	simm.s32 $0x108;
	_ =	swait.ge @!p0 [sflag:s8], $0x0  }
0x24: {  	s3 =	sadd.s32 $0x88, s3;
	s6 =	simm.s32 @!p1 $0x1082;
	[sflag:s4] =	ssyncset.s32 $0xFFFFF086  }
0x25: {  	[simem:s6], [sflag:s4] =	dma.local [hbm:s3], $0xF7A  }
0x26: {  	[smem:$0x3F9F] =	sst s1;
	(tag) =	ssettag s2;
	_ =	strace s9  }
0x27: {  	s1 =	sld [smem:$0x3FAF]  }
0x28: {  	s2 =	sld [smem:$0x3FB0]  }
0x29: {  	s4 =	sld [smem:$0x3FB2]  }
0x2a: {  	p0 =	seq.s32 s5, $0x0;
	s5 =	sld [smem:$0x3FB3]  }
0x2b: {  	s6 =	sld [smem:$0x3FB4]  }
0x2c: {  	s7 =	sld [smem:$0x3FB5]  }
0x2d: {  	s3 =	simm.s32 $0x108;
	s8 =	sld [smem:$0x3FB6]  }
0x2e: {  	s3 =	simm.s32 @!p0 $0x1082;
	s9 =	sld [smem:$0x3FB7]  }
0x2f: {  	lr =	sadd.s32 s0, s3;
	s0 =	sld [smem:$0x3FAE]  }
0x30: {  	s3 =	sld [smem:$0x3FB1]  }
0x31: {  	[smem:$0x3FBA] =	sst s10  }
0x32: {  	s10 =	sld [smem:$0x3FB8];
	_ =	sdelay $0x3  }
0x33: {  	p0 =	seq.s32 s10, $0x1;
	s10 =	sld [smem:$0x3FBA];
	_ =	sdelay $0x3  }
0x34: {  	[smem:$0x3FBA] =	sst s10  }
0x35: {  	s10 =	sld [smem:$0x3FB9];
	_ =	sdelay $0x3  }
0x36: {  	p1 =	seq.s32 s10, $0x1;
	s10 =	sld [smem:$0x3FBA];
	_ =	sdelay $0x3  }
0x37: {  	[smem:$0x3FBA] =	sst s10  }
0x38: {  	s10 =	sld [smem:$0x3FBB]  }
0x39: {  	_ = 	snop;
	(pc) =	sbr.ind lr, $3  }
0x3a: {  	_ = 	snop  }
0x3b: {  	_ = 	snop  }
0x3c: {  	p2 =	seq.s32 s10, $0x1;
	s10 =	sld [smem:$0x3FBA]  }
0x3d: {  	_ =	shalt  }
0x3e: {  	_ =	shalt  }
0x3f: {  	_ =	shalt  }
0x40: {  	_ =	shalt  }
0x41: {  	_ =	shalt  }
0x42: {  	_ =	shalt  }
0x43: {  	_ =	shalt  }
0x44: {  	_ =	shalt  }
0x45: {  	_ =	shalt  }
0x46: {  	_ =	shalt  }
0x47: {  	_ =	shalt  }
0x48: {  	_ =	shalt  }
0x49: {  	_ =	shalt  }
0x4a: {  	_ =	shalt  }
0x4b: {  	_ =	shalt  }
0x4c: {  	_ =	shalt  }
0x4d: {  	_ =	shalt  }
0x4e: {  	_ =	shalt  }
0x4f: {  	_ =	shalt  }
0x50: {  	_ =	shalt  }
0x51: {  	_ =	shalt  }
0x52: {  	_ =	shalt  }
0x53: {  	_ =	shalt  }
0x54: {  	_ =	shalt  }
0x55: {  	_ =	shalt  }
0x56: {  	_ =	shalt  }
0x57: {  	_ =	shalt  }
0x58: {  	_ =	shalt  }
0x59: {  	_ =	shalt  }
0x5a: {  	_ =	shalt  }
0x5b: {  	_ =	shalt  }
0x5c: {  	_ =	shalt  }
0x5d: {  	_ =	shalt  }
0x5e: {  	_ =	shalt  }
0x5f: {  	_ =	shalt  }
0x60: {  	_ =	shalt  }
0x61: {  	_ =	shalt  }
0x62: {  	_ =	shalt  }
0x63: {  	_ =	shalt  }
0x64: {  	_ =	shalt  }
0x65: {  	_ =	shalt  }
0x66: {  	_ =	shalt  }
0x67: {  	_ =	shalt  }
0x68: {  	_ =	shalt  }
0x69: {  	_ =	shalt  }
0x6a: {  	_ =	shalt  }
0x6b: {  	_ =	shalt  }
0x6c: {  	_ =	shalt  }
0x6d: {  	_ =	shalt  }
0x6e: {  	_ =	shalt  }
0x6f: {  	_ =	shalt  }
0x70: {  	_ =	shalt  }
0x71: {  	_ =	shalt  }
0x72: {  	_ =	shalt  }
0x73: {  	_ =	shalt  }
0x74: {  	_ =	shalt  }
0x75: {  	_ =	shalt  }
0x76: {  	_ =	shalt  }
0x77: {  	_ =	shalt  }
0x78: {  	_ =	shalt  }
0x79: {  	_ =	shalt  }
0x7a: {  	_ =	shalt  }
0x7b: {  	_ =	shalt  }
0x7c: {  	_ =	shalt  }
0x7d: {  	_ =	shalt  }
0x7e: {  	_ =	shalt  }
0x7f: {  	_ =	shalt  }
0x80: {  	_ =	shalt  }
0x81: {  	_ =	shalt  }
0x82: {  	_ =	shalt  }
0x83: {  	_ =	shalt  }
0x84: {  	_ =	shalt  }
0x85: {  	_ =	shalt  }
0x86: {  	_ =	shalt  }
0x87: {  	_ =	shalt  }
.Lfunc_end0:
.L_simem_size_0:
called_computation_lowered:
.L_overlay_start_0:
0x88: {  	s2 =	sld [smem:$0x3FD9]  }
0x89: {  	s3 =	sld [smem:$0x3FFE];
	_ =	sdelay $0x1  }
0x8a: {  	s1 =	srdreg.scid  }
0x8b: {  	s0 =	sand.u32 $0x1, s1  }
0x8c: {  	s17 =	sshll.u32 s0, $0xA;
	s2 =	sadd.s32 s3, s2  }
0x8d: {  	s2 =	sadd.s32 s2, s17  }
0x8e: {  	[smem:$0x3FC6] =	sst s2  }
0x8f: {  	_ = 	snop  }
0x90: {  	s2 =	sld [smem:$0x3FD0];
	(tm) =	ssettm $0x1  }
0x91: {  	s18 =	sld [smem:$0x3FFB];
	_ =	sdelay $0x3  }
0x92: {  	_ =	strace s18  }
0x93: {  	s3 =	sld [smem:$0x3FFC];
	_ =	sdelay $0x3  }
0x94: {  	_ =	strace s3  }
0x95: {  	s3 =	sld [smem:$0x3FFD];
	_ =	sdelay $0x3  }
0x96: {  	_ =	strace s3  }
0x97: {  	_ =	strace $0x8FFFFFFF  }
0x98: {  	s19 =	sld [smem:$0x3FDB];
	_ =	sdelay $0x1  }
0x99: {  	s4 =	simm.s32 $_scs_section_size  }
0x9a: {  	s5 =	simm.s32 $_size__tile_overlayer_lowered;
	s6 =	simm.s32 $_tile_overlayer_lowered  }
0x9b: {  	s22 =	simm.s32 $0x1BFF;
	s21 =	sshll.u32 s6, $0x1;
	s3 =	sadd.s32 s4, s19  }
0x9c: {  	s7 =	simm.s32 $0x0;
	s20 =	sshll.u32 s5, $0x1;
	s5 =	sadd.s32 s21, s3  }
0x9d: {  	[timem:s7], [sflag:s22] =	dma.local [hbm:s5], s20  }
0x9e: {  	_ =	swait.ge [sflag:s22], s20  }
0x9f: {  	s4 =	ssub.s32 $0x0, s20;
	[sflag:s22] =	ssyncset.done $0x0  }
0xa0: {  	[sflag:s22] =	ssyncadd.s32 s4;
	_ =	sdelay $0x1  }
0xa1: {  	s23 =	simm.s32 $0x1B8B  }
0xa2: {  	_ =	swait.ge [sflag:s23], $0x1  }
0xa3: {  	[sflag:s23] =	ssyncset.done $0x0  }
0xa4: {  	s25 =	simm.s32 $0x1B8E;
	s24 =	sld [smem:$0x3FFE];
	[sflag:s23] =	ssyncadd.s32 $0xFFFFFFFF  }
0xa5: {  	s26 =	simm.s32 $execute0_lowered;
	[smem:$0x3FD2] =	sst s25  }
0xa6: {  	s5 =	sshll.u32 s26, $0x1;
	_ =	strace $0x80000046;
	[dreg:$0x1] =	wrdreg $0xFFFFFFFF  }
0xa7: {  	s28 =	simm.s32 $_size_execute0_lowered;
	s3 =	sadd.s32 s3, s5;
	[dreg:$0x0] =	wrdreg $0x0  }
0xa8: {  	s5 =	sshll.u32 s28, $0x1;
	[dreg:$0x2] =	wrdreg s3  }
0xa9: {  	[dreg:$0x3] =	wrdreg s5  }
0xaa: {  	[dreg:$0x4] =	wrdreg $0xC0  }
0xab: {  	_ =	task [dreg:s7], $0x5FFFF  }
0xac: {  	[dreg:$0x1] =	wrdreg $0xFFFFFFFF  }
0xad: {  	[dreg:$0x0] =	wrdreg $0x60  }
0xae: {  	[dreg:$0x2] =	wrdreg s24  }
0xaf: {  	[dreg:$0x3] =	wrdreg s2  }
0xb0: {  	[dreg:$0x4] =	wrdreg $0x9  }
0xb1: {  	_ =	task.clear_ibuf [dreg:s7], $0x5FFFF;
	_ =	strace $0x90000046  }
0xb2: {  	s29 =	simm.s32 $0x9;
	_ =	strace $0x80000048  }
0xb3: {  	_ =	swait.ge [sflag:s29], $0x1  }
0xb4: {  	[sflag:s29] =	ssyncadd.s32 $0xFFFFFFFF  }
0xb5: {  	_ =	strace $0x90000048  }
0xb6: {  	_ =	sfence  }
0xb7: {  	s30 =	sld [smem:$0x0];
	_ =	sdelay $0x2  }
0xb8: {  	s31 =	sshll.u32 s1, $0xD;
	s1 =	sshrl.u32 s1, $0x2  }
0xb9: {  	s3 =	sand.u32 $0x4000, s31;
	s1 =	sadd.s32 s1, s30  }
0xba: {  	s0 =	sor.u32 s3, s0;
	s1 =	sshll.u32 s1, $0x11  }
0xbb: {  	s0 =	sor.u32 s1, s0  }
0xbc: {  	s0 =	sadd.s32 $0x8F2B, s0  }
0xbd: {  	[sflag:s0] =	ssyncadd.remote.s32 $0x1  }
0xbe: {  	_ =	sfence.sel $0xFFFF  }
0xbf: {  	[dreg:$0x0] =	wrdreg $0xFFFFFFFF;
	(pc) =	sbr.abs _section_cstart, $3  }
0xc0: {  	[dreg:$0x1] =	wrdreg $0xFFFFFFFF  }
0xc1: {  	_ =	task.clear_ibuf [dreg:s7], $0x2FFFF;
	_ =	strace $0x9FFFFFFF  }
0xc2: {  	(tm) =	ssettm $0x7FFFFFFF  }
0xc3: {  	_ =	shalt  }
tec
execute0_lowered:
.L_overlay_start_1:
0x0: {  	(tag) =	ssettag $0x1  }
0x1: {  	s0 =	rddreg [dreg:$0x0];
	s1 =	srdreg.scid  }
0x2: {  	s2 =	stileid.u32;
	s6 =	rddreg [dreg:$0x1];
	s3 =	simm.s32 $0x0  }
0x3: {  	s28 =	simm.s32 $0x1;
	s29 =	simm.s32 $0x5900;
	s1 =	sand.u32 $0x1, s1  }
0x4: {  	v0 =	vlaneseq.u32;
	s2 =	sshll.u32 s2, $0x1;
	[smem:$0x7FF] =	sst s3;
	s23 =	sadd.s32 $0x1000, s6  }
0x5: {  	s24 =	sadd.s32 $0x2000, s6;
	s25 =	sadd.s32 $0x3000, s6;
	s26 =	sadd.s32 $0x4000, s6;
	v10 =	vmul.u32 $0x88, v0  }
0x6: {  	v1 =	vimm.s32 $0x0;
	vm0 =	vcmask $0x300;
	s30 =	sadd.s32 $0x5000, s6;
	_ =	strace $0x80000047;
	[dreg:$0x5] =	wrdreg s23  }
0x7: {  	s31 =	sadd.s32 $0x6000, s6;
	s13 =	sadd.s32 $0x7000, s6;
	v1 =	vsel vm0, $0x3, v1;
	[dreg:$0x6] =	wrdreg s24;
	v11 =	vor.u32 $0x1, v10;
	[tilespmem:$0x1FF50] =	vst v10  }
0x8: {  	s14 =	sadd.s32 $0x8000, s6;
	s15 =	sadd.s32 $0x9000, s6;
	[dreg:$0x7] =	wrdreg s25;
	v0 =	vor.u32 $0x2, v10;
	v2 =	vor.u32 $0x3, v10;
	v3 =	vor.u32 $0x4, v10;
	[tilespmem:$0x1FF60] =	vst v11  }
0x9: {  	s16 =	sadd.s32 $0xA000, s6;
	s17 =	sadd.s32 $0xB000, s6;
	[dreg:$0x8] =	wrdreg s26;
	v4 =	vor.u32 $0x5, v10;
	v5 =	vor.u32 $0x6, v10;
	v6 =	vor.u32 $0x7, v10;
	[tilespmem:$0x1FF70] =	vst v0  }
0xa: {  	s18 =	sadd.s32 $0xC000, s6;
	s19 =	sadd.s32 $0xD000, s6;
	[dreg:$0x9] =	wrdreg s30;
	v49 =	vadd.s32 $0x880, v10;
	v50 =	vadd.s32 $0x881, v10;
	v51 =	vadd.s32 $0x882, v10;
	[tilespmem:$0x1FF80] =	vst v2  }
0xb: {  	s2 =	sor.u32 s1, s2;
	s1 =	ssub.s32 $0x2, s1;
	[dreg:$0xa] =	wrdreg s31;
	v12 =	vadd.s32 $0x883, v10;
	v13 =	vadd.s32 $0x884, v10;
	v14 =	vadd.s32 $0x885, v10;
	[tilespmem:$0x1FF90] =	vst v3  }
0xc: {  	s23 =	simm.s32 $0x4;
	s25 =	simm.s32 $0x7B00;
	s4 =	smul.u32 $0x320, s2;
	v15 =	vadd.s32 $0x886, v10;
	v16 =	vadd.s32 $0x887, v10;
	v17 =	vadd.s32 $0x1100, v10;
	[tilespmem:$0x1FFA0] =	vst v4  }
.Ltmp0:
0xd: {  	s20 =	sshrl.u32 s1, $0x1;
	s22 =	sshll.u32 s2, $0x7;
	v18 =	vadd.s32 $0x1101, v10;
	v19 =	vadd.s32 $0x1102, v10;
	v20 =	vadd.s32 $0x1103, v10;
	[tilespmem:$0x1FFB0] =	vst v5;
	(pc) =	sbr.rel .LBB2_1-.Ltmp0, $4  }
0xe: {  	v21 =	vadd.s32 $0x1104, v10;
	v22 =	vadd.s32 $0x1105, v10;
	v23 =	vadd.s32 $0x1106, v10;
	[dreg:$0x4] =	wrdreg s22;
	s22 =	simm.s32 $0x2;
	[tilespmem:$0x1FFC0] =	vst v6;
	s5 =	sadd.s32 s4, s0  }
0xf: {  	v24 =	vadd.s32 $0x1107, v10;
	v25 =	vadd.s32 $0x1980, v10;
	v26 =	vadd.s32 $0x1981, v10;
	[tilespmem:$0x1FFD0] =	vst v49;
	s4 =	sadd.s32 $0x6800, s0;
	s0 =	ssub.s32 s1, s20;
	s21 =	sadd.s32 $0x400, s5  }
0x10: {  	v27 =	vadd.s32 $0x1982, v10;
	v28 =	vadd.s32 $0x1983, v10;
	v29 =	vadd.s32 $0x1984, v10;
	[tilespmem:$0x1FFE0] =	vst v50;
	s20 =	sadd.s32 $0xE000, s6;
	s0 =	smax.u32 s0, $0x1;
	[dreg:$0x3] =	wrdreg s21  }
0x11: {  	v30 =	vadd.s32 $0x1985, v10;
	v31 =	vadd.s32 $0x1986, v10;
	v32 =	vadd.s32 $0x1987, v10;
	[tilespmem:$0x1FFF0] =	vst v51;
	s1 =	simm.s32 $0x0;
	s21 =	sadd.s32 $0xF000, s6;
	[dreg:$0xb] =	wrdreg s0  }
.LBB2_34:
0x12: {  	s0 =	simm.s32 $0x3  }
0x13: {  	_ =	swait.ge [sflag:s0], $0x400  }
0x14: {  	[sflag:s0] =	ssyncset.done $0x0  }
0x15: {  	[sflag:s0] =	ssyncadd.s32 $0xFFFFFC00  }
0x16: {  	_ =	swait.ge [sflag:s0], $0x400  }
0x17: {  	[sflag:s0] =	ssyncset.done $0x0  }
0x18: {  	[sflag:s0] =	ssyncadd.s32 $0xFFFFFC00  }
0x19: {  	_ =	swait.ge [sflag:s0], $0x400  }
0x1a: {  	[sflag:s0] =	ssyncset.done $0x0  }
0x1b: {  	[sflag:s0] =	ssyncadd.s32 $0xFFFFFC00  }
0x1c: {  	_ =	swait.ge [sflag:s0], $0x400  }
0x1d: {  	[sflag:s0] =	ssyncset.done $0x0  }
0x1e: {  	[sflag:s0] =	ssyncadd.s32 $0xFFFFFC00  }
0x1f: {  	_ =	swait.ge [sflag:s0], $0x400  }
0x20: {  	[sflag:s0] =	ssyncset.done $0x0  }
0x21: {  	[sflag:s0] =	ssyncadd.s32 $0xFFFFFC00  }
0x22: {  	_ =	swait.ge [sflag:s0], $0x400  }
0x23: {  	[sflag:s0] =	ssyncset.done $0x0  }
0x24: {  	[sflag:s0] =	ssyncadd.s32 $0xFFFFFC00  }
0x25: {  	_ =	swait.ge [sflag:s0], $0x400  }
0x26: {  	[sflag:s0] =	ssyncset.done $0x0  }
0x27: {  	[sflag:s0] =	ssyncadd.s32 $0xFFFFFC00  }
0x28: {  	_ =	swait.ge [sflag:s0], $0x400  }
0x29: {  	[sflag:s0] =	ssyncset.done $0x0  }
0x2a: {  	[sflag:s0] =	ssyncadd.s32 $0xFFFFFC00  }
0x2b: {  	_ =	swait.ge [sflag:s23], $0x400  }
0x2c: {  	[sflag:s23] =	ssyncset.done $0x0  }
0x2d: {  	[sflag:s23] =	ssyncadd.s32 $0xFFFFFC00  }
0x2e: {  	_ =	swait.ge [sflag:s23], $0x400  }
0x2f: {  	[sflag:s23] =	ssyncset.done $0x0  }
0x30: {  	[sflag:s23] =	ssyncadd.s32 $0xFFFFFC00  }
0x31: {  	_ =	swait.ge [sflag:s23], $0x400  }
0x32: {  	[sflag:s23] =	ssyncset.done $0x0  }
0x33: {  	[sflag:s23] =	ssyncadd.s32 $0xFFFFFC00  }
0x34: {  	_ =	swait.ge [sflag:s23], $0x400  }
0x35: {  	[sflag:s23] =	ssyncset.done $0x0  }
0x36: {  	[sflag:s23] =	ssyncadd.s32 $0xFFFFFC00  }
0x37: {  	_ =	swait.ge [sflag:s23], $0x400  }
0x38: {  	[sflag:s23] =	ssyncset.done $0x0  }
0x39: {  	[sflag:s23] =	ssyncadd.s32 $0xFFFFFC00  }
0x3a: {  	_ =	swait.ge [sflag:s23], $0x400  }
0x3b: {  	[sflag:s23] =	ssyncset.done $0x0  }
0x3c: {  	[sflag:s23] =	ssyncadd.s32 $0xFFFFFC00  }
0x3d: {  	_ =	swait.ge [sflag:s23], $0x400  }
0x3e: {  	[sflag:s23] =	ssyncset.done $0x0  }
0x3f: {  	[sflag:s23] =	ssyncadd.s32 $0xFFFFFC00  }
0x40: {  	_ =	swait.ge [sflag:s23], $0x400  }
0x41: {  	s1 =	rddreg [dreg:$0xc];
	v10 =	vld [tilespmem:$0x1FF50]  }
0x42: {  	s31 =	rddreg [dreg:$0xb];
	v11 =	vld [tilespmem:$0x1FF60];
	s1 =	sadd.s32 $0x1, s1  }
0x43: {  	v0 =	vld [tilespmem:$0x1FF70];
	p0 =	sne.s32 s1, s31  }
.Ltmp1:
0x44: {  	v2 =	vld [tilespmem:$0x1FF80];
	(pc) =	sbr.rel @!p0 .LBB2_35-.Ltmp1, $4  }
0x45: {  	v3 =	vld [tilespmem:$0x1FF90]  }
0x46: {  	v4 =	vld [tilespmem:$0x1FFA0]  }
0x47: {  	[sflag:s23] =	ssyncset.done $0x0;
	v5 =	vld [tilespmem:$0x1FFB0]  }
0x48: {  	v6 =	vld [tilespmem:$0x1FFC0];
	[sflag:s23] =	ssyncadd.s32 $0xFFFFFC00  }
.LBB2_1:
0x49: {  	[dreg:$0xc] =	wrdreg s1  }
0x4a: {  	s0 =	rddreg [dreg:$0x3];
	s24 =	simm.s32 $0x5  }
0x4b: {  	[tilespmem:s3], [sflag:$0x5] =	stream.linear.gather [hbm4b:s0+s3], $0x1900, $0x38;
	[tilespmem:$0x9D00] =	vst v63  }
0x4c: {  	_ =	swait.ge [sflag:s24], $0x1900  }
0x4d: {  	[sflag:s24] =	ssyncset.done $0x0  }
0x4e: {  	s26 =	simm.s32 $0x80;
	s30 =	simm.s32 $0x1900;
	[sflag:s24] =	ssyncadd.s32 $0xFFFFE700  }
0x4f: {  	[tilespmem:s30], [sflag:$0x1] =	stream.indirect.gather [hbm4b:s4+s26], $0x40, s3, s26, $0xb8;
	[tilespmem:$0x9D00] =	vst v63  }
0x50: {  	s31 =	simm.s32 $0x3900;
	s2 =	simm.s32 $0x0  }
0x51: {  	[tilespmem:s31], [sflag:$0x2] =	stream.indirect.gather [hbm4b:s4+s26], $0x40, s26, s26, $0xb8;
	[tilespmem:$0x9D00] =	vst v63  }
.LBB2_2:
0x52: {  	_ =	swait.ge [sflag:s28], $0x2000  }
0x53: {  	p0 =	seq.s32 s2, $0x0;
	[sflag:s28] =	ssyncset.done $0x0  }
0x54: {  	s0 =	simm.s32 @!p0 $0x3;
	[sflag:s28] =	ssyncadd.s32 $0xFFFFE000  }
0x55: {  	_ =	swait.ge @!p0 [sflag:s0], $0x400  }
0x56: {  	[sflag:s0] =	ssyncset.done @!p0 $0x0  }
0x57: {  	[sflag:s0] =	ssyncadd.s32 @!p0 $0xFFFFFC00  }
0x58: {  	_ =	swait.ge @!p0 [sflag:s0], $0x400  }
0x59: {  	[sflag:s0] =	ssyncset.done @!p0 $0x0  }
0x5a: {  	[sflag:s0] =	ssyncadd.s32 @!p0 $0xFFFFFC00  }
0x5b: {  	_ =	swait.ge @!p0 [sflag:s0], $0x400  }
0x5c: {  	[sflag:s0] =	ssyncset.done @!p0 $0x0  }
0x5d: {  	[sflag:s0] =	ssyncadd.s32 @!p0 $0xFFFFFC00  }
0x5e: {  	_ =	swait.ge @!p0 [sflag:s0], $0x400  }
0x5f: {  	[sflag:s0] =	ssyncset.done @!p0 $0x0  }
0x60: {  	[sflag:s0] =	ssyncadd.s32 @!p0 $0xFFFFFC00  }
0x61: {  	_ =	swait.ge @!p0 [sflag:s0], $0x400  }
0x62: {  	[sflag:s0] =	ssyncset.done @!p0 $0x0  }
0x63: {  	[sflag:s0] =	ssyncadd.s32 @!p0 $0xFFFFFC00  }
0x64: {  	_ =	swait.ge @!p0 [sflag:s0], $0x400  }
0x65: {  	s12 =	simm.s32 $0x1;
	[sflag:s0] =	ssyncset.done @!p0 $0x0  }
0x66: {  	s5 =	simm.s32 $0x2;
	s24 =	simm.s32 $0x3;
	[sflag:s0] =	ssyncadd.s32 @!p0 $0xFFFFFC00  }
0x67: {  	s6 =	simm.s32 $0x4;
	s26 =	simm.s32 $0x5;
	v34 =	vmov s12;
	v35 =	vmov s5;
	_ =	swait.ge @!p0 [sflag:s0], $0x400  }
0x68: {  	s7 =	simm.s32 $0x7;
	v36 =	vmov s24;
	v37 =	vmov s6;
	v38 =	vmov s26;
	s5 =	simm.s32 $0xF;
	[sflag:s0] =	ssyncset.done @!p0 $0x0  }
0x69: {  	v40 =	vmov s7;
	v34 =	vshrl.u32 v34, $0x3;
	v48 =	vmov s5;
	[sflag:s0] =	ssyncadd.s32 @!p0 $0xFFFFFC00  }
0x6a: {  	v35 =	vshrl.u32 v35, $0x3;
	v36 =	vshrl.u32 v36, $0x3;
	v48 =	vshrl.u32 v48, $0x3;
	_ =	swait.ge @!p0 [sflag:s0], $0x400  }
0x6b: {  	v37 =	vshrl.u32 v37, $0x3;
	v38 =	vshrl.u32 v38, $0x3;
	v48 =	vshll.u32 v48, v1;
	[sflag:s0] =	ssyncset.done @!p0 $0x0  }
0x6c: {  	s7 =	simm.s32 $0x1B00;
	v34 =	vshll.u32 v34, v1;
	v56 =	vshll.u32 v35, v1;
	v7 =	vbroadcast v48, $0x0;
	[sflag:s0] =	ssyncadd.s32 @!p0 $0xFFFFFC00  }
0x6d: {  	v57 =	vshll.u32 v36, v1;
	v58 =	vshll.u32 v37, v1;
	v8 =	vbroadcast v34, $0x0;
	v35 =	vld [tilespmem:s7+$0x1C0]  }
0x6e: {  	v60 =	vshll.u32 v38, v1;
	v51 =	vbroadcast v57, $0x0;
	v36 =	vadd.s32 v6, v7;
	v48 =	vld [tilespmem:s7+$0xFFFFFE40]  }
0x6f: {  	s6 =	simm.s32 $0x6;
	v9 =	vbroadcast v56, $0x0;
	v52 =	vbroadcast v58, $0x0;
	v49 =	vadd.s32 v11, v8;
	v59 =	vld [tilespmem:s7+$0xFFFFFE80]  }
0x70: {  	v39 =	vmov s6;
	v54 =	vbroadcast v60, $0x0;
	v61 =	vld [tilespmem:s7+$0xFFFFFEC0];
	[tilespmem:$0x1FE80] =	vst v51  }
0x71: {  	v39 =	vshrl.u32 v39, $0x3;
	v50 =	vadd.s32 v0, v9;
	v58 =	vld [tilespmem:s7+$0xFFFFFF00];
	[tilespmem:$0x1FE90] =	vst v52  }
0x72: {  	v57 =	vshll.u32 v39, v1;
	v53 =	vld [tilespmem:s7+$0xFFFFFF40];
	[tilespmem:$0x1FEA0] =	vst v54  }
0x73: {  	s8 =	simm.s32 $0x8;
	v40 =	vshrl.u32 v40, $0x3;
	v55 =	vbroadcast v57, $0x0;
	v51 =	vadd.s32 v2, v51;
	[tilespmem:v36+s29+$0x0] =	vst.idx.msk $0xffff, v35  }
0x74: {  	v41 =	vmov s8;
	v62 =	vshll.u32 v40, v1;
	[tilespmem:v49+s29+$0x0] =	vst.idx.msk $0xffff, v48  }
0x75: {  	s9 =	simm.s32 $0x9;
	v41 =	vshrl.u32 v41, $0x3;
	v40 =	vbroadcast v62, $0x0;
	v52 =	vadd.s32 v3, v52;
	v48 =	vld [tilespmem:s7+$0xFFFFFF80];
	[tilespmem:$0x1FEB0] =	vst v55  }
0x76: {  	v42 =	vmov s9;
	v63 =	vshll.u32 v41, v1;
	[tilespmem:v50+s29+$0x0] =	vst.idx.msk $0xffff, v59  }
0x77: {  	s10 =	simm.s32 $0xA;
	v42 =	vshrl.u32 v42, $0x3;
	v41 =	vbroadcast v63, $0x0;
	v54 =	vadd.s32 v4, v54;
	v34 =	vld [tilespmem:s7+$0xFFFFFFC0];
	[tilespmem:$0x1FEC0] =	vst v40  }
0x78: {  	s11 =	simm.s32 $0xB;
	v43 =	vmov s10;
	v42 =	vshll.u32 v42, v1;
	[tilespmem:v51+s29+$0x0] =	vst.idx.msk $0xffff, v61  }
0x79: {  	v44 =	vmov s11;
	v43 =	vshrl.u32 v43, $0x3;
	v59 =	vbroadcast v42, $0x0;
	v38 =	vld [tilespmem:s7+$0x0];
	[tilespmem:$0x1FED0] =	vst v41  }
0x7a: {  	v44 =	vshrl.u32 v44, $0x3;
	v43 =	vshll.u32 v43, v1;
	v49 =	vadd.s32 v5, v55;
	[tilespmem:v52+s29+$0x0] =	vst.idx.msk $0xffff, v58  }
0x7b: {  	s12 =	simm.s32 $0xC;
	v44 =	vshll.u32 v44, v1;
	v60 =	vbroadcast v43, $0x0;
	v37 =	vadd.s32 v6, v40;
	v39 =	vld [tilespmem:s7+$0x40];
	[tilespmem:$0x1FEE0] =	vst v59  }
0x7c: {  	s1 =	simm.s32 $0x0;
	v45 =	vmov s12;
	v62 =	vbroadcast v44, $0x0;
	[tilespmem:v54+s29+$0x0] =	vst.idx.msk $0xffff, v53  }
0x7d: {  	v33 =	vmov s1;
	s24 =	simm.s32 $0xD;
	s26 =	simm.s32 $0xE;
	v45 =	vshrl.u32 v45, $0x3;
	v61 =	vadd.s32 v10, v41;
	v53 =	vld [tilespmem:s7+$0x80];
	[tilespmem:$0x1FEF0] =	vst v60  }
0x7e: {  	v46 =	vmov s24;
	v47 =	vmov s26;
	v45 =	vshll.u32 v45, v1;
	v57 =	vld [tilespmem:s7+$0xC0];
	[tilespmem:$0x1FF00] =	vst v62  }
0x7f: {  	v46 =	vshrl.u32 v46, $0x3;
	v63 =	vbroadcast v45, $0x0;
	v52 =	vadd.s32 v11, v59;
	[tilespmem:v49+s29+$0x0] =	vst.idx.msk $0xffff, v48  }
0x80: {  	v46 =	vshll.u32 v46, v1;
	v35 =	vshrl.u32 v47, $0x3;
	v54 =	vadd.s32 v0, v60;
	[tilespmem:v37+s29+$0x0] =	vst.idx.msk $0xffff, v34  }
0x81: {  	s6 =	simm.s32 $0x10;
	v35 =	vshll.u32 v35, v1;
	v58 =	vadd.s32 v2, v62;
	v49 =	vbroadcast v46, $0x0;
	v36 =	vld [tilespmem:s7+$0x100];
	[tilespmem:$0x1FF10] =	vst v63  }
0x82: {  	v44 =	vmov s6;
	v50 =	vbroadcast v35, $0x0;
	v34 =	vadd.s32 v3, v63;
	[tilespmem:v61+s29+$0x0] =	vst.idx.msk $0xffff, v38  }
0x83: {  	v33 =	vshrl.u32 v33, $0x3;
	v37 =	vld [tilespmem:s7+$0x140];
	v38 =	vadd.s32 v4, v49;
	[tilespmem:$0x1FF20] =	vst v44  }
0x84: {  	v33 =	vshll.u32 v33, v1;
	v63 =	vadd.s32 v5, v50;
	v59 =	vld [tilespmem:s7+$0x180];
	[tilespmem:v52+s29+$0x0] =	vst.idx.msk $0xffff, v39  }
0x85: {  	s31 =	simm.s32 $0x1A;
	s8 =	simm.s32 $0x11;
	s24 =	simm.s32 $0x16;
	v56 =	vshrl.u32 v44, $0x3;
	v51 =	vbroadcast v33, $0x0;
	[tilespmem:v54+s29+$0x0] =	vst.idx.msk $0xffff, v53  }
0x86: {  	s1 =	simm.s32 $0x17;
	v45 =	vmov s8;
	s0 =	simm.s32 $0x1B;
	v55 =	vmov s24;
	v35 =	vmov s31;
	[tilespmem:v58+s29+$0x0] =	vst.idx.msk $0xffff, v57  }
0x87: {  	s9 =	simm.s32 $0x12;
	s26 =	simm.s32 $0x18;
	s6 =	simm.s32 $0x1E;
	v33 =	vmov s0;
	v60 =	vmov s1;
	v48 =	vadd.s32 v10, v51;
	v47 =	vld [tilespmem:s7+$0xFFFFFE00];
	[tilespmem:v34+s29+$0x0] =	vst.idx.msk $0xffff, v36  }
0x88: {  	s10 =	simm.s32 $0x13;
	s11 =	simm.s32 $0x14;
	s12 =	simm.s32 $0x15;
	v62 =	vmov s6;
	v46 =	vmov s9;
	v61 =	vmov s26;
	[tilespmem:v38+s29+$0x0] =	vst.idx.msk $0xffff, v37  }
0x89: {  	s30 =	simm.s32 $0x19;
	v54 =	vmov s10;
	v52 =	vmov s11;
	v53 =	vmov s12;
	[tilespmem:v63+s29+$0x0] =	vst.idx.msk $0xffff, v59  }
0x8a: {  	s5 =	simm.s32 $0x1C;
	s24 =	simm.s32 $0x1D;
	v39 =	vshrl.u32 v45, $0x3;
	v57 =	vshrl.u32 v55, $0x3;
	v34 =	vmov s30;
	[tilespmem:$0x1FF30] =	vst v45  }
0x8b: {  	v36 =	vmov s24;
	v58 =	vshrl.u32 v53, $0x3;
	v38 =	vmov s5;
	[tilespmem:$0x1FF40] =	vst v46  }
0x8c: {  	s8 =	simm.s32 $0x20;
	s9 =	simm.s32 $0x1F;
	v37 =	vshrl.u32 v46, $0x3;
	v63 =	vshrl.u32 v54, $0x3;
	v59 =	vshrl.u32 v52, $0x3;
	[tilespmem:v48+s29+$0x0] =	vst.idx.msk $0xffff, v47  }
.LBB2_3:
0x8d: {  	p1 =	slt.u32 s8, $0x70;
	v40 =	vshrl.u32 v60, $0x3;
	v41 =	vshrl.u32 v61, $0x3;
	v60 =	vmov s9  }
0x8e: {  	v34 =	vshrl.u32 v34, $0x3;
	v35 =	vshrl.u32 v35, $0x3;
	v60 =	vshrl.u32 v60, $0x3  }
0x8f: {  	v33 =	vshrl.u32 v33, $0x3;
	v38 =	vshrl.u32 v38, $0x3;
	v60 =	vshll.u32 v60, v1  }
0x90: {  	v39 =	vshll.u32 v39, v1;
	v36 =	vshrl.u32 v36, $0x3;
	v60 =	vbroadcast v60, $0x0  }
0x91: {  	v37 =	vshll.u32 v37, v1;
	v61 =	vshrl.u32 v62, $0x3;
	s7 =	sadd.s32 $0x400, s7;
	v39 =	vbroadcast v39, $0x0  }
0x92: {  	v62 =	vshll.u32 v63, v1;
	v37 =	vbroadcast v37, $0x0;
	v63 =	vld [tilespmem:s7+$0x1C0];
	v60 =	vadd.s32 v6, v60  }
0x93: {  	v59 =	vshll.u32 v59, v1;
	v62 =	vbroadcast v62, $0x0;
	v39 =	vadd.s32 v11, v39;
	v42 =	vld [tilespmem:s7+$0xFFFFFE40]  }
0x94: {  	v58 =	vshll.u32 v58, v1;
	v59 =	vbroadcast v59, $0x0;
	v37 =	vadd.s32 v0, v37;
	v43 =	vld [tilespmem:s7+$0xFFFFFE80]  }
0x95: {  	v57 =	vshll.u32 v57, v1;
	v58 =	vbroadcast v58, $0x0;
	v62 =	vadd.s32 v2, v62;
	v44 =	vld [tilespmem:s7+$0xFFFFFEC0]  }
0x96: {  	v57 =	vbroadcast v57, $0x0;
	v40 =	vshll.u32 v40, v1;
	v59 =	vadd.s32 v3, v59;
	v45 =	vld [tilespmem:s7+$0xFFFFFF00]  }
0x97: {  	v41 =	vshll.u32 v41, v1;
	v40 =	vbroadcast v40, $0x0;
	v58 =	vadd.s32 v4, v58;
	v46 =	vld [tilespmem:s7+$0xFFFFFF40];
	[tilespmem:v60+s29+$0x0] =	vst.idx.msk $0xffff, v63  }
0x98: {  	v34 =	vshll.u32 v34, v1;
	v41 =	vbroadcast v41, $0x0;
	[tilespmem:v39+s29+$0x0] =	vst.idx.msk $0xffff, v42;
	v39 =	vld [tilespmem:s7+$0xFFFFFF80];
	v42 =	vadd.s32 v5, v57  }
0x99: {  	v35 =	vshll.u32 v35, v1;
	v34 =	vbroadcast v34, $0x0;
	v40 =	vadd.s32 v6, v40;
	[tilespmem:v37+s29+$0x0] =	vst.idx.msk $0xffff, v43;
	v37 =	vld [tilespmem:s7+$0xFFFFFFC0]  }
0x9a: {  	v33 =	vshll.u32 v33, v1;
	v35 =	vbroadcast v35, $0x0;
	v41 =	vadd.s32 v10, v41;
	[tilespmem:v62+s29+$0x0] =	vst.idx.msk $0xffff, v44;
	v43 =	vld [tilespmem:s7+$0x0]  }
0x9b: {  	v38 =	vshll.u32 v38, v1;
	v33 =	vbroadcast v33, $0x0;
	v34 =	vadd.s32 v11, v34;
	[tilespmem:v59+s29+$0x0] =	vst.idx.msk $0xffff, v45;
	v44 =	vld [tilespmem:s7+$0x40]  }
0x9c: {  	v36 =	vshll.u32 v36, v1;
	v38 =	vbroadcast v38, $0x0;
	v35 =	vadd.s32 v0, v35;
	[tilespmem:v58+s29+$0x0] =	vst.idx.msk $0xffff, v46;
	v45 =	vld [tilespmem:s7+$0x80]  }
0x9d: {  	v36 =	vbroadcast v36, $0x0;
	v33 =	vadd.s32 v2, v33;
	[tilespmem:v42+s29+$0x0] =	vst.idx.msk $0xffff, v39;
	v39 =	vld [tilespmem:s7+$0xC0];
	v42 =	vshll.u32 v61, v1  }
0x9e: {  	v38 =	vadd.s32 v3, v38;
	v46 =	vshll.u32 v56, v1;
	[tilespmem:v40+s29+$0x0] =	vst.idx.msk $0xffff, v37;
	v37 =	vld [tilespmem:s7+$0x100];
	v40 =	vbroadcast v42, $0x0  }
0x9f: {  	s11 =	sadd.s32 $0x5, s8;
	v36 =	vadd.s32 v4, v36;
	v46 =	vbroadcast v46, $0x0;
	v42 =	vmov s8;
	[tilespmem:v41+s29+$0x0] =	vst.idx.msk $0xffff, v43;
	v41 =	vld [tilespmem:s7+$0x140]  }
0xa0: {  	s9 =	sadd.s32 $0x1, s8;
	s10 =	sadd.s32 $0x2, s8;
	v47 =	vmov s11;
	v56 =	vshrl.u32 v42, $0x3;
	[tilespmem:v34+s29+$0x0] =	vst.idx.msk $0xffff, v44;
	v42 =	vld [tilespmem:s7+$0x180];
	v40 =	vadd.s32 v5, v40  }
0xa1: {  	s11 =	sadd.s32 $0x8, s8;
	v43 =	vmov s9;
	s9 =	sadd.s32 $0x3, s8;
	v46 =	vadd.s32 v10, v46;
	v44 =	vmov s10;
	s10 =	sadd.s32 $0x4, s8;
	v57 =	vld [tilespmem:s7+$0xFFFFFE00];
	[tilespmem:v35+s29+$0x0] =	vst.idx.msk $0xffff, v45  }
0xa2: {  	v61 =	vmov s11;
	s11 =	sadd.s32 $0xB, s8;
	v45 =	vmov s9;
	v58 =	vmov s10;
	s9 =	sadd.s32 $0x6, s8;
	s10 =	sadd.s32 $0x7, s8;
	[tilespmem:v33+s29+$0x0] =	vst.idx.msk $0xffff, v39  }
.Ltmp2:
0xa3: {  	v48 =	vmov s9;
	v60 =	vmov s10;
	s9 =	sadd.s32 $0x9, s8;
	s10 =	sadd.s32 $0xA, s8;
	[tilespmem:v38+s29+$0x0] =	vst.idx.msk $0xffff, v37;
	(pc) =	sbr.rel @p1 .LBB2_3-.Ltmp2, $4  }
0xa4: {  	v33 =	vmov s11;
	s11 =	sadd.s32 $0xE, s8;
	v34 =	vmov s9;
	v35 =	vmov s10;
	s9 =	sadd.s32 $0xC, s8;
	s10 =	sadd.s32 $0xD, s8;
	[tilespmem:v36+s29+$0x0] =	vst.idx.msk $0xffff, v41  }
0xa5: {  	v62 =	vmov s11;
	v38 =	vmov s9;
	v36 =	vmov s10;
	[tilespmem:v40+s29+$0x0] =	vst.idx.msk $0xffff, v42  }
0xa6: {  	v39 =	vshrl.u32 v43, $0x3;
	v63 =	vshrl.u32 v45, $0x3;
	v37 =	vshrl.u32 v44, $0x3;
	[tilespmem:v46+s29+$0x0] =	vst.idx.msk $0xffff, v57  }
0xa7: {  	v59 =	vshrl.u32 v58, $0x3;
	v58 =	vshrl.u32 v47, $0x3;
	s9 =	sadd.s32 $0xF, s8;
	s8 =	sadd.s32 $0x10, s8;
	v57 =	vshrl.u32 v48, $0x3  }
0xa8: {  	v40 =	vshrl.u32 v60, $0x3;
	v41 =	vshrl.u32 v61, $0x3;
	v42 =	vmov s9  }
0xa9: {  	v34 =	vshrl.u32 v34, $0x3;
	v35 =	vshrl.u32 v35, $0x3;
	v33 =	vshrl.u32 v33, $0x3  }
0xaa: {  	v38 =	vshrl.u32 v38, $0x3;
	v39 =	vshll.u32 v39, v1;
	v36 =	vshrl.u32 v36, $0x3  }
0xab: {  	v37 =	vshll.u32 v37, v1;
	v43 =	vshrl.u32 v62, $0x3;
	v39 =	vbroadcast v39, $0x0  }
0xac: {  	s7 =	sadd.s32 $0x400, s7;
	v44 =	vshll.u32 v63, v1;
	v47 =	vshll.u32 v59, v1;
	v37 =	vbroadcast v37, $0x0  }
0xad: {  	v58 =	vshll.u32 v58, v1;
	v46 =	vld [tilespmem:s7+$0xFFFFFE40];
	v44 =	vbroadcast v44, $0x0;
	v39 =	vadd.s32 v11, v39  }
0xae: {  	v57 =	vshll.u32 v57, v1;
	v48 =	vld [tilespmem:s7+$0xFFFFFE80];
	v47 =	vbroadcast v47, $0x0;
	v37 =	vadd.s32 v0, v37  }
0xaf: {  	v59 =	vld [tilespmem:s7+$0xFFFFFEC0];
	v58 =	vbroadcast v58, $0x0;
	v40 =	vshll.u32 v40, v1;
	v44 =	vadd.s32 v2, v44  }
0xb0: {  	v60 =	vld [tilespmem:s7+$0xFFFFFF00];
	v41 =	vshll.u32 v41, v1;
	v40 =	vbroadcast v40, $0x0;
	v47 =	vadd.s32 v3, v47  }
0xb1: {  	v42 =	vshrl.u32 v42, $0x3;
	v61 =	vld [tilespmem:s7+$0xFFFFFF40];
	v41 =	vbroadcast v41, $0x0;
	v58 =	vadd.s32 v4, v58  }
0xb2: {  	v57 =	vbroadcast v57, $0x0;
	v62 =	vld [tilespmem:s7+$0xFFFFFFC0];
	v42 =	vshll.u32 v42, v1;
	v40 =	vadd.s32 v6, v40;
	[tilespmem:v39+s29+$0x0] =	vst.idx.msk $0xffff, v46  }
0xb3: {  	v34 =	vshll.u32 v34, v1;
	v63 =	vld [tilespmem:s7+$0x0];
	v42 =	vbroadcast v42, $0x0;
	v41 =	vadd.s32 v10, v41;
	[tilespmem:v37+s29+$0x0] =	vst.idx.msk $0xffff, v48  }
0xb4: {  	v35 =	vshll.u32 v35, v1;
	v34 =	vbroadcast v34, $0x0;
	v57 =	vadd.s32 v5, v57;
	v39 =	vld [tilespmem:s7+$0xFFFFFF80];
	[tilespmem:v44+s29+$0x0] =	vst.idx.msk $0xffff, v59  }
0xb5: {  	v45 =	vld [tilespmem:s7+$0x1C0];
	v33 =	vshll.u32 v33, v1;
	v35 =	vbroadcast v35, $0x0;
	v42 =	vadd.s32 v6, v42;
	[tilespmem:v47+s29+$0x0] =	vst.idx.msk $0xffff, v60  }
0xb6: {  	v38 =	vshll.u32 v38, v1;
	v33 =	vbroadcast v33, $0x0;
	v34 =	vadd.s32 v11, v34;
	v6 =	vld [tilespmem:s7+$0x40];
	[tilespmem:v58+s29+$0x0] =	vst.idx.msk $0xffff, v61  }
0xb7: {  	v36 =	vshll.u32 v36, v1;
	v38 =	vbroadcast v38, $0x0;
	v35 =	vadd.s32 v0, v35;
	v46 =	vld [tilespmem:s7+$0x80];
	[tilespmem:v40+s29+$0x0] =	vst.idx.msk $0xffff, v62  }
0xb8: {  	v36 =	vbroadcast v36, $0x0;
	v33 =	vadd.s32 v2, v33;
	v48 =	vld [tilespmem:s7+$0xC0];
	v58 =	vshll.u32 v56, v1;
	[tilespmem:v41+s29+$0x0] =	vst.idx.msk $0xffff, v63  }
0xb9: {  	v38 =	vadd.s32 v3, v38;
	v59 =	vld [tilespmem:s7+$0x100];
	v61 =	vbroadcast v58, $0x0;
	[tilespmem:v57+s29+$0x0] =	vst.idx.msk $0xffff, v39;
	v57 =	vshll.u32 v43, v1  }
0xba: {  	v36 =	vadd.s32 v4, v36;
	v62 =	vld [tilespmem:s7+$0x140];
	[tilespmem:v42+s29+$0x0] =	vst.idx.msk $0xffff, v45;
	v60 =	vbroadcast v57, $0x0  }
0xbb: {  	[tilespmem:v34+s29+$0x0] =	vst.idx.msk $0xffff, v6;
	v6 =	vld [tilespmem:s7+$0xFFFFFE00];
	v42 =	vadd.s32 v10, v61  }
0xbc: {  	v63 =	vld [tilespmem:s7+$0x180];
	[tilespmem:v35+s29+$0x0] =	vst.idx.msk $0xffff, v46;
	v40 =	vadd.s32 v5, v60  }
0xbd: {  	[tilespmem:v33+s29+$0x0] =	vst.idx.msk $0xffff, v48  }
0xbe: {  	[tilespmem:v38+s29+$0x0] =	vst.idx.msk $0xffff, v59  }
0xbf: {  	[tilespmem:v36+s29+$0x0] =	vst.idx.msk $0xffff, v62  }
0xc0: {  	[tilespmem:v42+s29+$0x0] =	vst.idx.msk $0xffff, v6  }
0xc1: {  	[tilespmem:v40+s29+$0x0] =	vst.idx.msk $0xffff, v63  }
0xc2: {  	v0 =	vld [tilespmem:$0x1FE80];
	_ =	sdelay $0x3  }
0xc3: {  	v2 =	vld [tilespmem:$0x1FFE0]  }
0xc4: {  	v57 =	vadd.s32 v12, v0;
	v0 =	vld [tilespmem:$0x1FE90]  }
0xc5: {  	s7 =	simm.s32 $0x1B10  }
0xc6: {  	v33 =	vld [tilespmem:s7+$0x1C0]  }
0xc7: {  	v7 =	vadd.s32 v16, v7;
	v35 =	vld [tilespmem:s7+$0xFFFFFE40]  }
0xc8: {  	v3 =	vld [tilespmem:$0x1FFF0];
	v48 =	vadd.s32 v2, v8  }
0xc9: {  	v58 =	vadd.s32 v13, v0;
	v0 =	vld [tilespmem:$0x1FEA0];
	_ =	sdelay $0x2  }
0xca: {  	[tilespmem:v7+s29+$0x0] =	vst.idx.msk $0xffff, v33  }
0xcb: {  	v37 =	vld [tilespmem:s7+$0xFFFFFE80];
	v56 =	vadd.s32 v3, v9;
	[tilespmem:v48+s29+$0x0] =	vst.idx.msk $0xffff, v35  }
0xcc: {  	v59 =	vadd.s32 v14, v0;
	v0 =	vld [tilespmem:$0x1FEB0];
	_ =	sdelay $0x2  }
0xcd: {  	v39 =	vld [tilespmem:s7+$0xFFFFFEC0]  }
0xce: {  	[tilespmem:v56+s29+$0x0] =	vst.idx.msk $0xffff, v37  }
0xcf: {  	v61 =	vadd.s32 v15, v0;
	v0 =	vld [tilespmem:$0x1FEC0];
	_ =	sdelay $0x2  }
0xd0: {  	v41 =	vld [tilespmem:s7+$0xFFFFFF00];
	[tilespmem:v57+s29+$0x0] =	vst.idx.msk $0xffff, v39  }
0xd1: {  	v4 =	vld [tilespmem:$0x1FED0]  }
0xd2: {  	v63 =	vadd.s32 v16, v0;
	v0 =	vld [tilespmem:$0x1FFD0];
	_ =	sdelay $0x3  }
0xd3: {  	v43 =	vld [tilespmem:s7+$0xFFFFFF40];
	[tilespmem:v58+s29+$0x0] =	vst.idx.msk $0xffff, v41  }
0xd4: {  	v46 =	vadd.s32 v0, v4;
	v4 =	vld [tilespmem:$0x1FEE0];
	_ =	sdelay $0x3  }
0xd5: {  	v60 =	vld [tilespmem:s7+$0xFFFFFF80];
	[tilespmem:v59+s29+$0x0] =	vst.idx.msk $0xffff, v43  }
0xd6: {  	v48 =	vadd.s32 v2, v4;
	v4 =	vld [tilespmem:$0x1FEF0];
	_ =	sdelay $0x3  }
0xd7: {  	v62 =	vld [tilespmem:s7+$0xFFFFFFC0];
	[tilespmem:v61+s29+$0x0] =	vst.idx.msk $0xffff, v60  }
0xd8: {  	v42 =	vadd.s32 v3, v4;
	v4 =	vld [tilespmem:$0x1FF00];
	_ =	sdelay $0x1  }
0xd9: {  	v45 =	vld [tilespmem:s7+$0x0]  }
0xda: {  	v47 =	vld [tilespmem:s7+$0x40]  }
0xdb: {  	v41 =	vld [tilespmem:s7+$0x80];
	[tilespmem:v63+s29+$0x0] =	vst.idx.msk $0xffff, v62  }
0xdc: {  	v57 =	vadd.s32 v12, v4;
	v4 =	vld [tilespmem:$0x1FF10];
	_ =	sdelay $0x1  }
0xdd: {  	v56 =	vld [tilespmem:s7+$0xC0]  }
0xde: {  	v60 =	vld [tilespmem:s7+$0x140];
	v61 =	vadd.s32 v14, v49;
	[tilespmem:v46+s29+$0x0] =	vst.idx.msk $0xffff, v45  }
0xdf: {  	v62 =	vadd.s32 v15, v50;
	[tilespmem:v48+s29+$0x0] =	vst.idx.msk $0xffff, v47;
	v45 =	vld [tilespmem:s7+$0x180]  }
0xe0: {  	v58 =	vld [tilespmem:s7+$0x100];
	[tilespmem:v42+s29+$0x0] =	vst.idx.msk $0xffff, v41;
	v59 =	vadd.s32 v13, v4  }
0xe1: {  	v4 =	vld [tilespmem:$0x1FF20]  }
0xe2: {  	[tilespmem:v57+s29+$0x0] =	vst.idx.msk $0xffff, v56  }
0xe3: {  	[tilespmem:v61+s29+$0x0] =	vst.idx.msk $0xffff, v60  }
0xe4: {  	[tilespmem:v62+s29+$0x0] =	vst.idx.msk $0xffff, v45  }
0xe5: {  	[tilespmem:v59+s29+$0x0] =	vst.idx.msk $0xffff, v58  }
0xe6: {  	v33 =	vshrl.u32 v4, $0x3;
	v4 =	vld [tilespmem:$0x1FF30];
	_ =	sdelay $0x3  }
0xe7: {  	v47 =	vld [tilespmem:s7+$0xFFFFFE00]  }
0xe8: {  	v63 =	vadd.s32 v0, v51;
	v46 =	vshrl.u32 v4, $0x3;
	v4 =	vld [tilespmem:$0x1FF40]  }
0xe9: {  	v44 =	vmov s31  }
0xea: {  	v34 =	vshrl.u32 v55, $0x3;
	v38 =	vshrl.u32 v54, $0x3;
	v36 =	vshrl.u32 v52, $0x3  }
0xeb: {  	v40 =	vmov s26;
	v35 =	vshrl.u32 v53, $0x3;
	v37 =	vmov s6  }
0xec: {  	v39 =	vmov s1;
	v43 =	vmov s30;
	v41 =	vmov s0  }
0xed: {  	s1 =	simm.s32 $0x1F;
	v48 =	vmov s5;
	v42 =	vmov s24;
	s0 =	simm.s32 $0x20;
	[tilespmem:v63+s29+$0x0] =	vst.idx.msk $0xffff, v47;
	v45 =	vshrl.u32 v4, $0x3  }
.LBB2_5:
0xee: {  	p1 =	slt.u32 s0, $0x70;
	v39 =	vshrl.u32 v39, $0x3;
	v40 =	vshrl.u32 v40, $0x3;
	v47 =	vmov s1  }
0xef: {  	v43 =	vshrl.u32 v43, $0x3;
	v44 =	vshrl.u32 v44, $0x3;
	v47 =	vshrl.u32 v47, $0x3  }
0xf0: {  	v41 =	vshrl.u32 v41, $0x3;
	v48 =	vshrl.u32 v48, $0x3;
	v47 =	vshll.u32 v47, v1  }
0xf1: {  	v46 =	vshll.u32 v46, v1;
	v42 =	vshrl.u32 v42, $0x3;
	v47 =	vbroadcast v47, $0x0  }
0xf2: {  	v45 =	vshll.u32 v45, v1;
	v37 =	vshrl.u32 v37, $0x3;
	s7 =	sadd.s32 $0x400, s7;
	v46 =	vbroadcast v46, $0x0  }
0xf3: {  	v38 =	vshll.u32 v38, v1;
	v45 =	vbroadcast v45, $0x0;
	v49 =	vld [tilespmem:s7+$0x1C0];
	v47 =	vadd.s32 v16, v47  }
0xf4: {  	v36 =	vshll.u32 v36, v1;
	v38 =	vbroadcast v38, $0x0;
	v46 =	vadd.s32 v2, v46;
	v50 =	vld [tilespmem:s7+$0xFFFFFE40]  }
0xf5: {  	v35 =	vshll.u32 v35, v1;
	v36 =	vbroadcast v36, $0x0;
	v45 =	vadd.s32 v3, v45;
	v51 =	vld [tilespmem:s7+$0xFFFFFE80]  }
0xf6: {  	v34 =	vshll.u32 v34, v1;
	v35 =	vbroadcast v35, $0x0;
	v38 =	vadd.s32 v12, v38;
	v52 =	vld [tilespmem:s7+$0xFFFFFEC0]  }
0xf7: {  	v34 =	vbroadcast v34, $0x0;
	v39 =	vshll.u32 v39, v1;
	v36 =	vadd.s32 v13, v36;
	v53 =	vld [tilespmem:s7+$0xFFFFFF00]  }
0xf8: {  	v40 =	vshll.u32 v40, v1;
	v39 =	vbroadcast v39, $0x0;
	v35 =	vadd.s32 v14, v35;
	v54 =	vld [tilespmem:s7+$0xFFFFFF40];
	[tilespmem:v47+s29+$0x0] =	vst.idx.msk $0xffff, v49  }
0xf9: {  	v43 =	vshll.u32 v43, v1;
	v40 =	vbroadcast v40, $0x0;
	v34 =	vadd.s32 v15, v34;
	[tilespmem:v46+s29+$0x0] =	vst.idx.msk $0xffff, v50;
	v46 =	vld [tilespmem:s7+$0xFFFFFF80]  }
0xfa: {  	v44 =	vshll.u32 v44, v1;
	v43 =	vbroadcast v43, $0x0;
	v39 =	vadd.s32 v16, v39;
	[tilespmem:v45+s29+$0x0] =	vst.idx.msk $0xffff, v51;
	v45 =	vld [tilespmem:s7+$0xFFFFFFC0]  }
0xfb: {  	v41 =	vshll.u32 v41, v1;
	v44 =	vbroadcast v44, $0x0;
	v40 =	vadd.s32 v0, v40;
	[tilespmem:v38+s29+$0x0] =	vst.idx.msk $0xffff, v52;
	v38 =	vld [tilespmem:s7+$0x0]  }
0xfc: {  	v41 =	vbroadcast v41, $0x0;
	v43 =	vadd.s32 v2, v43;
	v47 =	vshll.u32 v48, v1;
	[tilespmem:v36+s29+$0x0] =	vst.idx.msk $0xffff, v53;
	v36 =	vld [tilespmem:s7+$0x40]  }
0xfd: {  	v42 =	vshll.u32 v42, v1;
	v44 =	vadd.s32 v3, v44;
	v47 =	vbroadcast v47, $0x0;
	[tilespmem:v35+s29+$0x0] =	vst.idx.msk $0xffff, v54;
	v35 =	vld [tilespmem:s7+$0x80]  }
0xfe: {  	v37 =	vshll.u32 v37, v1;
	v42 =	vbroadcast v42, $0x0;
	v41 =	vadd.s32 v12, v41;
	[tilespmem:v34+s29+$0x0] =	vst.idx.msk $0xffff, v46;
	v34 =	vld [tilespmem:s7+$0xC0]  }
0xff: {  	v33 =	vshll.u32 v33, v1;
	v37 =	vbroadcast v37, $0x0;
	v46 =	vadd.s32 v13, v47;
	[tilespmem:v39+s29+$0x0] =	vst.idx.msk $0xffff, v45;
	v45 =	vld [tilespmem:s7+$0x100]  }
0x100: {  	s5 =	sadd.s32 $0x2, s0;
	v42 =	vadd.s32 v14, v42;
	v47 =	vbroadcast v33, $0x0;
	v39 =	vmov s0;
	[tilespmem:v40+s29+$0x0] =	vst.idx.msk $0xffff, v38;
	v38 =	vld [tilespmem:s7+$0x140]  }
0x101: {  	s1 =	sadd.s32 $0x1, s0;
	v49 =	vadd.s32 v15, v37;
	v51 =	vmov s5;
	s5 =	sadd.s32 $0x4, s0;
	v33 =	vshrl.u32 v39, $0x3;
	[tilespmem:v43+s29+$0x0] =	vst.idx.msk $0xffff, v36;
	v36 =	vld [tilespmem:s7+$0x180]  }
0x102: {  	s6 =	sadd.s32 $0x5, s0;
	v50 =	vmov s1;
	s1 =	sadd.s32 $0x3, s0;
	v53 =	vmov s5;
	s5 =	sadd.s32 $0x7, s0;
	v47 =	vadd.s32 v0, v47;
	v52 =	vld [tilespmem:s7+$0xFFFFFE00];
	[tilespmem:v44+s29+$0x0] =	vst.idx.msk $0xffff, v35  }
0x103: {  	v54 =	vmov s6;
	s6 =	sadd.s32 $0x8, s0;
	v39 =	vmov s5;
	s5 =	sadd.s32 $0xA, s0;
	v35 =	vmov s1;
	s1 =	sadd.s32 $0x6, s0;
	[tilespmem:v41+s29+$0x0] =	vst.idx.msk $0xffff, v34  }
.Ltmp3:
0x104: {  	v40 =	vmov s6;
	s6 =	sadd.s32 $0xB, s0;
	v34 =	vmov s1;
	s1 =	sadd.s32 $0x9, s0;
	[tilespmem:v46+s29+$0x0] =	vst.idx.msk $0xffff, v45;
	(pc) =	sbr.rel @p1 .LBB2_5-.Ltmp3, $4  }
0x105: {  	v44 =	vmov s5;
	s5 =	sadd.s32 $0xD, s0;
	v41 =	vmov s6;
	s6 =	sadd.s32 $0xE, s0;
	v43 =	vmov s1;
	s1 =	sadd.s32 $0xC, s0;
	[tilespmem:v42+s29+$0x0] =	vst.idx.msk $0xffff, v38  }
0x106: {  	v37 =	vmov s6;
	v48 =	vmov s1;
	v42 =	vmov s5;
	[tilespmem:v49+s29+$0x0] =	vst.idx.msk $0xffff, v36  }
0x107: {  	v46 =	vshrl.u32 v50, $0x3;
	v45 =	vshrl.u32 v51, $0x3;
	v38 =	vshrl.u32 v35, $0x3;
	[tilespmem:v47+s29+$0x0] =	vst.idx.msk $0xffff, v52  }
0x108: {  	v34 =	vshrl.u32 v34, $0x3;
	v35 =	vshrl.u32 v54, $0x3;
	s1 =	sadd.s32 $0xF, s0;
	s0 =	sadd.s32 $0x10, s0;
	v36 =	vshrl.u32 v53, $0x3  }
0x109: {  	v39 =	vshrl.u32 v39, $0x3  }
0x10a: {  	v40 =	vshrl.u32 v40, $0x3;
	v47 =	vmov s1;
	v43 =	vshrl.u32 v43, $0x3  }
0x10b: {  	v44 =	vshrl.u32 v44, $0x3;
	v41 =	vshrl.u32 v41, $0x3;
	v48 =	vshrl.u32 v48, $0x3  }
0x10c: {  	v46 =	vshll.u32 v46, v1;
	v42 =	vshrl.u32 v42, $0x3;
	v45 =	vshll.u32 v45, v1  }
0x10d: {  	v37 =	vshrl.u32 v37, $0x3;
	v38 =	vshll.u32 v38, v1;
	v36 =	vshll.u32 v36, v1  }
0x10e: {  	s0 =	sadd.s32 $0x400, s7;
	v35 =	vshll.u32 v35, v1;
	v34 =	vshll.u32 v34, v1;
	v46 =	vbroadcast v46, $0x0  }
0x10f: {  	v33 =	vshll.u32 v33, v1;
	v45 =	vbroadcast v45, $0x0;
	v49 =	vld [tilespmem:s0+$0x1C0];
	v38 =	vbroadcast v38, $0x0  }
0x110: {  	v47 =	vshrl.u32 v47, $0x3;
	v50 =	vld [tilespmem:s0+$0xFFFFFE40];
	v36 =	vbroadcast v36, $0x0;
	v35 =	vbroadcast v35, $0x0  }
0x111: {  	v51 =	vld [tilespmem:s0+$0xFFFFFE80];
	v34 =	vbroadcast v34, $0x0;
	v39 =	vshll.u32 v39, v1;
	v46 =	vadd.s32 v2, v46  }
0x112: {  	v52 =	vld [tilespmem:s0+$0xFFFFFEC0];
	v40 =	vshll.u32 v40, v1;
	v43 =	vshll.u32 v43, v1;
	v45 =	vadd.s32 v3, v45  }
0x113: {  	v53 =	vld [tilespmem:s0+$0xFFFFFF00];
	v44 =	vshll.u32 v44, v1;
	v41 =	vshll.u32 v41, v1;
	v38 =	vadd.s32 v12, v38  }
0x114: {  	v54 =	vld [tilespmem:s0+$0xFFFFFF40];
	v61 =	vshll.u32 v48, v1;
	v42 =	vshll.u32 v42, v1;
	v36 =	vadd.s32 v13, v36  }
0x115: {  	v58 =	vld [tilespmem:s0+$0xFFFFFF80];
	v47 =	vshll.u32 v47, v1;
	v40 =	vbroadcast v40, $0x0;
	v35 =	vadd.s32 v14, v35  }
0x116: {  	v59 =	vld [tilespmem:s0+$0xFFFFFFC0];
	v37 =	vshll.u32 v37, v1;
	v47 =	vbroadcast v47, $0x0;
	v34 =	vadd.s32 v15, v34;
	[tilespmem:v46+s29+$0x0] =	vst.idx.msk $0xffff, v50  }
0x117: {  	s11 =	simm.s32 $0x0;
	v60 =	vld [tilespmem:s0+$0x0];
	v33 =	vbroadcast v33, $0x0;
	v43 =	vbroadcast v43, $0x0;
	v40 =	vadd.s32 v0, v40;
	[tilespmem:v45+s29+$0x0] =	vst.idx.msk $0xffff, v51  }
0x118: {  	s12 =	simm.s32 $0x1;
	v62 =	vld [tilespmem:s0+$0x40];
	v6 =	vmov s11;
	v39 =	vbroadcast v39, $0x0;
	v47 =	vadd.s32 v16, v47;
	[tilespmem:v38+s29+$0x0] =	vst.idx.msk $0xffff, v52  }
0x119: {  	v63 =	vld [tilespmem:s0+$0x80];
	v57 =	vmov s12;
	v44 =	vbroadcast v44, $0x0;
	v43 =	vadd.s32 v2, v43;
	[tilespmem:v36+s29+$0x0] =	vst.idx.msk $0xffff, v53  }
0x11a: {  	v4 =	vld [tilespmem:s0+$0x140];
	v41 =	vbroadcast v41, $0x0;
	v42 =	vbroadcast v42, $0x0;
	v39 =	vadd.s32 v16, v39;
	[tilespmem:v35+s29+$0x0] =	vst.idx.msk $0xffff, v54  }
0x11b: {  	v7 =	vld [tilespmem:s0+$0x180];
	v37 =	vbroadcast v37, $0x0;
	v5 =	vadd.s32 v0, v33;
	v44 =	vadd.s32 v3, v44;
	[tilespmem:v34+s29+$0x0] =	vst.idx.msk $0xffff, v58  }
0x11c: {  	s5 =	simm.s32 $0x2;
	v33 =	vshrl.u32 v6, $0x3;
	v41 =	vadd.s32 v12, v41;
	v42 =	vadd.s32 v14, v42;
	v34 =	vld [tilespmem:s0+$0xC0];
	[tilespmem:v40+s29+$0x0] =	vst.idx.msk $0xffff, v60  }
0x11d: {  	s24 =	simm.s32 $0x3;
	s6 =	simm.s32 $0x5;
	s8 =	simm.s32 $0x8;
	v37 =	vadd.s32 v15, v37;
	v45 =	vld [tilespmem:s0+$0x100];
	v58 =	vmov s5;
	[tilespmem:v47+s29+$0x0] =	vst.idx.msk $0xffff, v49;
	v47 =	vbroadcast v61, $0x0  }
0x11e: {  	s7 =	simm.s32 $0x7;
	s9 =	simm.s32 $0x9;
	v38 =	vmov s8;
	[tilespmem:v43+s29+$0x0] =	vst.idx.msk $0xffff, v62;
	v60 =	vmov s24;
	v62 =	vmov s6  }
0x11f: {  	s26 =	simm.s32 $0x4;
	s11 =	simm.s32 $0xB;
	[tilespmem:v39+s29+$0x0] =	vst.idx.msk $0xffff, v59;
	v59 =	vld [tilespmem:s0+$0xFFFFFE00];
	s6 =	simm.s32 $0x6;
	v39 =	vmov s7;
	v43 =	vmov s9;
	v46 =	vadd.s32 v13, v47  }
0x120: {  	p2 =	por $0x1, $0x1;
	[tilespmem:v44+s29+$0x0] =	vst.idx.msk $0xffff, v63;
	v40 =	vmov s11;
	s24 =	simm.s32 $0xD;
	v61 =	vmov s26;
	v63 =	vmov s6  }
.Ltmp4:
0x121: {  	v48 =	vmovc v33;
	[tilespmem:v42+s29+$0x0] =	vst.idx.msk $0xffff, v4;
	v51 =	vmovc v38;
	v44 =	vmov s24;
	v42 =	vshrl.u32 v60, $0x3;
	v36 =	vshrl.u32 v62, $0x3;
	(pc) =	sbr.rel @!p2 .LBB2_10-.Ltmp4, $4  }
0x122: {  	s10 =	simm.s32 $0xA;
	[tilespmem:v37+s29+$0x0] =	vst.idx.msk $0xffff, v7;
	v50 =	vmovc v39;
	v55 =	vmovc v43;
	v53 =	vmov v40;
	v37 =	vshrl.u32 v61, $0x3;
	v35 =	vshrl.u32 v63, $0x3  }
0x123: {  	s31 =	simm.s32 $0x1B20;
	s12 =	simm.s32 $0xC;
	s26 =	simm.s32 $0xE;
	v52 =	vmovc v36;
	v47 =	vshrl.u32 v57, $0x3;
	v54 =	vmovc v37;
	v49 =	vmov v35;
	[tilespmem:v41+s29+$0x0] =	vst.idx.msk $0xffff, v34;
	v41 =	vmov s10  }
0x124: {  	s30 =	simm.s32 $0xF;
	p1 =	por $0x0, $0x0;
	p3 =	por $0x0, $0x0;
	v34 =	vmov s26;
	v62 =	vmovc v47;
	v57 =	vmovc v41;
	[tilespmem:v46+s29+$0x0] =	vst.idx.msk $0xffff, v45;
	v46 =	vmov s12;
	v45 =	vshrl.u32 v58, $0x3  }
0x125: {  	s5 =	simm.s32 $0xF;
	s0 =	simm.s32 $0x1B20;
	s26 =	simm.s32 $0x10;
	[tilespmem:v5+s29+$0x0] =	vst.idx.msk $0xffff, v59;
	v59 =	vmovc v44;
	v56 =	vmovc v34;
	v58 =	vmov v42;
	v60 =	vmov v46;
	v61 =	vmov v45  }
0x126: {  	v52 =	vshrl.u32 v39, $0x3;
	v49 =	vmov s30  }
0x127: {  	v54 =	vshrl.u32 v38, $0x3;
	v56 =	vshrl.u32 v43, $0x3;
	v4 =	vshrl.u32 v41, $0x3  }
0x128: {  	v2 =	vshrl.u32 v46, $0x3;
	v55 =	vshll.u32 v47, v1;
	v57 =	vshll.u32 v45, v1  }
0x129: {  	v58 =	vshll.u32 v42, v1;
	v61 =	vshll.u32 v37, v1;
	v63 =	vshll.u32 v36, v1  }
0x12a: {  	v48 =	vshll.u32 v35, v1;
	v55 =	vbroadcast v55, $0x0;
	v57 =	vbroadcast v57, $0x0  }
0x12b: {  	v49 =	vshrl.u32 v49, $0x3;
	v58 =	vbroadcast v58, $0x0;
	v61 =	vbroadcast v61, $0x0  }
0x12c: {  	v60 =	vld [tilespmem:s31+$0xFFFFFE40];
	v63 =	vbroadcast v63, $0x0;
	v48 =	vbroadcast v48, $0x0;
	v55 =	vadd.s32 v18, v55  }
0x12d: {  	v62 =	vld [tilespmem:s31+$0xFFFFFE80];
	v52 =	vshll.u32 v52, v1;
	v49 =	vshll.u32 v49, v1;
	v57 =	vadd.s32 v19, v57  }
0x12e: {  	v50 =	vld [tilespmem:s31+$0xFFFFFEC0];
	v54 =	vshll.u32 v54, v1;
	v49 =	vbroadcast v49, $0x0;
	v58 =	vadd.s32 v20, v58  }
0x12f: {  	v53 =	vld [tilespmem:s31+$0xFFFFFF40];
	v56 =	vshll.u32 v56, v1;
	v6 =	vshll.u32 v4, v1;
	v63 =	vadd.s32 v22, v63  }
0x130: {  	v59 =	vld [tilespmem:s31+$0x1C0];
	v4 =	vshll.u32 v2, v1;
	v52 =	vbroadcast v52, $0x0;
	v49 =	vadd.s32 v24, v49  }
0x131: {  	v51 =	vld [tilespmem:s31+$0xFFFFFF00];
	v54 =	vbroadcast v54, $0x0;
	v56 =	vbroadcast v56, $0x0;
	v61 =	vadd.s32 v21, v61;
	[tilespmem:v55+s29+$0x0] =	vst.idx.msk $0xffff, v60  }
0x132: {  	v7 =	vbroadcast v6, $0x0;
	v6 =	vshll.u32 v33, v1;
	v48 =	vadd.s32 v23, v48;
	v55 =	vld [tilespmem:s31+$0xFFFFFF80];
	[tilespmem:v57+s29+$0x0] =	vst.idx.msk $0xffff, v62  }
0x133: {  	v3 =	vshrl.u32 v40, $0x3;
	v52 =	vadd.s32 v24, v52;
	v54 =	vadd.s32 v17, v54;
	v57 =	vld [tilespmem:s31+$0xFFFFFFC0];
	[tilespmem:v58+s29+$0x0] =	vst.idx.msk $0xffff, v50  }
0x134: {  	v0 =	vshrl.u32 v44, $0x3;
	v56 =	vadd.s32 v18, v56;
	v50 =	vld [tilespmem:s31+$0x0];
	v62 =	vshll.u32 v3, v1;
	[tilespmem:v63+s29+$0x0] =	vst.idx.msk $0xffff, v53  }
0x135: {  	v53 =	vld [tilespmem:s31+$0x80];
	v58 =	vadd.s32 v19, v7;
	v60 =	vbroadcast v4, $0x0;
	[tilespmem:v49+s29+$0x0] =	vst.idx.msk $0xffff, v59;
	v59 =	vbroadcast v62, $0x0  }
0x136: {  	[tilespmem:v61+s29+$0x0] =	vst.idx.msk $0xffff, v51;
	v51 =	vld [tilespmem:s31+$0x40];
	v61 =	vshll.u32 v0, v1;
	v7 =	vmov s26;
	v49 =	vshrl.u32 v34, $0x3  }
0x137: {  	s0 =	simm.s32 $0x11;
	v4 =	vld [tilespmem:s31+$0xC0];
	v5 =	vbroadcast v61, $0x0;
	v49 =	vshll.u32 v49, v1;
	v62 =	vadd.s32 v20, v59;
	[tilespmem:v48+s29+$0x0] =	vst.idx.msk $0xffff, v55  }
0x138: {  	v2 =	vld [tilespmem:s31+$0x100];
	v61 =	vmov s0;
	v49 =	vbroadcast v49, $0x0;
	v59 =	vadd.s32 v21, v60;
	[tilespmem:v52+s29+$0x0] =	vst.idx.msk $0xffff, v57  }
0x139: {  	s1 =	simm.s32 $0x12;
	s12 =	simm.s32 $0x13;
	v0 =	vld [tilespmem:s31+$0x140];
	v60 =	vadd.s32 v22, v5;
	v55 =	vbroadcast v6, $0x0;
	[tilespmem:v54+s29+$0x0] =	vst.idx.msk $0xffff, v50;
	v48 =	vshrl.u32 v7, $0x3  }
0x13a: {  	s24 =	simm.s32 $0x14;
	s5 =	simm.s32 $0x15;
	s6 =	simm.s32 $0x17;
	v3 =	vld [tilespmem:s31+$0x180];
	v6 =	vmov s1;
	[tilespmem:v58+s29+$0x0] =	vst.idx.msk $0xffff, v53;
	v58 =	vmov s12;
	v5 =	vadd.s32 v23, v49  }
0x13b: {  	s7 =	simm.s32 $0x18;
	s9 =	simm.s32 $0x1A;
	p4 =	por $0x1, $0x1;
	[tilespmem:v56+s29+$0x0] =	vst.idx.msk $0xffff, v51;
	v7 =	vld [tilespmem:s31+$0xFFFFFE00];
	v54 =	vmov s24;
	v52 =	vmov s5;
	v63 =	vadd.s32 v17, v55  }
.Ltmp5:
0x13c: {  	s10 =	simm.s32 $0x1B;
	v50 =	vmov s6;
	v51 =	vmov s7;
	v57 =	vmov s9;
	s24 =	simm.s32 $0x1E;
	[tilespmem:v62+s29+$0x0] =	vst.idx.msk $0xffff, v4;
	(pc) =	sbr.rel @!p4 .LBB2_8-.Ltmp5, $4  }
0x13d: {  	s8 =	simm.s32 $0x19;
	v53 =	vmov s10;
	v56 =	vmov s24;
	v58 =	vshrl.u32 v58, $0x3;
	[tilespmem:v59+s29+$0x0] =	vst.idx.msk $0xffff, v2  }
0x13e: {  	s11 =	simm.s32 $0x1C;
	s5 =	simm.s32 $0x16;
	s12 =	simm.s32 $0x1D;
	v54 =	vshrl.u32 v54, $0x3;
	v52 =	vshrl.u32 v52, $0x3;
	v55 =	vmov s8;
	[tilespmem:v60+s29+$0x0] =	vst.idx.msk $0xffff, v0  }
0x13f: {  	p3 =	por $0x1, $0x1;
	v4 =	vmov s5;
	v60 =	vmov s11;
	v59 =	vmov s12;
	[tilespmem:v5+s29+$0x0] =	vst.idx.msk $0xffff, v3  }
0x140: {  	s0 =	simm.s32 $0x1B20;
	s1 =	simm.s32 $0x20;
	v62 =	vshrl.u32 v61, $0x3;
	v61 =	vshrl.u32 v6, $0x3;
	s5 =	simm.s32 $0x1F;
	v49 =	vshrl.u32 v4, $0x3;
	[tilespmem:v63+s29+$0x0] =	vst.idx.msk $0xffff, v7  }
.LBB2_9:
0x141: {  	p4 =	slt.u32 s1, $0x70;
	v50 =	vshrl.u32 v50, $0x3;
	v51 =	vshrl.u32 v51, $0x3;
	v63 =	vmov s5  }
0x142: {  	v55 =	vshrl.u32 v55, $0x3;
	v57 =	vshrl.u32 v57, $0x3;
	v63 =	vshrl.u32 v63, $0x3  }
0x143: {  	v53 =	vshrl.u32 v53, $0x3;
	v60 =	vshrl.u32 v60, $0x3;
	v63 =	vshll.u32 v63, v1  }
0x144: {  	v62 =	vshll.u32 v62, v1;
	v59 =	vshrl.u32 v59, $0x3;
	v63 =	vbroadcast v63, $0x0  }
0x145: {  	v61 =	vshll.u32 v61, v1;
	v56 =	vshrl.u32 v56, $0x3;
	s0 =	sadd.s32 $0x400, s0;
	v62 =	vbroadcast v62, $0x0  }
0x146: {  	v58 =	vshll.u32 v58, v1;
	v61 =	vbroadcast v61, $0x0;
	v0 =	vld [tilespmem:s0+$0x1C0];
	v63 =	vadd.s32 v24, v63  }
0x147: {  	v54 =	vshll.u32 v54, v1;
	v58 =	vbroadcast v58, $0x0;
	v62 =	vadd.s32 v18, v62;
	v2 =	vld [tilespmem:s0+$0xFFFFFE40]  }
0x148: {  	v52 =	vshll.u32 v52, v1;
	v54 =	vbroadcast v54, $0x0;
	v61 =	vadd.s32 v19, v61;
	v3 =	vld [tilespmem:s0+$0xFFFFFE80]  }
0x149: {  	v49 =	vshll.u32 v49, v1;
	v52 =	vbroadcast v52, $0x0;
	v58 =	vadd.s32 v20, v58;
	v4 =	vld [tilespmem:s0+$0xFFFFFEC0]  }
0x14a: {  	v49 =	vbroadcast v49, $0x0;
	v50 =	vshll.u32 v50, v1;
	v54 =	vadd.s32 v21, v54;
	v5 =	vld [tilespmem:s0+$0xFFFFFF00]  }
0x14b: {  	v51 =	vshll.u32 v51, v1;
	v50 =	vbroadcast v50, $0x0;
	v52 =	vadd.s32 v22, v52;
	v6 =	vld [tilespmem:s0+$0xFFFFFF40];
	[tilespmem:v63+s29+$0x0] =	vst.idx.msk $0xffff, v0  }
0x14c: {  	[tilespmem:v62+s29+$0x0] =	vst.idx.msk $0xffff, v2;
	v0 =	vld [tilespmem:s0+$0xFFFFFF80];
	v2 =	vadd.s32 v23, v49;
	v49 =	vbroadcast v51, $0x0;
	v51 =	vshll.u32 v55, v1  }
0x14d: {  	v50 =	vadd.s32 v24, v50;
	v55 =	vshll.u32 v57, v1;
	[tilespmem:v61+s29+$0x0] =	vst.idx.msk $0xffff, v3;
	v3 =	vld [tilespmem:s0+$0xFFFFFFC0];
	v51 =	vbroadcast v51, $0x0  }
0x14e: {  	v53 =	vshll.u32 v53, v1;
	v55 =	vbroadcast v55, $0x0;
	[tilespmem:v58+s29+$0x0] =	vst.idx.msk $0xffff, v4;
	v4 =	vld [tilespmem:s0+$0x0];
	v49 =	vadd.s32 v17, v49  }
0x14f: {  	v53 =	vbroadcast v53, $0x0;
	[tilespmem:v54+s29+$0x0] =	vst.idx.msk $0xffff, v5;
	v5 =	vld [tilespmem:s0+$0x40];
	v51 =	vadd.s32 v18, v51;
	v54 =	vshll.u32 v60, v1  }
0x150: {  	[tilespmem:v52+s29+$0x0] =	vst.idx.msk $0xffff, v6;
	v6 =	vld [tilespmem:s0+$0x80];
	v52 =	vadd.s32 v19, v55;
	v54 =	vbroadcast v54, $0x0;
	v55 =	vshll.u32 v59, v1  }
0x151: {  	[tilespmem:v2+s29+$0x0] =	vst.idx.msk $0xffff, v0;
	v0 =	vld [tilespmem:s0+$0xC0];
	v2 =	vadd.s32 v20, v53;
	v53 =	vbroadcast v55, $0x0;
	v55 =	vshll.u32 v56, v1  }
0x152: {  	v48 =	vshll.u32 v48, v1;
	[tilespmem:v50+s29+$0x0] =	vst.idx.msk $0xffff, v3;
	v3 =	vld [tilespmem:s0+$0x100];
	v54 =	vadd.s32 v21, v54;
	v50 =	vbroadcast v55, $0x0  }
0x153: {  	s7 =	sadd.s32 $0x5, s1;
	v56 =	vbroadcast v48, $0x0;
	v55 =	vmov s1;
	[tilespmem:v49+s29+$0x0] =	vst.idx.msk $0xffff, v4;
	v4 =	vld [tilespmem:s0+$0x140];
	v49 =	vadd.s32 v22, v53  }
0x154: {  	s5 =	sadd.s32 $0x1, s1;
	s6 =	sadd.s32 $0x2, s1;
	v9 =	vmov s7;
	v48 =	vshrl.u32 v55, $0x3;
	[tilespmem:v51+s29+$0x0] =	vst.idx.msk $0xffff, v5;
	v5 =	vld [tilespmem:s0+$0x180];
	v58 =	vadd.s32 v23, v50  }
0x155: {  	s7 =	sadd.s32 $0x8, s1;
	v63 =	vmov s6;
	s6 =	sadd.s32 $0x4, s1;
	v61 =	vmov s5;
	s5 =	sadd.s32 $0x3, s1;
	v8 =	vadd.s32 v17, v56;
	v7 =	vld [tilespmem:s0+$0xFFFFFE00];
	[tilespmem:v52+s29+$0x0] =	vst.idx.msk $0xffff, v6  }
0x156: {  	v51 =	vmov s7;
	s7 =	sadd.s32 $0xB, s1;
	v6 =	vmov s5;
	v52 =	vmov s6;
	s5 =	sadd.s32 $0x6, s1;
	s6 =	sadd.s32 $0x7, s1;
	[tilespmem:v2+s29+$0x0] =	vst.idx.msk $0xffff, v0  }
.Ltmp6:
0x157: {  	v0 =	vmov s5;
	v50 =	vmov s6;
	s5 =	sadd.s32 $0x9, s1;
	s6 =	sadd.s32 $0xA, s1;
	[tilespmem:v54+s29+$0x0] =	vst.idx.msk $0xffff, v3;
	(pc) =	sbr.rel @p4 .LBB2_9-.Ltmp6, $4  }
0x158: {  	v53 =	vmov s7;
	s7 =	sadd.s32 $0xE, s1;
	v55 =	vmov s5;
	v57 =	vmov s6;
	s5 =	sadd.s32 $0xC, s1;
	s6 =	sadd.s32 $0xD, s1;
	[tilespmem:v49+s29+$0x0] =	vst.idx.msk $0xffff, v4  }
0x159: {  	v56 =	vmov s7;
	v60 =	vmov s5;
	v59 =	vmov s6;
	[tilespmem:v58+s29+$0x0] =	vst.idx.msk $0xffff, v5  }
0x15a: {  	v62 =	vshrl.u32 v61, $0x3;
	v61 =	vshrl.u32 v63, $0x3;
	v58 =	vshrl.u32 v6, $0x3;
	[tilespmem:v8+s29+$0x0] =	vst.idx.msk $0xffff, v7  }
0x15b: {  	v54 =	vshrl.u32 v52, $0x3;
	v52 =	vshrl.u32 v9, $0x3;
	v49 =	vshrl.u32 v0, $0x3;
	s5 =	sadd.s32 $0xF, s1;
	s1 =	sadd.s32 $0x10, s1  }
.LBB2_10:
0x15c: {  	v0 =	vshrl.u32 v50, $0x3;
	v2 =	vshrl.u32 v51, $0x3;
	v3 =	vmov s5  }
0x15d: {  	v4 =	vshrl.u32 v55, $0x3;
	v5 =	vshrl.u32 v57, $0x3;
	v6 =	vshrl.u32 v53, $0x3  }
0x15e: {  	v7 =	vshrl.u32 v60, $0x3;
	v8 =	vshll.u32 v62, v1;
	v9 =	vshrl.u32 v59, $0x3  }
0x15f: {  	s0 =	sadd.s32 @p3 $0x400, s0;
	v62 =	vshll.u32 v61, v1;
	v3 =	vshrl.u32 v3, $0x3;
	v8 =	vbroadcast v8, $0x0  }
0x160: {  	v51 =	vshrl.u32 v56, $0x3;
	s31 =	smov.u32 @p3 s0;
	v50 =	vbroadcast v62, $0x0;
	v3 =	vshll.u32 v3, v1  }
0x161: {  	v63 =	vshll.u32 v58, v1;
	v56 =	vld [tilespmem:s31+$0xFFFFFE40];
	v3 =	vbroadcast v3, $0x0;
	v8 =	vadd.s32 v18, v8  }
0x162: {  	v54 =	vshll.u32 v54, v1;
	v53 =	vbroadcast v63, $0x0;
	v57 =	vld [tilespmem:s31+$0xFFFFFE80];
	v50 =	vadd.s32 v19, v50  }
0x163: {  	v52 =	vshll.u32 v52, v1;
	v54 =	vbroadcast v54, $0x0;
	v55 =	vld [tilespmem:s31+$0x1C0];
	v3 =	vadd.s32 v24, v3  }
0x164: {  	v52 =	vbroadcast v52, $0x0;
	v0 =	vshll.u32 v0, v1;
	v58 =	vld [tilespmem:s31+$0xFFFFFEC0];
	v53 =	vadd.s32 v20, v53  }
0x165: {  	v49 =	vshll.u32 v49, v1;
	v59 =	vld [tilespmem:s31+$0xFFFFFF00];
	v0 =	vbroadcast v0, $0x0;
	v54 =	vadd.s32 v21, v54  }
0x166: {  	v48 =	vshll.u32 v48, v1;
	v49 =	vbroadcast v49, $0x0;
	v60 =	vld [tilespmem:s31+$0xFFFFFF40];
	v52 =	vadd.s32 v22, v52;
	[tilespmem:v8+s29+$0x0] =	vst.idx.msk $0xffff, v56  }
0x167: {  	v2 =	vshll.u32 v2, v1;
	v48 =	vbroadcast v48, $0x0;
	v0 =	vadd.s32 v24, v0;
	[tilespmem:v50+s29+$0x0] =	vst.idx.msk $0xffff, v57;
	v57 =	vld [tilespmem:s31+$0xFFFFFFC0]  }
0x168: {  	v5 =	vshll.u32 v5, v1;
	v2 =	vbroadcast v2, $0x0;
	v8 =	vadd.s32 v23, v49;
	[tilespmem:v3+s29+$0x0] =	vst.idx.msk $0xffff, v55;
	v3 =	vld [tilespmem:s31+$0xFFFFFF80]  }
0x169: {  	v4 =	vshll.u32 v4, v1;
	v5 =	vbroadcast v5, $0x0;
	v63 =	vld [tilespmem:s31+$0xFFFFFE00];
	v48 =	vadd.s32 v17, v48;
	[tilespmem:v53+s29+$0x0] =	vst.idx.msk $0xffff, v58  }
0x16a: {  	v7 =	vshll.u32 v7, v1;
	v4 =	vbroadcast v4, $0x0;
	v2 =	vadd.s32 v17, v2;
	v58 =	vld [tilespmem:s31+$0x0];
	[tilespmem:v54+s29+$0x0] =	vst.idx.msk $0xffff, v59  }
0x16b: {  	v6 =	vshll.u32 v6, v1;
	v61 =	vld [tilespmem:s31+$0x80];
	v7 =	vbroadcast v7, $0x0;
	v5 =	vadd.s32 v19, v5;
	[tilespmem:v52+s29+$0x0] =	vst.idx.msk $0xffff, v60  }
0x16c: {  	v9 =	vshll.u32 v9, v1;
	v6 =	vbroadcast v6, $0x0;
	v4 =	vadd.s32 v18, v4;
	v59 =	vld [tilespmem:s31+$0x40];
	[tilespmem:v0+s29+$0x0] =	vst.idx.msk $0xffff, v57  }
0x16d: {  	v7 =	vadd.s32 v21, v7;
	v0 =	vld [tilespmem:s31+$0x100];
	[tilespmem:v8+s29+$0x0] =	vst.idx.msk $0xffff, v3;
	v8 =	vbroadcast v9, $0x0;
	v9 =	vshll.u32 v51, v1  }
0x16e: {  	v6 =	vadd.s32 v20, v6;
	[tilespmem:v48+s29+$0x0] =	vst.idx.msk $0xffff, v63;
	v3 =	vld [tilespmem:s31+$0xC0];
	v9 =	vbroadcast v9, $0x0  }
0x16f: {  	[tilespmem:v2+s29+$0x0] =	vst.idx.msk $0xffff, v58;
	v2 =	vld [tilespmem:s31+$0x140];
	v8 =	vadd.s32 v22, v8  }
0x170: {  	v62 =	vld [tilespmem:s31+$0x180];
	[tilespmem:v5+s29+$0x0] =	vst.idx.msk $0xffff, v61;
	v9 =	vadd.s32 v23, v9  }
.Ltmp7:
0x171: {  	[tilespmem:v4+s29+$0x0] =	vst.idx.msk $0xffff, v59;
	(pc) =	sbr.rel @!p2 .LBB2_11-.Ltmp7, $4  }
0x172: {  	[tilespmem:v7+s29+$0x0] =	vst.idx.msk $0xffff, v0  }
0x173: {  	[tilespmem:v6+s29+$0x0] =	vst.idx.msk $0xffff, v3  }
0x174: {  	[tilespmem:v8+s29+$0x0] =	vst.idx.msk $0xffff, v2  }
0x175: {  	s1 =	simm.s32 $0x1B30;
	[tilespmem:v9+s29+$0x0] =	vst.idx.msk $0xffff, v62  }
0x176: {  	v0 =	vshrl.u32 v39, $0x3;
	v2 =	vmov s30  }
0x177: {  	v3 =	vshrl.u32 v38, $0x3;
	v4 =	vshrl.u32 v43, $0x3;
	v5 =	vshrl.u32 v41, $0x3  }
0x178: {  	v6 =	vshrl.u32 v40, $0x3;
	v7 =	vshrl.u32 v46, $0x3;
	v8 =	vshll.u32 v47, v1  }
0x179: {  	v9 =	vshrl.u32 v44, $0x3;
	v57 =	vshll.u32 v45, v1;
	v58 =	vshll.u32 v42, v1  }
0x17a: {  	v37 =	vshll.u32 v37, v1;
	v36 =	vshll.u32 v36, v1;
	v8 =	vbroadcast v8, $0x0  }
0x17b: {  	v35 =	vshll.u32 v35, v1;
	v56 =	vmov s26;
	v38 =	vbroadcast v57, $0x0  }
0x17c: {  	v60 =	vld [tilespmem:s1+$0xFFFFFE40];
	v2 =	vshrl.u32 v2, $0x3;
	v39 =	vbroadcast v58, $0x0;
	v8 =	vadd.s32 v26, v8  }
0x17d: {  	v61 =	vld [tilespmem:s1+$0xFFFFFE80];
	v37 =	vbroadcast v37, $0x0;
	v2 =	vshll.u32 v2, v1;
	v38 =	vadd.s32 v27, v38  }
0x17e: {  	v62 =	vld [tilespmem:s1+$0xFFFFFEC0];
	v36 =	vbroadcast v36, $0x0;
	v2 =	vbroadcast v2, $0x0;
	v39 =	vadd.s32 v28, v39  }
0x17f: {  	v63 =	vld [tilespmem:s1+$0xFFFFFF00];
	v0 =	vshll.u32 v0, v1;
	v3 =	vshll.u32 v3, v1;
	v37 =	vadd.s32 v29, v37  }
0x180: {  	v59 =	vld [tilespmem:s1+$0x1C0];
	v4 =	vshll.u32 v4, v1;
	v0 =	vbroadcast v0, $0x0;
	v2 =	vadd.s32 v32, v2  }
0x181: {  	v48 =	vld [tilespmem:s1+$0xFFFFFF40];
	v35 =	vbroadcast v35, $0x0;
	v5 =	vshll.u32 v5, v1;
	v36 =	vadd.s32 v30, v36;
	[tilespmem:v8+s29+$0x0] =	vst.idx.msk $0xffff, v60  }
0x182: {  	v50 =	vld [tilespmem:s1+$0xFFFFFFC0];
	v6 =	vshll.u32 v6, v1;
	v3 =	vbroadcast v3, $0x0;
	v0 =	vadd.s32 v32, v0;
	[tilespmem:v38+s29+$0x0] =	vst.idx.msk $0xffff, v61  }
0x183: {  	v7 =	vshll.u32 v7, v1;
	v4 =	vbroadcast v4, $0x0;
	v49 =	vadd.s32 v31, v35;
	v8 =	vld [tilespmem:s1+$0xFFFFFF80];
	[tilespmem:v39+s29+$0x0] =	vst.idx.msk $0xffff, v62  }
0x184: {  	v51 =	vld [tilespmem:s1+$0x0];
	v9 =	vshll.u32 v9, v1;
	v5 =	vbroadcast v5, $0x0;
	v3 =	vadd.s32 v25, v3;
	[tilespmem:v37+s29+$0x0] =	vst.idx.msk $0xffff, v63  }
0x185: {  	v52 =	vld [tilespmem:s1+$0x40];
	v6 =	vbroadcast v6, $0x0;
	v4 =	vadd.s32 v26, v4;
	[tilespmem:v2+s29+$0x0] =	vst.idx.msk $0xffff, v59;
	v2 =	vshrl.u32 v34, $0x3  }
0x186: {  	v53 =	vld [tilespmem:s1+$0x80];
	s10 =	simm.s32 $0x19;
	v7 =	vbroadcast v7, $0x0;
	v5 =	vadd.s32 v27, v5;
	[tilespmem:v36+s29+$0x0] =	vst.idx.msk $0xffff, v48;
	v2 =	vshll.u32 v2, v1  }
0x187: {  	v54 =	vld [tilespmem:s1+$0xC0];
	v43 =	vmov s10;
	v6 =	vadd.s32 v28, v6;
	[tilespmem:v0+s29+$0x0] =	vst.idx.msk $0xffff, v50;
	v2 =	vbroadcast v2, $0x0  }
0x188: {  	v55 =	vld [tilespmem:s1+$0x100];
	s11 =	simm.s32 $0x1A;
	v0 =	vadd.s32 v29, v7;
	[tilespmem:v49+s29+$0x0] =	vst.idx.msk $0xffff, v8;
	v8 =	vbroadcast v9, $0x0;
	v9 =	vshll.u32 v33, v1  }
0x189: {  	s12 =	simm.s32 $0x1B;
	s24 =	simm.s32 $0x1C;
	v58 =	vld [tilespmem:s1+$0x180];
	v41 =	vmov s11;
	[tilespmem:v3+s29+$0x0] =	vst.idx.msk $0xffff, v51;
	v9 =	vbroadcast v9, $0x0;
	v2 =	vadd.s32 v31, v2  }
0x18a: {  	s26 =	simm.s32 $0x13;
	s31 =	simm.s32 $0x14;
	s6 =	simm.s32 $0x15;
	v57 =	vld [tilespmem:s1+$0x140];
	v40 =	vmov s12;
	v46 =	vmov s24;
	[tilespmem:v4+s29+$0x0] =	vst.idx.msk $0xffff, v52;
	v3 =	vadd.s32 v30, v8  }
0x18b: {  	s7 =	simm.s32 $0x16;
	s8 =	simm.s32 $0x17;
	p2 =	por $0x1, $0x1;
	v60 =	vld [tilespmem:s1+$0xFFFFFE00];
	v61 =	vmov s26;
	v62 =	vmov s31;
	[tilespmem:v5+s29+$0x0] =	vst.idx.msk $0xffff, v53;
	v9 =	vadd.s32 v25, v9  }
.Ltmp8:
0x18c: {  	s9 =	simm.s32 $0x18;
	v48 =	vmov s6;
	v63 =	vmov s7;
	v39 =	vmov s8;
	s26 =	simm.s32 $0x1D;
	[tilespmem:v6+s29+$0x0] =	vst.idx.msk $0xffff, v54;
	(pc) =	sbr.rel @!p2 .LBB2_13-.Ltmp8, $4  }
0x18d: {  	v38 =	vmov s9;
	v44 =	vmov s26;
	v42 =	vshrl.u32 v61, $0x3;
	[tilespmem:v0+s29+$0x0] =	vst.idx.msk $0xffff, v55  }
0x18e: {  	s0 =	simm.s32 $0x11;
	s5 =	simm.s32 $0x12;
	s31 =	simm.s32 $0x1E;
	v37 =	vshrl.u32 v62, $0x3;
	v36 =	vshrl.u32 v48, $0x3;
	v35 =	vshrl.u32 v63, $0x3;
	[tilespmem:v2+s29+$0x0] =	vst.idx.msk $0xffff, v58  }
0x18f: {  	s30 =	simm.s32 $0x1F;
	v59 =	vmov s0;
	v34 =	vmov s31;
	v8 =	vmov s5;
	[tilespmem:v3+s29+$0x0] =	vst.idx.msk $0xffff, v57  }
0x190: {  	p1 =	por $0x1, $0x1;
	s0 =	simm.s32 $0x1B30;
	v47 =	vshrl.u32 v59, $0x3;
	v33 =	vshrl.u32 v56, $0x3;
	s5 =	simm.s32 $0x20;
	v45 =	vshrl.u32 v8, $0x3;
	[tilespmem:v9+s29+$0x0] =	vst.idx.msk $0xffff, v60  }
.LBB2_14:
0x191: {  	p2 =	slt.u32 s5, $0x70;
	v0 =	vshrl.u32 v39, $0x3;
	v2 =	vshrl.u32 v38, $0x3;
	v3 =	vmov s30  }
0x192: {  	v4 =	vshrl.u32 v43, $0x3;
	v5 =	vshrl.u32 v41, $0x3;
	v3 =	vshrl.u32 v3, $0x3  }
0x193: {  	v6 =	vshrl.u32 v40, $0x3;
	v7 =	vshrl.u32 v46, $0x3;
	v3 =	vshll.u32 v3, v1  }
0x194: {  	v8 =	vshll.u32 v47, v1;
	v9 =	vshrl.u32 v44, $0x3;
	v3 =	vbroadcast v3, $0x0  }
0x195: {  	v38 =	vshll.u32 v45, v1;
	v34 =	vshrl.u32 v34, $0x3;
	s0 =	sadd.s32 $0x400, s0;
	v8 =	vbroadcast v8, $0x0  }
0x196: {  	v39 =	vshll.u32 v42, v1;
	v38 =	vbroadcast v38, $0x0;
	v40 =	vld [tilespmem:s0+$0x1C0];
	v3 =	vadd.s32 v32, v3  }
0x197: {  	v37 =	vshll.u32 v37, v1;
	v39 =	vbroadcast v39, $0x0;
	v8 =	vadd.s32 v26, v8;
	v41 =	vld [tilespmem:s0+$0xFFFFFE40]  }
0x198: {  	v36 =	vshll.u32 v36, v1;
	v37 =	vbroadcast v37, $0x0;
	v38 =	vadd.s32 v27, v38;
	v42 =	vld [tilespmem:s0+$0xFFFFFE80]  }
0x199: {  	v35 =	vshll.u32 v35, v1;
	v36 =	vbroadcast v36, $0x0;
	v39 =	vadd.s32 v28, v39;
	v43 =	vld [tilespmem:s0+$0xFFFFFEC0]  }
0x19a: {  	v35 =	vbroadcast v35, $0x0;
	v0 =	vshll.u32 v0, v1;
	v37 =	vadd.s32 v29, v37;
	v44 =	vld [tilespmem:s0+$0xFFFFFF00]  }
0x19b: {  	v2 =	vshll.u32 v2, v1;
	v0 =	vbroadcast v0, $0x0;
	v36 =	vadd.s32 v30, v36;
	v45 =	vld [tilespmem:s0+$0xFFFFFF40];
	[tilespmem:v3+s29+$0x0] =	vst.idx.msk $0xffff, v40  }
0x19c: {  	v4 =	vshll.u32 v4, v1;
	v2 =	vbroadcast v2, $0x0;
	[tilespmem:v8+s29+$0x0] =	vst.idx.msk $0xffff, v41;
	v3 =	vld [tilespmem:s0+$0xFFFFFF80];
	v8 =	vadd.s32 v31, v35  }
0x19d: {  	v5 =	vshll.u32 v5, v1;
	v4 =	vbroadcast v4, $0x0;
	v0 =	vadd.s32 v32, v0;
	[tilespmem:v38+s29+$0x0] =	vst.idx.msk $0xffff, v42;
	v35 =	vld [tilespmem:s0+$0xFFFFFFC0]  }
0x19e: {  	v6 =	vshll.u32 v6, v1;
	v5 =	vbroadcast v5, $0x0;
	v2 =	vadd.s32 v25, v2;
	[tilespmem:v39+s29+$0x0] =	vst.idx.msk $0xffff, v43;
	v38 =	vld [tilespmem:s0+$0x0]  }
0x19f: {  	v7 =	vshll.u32 v7, v1;
	v6 =	vbroadcast v6, $0x0;
	v4 =	vadd.s32 v26, v4;
	[tilespmem:v37+s29+$0x0] =	vst.idx.msk $0xffff, v44;
	v37 =	vld [tilespmem:s0+$0x40]  }
0x1a0: {  	v9 =	vshll.u32 v9, v1;
	v7 =	vbroadcast v7, $0x0;
	v5 =	vadd.s32 v27, v5;
	[tilespmem:v36+s29+$0x0] =	vst.idx.msk $0xffff, v45;
	v36 =	vld [tilespmem:s0+$0x80]  }
0x1a1: {  	v6 =	vadd.s32 v28, v6;
	[tilespmem:v8+s29+$0x0] =	vst.idx.msk $0xffff, v3;
	v3 =	vld [tilespmem:s0+$0xC0];
	v8 =	vbroadcast v9, $0x0;
	v9 =	vshll.u32 v34, v1  }
0x1a2: {  	v33 =	vshll.u32 v33, v1;
	v7 =	vadd.s32 v29, v7;
	[tilespmem:v0+s29+$0x0] =	vst.idx.msk $0xffff, v35;
	v0 =	vld [tilespmem:s0+$0x100];
	v9 =	vbroadcast v9, $0x0  }
0x1a3: {  	s8 =	sadd.s32 $0x5, s5;
	v34 =	vmov s5;
	v35 =	vbroadcast v33, $0x0;
	[tilespmem:v2+s29+$0x0] =	vst.idx.msk $0xffff, v38;
	v2 =	vld [tilespmem:s0+$0x140];
	v8 =	vadd.s32 v30, v8  }
0x1a4: {  	s6 =	sadd.s32 $0x1, s5;
	s7 =	sadd.s32 $0x2, s5;
	v49 =	vmov s8;
	v33 =	vshrl.u32 v34, $0x3;
	[tilespmem:v4+s29+$0x0] =	vst.idx.msk $0xffff, v37;
	v4 =	vld [tilespmem:s0+$0x180];
	v9 =	vadd.s32 v31, v9  }
0x1a5: {  	s8 =	sadd.s32 $0x8, s5;
	v42 =	vmov s7;
	s7 =	sadd.s32 $0x4, s5;
	v37 =	vmov s6;
	s6 =	sadd.s32 $0x3, s5;
	v35 =	vadd.s32 v25, v35;
	v48 =	vld [tilespmem:s0+$0xFFFFFE00];
	[tilespmem:v5+s29+$0x0] =	vst.idx.msk $0xffff, v36  }
0x1a6: {  	v38 =	vmov s8;
	s8 =	sadd.s32 $0xB, s5;
	v5 =	vmov s6;
	v36 =	vmov s7;
	s6 =	sadd.s32 $0x6, s5;
	s7 =	sadd.s32 $0x7, s5;
	[tilespmem:v6+s29+$0x0] =	vst.idx.msk $0xffff, v3  }
.Ltmp9:
0x1a7: {  	v3 =	vmov s6;
	v39 =	vmov s7;
	s6 =	sadd.s32 $0x9, s5;
	s7 =	sadd.s32 $0xA, s5;
	[tilespmem:v7+s29+$0x0] =	vst.idx.msk $0xffff, v0;
	(pc) =	sbr.rel @p2 .LBB2_14-.Ltmp9, $4  }
0x1a8: {  	v40 =	vmov s8;
	s8 =	sadd.s32 $0xE, s5;
	v43 =	vmov s6;
	v41 =	vmov s7;
	s6 =	sadd.s32 $0xC, s5;
	s7 =	sadd.s32 $0xD, s5;
	[tilespmem:v8+s29+$0x0] =	vst.idx.msk $0xffff, v2  }
0x1a9: {  	v34 =	vmov s8;
	v46 =	vmov s6;
	v44 =	vmov s7;
	[tilespmem:v9+s29+$0x0] =	vst.idx.msk $0xffff, v4  }
0x1aa: {  	v45 =	vshrl.u32 v42, $0x3;
	v47 =	vshrl.u32 v37, $0x3;
	v42 =	vshrl.u32 v5, $0x3;
	[tilespmem:v35+s29+$0x0] =	vst.idx.msk $0xffff, v48  }
0x1ab: {  	s30 =	sadd.s32 $0xF, s5;
	v37 =	vshrl.u32 v36, $0x3;
	v36 =	vshrl.u32 v49, $0x3;
	s5 =	sadd.s32 $0x10, s5;
	v35 =	vshrl.u32 v3, $0x3  }
.LBB2_15:
0x1ac: {  	v0 =	vshrl.u32 v39, $0x3;
	v2 =	vshrl.u32 v38, $0x3;
	v3 =	vmov s30  }
0x1ad: {  	v4 =	vshrl.u32 v43, $0x3;
	v5 =	vshrl.u32 v41, $0x3;
	v6 =	vshrl.u32 v40, $0x3  }
0x1ae: {  	v7 =	vshrl.u32 v46, $0x3;
	v8 =	vshll.u32 v47, v1;
	v3 =	vshrl.u32 v3, $0x3  }
0x1af: {  	v9 =	vshrl.u32 v44, $0x3;
	s0 =	sadd.s32 @p1 $0x400, s0;
	v8 =	vbroadcast v8, $0x0;
	v3 =	vshll.u32 v3, v1  }
0x1b0: {  	v50 =	vshll.u32 v45, v1;
	v34 =	vshrl.u32 v34, $0x3;
	s1 =	smov.u32 @p1 s0;
	v3 =	vbroadcast v3, $0x0  }
0x1b1: {  	v51 =	vshll.u32 v42, v1;
	v38 =	vbroadcast v50, $0x0;
	v53 =	vld [tilespmem:s1+$0xFFFFFE40];
	v8 =	vadd.s32 v26, v8  }
0x1b2: {  	v37 =	vshll.u32 v37, v1;
	v39 =	vbroadcast v51, $0x0;
	v52 =	vld [tilespmem:s1+$0x1C0];
	v3 =	vadd.s32 v32, v3  }
0x1b3: {  	v37 =	vbroadcast v37, $0x0;
	v0 =	vshll.u32 v0, v1;
	v54 =	vld [tilespmem:s1+$0xFFFFFE80];
	v38 =	vadd.s32 v27, v38  }
0x1b4: {  	v35 =	vshll.u32 v35, v1;
	v55 =	vld [tilespmem:s1+$0xFFFFFEC0];
	v0 =	vbroadcast v0, $0x0;
	v39 =	vadd.s32 v28, v39  }
0x1b5: {  	v36 =	vshll.u32 v36, v1;
	v35 =	vbroadcast v35, $0x0;
	v56 =	vld [tilespmem:s1+$0xFFFFFF00];
	v37 =	vadd.s32 v29, v37  }
0x1b6: {  	v36 =	vbroadcast v36, $0x0;
	v2 =	vshll.u32 v2, v1;
	v58 =	vld [tilespmem:s1+$0xFFFFFFC0];
	v0 =	vadd.s32 v32, v0;
	[tilespmem:v8+s29+$0x0] =	vst.idx.msk $0xffff, v53  }
0x1b7: {  	v4 =	vshll.u32 v4, v1;
	v2 =	vbroadcast v2, $0x0;
	v8 =	vadd.s32 v31, v35;
	[tilespmem:v3+s29+$0x0] =	vst.idx.msk $0xffff, v52;
	v3 =	vld [tilespmem:s1+$0xFFFFFF80]  }
0x1b8: {  	v5 =	vshll.u32 v5, v1;
	v57 =	vld [tilespmem:s1+$0xFFFFFF40];
	v4 =	vbroadcast v4, $0x0;
	v36 =	vadd.s32 v30, v36;
	[tilespmem:v38+s29+$0x0] =	vst.idx.msk $0xffff, v54  }
0x1b9: {  	v7 =	vshll.u32 v7, v1;
	v59 =	vld [tilespmem:s1+$0x0];
	v5 =	vbroadcast v5, $0x0;
	v2 =	vadd.s32 v25, v2;
	[tilespmem:v39+s29+$0x0] =	vst.idx.msk $0xffff, v55  }
0x1ba: {  	v6 =	vshll.u32 v6, v1;
	v60 =	vld [tilespmem:s1+$0x40];
	v7 =	vbroadcast v7, $0x0;
	v4 =	vadd.s32 v26, v4;
	[tilespmem:v37+s29+$0x0] =	vst.idx.msk $0xffff, v56  }
0x1bb: {  	v9 =	vshll.u32 v9, v1;
	v6 =	vbroadcast v6, $0x0;
	v61 =	vld [tilespmem:s1+$0x80];
	v5 =	vadd.s32 v27, v5;
	[tilespmem:v0+s29+$0x0] =	vst.idx.msk $0xffff, v58  }
0x1bc: {  	v7 =	vadd.s32 v29, v7;
	v0 =	vld [tilespmem:s1+$0x100];
	[tilespmem:v8+s29+$0x0] =	vst.idx.msk $0xffff, v3;
	v8 =	vbroadcast v9, $0x0;
	v9 =	vshll.u32 v34, v1  }
0x1bd: {  	v6 =	vadd.s32 v28, v6;
	[tilespmem:v36+s29+$0x0] =	vst.idx.msk $0xffff, v57;
	v3 =	vld [tilespmem:s1+$0xC0];
	v9 =	vbroadcast v9, $0x0  }
0x1be: {  	[tilespmem:v2+s29+$0x0] =	vst.idx.msk $0xffff, v59;
	v2 =	vld [tilespmem:s1+$0x140];
	v8 =	vadd.s32 v30, v8  }
0x1bf: {  	v33 =	vshll.u32 v33, v1;
	v62 =	vld [tilespmem:s1+$0x180];
	[tilespmem:v4+s29+$0x0] =	vst.idx.msk $0xffff, v60;
	v9 =	vadd.s32 v31, v9  }
0x1c0: {  	v33 =	vbroadcast v33, $0x0;
	[tilespmem:v5+s29+$0x0] =	vst.idx.msk $0xffff, v61  }
0x1c1: {  	[tilespmem:v7+s29+$0x0] =	vst.idx.msk $0xffff, v0  }
0x1c2: {  	v63 =	vld [tilespmem:s1+$0xFFFFFE00];
	v33 =	vadd.s32 v25, v33;
	[tilespmem:v6+s29+$0x0] =	vst.idx.msk $0xffff, v3  }
0x1c3: {  	[tilespmem:v8+s29+$0x0] =	vst.idx.msk $0xffff, v2  }
0x1c4: {  	[tilespmem:v9+s29+$0x0] =	vst.idx.msk $0xffff, v62  }
0x1c5: {  	s8 =	sshll.u32 s2, $0x10;
	s9 =	rddreg [dreg:$0x4]  }
0x1c6: {  	s10 =	rddreg [dreg:$0x1];
	s26 =	sor.u32 s9, s8  }
0x1c7: {  	[tilespmem:v33+s29+$0x0] =	vst.idx.msk $0xffff, v63;
	s0 =	sadd.s32 s10, s26  }
0x1c8: {  	[hbm4b:s0+s3] =	stream.linear.scatter [tilespmem:s29], [sflag:$0x3], $0x80, $0x38;
	[tilespmem:$0x9D00] =	vst v63  }
0x1c9: {  	s5 =	simm.s32 $0x5988;
	s11 =	sadd.s32 $0x10, s0  }
0x1ca: {  	[hbm4b:s11+s3] =	stream.linear.scatter [tilespmem:s5], [sflag:$0x3], $0x80, $0x38;
	[tilespmem:$0x9D00] =	vst v63  }
0x1cb: {  	s24 =	simm.s32 $0x5A10;
	s12 =	sadd.s32 $0x20, s0  }
0x1cc: {  	[hbm4b:s12+s3] =	stream.linear.scatter [tilespmem:s24], [sflag:$0x3], $0x80, $0x38;
	[tilespmem:$0x9D00] =	vst v63  }
0x1cd: {  	s31 =	simm.s32 $0x5A98;
	s30 =	sadd.s32 $0x30, s0  }
0x1ce: {  	[hbm4b:s30+s3] =	stream.linear.scatter [tilespmem:s31], [sflag:$0x3], $0x80, $0x38;
	[tilespmem:$0x9D00] =	vst v63  }
0x1cf: {  	s6 =	simm.s32 $0x5B20;
	s5 =	sadd.s32 $0x40, s0  }
0x1d0: {  	[hbm4b:s5+s3] =	stream.linear.scatter [tilespmem:s6], [sflag:$0x3], $0x80, $0x38;
	[tilespmem:$0x9D00] =	vst v63  }
0x1d1: {  	s8 =	simm.s32 $0x5BA8;
	s7 =	sadd.s32 $0x50, s0  }
0x1d2: {  	[hbm4b:s7+s3] =	stream.linear.scatter [tilespmem:s8], [sflag:$0x3], $0x80, $0x38;
	[tilespmem:$0x9D00] =	vst v63  }
0x1d3: {  	s10 =	simm.s32 $0x5C30;
	s9 =	sadd.s32 $0x60, s0  }
0x1d4: {  	[hbm4b:s9+s3] =	stream.linear.scatter [tilespmem:s10], [sflag:$0x3], $0x80, $0x38;
	[tilespmem:$0x9D00] =	vst v63  }
0x1d5: {  	s0 =	sadd.s32 $0x70, s0;
	s11 =	simm.s32 $0x5CB8;
	s12 =	rddreg [dreg:$0x5]  }
0x1d6: {  	[hbm4b:s0+s3] =	stream.linear.scatter [tilespmem:s11], [sflag:$0x3], $0x80, $0x38;
	[tilespmem:$0x9D00] =	vst v63  }
0x1d7: {  	s24 =	simm.s32 $0x5D40;
	s0 =	sadd.s32 s26, s12  }
0x1d8: {  	[hbm4b:s0+s3] =	stream.linear.scatter [tilespmem:s24], [sflag:$0x3], $0x80, $0x38;
	[tilespmem:$0x9D00] =	vst v63  }
0x1d9: {  	s31 =	simm.s32 $0x5DC8;
	s30 =	sadd.s32 $0x10, s0  }
0x1da: {  	[hbm4b:s30+s3] =	stream.linear.scatter [tilespmem:s31], [sflag:$0x3], $0x80, $0x38;
	[tilespmem:$0x9D00] =	vst v63  }
0x1db: {  	s6 =	simm.s32 $0x5E50;
	s5 =	sadd.s32 $0x20, s0  }
0x1dc: {  	[hbm4b:s5+s3] =	stream.linear.scatter [tilespmem:s6], [sflag:$0x3], $0x80, $0x38;
	[tilespmem:$0x9D00] =	vst v63  }
0x1dd: {  	s8 =	simm.s32 $0x5ED8;
	s7 =	sadd.s32 $0x30, s0  }
0x1de: {  	[hbm4b:s7+s3] =	stream.linear.scatter [tilespmem:s8], [sflag:$0x3], $0x80, $0x38;
	[tilespmem:$0x9D00] =	vst v63  }
0x1df: {  	s10 =	simm.s32 $0x5F60;
	s9 =	sadd.s32 $0x40, s0  }
0x1e0: {  	[hbm4b:s9+s3] =	stream.linear.scatter [tilespmem:s10], [sflag:$0x3], $0x80, $0x38;
	[tilespmem:$0x9D00] =	vst v63  }
0x1e1: {  	s12 =	simm.s32 $0x5FE8;
	s11 =	sadd.s32 $0x50, s0  }
0x1e2: {  	[hbm4b:s11+s3] =	stream.linear.scatter [tilespmem:s12], [sflag:$0x3], $0x80, $0x38;
	[tilespmem:$0x9D00] =	vst v63  }
0x1e3: {  	s24 =	sadd.s32 $0x60, s0;
	s30 =	simm.s32 $0x6070  }
0x1e4: {  	[hbm4b:s24+s3] =	stream.linear.scatter [tilespmem:s30], [sflag:$0x3], $0x80, $0x38;
	[tilespmem:$0x9D00] =	vst v63  }
0x1e5: {  	s1 =	rddreg [dreg:$0x6];
	s0 =	sadd.s32 $0x70, s0;
	s31 =	simm.s32 $0x60F8  }
0x1e6: {  	[hbm4b:s0+s3] =	stream.linear.scatter [tilespmem:s31], [sflag:$0x3], $0x80, $0x38;
	[tilespmem:$0x9D00] =	vst v63  }
0x1e7: {  	s5 =	simm.s32 $0x6180;
	s0 =	sadd.s32 s26, s1  }
0x1e8: {  	[hbm4b:s0+s3] =	stream.linear.scatter [tilespmem:s5], [sflag:$0x3], $0x80, $0x38;
	[tilespmem:$0x9D00] =	vst v63  }
0x1e9: {  	s7 =	simm.s32 $0x6208;
	s6 =	sadd.s32 $0x10, s0  }
0x1ea: {  	[hbm4b:s6+s3] =	stream.linear.scatter [tilespmem:s7], [sflag:$0x3], $0x80, $0x38;
	[tilespmem:$0x9D00] =	vst v63  }
0x1eb: {  	s9 =	simm.s32 $0x6290;
	s8 =	sadd.s32 $0x20, s0  }
0x1ec: {  	[hbm4b:s8+s3] =	stream.linear.scatter [tilespmem:s9], [sflag:$0x3], $0x80, $0x38;
	[tilespmem:$0x9D00] =	vst v63  }
0x1ed: {  	s11 =	simm.s32 $0x6318;
	s10 =	sadd.s32 $0x30, s0  }
0x1ee: {  	[hbm4b:s10+s3] =	stream.linear.scatter [tilespmem:s11], [sflag:$0x3], $0x80, $0x38;
	[tilespmem:$0x9D00] =	vst v63  }
0x1ef: {  	s24 =	simm.s32 $0x63A0;
	s12 =	sadd.s32 $0x40, s0  }
0x1f0: {  	[hbm4b:s12+s3] =	stream.linear.scatter [tilespmem:s24], [sflag:$0x3], $0x80, $0x38;
	[tilespmem:$0x9D00] =	vst v63  }
0x1f1: {  	s31 =	simm.s32 $0x6428;
	s30 =	sadd.s32 $0x50, s0  }
0x1f2: {  	[hbm4b:s30+s3] =	stream.linear.scatter [tilespmem:s31], [sflag:$0x3], $0x80, $0x38;
	[tilespmem:$0x9D00] =	vst v63  }
0x1f3: {  	s5 =	sadd.s32 $0x60, s0;
	s6 =	simm.s32 $0x64B0  }
0x1f4: {  	[hbm4b:s5+s3] =	stream.linear.scatter [tilespmem:s6], [sflag:$0x3], $0x80, $0x38;
	[tilespmem:$0x9D00] =	vst v63  }
0x1f5: {  	s0 =	sadd.s32 $0x70, s0;
	s7 =	simm.s32 $0x6538;
	s8 =	rddreg [dreg:$0x7]  }
0x1f6: {  	[hbm4b:s0+s3] =	stream.linear.scatter [tilespmem:s7], [sflag:$0x3], $0x80, $0x38;
	[tilespmem:$0x9D00] =	vst v63  }
0x1f7: {  	s9 =	simm.s32 $0x65C0;
	s0 =	sadd.s32 s26, s8  }
0x1f8: {  	[hbm4b:s0+s3] =	stream.linear.scatter [tilespmem:s9], [sflag:$0x3], $0x80, $0x38;
	[tilespmem:$0x9D00] =	vst v63  }
0x1f9: {  	s11 =	simm.s32 $0x6648;
	s10 =	sadd.s32 $0x10, s0  }
0x1fa: {  	[hbm4b:s10+s3] =	stream.linear.scatter [tilespmem:s11], [sflag:$0x3], $0x80, $0x38;
	[tilespmem:$0x9D00] =	vst v63  }
0x1fb: {  	s24 =	simm.s32 $0x66D0;
	s12 =	sadd.s32 $0x20, s0  }
0x1fc: {  	[hbm4b:s12+s3] =	stream.linear.scatter [tilespmem:s24], [sflag:$0x3], $0x80, $0x38;
	[tilespmem:$0x9D00] =	vst v63  }
0x1fd: {  	s31 =	simm.s32 $0x6758;
	s30 =	sadd.s32 $0x30, s0  }
0x1fe: {  	[hbm4b:s30+s3] =	stream.linear.scatter [tilespmem:s31], [sflag:$0x3], $0x80, $0x38;
	[tilespmem:$0x9D00] =	vst v63  }
0x1ff: {  	s6 =	simm.s32 $0x67E0;
	s5 =	sadd.s32 $0x40, s0  }
0x200: {  	[hbm4b:s5+s3] =	stream.linear.scatter [tilespmem:s6], [sflag:$0x3], $0x80, $0x38;
	[tilespmem:$0x9D00] =	vst v63  }
0x201: {  	s8 =	simm.s32 $0x6868;
	s7 =	sadd.s32 $0x50, s0  }
0x202: {  	[hbm4b:s7+s3] =	stream.linear.scatter [tilespmem:s8], [sflag:$0x3], $0x80, $0x38;
	[tilespmem:$0x9D00] =	vst v63  }
0x203: {  	s9 =	sadd.s32 $0x60, s0;
	s10 =	simm.s32 $0x68F0  }
0x204: {  	[hbm4b:s9+s3] =	stream.linear.scatter [tilespmem:s10], [sflag:$0x3], $0x80, $0x38;
	[tilespmem:$0x9D00] =	vst v63  }
0x205: {  	s0 =	sadd.s32 $0x70, s0;
	s11 =	simm.s32 $0x6978;
	s12 =	rddreg [dreg:$0x8]  }
0x206: {  	[hbm4b:s0+s3] =	stream.linear.scatter [tilespmem:s11], [sflag:$0x3], $0x80, $0x38;
	[tilespmem:$0x9D00] =	vst v63  }
0x207: {  	s24 =	simm.s32 $0x6A00;
	s0 =	sadd.s32 s26, s12  }
0x208: {  	[hbm4b:s0+s3] =	stream.linear.scatter [tilespmem:s24], [sflag:$0x3], $0x80, $0x38;
	[tilespmem:$0x9D00] =	vst v63  }
0x209: {  	s31 =	simm.s32 $0x6A88;
	s30 =	sadd.s32 $0x10, s0  }
0x20a: {  	[hbm4b:s30+s3] =	stream.linear.scatter [tilespmem:s31], [sflag:$0x3], $0x80, $0x38;
	[tilespmem:$0x9D00] =	vst v63  }
0x20b: {  	s6 =	simm.s32 $0x6B10;
	s5 =	sadd.s32 $0x20, s0  }
0x20c: {  	[hbm4b:s5+s3] =	stream.linear.scatter [tilespmem:s6], [sflag:$0x3], $0x80, $0x38;
	[tilespmem:$0x9D00] =	vst v63  }
0x20d: {  	s8 =	simm.s32 $0x6B98;
	s7 =	sadd.s32 $0x30, s0  }
0x20e: {  	[hbm4b:s7+s3] =	stream.linear.scatter [tilespmem:s8], [sflag:$0x3], $0x80, $0x38;
	[tilespmem:$0x9D00] =	vst v63  }
0x20f: {  	s10 =	simm.s32 $0x6C20;
	s9 =	sadd.s32 $0x40, s0  }
0x210: {  	[hbm4b:s9+s3] =	stream.linear.scatter [tilespmem:s10], [sflag:$0x3], $0x80, $0x38;
	[tilespmem:$0x9D00] =	vst v63  }
0x211: {  	s12 =	simm.s32 $0x6CA8;
	s11 =	sadd.s32 $0x50, s0  }
0x212: {  	[hbm4b:s11+s3] =	stream.linear.scatter [tilespmem:s12], [sflag:$0x3], $0x80, $0x38;
	[tilespmem:$0x9D00] =	vst v63  }
0x213: {  	s24 =	sadd.s32 $0x60, s0;
	s30 =	simm.s32 $0x6D30  }
0x214: {  	[hbm4b:s24+s3] =	stream.linear.scatter [tilespmem:s30], [sflag:$0x3], $0x80, $0x38;
	[tilespmem:$0x9D00] =	vst v63  }
0x215: {  	s1 =	rddreg [dreg:$0x9];
	s0 =	sadd.s32 $0x70, s0;
	s31 =	simm.s32 $0x6DB8  }
0x216: {  	[hbm4b:s0+s3] =	stream.linear.scatter [tilespmem:s31], [sflag:$0x3], $0x80, $0x38;
	[tilespmem:$0x9D00] =	vst v63  }
0x217: {  	s5 =	simm.s32 $0x6E40;
	s0 =	sadd.s32 s26, s1  }
0x218: {  	[hbm4b:s0+s3] =	stream.linear.scatter [tilespmem:s5], [sflag:$0x3], $0x80, $0x38;
	[tilespmem:$0x9D00] =	vst v63  }
0x219: {  	s7 =	simm.s32 $0x6EC8;
	s6 =	sadd.s32 $0x10, s0  }
0x21a: {  	[hbm4b:s6+s3] =	stream.linear.scatter [tilespmem:s7], [sflag:$0x3], $0x80, $0x38;
	[tilespmem:$0x9D00] =	vst v63  }
0x21b: {  	s9 =	simm.s32 $0x6F50;
	s8 =	sadd.s32 $0x20, s0  }
0x21c: {  	[hbm4b:s8+s3] =	stream.linear.scatter [tilespmem:s9], [sflag:$0x3], $0x80, $0x38;
	[tilespmem:$0x9D00] =	vst v63  }
0x21d: {  	s11 =	simm.s32 $0x6FD8;
	s10 =	sadd.s32 $0x30, s0  }
0x21e: {  	[hbm4b:s10+s3] =	stream.linear.scatter [tilespmem:s11], [sflag:$0x3], $0x80, $0x38;
	[tilespmem:$0x9D00] =	vst v63  }
0x21f: {  	s24 =	simm.s32 $0x7060;
	s12 =	sadd.s32 $0x40, s0  }
0x220: {  	[hbm4b:s12+s3] =	stream.linear.scatter [tilespmem:s24], [sflag:$0x3], $0x80, $0x38;
	[tilespmem:$0x9D00] =	vst v63  }
0x221: {  	s31 =	simm.s32 $0x70E8;
	s30 =	sadd.s32 $0x50, s0  }
0x222: {  	[hbm4b:s30+s3] =	stream.linear.scatter [tilespmem:s31], [sflag:$0x3], $0x80, $0x38;
	[tilespmem:$0x9D00] =	vst v63  }
0x223: {  	s5 =	sadd.s32 $0x60, s0;
	s6 =	simm.s32 $0x7170  }
0x224: {  	[hbm4b:s5+s3] =	stream.linear.scatter [tilespmem:s6], [sflag:$0x3], $0x80, $0x38;
	[tilespmem:$0x9D00] =	vst v63  }
0x225: {  	s0 =	sadd.s32 $0x70, s0;
	s7 =	simm.s32 $0x71F8;
	s8 =	rddreg [dreg:$0xa]  }
0x226: {  	[hbm4b:s0+s3] =	stream.linear.scatter [tilespmem:s7], [sflag:$0x3], $0x80, $0x38;
	[tilespmem:$0x9D00] =	vst v63  }
0x227: {  	s9 =	simm.s32 $0x7280;
	s0 =	sadd.s32 s26, s8  }
0x228: {  	[hbm4b:s0+s3] =	stream.linear.scatter [tilespmem:s9], [sflag:$0x3], $0x80, $0x38;
	[tilespmem:$0x9D00] =	vst v63  }
0x229: {  	s11 =	simm.s32 $0x7308;
	s10 =	sadd.s32 $0x10, s0  }
0x22a: {  	[hbm4b:s10+s3] =	stream.linear.scatter [tilespmem:s11], [sflag:$0x3], $0x80, $0x38;
	[tilespmem:$0x9D00] =	vst v63  }
0x22b: {  	s24 =	simm.s32 $0x7390;
	s12 =	sadd.s32 $0x20, s0  }
0x22c: {  	[hbm4b:s12+s3] =	stream.linear.scatter [tilespmem:s24], [sflag:$0x3], $0x80, $0x38;
	[tilespmem:$0x9D00] =	vst v63  }
0x22d: {  	s31 =	simm.s32 $0x7418;
	s30 =	sadd.s32 $0x30, s0  }
0x22e: {  	[hbm4b:s30+s3] =	stream.linear.scatter [tilespmem:s31], [sflag:$0x3], $0x80, $0x38;
	[tilespmem:$0x9D00] =	vst v63  }
0x22f: {  	s7 =	simm.s32 $0x74A0;
	s6 =	sadd.s32 $0x40, s0  }
0x230: {  	[hbm4b:s6+s3] =	stream.linear.scatter [tilespmem:s7], [sflag:$0x3], $0x80, $0x38;
	[tilespmem:$0x9D00] =	vst v63  }
0x231: {  	s8 =	sadd.s32 $0x50, s0;
	s9 =	simm.s32 $0x7528  }
0x232: {  	[hbm4b:s8+s3] =	stream.linear.scatter [tilespmem:s9], [sflag:$0x3], $0x80, $0x38;
	[tilespmem:$0x9D00] =	vst v63  }
0x233: {  	s10 =	sadd.s32 $0x60, s0;
	s11 =	simm.s32 $0x75B0  }
0x234: {  	[hbm4b:s10+s3] =	stream.linear.scatter [tilespmem:s11], [sflag:$0x3], $0x80, $0x38;
	[tilespmem:$0x9D00] =	vst v63  }
0x235: {  	s0 =	sadd.s32 $0x70, s0;
	s12 =	simm.s32 $0x7638  }
0x236: {  	[hbm4b:s0+s3] =	stream.linear.scatter [tilespmem:s12], [sflag:$0x3], $0x80, $0x38;
	[tilespmem:$0x9D00] =	vst v63  }
0x237: {  	s24 =	simm.s32 $0x76C0;
	s0 =	sadd.s32 s26, s13  }
0x238: {  	[hbm4b:s0+s3] =	stream.linear.scatter [tilespmem:s24], [sflag:$0x3], $0x80, $0x38;
	[tilespmem:$0x9D00] =	vst v63  }
0x239: {  	s31 =	simm.s32 $0x7748;
	s30 =	sadd.s32 $0x10, s0  }
0x23a: {  	[hbm4b:s30+s3] =	stream.linear.scatter [tilespmem:s31], [sflag:$0x3], $0x80, $0x38;
	[tilespmem:$0x9D00] =	vst v63  }
0x23b: {  	s6 =	simm.s32 $0x77D0;
	s5 =	sadd.s32 $0x20, s0  }
0x23c: {  	[hbm4b:s5+s3] =	stream.linear.scatter [tilespmem:s6], [sflag:$0x3], $0x80, $0x38;
	[tilespmem:$0x9D00] =	vst v63  }
0x23d: {  	s8 =	simm.s32 $0x7858;
	s7 =	sadd.s32 $0x30, s0  }
0x23e: {  	[hbm4b:s7+s3] =	stream.linear.scatter [tilespmem:s8], [sflag:$0x3], $0x80, $0x38;
	[tilespmem:$0x9D00] =	vst v63  }
0x23f: {  	s10 =	simm.s32 $0x78E0;
	s9 =	sadd.s32 $0x40, s0  }
0x240: {  	[hbm4b:s9+s3] =	stream.linear.scatter [tilespmem:s10], [sflag:$0x3], $0x80, $0x38;
	[tilespmem:$0x9D00] =	vst v63  }
0x241: {  	p1 =	sne.s32 s2, $0x18;
	s12 =	simm.s32 $0x7968;
	s11 =	sadd.s32 $0x50, s0  }
0x242: {  	[hbm4b:s11+s3] =	stream.linear.scatter [tilespmem:s12], [sflag:$0x3], $0x80, $0x38;
	[tilespmem:$0x9D00] =	vst v63  }
.Ltmp10:
0x243: {  	_ = 	snop;
	(pc) =	sbr.rel @p1 .LBB2_17-.Ltmp10, $4  }
0x244: {  	s24 =	sadd.s32 $0x60, s0;
	s30 =	simm.s32 $0x79F0  }
0x245: {  	[hbm4b:s24+s3] =	stream.linear.scatter [tilespmem:s30], [sflag:$0x3], $0x80, $0x38;
	[tilespmem:$0x9D00] =	vst v63  }
0x246: {  	s0 =	sadd.s32 $0x70, s0;
	s31 =	simm.s32 $0x7A78  }
0x247: {  	[hbm4b:s0+s3] =	stream.linear.scatter [tilespmem:s31], [sflag:$0x3], $0x80, $0x38;
	[tilespmem:$0x9D00] =	vst v63  }
.Ltmp11:
0x248: {  	(pc) =	sbr.rel .LBB2_18-.Ltmp11, $4  }
0x249: {  	_ = 	snop  }
0x24a: {  	_ =	swait.ge [sflag:s22], $0x2000  }
0x24b: {  	[sflag:s22] =	ssyncset.done $0x0  }
0x24c: {  	[sflag:s22] =	ssyncadd.s32 $0xFFFFE000  }
.LBB2_17:
0x24d: {  	s0 =	sshll.u32 s2, $0x8  }
0x24e: {  	s1 =	simm.s32 $0x80;
	s0 =	sand.u32 $0x3FFFFF00, s0  }
.Ltmp12:
0x24f: {  	s5 =	simm.s32 $0x1900;
	s0 =	sadd.s32 $0x100, s0;
	(pc) =	sbr.rel @p0 .LBB2_19-.Ltmp12, $4  }
0x250: {  	[tilespmem:s5], [sflag:$0x1] =	stream.indirect.gather [hbm4b:s4+s1], $0x40, s0, s1, $0xb8;
	[tilespmem:$0x9D00] =	vst v63  }
0x251: {  	_ =	swait.ge [sflag:s22], $0x2000  }
0x252: {  	[sflag:s22] =	ssyncset.done $0x0  }
0x253: {  	[sflag:s22] =	ssyncadd.s32 $0xFFFFE000  }
.LBB2_18:
0x254: {  	_ =	swait.ge [sflag:s23], $0x400  }
0x255: {  	[sflag:s23] =	ssyncset.done $0x0  }
0x256: {  	[sflag:s23] =	ssyncadd.s32 $0xFFFFFC00  }
0x257: {  	_ =	swait.ge [sflag:s23], $0x400  }
0x258: {  	[sflag:s23] =	ssyncset.done $0x0  }
0x259: {  	[sflag:s23] =	ssyncadd.s32 $0xFFFFFC00  }
0x25a: {  	_ =	swait.ge [sflag:s23], $0x400  }
0x25b: {  	[sflag:s23] =	ssyncset.done $0x0  }
0x25c: {  	[sflag:s23] =	ssyncadd.s32 $0xFFFFFC00  }
0x25d: {  	_ =	swait.ge [sflag:s23], $0x400  }
0x25e: {  	[sflag:s23] =	ssyncset.done $0x0  }
0x25f: {  	[sflag:s23] =	ssyncadd.s32 $0xFFFFFC00  }
0x260: {  	_ =	swait.ge [sflag:s23], $0x400  }
0x261: {  	[sflag:s23] =	ssyncset.done $0x0  }
0x262: {  	[sflag:s23] =	ssyncadd.s32 $0xFFFFFC00  }
0x263: {  	_ =	swait.ge [sflag:s23], $0x400  }
0x264: {  	[sflag:s23] =	ssyncset.done $0x0  }
0x265: {  	[sflag:s23] =	ssyncadd.s32 $0xFFFFFC00  }
0x266: {  	_ =	swait.ge [sflag:s23], $0x400  }
0x267: {  	[sflag:s23] =	ssyncset.done $0x0  }
0x268: {  	[sflag:s23] =	ssyncadd.s32 $0xFFFFFC00  }
0x269: {  	_ =	swait.ge [sflag:s23], $0x400  }
0x26a: {  	[sflag:s23] =	ssyncset.done $0x0  }
0x26b: {  	[sflag:s23] =	ssyncadd.s32 $0xFFFFFC00  }
.LBB2_19:
0x26c: {  	s5 =	simm.s32 $0x4  }
0x26d: {  	s11 =	simm.s32 $0x1;
	v5 =	vmov s5;
	s5 =	simm.s32 $0x6  }
0x26e: {  	s1 =	simm.s32 $0x2;
	s12 =	simm.s32 $0x3;
	v2 =	vmov s11;
	v7 =	vmov s5;
	s5 =	simm.s32 $0xF  }
0x26f: {  	s24 =	simm.s32 $0x5;
	s8 =	simm.s32 $0x9;
	v51 =	vld [tilespmem:$0x1FFC0];
	v3 =	vmov s1;
	v4 =	vmov s12;
	v39 =	vmov s5  }
0x270: {  	v46 =	vld [tilespmem:$0x1FF70];
	v6 =	vmov s24;
	v33 =	vmov s8;
	v39 =	vshrl.u32 v39, $0x3  }
0x271: {  	v47 =	vld [tilespmem:$0x1FF80];
	v2 =	vshrl.u32 v2, $0x3;
	v3 =	vshrl.u32 v3, $0x3;
	v39 =	vshll.u32 v39, v1  }
0x272: {  	v48 =	vld [tilespmem:$0x1FF90];
	v4 =	vshrl.u32 v4, $0x3;
	v2 =	vshll.u32 v2, v1;
	v39 =	vbroadcast v39, $0x0  }
0x273: {  	v49 =	vld [tilespmem:$0x1FFA0];
	s8 =	simm.s32 $0x3B00;
	v5 =	vshrl.u32 v5, $0x3;
	v40 =	vbroadcast v2, $0x0;
	v2 =	vshll.u32 v3, v1  }
0x274: {  	v6 =	vshrl.u32 v6, $0x3;
	v3 =	vld [tilespmem:s8+$0x1C0];
	v42 =	vbroadcast v2, $0x0;
	v2 =	vshll.u32 v4, v1;
	[tilespmem:$0x1FD90] =	vst v39  }
0x275: {  	v58 =	vbroadcast v2, $0x0;
	v2 =	vshll.u32 v5, v1;
	v56 =	vadd.s32 v51, v39;
	v57 =	vld [tilespmem:s8+$0xFFFFFE40];
	[tilespmem:$0x1FDA0] =	vst v40  }
0x276: {  	s6 =	simm.s32 $0x7;
	v41 =	vadd.s32 v11, v40;
	v44 =	vbroadcast v2, $0x0;
	v2 =	vshll.u32 v6, v1;
	v59 =	vld [tilespmem:s8+$0xFFFFFE80];
	[tilespmem:$0x1FDB0] =	vst v42  }
0x277: {  	v8 =	vmov s6;
	v7 =	vshrl.u32 v7, $0x3;
	v61 =	vbroadcast v2, $0x0;
	v60 =	vld [tilespmem:s8+$0xFFFFFEC0];
	[tilespmem:$0x1FDC0] =	vst v58  }
0x278: {  	v8 =	vshrl.u32 v8, $0x3;
	v2 =	vshll.u32 v7, v1;
	v42 =	vadd.s32 v46, v42;
	v62 =	vld [tilespmem:s8+$0xFFFFFF00];
	[tilespmem:$0x1FDD0] =	vst v44  }
0x279: {  	v52 =	vbroadcast v2, $0x0;
	v2 =	vshll.u32 v8, v1;
	v8 =	vld [tilespmem:s8+$0xFFFFFF40];
	[tilespmem:$0x1FDE0] =	vst v61  }
0x27a: {  	s7 =	simm.s32 $0x8;
	v43 =	vadd.s32 v47, v58;
	[tilespmem:v56+s25+$0x0] =	vst.idx.msk $0xffff, v3  }
0x27b: {  	v9 =	vmov s7;
	[tilespmem:v41+s25+$0x0] =	vst.idx.msk $0xffff, v57;
	v4 =	vld [tilespmem:s8+$0xFFFFFF80]  }
0x27c: {  	s0 =	simm.s32 $0x0;
	s9 =	simm.s32 $0xA;
	v9 =	vshrl.u32 v9, $0x3;
	v63 =	vbroadcast v2, $0x0;
	v44 =	vadd.s32 v48, v44;
	v50 =	vld [tilespmem:$0x1FFB0];
	[tilespmem:$0x1FDF0] =	vst v52  }
0x27d: {  	v0 =	vmov s0;
	v34 =	vmov s9;
	v2 =	vshll.u32 v9, v1;
	[tilespmem:v42+s25+$0x0] =	vst.idx.msk $0xffff, v59  }
0x27e: {  	s10 =	simm.s32 $0xB;
	v33 =	vshrl.u32 v33, $0x3;
	v45 =	vadd.s32 v49, v61;
	v53 =	vbroadcast v2, $0x0;
	v2 =	vld [tilespmem:s8+$0xFFFFFFC0];
	[tilespmem:$0x1FE00] =	vst v63  }
0x27f: {  	s11 =	simm.s32 $0xC;
	v35 =	vmov s10;
	v0 =	vshrl.u32 v0, $0x3;
	v33 =	vshll.u32 v33, v1;
	[tilespmem:v43+s25+$0x0] =	vst.idx.msk $0xffff, v60  }
0x280: {  	v36 =	vmov s11;
	v34 =	vshrl.u32 v34, $0x3;
	v55 =	vbroadcast v33, $0x0;
	v56 =	vld [tilespmem:s8+$0x0];
	[tilespmem:$0x1FE10] =	vst v53  }
0x281: {  	v35 =	vshrl.u32 v35, $0x3;
	v34 =	vshll.u32 v34, v1;
	v9 =	vadd.s32 v50, v52;
	[tilespmem:v44+s25+$0x0] =	vst.idx.msk $0xffff, v62  }
0x282: {  	s12 =	simm.s32 $0xD;
	s24 =	simm.s32 $0xE;
	v58 =	vshll.u32 v35, v1;
	v54 =	vadd.s32 v51, v63;
	v57 =	vbroadcast v34, $0x0;
	v7 =	vld [tilespmem:s8+$0x40];
	[tilespmem:$0x1FE20] =	vst v55  }
0x283: {  	v37 =	vmov s12;
	v38 =	vmov s24;
	v44 =	vbroadcast v58, $0x0;
	[tilespmem:v45+s25+$0x0] =	vst.idx.msk $0xffff, v8  }
0x284: {  	v36 =	vshrl.u32 v36, $0x3;
	v37 =	vshrl.u32 v37, $0x3;
	v59 =	vadd.s32 v10, v53;
	v8 =	vld [tilespmem:s8+$0x80];
	[tilespmem:$0x1FE30] =	vst v57  }
0x285: {  	v3 =	vshrl.u32 v38, $0x3;
	v53 =	vadd.s32 v11, v55;
	v52 =	vshll.u32 v36, v1;
	v63 =	vld [tilespmem:s8+$0xC0];
	[tilespmem:$0x1FE40] =	vst v44  }
0x286: {  	v60 =	vadd.s32 v46, v57;
	v62 =	vshll.u32 v37, v1;
	v61 =	vbroadcast v52, $0x0;
	[tilespmem:v9+s25+$0x0] =	vst.idx.msk $0xffff, v4  }
0x287: {  	v3 =	vshll.u32 v3, v1;
	v38 =	vadd.s32 v47, v44;
	v44 =	vbroadcast v62, $0x0;
	[tilespmem:v54+s25+$0x0] =	vst.idx.msk $0xffff, v2  }
0x288: {  	v0 =	vshll.u32 v0, v1;
	v42 =	vbroadcast v3, $0x0;
	v33 =	vld [tilespmem:s8+$0x100];
	v2 =	vadd.s32 v48, v61;
	[tilespmem:$0x1FE50] =	vst v61  }
0x289: {  	v45 =	vbroadcast v0, $0x0;
	v3 =	vadd.s32 v49, v44;
	v0 =	vld [tilespmem:s8+$0x140];
	[tilespmem:v59+s25+$0x0] =	vst.idx.msk $0xffff, v56  }
0x28a: {  	s31 =	simm.s32 $0x1A;
	s0 =	simm.s32 $0x19;
	v6 =	vadd.s32 v50, v42;
	v5 =	vld [tilespmem:s8+$0x180];
	[tilespmem:v53+s25+$0x0] =	vst.idx.msk $0xffff, v7  }
0x28b: {  	s6 =	simm.s32 $0x10;
	s9 =	simm.s32 $0x12;
	s11 =	simm.s32 $0x14;
	v35 =	vmov s31;
	v34 =	vmov s0;
	[tilespmem:v60+s25+$0x0] =	vst.idx.msk $0xffff, v8  }
0x28c: {  	s7 =	simm.s32 $0x11;
	s24 =	simm.s32 $0x16;
	v43 =	vmov s6;
	v58 =	vmov s9;
	v52 =	vmov s11;
	[tilespmem:v38+s25+$0x0] =	vst.idx.msk $0xffff, v63  }
0x28d: {  	v55 =	vmov s24;
	s24 =	simm.s32 $0x1D;
	v57 =	vmov s7;
	s7 =	simm.s32 $0x1E;
	v9 =	vadd.s32 v10, v45;
	v59 =	vld [tilespmem:s8+$0xFFFFFE00];
	[tilespmem:v2+s25+$0x0] =	vst.idx.msk $0xffff, v33  }
0x28e: {  	s30 =	simm.s32 $0x18;
	s10 =	simm.s32 $0x13;
	v37 =	vshrl.u32 v58, $0x3;
	v36 =	vmov s24;
	v62 =	vmov s7;
	[tilespmem:v3+s25+$0x0] =	vst.idx.msk $0xffff, v0  }
0x28f: {  	s1 =	simm.s32 $0x17;
	s12 =	simm.s32 $0x15;
	v39 =	vshrl.u32 v57, $0x3;
	v54 =	vmov s10;
	v61 =	vmov s30;
	[tilespmem:v6+s25+$0x0] =	vst.idx.msk $0xffff, v5  }
0x290: {  	s5 =	simm.s32 $0x1B;
	s6 =	simm.s32 $0x1C;
	v56 =	vshrl.u32 v43, $0x3;
	v53 =	vmov s12;
	v60 =	vmov s1;
	[tilespmem:$0x1FE60] =	vst v57  }
0x291: {  	v38 =	vmov s6;
	v63 =	vshrl.u32 v54, $0x3;
	v33 =	vmov s5;
	[tilespmem:$0x1FE70] =	vst v58  }
0x292: {  	s9 =	simm.s32 $0x20;
	s10 =	simm.s32 $0x1F;
	v58 =	vshrl.u32 v53, $0x3;
	v57 =	vshrl.u32 v55, $0x3;
	[tilespmem:v9+s25+$0x0] =	vst.idx.msk $0xffff, v59;
	v59 =	vshrl.u32 v52, $0x3  }
.LBB2_20:
0x293: {  	p0 =	slt.u32 s9, $0x70;
	v0 =	vshrl.u32 v60, $0x3;
	v2 =	vshrl.u32 v61, $0x3;
	v3 =	vmov s10  }
0x294: {  	v4 =	vshrl.u32 v34, $0x3;
	v5 =	vshrl.u32 v35, $0x3;
	v3 =	vshrl.u32 v3, $0x3  }
0x295: {  	v6 =	vshrl.u32 v33, $0x3;
	v7 =	vshrl.u32 v38, $0x3;
	v3 =	vshll.u32 v3, v1  }
0x296: {  	v8 =	vshll.u32 v39, v1;
	v9 =	vshrl.u32 v36, $0x3;
	v3 =	vbroadcast v3, $0x0  }
0x297: {  	v33 =	vshll.u32 v37, v1;
	v34 =	vshrl.u32 v62, $0x3;
	s8 =	sadd.s32 $0x400, s8;
	v8 =	vbroadcast v8, $0x0  }
0x298: {  	v35 =	vshll.u32 v63, v1;
	v33 =	vbroadcast v33, $0x0;
	v36 =	vld [tilespmem:s8+$0x1C0];
	v3 =	vadd.s32 v51, v3  }
0x299: {  	v38 =	vshll.u32 v59, v1;
	v35 =	vbroadcast v35, $0x0;
	v8 =	vadd.s32 v11, v8;
	v37 =	vld [tilespmem:s8+$0xFFFFFE40]  }
0x29a: {  	v58 =	vshll.u32 v58, v1;
	v38 =	vbroadcast v38, $0x0;
	v33 =	vadd.s32 v46, v33;
	v39 =	vld [tilespmem:s8+$0xFFFFFE80]  }
0x29b: {  	v57 =	vshll.u32 v57, v1;
	v58 =	vbroadcast v58, $0x0;
	v35 =	vadd.s32 v47, v35;
	v59 =	vld [tilespmem:s8+$0xFFFFFEC0]  }
0x29c: {  	v57 =	vbroadcast v57, $0x0;
	v0 =	vshll.u32 v0, v1;
	v38 =	vadd.s32 v48, v38;
	v60 =	vld [tilespmem:s8+$0xFFFFFF00]  }
0x29d: {  	v2 =	vshll.u32 v2, v1;
	v0 =	vbroadcast v0, $0x0;
	v58 =	vadd.s32 v49, v58;
	v61 =	vld [tilespmem:s8+$0xFFFFFF40];
	[tilespmem:v3+s25+$0x0] =	vst.idx.msk $0xffff, v36  }
0x29e: {  	v4 =	vshll.u32 v4, v1;
	v2 =	vbroadcast v2, $0x0;
	[tilespmem:v8+s25+$0x0] =	vst.idx.msk $0xffff, v37;
	v3 =	vld [tilespmem:s8+$0xFFFFFF80];
	v8 =	vadd.s32 v50, v57  }
0x29f: {  	v5 =	vshll.u32 v5, v1;
	v4 =	vbroadcast v4, $0x0;
	v0 =	vadd.s32 v51, v0;
	[tilespmem:v33+s25+$0x0] =	vst.idx.msk $0xffff, v39;
	v33 =	vld [tilespmem:s8+$0xFFFFFFC0]  }
0x2a0: {  	v6 =	vshll.u32 v6, v1;
	v5 =	vbroadcast v5, $0x0;
	v2 =	vadd.s32 v10, v2;
	[tilespmem:v35+s25+$0x0] =	vst.idx.msk $0xffff, v59;
	v35 =	vld [tilespmem:s8+$0x0]  }
0x2a1: {  	v7 =	vshll.u32 v7, v1;
	v6 =	vbroadcast v6, $0x0;
	v4 =	vadd.s32 v11, v4;
	[tilespmem:v38+s25+$0x0] =	vst.idx.msk $0xffff, v60;
	v36 =	vld [tilespmem:s8+$0x40]  }
0x2a2: {  	v9 =	vshll.u32 v9, v1;
	v7 =	vbroadcast v7, $0x0;
	v5 =	vadd.s32 v46, v5;
	[tilespmem:v58+s25+$0x0] =	vst.idx.msk $0xffff, v61;
	v37 =	vld [tilespmem:s8+$0x80]  }
0x2a3: {  	v6 =	vadd.s32 v47, v6;
	[tilespmem:v8+s25+$0x0] =	vst.idx.msk $0xffff, v3;
	v3 =	vld [tilespmem:s8+$0xC0];
	v8 =	vbroadcast v9, $0x0;
	v9 =	vshll.u32 v34, v1  }
0x2a4: {  	v7 =	vadd.s32 v48, v7;
	v34 =	vshll.u32 v56, v1;
	[tilespmem:v0+s25+$0x0] =	vst.idx.msk $0xffff, v33;
	v0 =	vld [tilespmem:s8+$0x100];
	v9 =	vbroadcast v9, $0x0  }
0x2a5: {  	s11 =	sadd.s32 $0x2, s9;
	v33 =	vmov s9;
	v34 =	vbroadcast v34, $0x0;
	[tilespmem:v2+s25+$0x0] =	vst.idx.msk $0xffff, v35;
	v2 =	vld [tilespmem:s8+$0x140];
	v8 =	vadd.s32 v49, v8  }
0x2a6: {  	s10 =	sadd.s32 $0x1, s9;
	v57 =	vmov s11;
	s11 =	sadd.s32 $0x4, s9;
	v56 =	vshrl.u32 v33, $0x3;
	[tilespmem:v4+s25+$0x0] =	vst.idx.msk $0xffff, v36;
	v4 =	vld [tilespmem:s8+$0x180];
	v9 =	vadd.s32 v50, v9  }
0x2a7: {  	s12 =	sadd.s32 $0x5, s9;
	v39 =	vmov s10;
	s10 =	sadd.s32 $0x3, s9;
	v40 =	vmov s11;
	s11 =	sadd.s32 $0x7, s9;
	v59 =	vadd.s32 v10, v34;
	v58 =	vld [tilespmem:s8+$0xFFFFFE00];
	[tilespmem:v5+s25+$0x0] =	vst.idx.msk $0xffff, v37  }
0x2a8: {  	v41 =	vmov s12;
	s12 =	sadd.s32 $0x8, s9;
	v60 =	vmov s11;
	s11 =	sadd.s32 $0xA, s9;
	v5 =	vmov s10;
	s10 =	sadd.s32 $0x6, s9;
	[tilespmem:v6+s25+$0x0] =	vst.idx.msk $0xffff, v3  }
.Ltmp13:
0x2a9: {  	v61 =	vmov s12;
	s12 =	sadd.s32 $0xB, s9;
	v3 =	vmov s10;
	s10 =	sadd.s32 $0x9, s9;
	[tilespmem:v7+s25+$0x0] =	vst.idx.msk $0xffff, v0;
	(pc) =	sbr.rel @p0 .LBB2_20-.Ltmp13, $4  }
0x2aa: {  	v35 =	vmov s11;
	v33 =	vmov s12;
	s11 =	sadd.s32 $0xD, s9;
	s12 =	sadd.s32 $0xE, s9;
	v34 =	vmov s10;
	s10 =	sadd.s32 $0xC, s9;
	[tilespmem:v8+s25+$0x0] =	vst.idx.msk $0xffff, v2  }
0x2ab: {  	v36 =	vmov s11;
	v62 =	vmov s12;
	v38 =	vmov s10;
	[tilespmem:v9+s25+$0x0] =	vst.idx.msk $0xffff, v4  }
0x2ac: {  	v39 =	vshrl.u32 v39, $0x3;
	v37 =	vshrl.u32 v57, $0x3;
	v63 =	vshrl.u32 v5, $0x3;
	[tilespmem:v59+s25+$0x0] =	vst.idx.msk $0xffff, v58  }
0x2ad: {  	v57 =	vshrl.u32 v3, $0x3;
	s10 =	sadd.s32 $0xF, s9;
	s9 =	sadd.s32 $0x10, s9;
	v59 =	vshrl.u32 v40, $0x3;
	v58 =	vshrl.u32 v41, $0x3  }
0x2ae: {  	v0 =	vshrl.u32 v60, $0x3;
	v2 =	vshrl.u32 v61, $0x3;
	v3 =	vmov s10  }
0x2af: {  	v4 =	vshrl.u32 v34, $0x3;
	v5 =	vshrl.u32 v35, $0x3;
	v6 =	vshrl.u32 v33, $0x3  }
0x2b0: {  	v7 =	vshrl.u32 v38, $0x3;
	v8 =	vshll.u32 v39, v1;
	v3 =	vshrl.u32 v3, $0x3  }
0x2b1: {  	v9 =	vshrl.u32 v36, $0x3;
	v8 =	vbroadcast v8, $0x0;
	v3 =	vshll.u32 v3, v1  }
0x2b2: {  	v41 =	vshll.u32 v37, v1;
	v34 =	vshrl.u32 v62, $0x3;
	s8 =	sadd.s32 $0x400, s8;
	v3 =	vbroadcast v3, $0x0  }
0x2b3: {  	v60 =	vshll.u32 v63, v1;
	v33 =	vbroadcast v41, $0x0;
	v37 =	vld [tilespmem:s8+$0xFFFFFE40];
	v8 =	vadd.s32 v11, v8  }
0x2b4: {  	v61 =	vshll.u32 v59, v1;
	v36 =	vld [tilespmem:s8+$0x1C0];
	v35 =	vbroadcast v60, $0x0;
	v3 =	vadd.s32 v51, v3  }
0x2b5: {  	v62 =	vld [tilespmem:s8+$0xFFFFFE80];
	v38 =	vbroadcast v61, $0x0;
	v0 =	vshll.u32 v0, v1;
	v33 =	vadd.s32 v46, v33  }
0x2b6: {  	v57 =	vshll.u32 v57, v1;
	v41 =	vld [tilespmem:s8+$0xFFFFFEC0];
	v0 =	vbroadcast v0, $0x0;
	v35 =	vadd.s32 v47, v35  }
0x2b7: {  	v40 =	vshll.u32 v58, v1;
	v63 =	vld [tilespmem:s8+$0xFFFFFF00];
	v57 =	vbroadcast v57, $0x0;
	v38 =	vadd.s32 v48, v38  }
0x2b8: {  	v40 =	vbroadcast v40, $0x0;
	v2 =	vshll.u32 v2, v1;
	v61 =	vld [tilespmem:s8+$0xFFFFFFC0];
	v0 =	vadd.s32 v51, v0;
	[tilespmem:v8+s25+$0x0] =	vst.idx.msk $0xffff, v37  }
0x2b9: {  	v4 =	vshll.u32 v4, v1;
	v2 =	vbroadcast v2, $0x0;
	v8 =	vadd.s32 v50, v57;
	[tilespmem:v3+s25+$0x0] =	vst.idx.msk $0xffff, v36;
	v3 =	vld [tilespmem:s8+$0xFFFFFF80]  }
0x2ba: {  	v60 =	vld [tilespmem:s8+$0xFFFFFF40];
	v5 =	vshll.u32 v5, v1;
	v4 =	vbroadcast v4, $0x0;
	v40 =	vadd.s32 v49, v40;
	[tilespmem:v33+s25+$0x0] =	vst.idx.msk $0xffff, v62  }
0x2bb: {  	v7 =	vshll.u32 v7, v1;
	v5 =	vbroadcast v5, $0x0;
	v2 =	vadd.s32 v10, v2;
	[tilespmem:v35+s25+$0x0] =	vst.idx.msk $0xffff, v41;
	v62 =	vld [tilespmem:s8+$0x0]  }
0x2bc: {  	v6 =	vshll.u32 v6, v1;
	v7 =	vbroadcast v7, $0x0;
	v4 =	vadd.s32 v11, v4;
	[tilespmem:v38+s25+$0x0] =	vst.idx.msk $0xffff, v63;
	v63 =	vld [tilespmem:s8+$0x40]  }
0x2bd: {  	v9 =	vshll.u32 v9, v1;
	v6 =	vbroadcast v6, $0x0;
	v5 =	vadd.s32 v46, v5;
	v41 =	vld [tilespmem:s8+$0x80];
	[tilespmem:v0+s25+$0x0] =	vst.idx.msk $0xffff, v61  }
0x2be: {  	v46 =	vshll.u32 v56, v1;
	v7 =	vadd.s32 v48, v7;
	v0 =	vld [tilespmem:s8+$0x100];
	[tilespmem:v8+s25+$0x0] =	vst.idx.msk $0xffff, v3;
	v8 =	vbroadcast v9, $0x0  }
0x2bf: {  	v6 =	vadd.s32 v47, v6;
	v47 =	vbroadcast v46, $0x0;
	[tilespmem:v40+s25+$0x0] =	vst.idx.msk $0xffff, v60;
	v3 =	vld [tilespmem:s8+$0xC0];
	v9 =	vshll.u32 v34, v1  }
0x2c0: {  	[tilespmem:v2+s25+$0x0] =	vst.idx.msk $0xffff, v62;
	v2 =	vld [tilespmem:s8+$0x140];
	v9 =	vbroadcast v9, $0x0;
	v8 =	vadd.s32 v49, v8  }
0x2c1: {  	v33 =	vadd.s32 v10, v47;
	[tilespmem:v4+s25+$0x0] =	vst.idx.msk $0xffff, v63;
	v49 =	vld [tilespmem:s8+$0xFFFFFE00]  }
0x2c2: {  	v48 =	vld [tilespmem:s8+$0x180];
	[tilespmem:v5+s25+$0x0] =	vst.idx.msk $0xffff, v41;
	v9 =	vadd.s32 v50, v9  }
0x2c3: {  	[tilespmem:v7+s25+$0x0] =	vst.idx.msk $0xffff, v0  }
0x2c4: {  	[tilespmem:v6+s25+$0x0] =	vst.idx.msk $0xffff, v3  }
0x2c5: {  	[tilespmem:v8+s25+$0x0] =	vst.idx.msk $0xffff, v2  }
0x2c6: {  	[tilespmem:v33+s25+$0x0] =	vst.idx.msk $0xffff, v49  }
0x2c7: {  	[tilespmem:v9+s25+$0x0] =	vst.idx.msk $0xffff, v48  }
0x2c8: {  	v2 =	vld [tilespmem:$0x1FD90]  }
0x2c9: {  	v11 =	vld [tilespmem:$0x1FFE0]  }
0x2ca: {  	v4 =	vld [tilespmem:$0x1FDA0]  }
0x2cb: {  	v51 =	vld [tilespmem:$0x1FFF0]  }
0x2cc: {  	s8 =	simm.s32 $0x3B10;
	v6 =	vld [tilespmem:$0x1FDB0]  }
0x2cd: {  	v0 =	vld [tilespmem:s8+$0x1C0]  }
0x2ce: {  	v8 =	vld [tilespmem:$0x1FDC0]  }
0x2cf: {  	v10 =	vld [tilespmem:$0x1FDD0];
	v2 =	vadd.s32 v16, v2  }
0x2d0: {  	v3 =	vld [tilespmem:s8+$0xFFFFFE40];
	v4 =	vadd.s32 v11, v4  }
0x2d1: {  	v5 =	vld [tilespmem:s8+$0xFFFFFE80];
	v6 =	vadd.s32 v51, v6  }
0x2d2: {  	v7 =	vld [tilespmem:s8+$0xFFFFFEC0]  }
0x2d3: {  	v9 =	vld [tilespmem:s8+$0xFFFFFF00];
	v8 =	vadd.s32 v12, v8  }
0x2d4: {  	v50 =	vadd.s32 v13, v10;
	v10 =	vld [tilespmem:$0x1FDE0];
	[tilespmem:v2+s25+$0x0] =	vst.idx.msk $0xffff, v0  }
0x2d5: {  	v34 =	vld [tilespmem:s8+$0xFFFFFF40];
	[tilespmem:v4+s25+$0x0] =	vst.idx.msk $0xffff, v3  }
0x2d6: {  	v2 =	vld [tilespmem:$0x1FDF0];
	[tilespmem:v6+s25+$0x0] =	vst.idx.msk $0xffff, v5  }
0x2d7: {  	v4 =	vld [tilespmem:$0x1FE00]  }
0x2d8: {  	v0 =	vld [tilespmem:s8+$0xFFFFFF80];
	[tilespmem:v8+s25+$0x0] =	vst.idx.msk $0xffff, v7  }
0x2d9: {  	v56 =	vadd.s32 v14, v10;
	v10 =	vld [tilespmem:$0x1FFD0]  }
0x2da: {  	v6 =	vld [tilespmem:$0x1FE10];
	[tilespmem:v50+s25+$0x0] =	vst.idx.msk $0xffff, v9  }
0x2db: {  	v8 =	vld [tilespmem:$0x1FE20];
	v2 =	vadd.s32 v15, v2  }
0x2dc: {  	v3 =	vld [tilespmem:s8+$0xFFFFFFC0];
	v4 =	vadd.s32 v16, v4;
	_ =	sdelay $0x1  }
0x2dd: {  	v57 =	vld [tilespmem:s8+$0x0];
	[tilespmem:v56+s25+$0x0] =	vst.idx.msk $0xffff, v34  }
0x2de: {  	v33 =	vld [tilespmem:$0x1FE30]  }
0x2df: {  	v58 =	vld [tilespmem:s8+$0x40];
	v8 =	vadd.s32 v11, v8;
	[tilespmem:v2+s25+$0x0] =	vst.idx.msk $0xffff, v0  }
0x2e0: {  	v2 =	vld [tilespmem:$0x1FE40];
	[tilespmem:v4+s25+$0x0] =	vst.idx.msk $0xffff, v3  }
0x2e1: {  	v6 =	vadd.s32 v10, v6;
	v4 =	vld [tilespmem:$0x1FE50]  }
0x2e2: {  	v60 =	vadd.s32 v14, v44;
	v59 =	vld [tilespmem:s8+$0x140]  }
0x2e3: {  	v9 =	vld [tilespmem:s8+$0x80];
	v33 =	vadd.s32 v51, v33  }
0x2e4: {  	v61 =	vld [tilespmem:s8+$0x180];
	[tilespmem:v8+s25+$0x0] =	vst.idx.msk $0xffff, v58;
	v8 =	vadd.s32 v15, v42  }
0x2e5: {  	v0 =	vld [tilespmem:s8+$0xC0];
	v2 =	vadd.s32 v12, v2  }
0x2e6: {  	v3 =	vld [tilespmem:s8+$0x100];
	[tilespmem:v6+s25+$0x0] =	vst.idx.msk $0xffff, v57;
	v4 =	vadd.s32 v13, v4  }
0x2e7: {  	[tilespmem:v60+s25+$0x0] =	vst.idx.msk $0xffff, v59  }
0x2e8: {  	[tilespmem:v33+s25+$0x0] =	vst.idx.msk $0xffff, v9  }
0x2e9: {  	[tilespmem:v8+s25+$0x0] =	vst.idx.msk $0xffff, v61  }
0x2ea: {  	[tilespmem:v2+s25+$0x0] =	vst.idx.msk $0xffff, v0  }
0x2eb: {  	[tilespmem:v4+s25+$0x0] =	vst.idx.msk $0xffff, v3  }
0x2ec: {  	v0 =	vld [tilespmem:$0x1FE60];
	_ =	sdelay $0x3  }
0x2ed: {  	v62 =	vld [tilespmem:s8+$0xFFFFFE00]  }
0x2ee: {  	v63 =	vadd.s32 v10, v45;
	v46 =	vshrl.u32 v0, $0x3;
	v0 =	vld [tilespmem:$0x1FE70]  }
0x2ef: {  	v39 =	vmov s1;
	v40 =	vmov s30  }
0x2f0: {  	v44 =	vmov s31;
	v37 =	vmov s7;
	v38 =	vshrl.u32 v54, $0x3  }
0x2f1: {  	v35 =	vshrl.u32 v53, $0x3;
	v36 =	vshrl.u32 v52, $0x3;
	v41 =	vmov s5  }
0x2f2: {  	v48 =	vmov s6;
	v34 =	vshrl.u32 v55, $0x3;
	v42 =	vmov s24  }
0x2f3: {  	s1 =	simm.s32 $0x1F;
	v33 =	vshrl.u32 v43, $0x3;
	v43 =	vmov s0;
	s0 =	simm.s32 $0x20;
	[tilespmem:v63+s25+$0x0] =	vst.idx.msk $0xffff, v62;
	v45 =	vshrl.u32 v0, $0x3  }
.LBB2_22:
0x2f4: {  	p0 =	slt.u32 s0, $0x70;
	v0 =	vshrl.u32 v39, $0x3;
	v2 =	vshrl.u32 v40, $0x3;
	v3 =	vmov s1  }
0x2f5: {  	v4 =	vshrl.u32 v43, $0x3;
	v5 =	vshrl.u32 v44, $0x3;
	v3 =	vshrl.u32 v3, $0x3  }
0x2f6: {  	v6 =	vshrl.u32 v41, $0x3;
	v7 =	vshrl.u32 v48, $0x3;
	v3 =	vshll.u32 v3, v1  }
0x2f7: {  	v8 =	vshll.u32 v46, v1;
	v9 =	vshrl.u32 v42, $0x3;
	v3 =	vbroadcast v3, $0x0  }
0x2f8: {  	v39 =	vshll.u32 v45, v1;
	v37 =	vshrl.u32 v37, $0x3;
	s8 =	sadd.s32 $0x400, s8;
	v8 =	vbroadcast v8, $0x0  }
0x2f9: {  	v38 =	vshll.u32 v38, v1;
	v39 =	vbroadcast v39, $0x0;
	v40 =	vld [tilespmem:s8+$0x1C0];
	v3 =	vadd.s32 v16, v3  }
0x2fa: {  	v36 =	vshll.u32 v36, v1;
	v38 =	vbroadcast v38, $0x0;
	v8 =	vadd.s32 v11, v8;
	v41 =	vld [tilespmem:s8+$0xFFFFFE40]  }
0x2fb: {  	v35 =	vshll.u32 v35, v1;
	v36 =	vbroadcast v36, $0x0;
	v39 =	vadd.s32 v51, v39;
	v42 =	vld [tilespmem:s8+$0xFFFFFE80]  }
0x2fc: {  	v34 =	vshll.u32 v34, v1;
	v35 =	vbroadcast v35, $0x0;
	v38 =	vadd.s32 v12, v38;
	v43 =	vld [tilespmem:s8+$0xFFFFFEC0]  }
0x2fd: {  	v34 =	vbroadcast v34, $0x0;
	v0 =	vshll.u32 v0, v1;
	v36 =	vadd.s32 v13, v36;
	v44 =	vld [tilespmem:s8+$0xFFFFFF00]  }
0x2fe: {  	v2 =	vshll.u32 v2, v1;
	v0 =	vbroadcast v0, $0x0;
	v35 =	vadd.s32 v14, v35;
	v45 =	vld [tilespmem:s8+$0xFFFFFF40];
	[tilespmem:v3+s25+$0x0] =	vst.idx.msk $0xffff, v40  }
0x2ff: {  	v4 =	vshll.u32 v4, v1;
	v2 =	vbroadcast v2, $0x0;
	[tilespmem:v8+s25+$0x0] =	vst.idx.msk $0xffff, v41;
	v3 =	vld [tilespmem:s8+$0xFFFFFF80];
	v8 =	vadd.s32 v15, v34  }
0x300: {  	v5 =	vshll.u32 v5, v1;
	v4 =	vbroadcast v4, $0x0;
	v0 =	vadd.s32 v16, v0;
	[tilespmem:v39+s25+$0x0] =	vst.idx.msk $0xffff, v42;
	v34 =	vld [tilespmem:s8+$0xFFFFFFC0]  }
0x301: {  	v6 =	vshll.u32 v6, v1;
	v5 =	vbroadcast v5, $0x0;
	v2 =	vadd.s32 v10, v2;
	[tilespmem:v38+s25+$0x0] =	vst.idx.msk $0xffff, v43;
	v38 =	vld [tilespmem:s8+$0x0]  }
0x302: {  	v7 =	vshll.u32 v7, v1;
	v6 =	vbroadcast v6, $0x0;
	v4 =	vadd.s32 v11, v4;
	[tilespmem:v36+s25+$0x0] =	vst.idx.msk $0xffff, v44;
	v36 =	vld [tilespmem:s8+$0x40]  }
0x303: {  	v9 =	vshll.u32 v9, v1;
	v7 =	vbroadcast v7, $0x0;
	v5 =	vadd.s32 v51, v5;
	[tilespmem:v35+s25+$0x0] =	vst.idx.msk $0xffff, v45;
	v35 =	vld [tilespmem:s8+$0x80]  }
0x304: {  	v6 =	vadd.s32 v12, v6;
	[tilespmem:v8+s25+$0x0] =	vst.idx.msk $0xffff, v3;
	v3 =	vld [tilespmem:s8+$0xC0];
	v8 =	vbroadcast v9, $0x0;
	v9 =	vshll.u32 v37, v1  }
0x305: {  	v33 =	vshll.u32 v33, v1;
	v7 =	vadd.s32 v13, v7;
	[tilespmem:v0+s25+$0x0] =	vst.idx.msk $0xffff, v34;
	v0 =	vld [tilespmem:s8+$0x100];
	v9 =	vbroadcast v9, $0x0  }
0x306: {  	s6 =	sadd.s32 $0x5, s0;
	v37 =	vbroadcast v33, $0x0;
	v34 =	vmov s0;
	[tilespmem:v2+s25+$0x0] =	vst.idx.msk $0xffff, v38;
	v2 =	vld [tilespmem:s8+$0x140];
	v8 =	vadd.s32 v14, v8  }
0x307: {  	s1 =	sadd.s32 $0x1, s0;
	s5 =	sadd.s32 $0x2, s0;
	v50 =	vmov s6;
	v33 =	vshrl.u32 v34, $0x3;
	[tilespmem:v4+s25+$0x0] =	vst.idx.msk $0xffff, v36;
	v4 =	vld [tilespmem:s8+$0x180];
	v9 =	vadd.s32 v15, v9  }
0x308: {  	s6 =	sadd.s32 $0x8, s0;
	v34 =	vmov s1;
	s1 =	sadd.s32 $0x3, s0;
	v49 =	vadd.s32 v10, v37;
	v36 =	vmov s5;
	s5 =	sadd.s32 $0x4, s0;
	v47 =	vld [tilespmem:s8+$0xFFFFFE00];
	[tilespmem:v5+s25+$0x0] =	vst.idx.msk $0xffff, v35  }
0x309: {  	v40 =	vmov s6;
	s6 =	sadd.s32 $0xB, s0;
	v5 =	vmov s1;
	v35 =	vmov s5;
	s1 =	sadd.s32 $0x6, s0;
	s5 =	sadd.s32 $0x7, s0;
	[tilespmem:v6+s25+$0x0] =	vst.idx.msk $0xffff, v3  }
.Ltmp14:
0x30a: {  	v3 =	vmov s1;
	v39 =	vmov s5;
	s1 =	sadd.s32 $0x9, s0;
	s5 =	sadd.s32 $0xA, s0;
	[tilespmem:v7+s25+$0x0] =	vst.idx.msk $0xffff, v0;
	(pc) =	sbr.rel @p0 .LBB2_22-.Ltmp14, $4  }
0x30b: {  	v41 =	vmov s6;
	s6 =	sadd.s32 $0xE, s0;
	v43 =	vmov s1;
	v44 =	vmov s5;
	s1 =	sadd.s32 $0xC, s0;
	s5 =	sadd.s32 $0xD, s0;
	[tilespmem:v8+s25+$0x0] =	vst.idx.msk $0xffff, v2  }
0x30c: {  	v37 =	vmov s6;
	v48 =	vmov s1;
	v42 =	vmov s5;
	[tilespmem:v9+s25+$0x0] =	vst.idx.msk $0xffff, v4  }
0x30d: {  	v46 =	vshrl.u32 v34, $0x3;
	v45 =	vshrl.u32 v36, $0x3;
	v38 =	vshrl.u32 v5, $0x3;
	[tilespmem:v49+s25+$0x0] =	vst.idx.msk $0xffff, v47  }
0x30e: {  	v36 =	vshrl.u32 v35, $0x3;
	v35 =	vshrl.u32 v50, $0x3;
	v34 =	vshrl.u32 v3, $0x3;
	s1 =	sadd.s32 $0xF, s0;
	s0 =	sadd.s32 $0x10, s0  }
0x30f: {  	v0 =	vshrl.u32 v39, $0x3  }
0x310: {  	v2 =	vshrl.u32 v40, $0x3;
	v3 =	vmov s1;
	v4 =	vshrl.u32 v43, $0x3  }
0x311: {  	v5 =	vshrl.u32 v44, $0x3;
	v6 =	vshrl.u32 v41, $0x3;
	v7 =	vshrl.u32 v48, $0x3  }
0x312: {  	v8 =	vshll.u32 v46, v1;
	v9 =	vshrl.u32 v42, $0x3;
	v58 =	vshll.u32 v45, v1  }
0x313: {  	v37 =	vshrl.u32 v37, $0x3;
	v38 =	vshll.u32 v38, v1;
	v36 =	vshll.u32 v36, v1  }
0x314: {  	v35 =	vshll.u32 v35, v1;
	v34 =	vshll.u32 v34, v1;
	v8 =	vbroadcast v8, $0x0  }
0x315: {  	v33 =	vshll.u32 v33, v1;
	v39 =	vbroadcast v58, $0x0;
	v38 =	vbroadcast v38, $0x0  }
0x316: {  	s0 =	sadd.s32 $0x400, s8;
	v3 =	vshrl.u32 v3, $0x3;
	v36 =	vbroadcast v36, $0x0;
	v35 =	vbroadcast v35, $0x0  }
0x317: {  	v60 =	vld [tilespmem:s0+$0xFFFFFE40];
	v34 =	vbroadcast v34, $0x0;
	v0 =	vshll.u32 v0, v1;
	v8 =	vadd.s32 v11, v8  }
0x318: {  	v61 =	vld [tilespmem:s0+$0xFFFFFE80];
	v2 =	vshll.u32 v2, v1;
	v3 =	vshll.u32 v3, v1;
	v39 =	vadd.s32 v51, v39  }
0x319: {  	v62 =	vld [tilespmem:s0+$0xFFFFFEC0];
	v4 =	vshll.u32 v4, v1;
	v3 =	vbroadcast v3, $0x0;
	v38 =	vadd.s32 v12, v38  }
0x31a: {  	v63 =	vld [tilespmem:s0+$0xFFFFFF00];
	v5 =	vshll.u32 v5, v1;
	v6 =	vshll.u32 v6, v1;
	v36 =	vadd.s32 v13, v36  }
0x31b: {  	v59 =	vld [tilespmem:s0+$0x1C0];
	v7 =	vshll.u32 v7, v1;
	v0 =	vbroadcast v0, $0x0;
	v3 =	vadd.s32 v16, v3  }
0x31c: {  	v48 =	vld [tilespmem:s0+$0xFFFFFF40];
	v9 =	vshll.u32 v9, v1;
	v2 =	vbroadcast v2, $0x0;
	v35 =	vadd.s32 v14, v35;
	[tilespmem:v8+s25+$0x0] =	vst.idx.msk $0xffff, v60  }
0x31d: {  	s10 =	simm.s32 $0x0;
	v50 =	vld [tilespmem:s0+$0xFFFFFFC0];
	v37 =	vshll.u32 v37, v1;
	v4 =	vbroadcast v4, $0x0;
	v0 =	vadd.s32 v16, v0;
	[tilespmem:v39+s25+$0x0] =	vst.idx.msk $0xffff, v61  }
0x31e: {  	s8 =	simm.s32 $0x9;
	v52 =	vld [tilespmem:s0+$0x0];
	v33 =	vbroadcast v33, $0x0;
	v57 =	vmov s10;
	v2 =	vadd.s32 v10, v2;
	[tilespmem:v38+s25+$0x0] =	vst.idx.msk $0xffff, v62  }
0x31f: {  	s9 =	simm.s32 $0xA;
	v53 =	vld [tilespmem:s0+$0x40];
	v43 =	vmov s8;
	v5 =	vbroadcast v5, $0x0;
	v4 =	vadd.s32 v11, v4;
	[tilespmem:v36+s25+$0x0] =	vst.idx.msk $0xffff, v63  }
0x320: {  	v49 =	vld [tilespmem:s0+$0xFFFFFF80];
	v41 =	vmov s9;
	v55 =	vbroadcast v37, $0x0;
	[tilespmem:v3+s25+$0x0] =	vst.idx.msk $0xffff, v59;
	v3 =	vadd.s32 v15, v34  }
0x321: {  	v54 =	vld [tilespmem:s0+$0x80];
	s10 =	simm.s32 $0xB;
	v6 =	vbroadcast v6, $0x0;
	v7 =	vbroadcast v7, $0x0;
	v5 =	vadd.s32 v51, v5;
	[tilespmem:v35+s25+$0x0] =	vst.idx.msk $0xffff, v48  }
0x322: {  	s5 =	simm.s32 $0x2;
	v58 =	vld [tilespmem:s0+$0x180];
	v9 =	vbroadcast v9, $0x0;
	v40 =	vmov s10;
	v8 =	vadd.s32 v15, v55;
	[tilespmem:v0+s25+$0x0] =	vst.idx.msk $0xffff, v50  }
0x323: {  	s12 =	simm.s32 $0x3;
	s6 =	simm.s32 $0x5;
	v56 =	vadd.s32 v10, v33;
	v7 =	vadd.s32 v13, v7;
	v60 =	vmov s5;
	v0 =	vld [tilespmem:s0+$0x100];
	[tilespmem:v2+s25+$0x0] =	vst.idx.msk $0xffff, v52  }
0x324: {  	s24 =	simm.s32 $0x4;
	s7 =	simm.s32 $0x8;
	v9 =	vadd.s32 v14, v9;
	v61 =	vmov s12;
	v62 =	vmov s6;
	v2 =	vld [tilespmem:s0+$0x140];
	[tilespmem:v4+s25+$0x0] =	vst.idx.msk $0xffff, v53  }
0x325: {  	v6 =	vadd.s32 v12, v6;
	s5 =	simm.s32 $0x6;
	s6 =	simm.s32 $0x7;
	v38 =	vmov s7;
	v50 =	vmov s24;
	[tilespmem:v3+s25+$0x0] =	vst.idx.msk $0xffff, v49;
	v3 =	vld [tilespmem:s0+$0xC0]  }
0x326: {  	p1 =	por $0x1, $0x1;
	v33 =	vshrl.u32 v57, $0x3;
	s12 =	simm.s32 $0xD;
	[tilespmem:v5+s25+$0x0] =	vst.idx.msk $0xffff, v54;
	v63 =	vmov s5;
	v39 =	vmov s6;
	v49 =	vld [tilespmem:s0+$0xFFFFFE00]  }
.Ltmp15:
0x327: {  	s11 =	simm.s32 $0x1;
	v57 =	vmovc v41;
	v55 =	vmovc v43;
	s24 =	simm.s32 $0xE;
	v44 =	vmov s12;
	v45 =	vshrl.u32 v60, $0x3;
	v42 =	vshrl.u32 v61, $0x3;
	[tilespmem:v8+s25+$0x0] =	vst.idx.msk $0xffff, v58;
	(pc) =	sbr.rel @!p1 .LBB2_27-.Ltmp15, $4  }
0x328: {  	v48 =	vmovc v33;
	v36 =	vshrl.u32 v62, $0x3;
	v51 =	vmovc v38;
	v59 =	vmov s11;
	s11 =	simm.s32 $0xC;
	v34 =	vmov s24;
	[tilespmem:v7+s25+$0x0] =	vst.idx.msk $0xffff, v0  }
0x329: {  	s1 =	simm.s32 $0x3B20;
	v53 =	vmovc v40;
	v37 =	vshrl.u32 v50, $0x3;
	v35 =	vshrl.u32 v63, $0x3;
	v52 =	vmovc v36;
	v46 =	vmov s11;
	[tilespmem:v9+s25+$0x0] =	vst.idx.msk $0xffff, v2  }
0x32a: {  	s31 =	simm.s32 $0xF;
	s30 =	simm.s32 $0x10;
	p0 =	por $0x0, $0x0;
	v47 =	vshrl.u32 v59, $0x3;
	v61 =	vmovc v45;
	v54 =	vmovc v37;
	v50 =	vmov v39;
	v60 =	vmov v46;
	[tilespmem:v6+s25+$0x0] =	vst.idx.msk $0xffff, v3  }
0x32b: {  	p2 =	por $0x0, $0x0;
	s6 =	simm.s32 $0xF;
	v62 =	vmovc v47;
	v59 =	vmovc v44;
	v58 =	vmov v42;
	s0 =	simm.s32 $0x3B20;
	[tilespmem:v56+s25+$0x0] =	vst.idx.msk $0xffff, v49;
	v56 =	vmov v34;
	v49 =	vmov v35  }
0x32c: {  	v0 =	vshrl.u32 v39, $0x3;
	v2 =	vmov s31  }
0x32d: {  	v3 =	vshrl.u32 v38, $0x3;
	v4 =	vshrl.u32 v43, $0x3;
	v5 =	vshrl.u32 v41, $0x3  }
0x32e: {  	v6 =	vshrl.u32 v40, $0x3;
	v7 =	vshrl.u32 v46, $0x3;
	v8 =	vshll.u32 v47, v1  }
0x32f: {  	v9 =	vshrl.u32 v44, $0x3;
	v48 =	vshll.u32 v45, v1;
	v49 =	vshll.u32 v42, v1  }
0x330: {  	v52 =	vshll.u32 v37, v1;
	v54 =	vshll.u32 v36, v1;
	v8 =	vbroadcast v8, $0x0  }
0x331: {  	v56 =	vshll.u32 v35, v1;
	v62 =	vshll.u32 v33, v1;
	v48 =	vbroadcast v48, $0x0  }
0x332: {  	v51 =	vld [tilespmem:s1+$0xFFFFFE40];
	v2 =	vshrl.u32 v2, $0x3;
	v49 =	vbroadcast v49, $0x0;
	v8 =	vadd.s32 v18, v8  }
0x333: {  	v53 =	vld [tilespmem:s1+$0xFFFFFE80];
	v52 =	vbroadcast v52, $0x0;
	v54 =	vbroadcast v54, $0x0;
	v48 =	vadd.s32 v19, v48  }
0x334: {  	v55 =	vld [tilespmem:s1+$0xFFFFFEC0];
	v56 =	vbroadcast v56, $0x0;
	v0 =	vshll.u32 v0, v1;
	v49 =	vadd.s32 v20, v49  }
0x335: {  	v57 =	vld [tilespmem:s1+$0xFFFFFF00];
	v3 =	vshll.u32 v3, v1;
	v2 =	vshll.u32 v2, v1;
	v52 =	vadd.s32 v21, v52  }
0x336: {  	v58 =	vld [tilespmem:s1+$0xFFFFFF40];
	v4 =	vshll.u32 v4, v1;
	v2 =	vbroadcast v2, $0x0;
	v54 =	vadd.s32 v22, v54  }
0x337: {  	v63 =	vld [tilespmem:s1+$0xFFFFFF80];
	v5 =	vshll.u32 v5, v1;
	v0 =	vbroadcast v0, $0x0;
	v56 =	vadd.s32 v23, v56;
	[tilespmem:v8+s25+$0x0] =	vst.idx.msk $0xffff, v51  }
0x338: {  	v50 =	vld [tilespmem:s1+$0x1C0];
	v6 =	vshll.u32 v6, v1;
	v3 =	vbroadcast v3, $0x0;
	v2 =	vadd.s32 v24, v2;
	[tilespmem:v48+s25+$0x0] =	vst.idx.msk $0xffff, v53  }
0x339: {  	v59 =	vld [tilespmem:s1+$0xFFFFFFC0];
	v7 =	vshll.u32 v7, v1;
	v5 =	vbroadcast v5, $0x0;
	v0 =	vadd.s32 v24, v0;
	[tilespmem:v49+s25+$0x0] =	vst.idx.msk $0xffff, v55  }
0x33a: {  	s24 =	simm.s32 $0x14;
	v9 =	vshll.u32 v9, v1;
	v4 =	vbroadcast v4, $0x0;
	v3 =	vadd.s32 v17, v3;
	v49 =	vld [tilespmem:s1+$0x0];
	[tilespmem:v52+s25+$0x0] =	vst.idx.msk $0xffff, v57  }
0x33b: {  	v60 =	vld [tilespmem:s1+$0x80];
	v10 =	vmov s24;
	v6 =	vbroadcast v6, $0x0;
	v5 =	vadd.s32 v19, v5;
	[tilespmem:v54+s25+$0x0] =	vst.idx.msk $0xffff, v58  }
0x33c: {  	v7 =	vbroadcast v7, $0x0;
	v61 =	vbroadcast v9, $0x0;
	v4 =	vadd.s32 v18, v4;
	v51 =	vld [tilespmem:s1+$0x40];
	[tilespmem:v56+s25+$0x0] =	vst.idx.msk $0xffff, v63  }
0x33d: {  	v9 =	vbroadcast v62, $0x0;
	v6 =	vadd.s32 v20, v6;
	v53 =	vld [tilespmem:s1+$0xC0];
	[tilespmem:v2+s25+$0x0] =	vst.idx.msk $0xffff, v50;
	v2 =	vshrl.u32 v34, $0x3  }
0x33e: {  	s5 =	simm.s32 $0x12;
	v54 =	vld [tilespmem:s1+$0x100];
	v63 =	vmov s30;
	[tilespmem:v0+s25+$0x0] =	vst.idx.msk $0xffff, v59;
	v0 =	vadd.s32 v21, v7;
	v2 =	vshll.u32 v2, v1  }
0x33f: {  	s8 =	simm.s32 $0x19;
	s9 =	simm.s32 $0x1A;
	v56 =	vld [tilespmem:s1+$0x140];
	v8 =	vmov s5;
	v2 =	vbroadcast v2, $0x0;
	[tilespmem:v3+s25+$0x0] =	vst.idx.msk $0xffff, v49;
	v3 =	vadd.s32 v22, v61  }
0x340: {  	s12 =	simm.s32 $0x13;
	s6 =	simm.s32 $0x15;
	v9 =	vadd.s32 v17, v9;
	v55 =	vmov s8;
	v57 =	vmov s9;
	[tilespmem:v5+s25+$0x0] =	vst.idx.msk $0xffff, v60;
	v49 =	vld [tilespmem:s1+$0xFFFFFE00]  }
0x341: {  	s11 =	simm.s32 $0x1C;
	p3 =	por $0x1, $0x1;
	s5 =	simm.s32 $0x16;
	v48 =	vshrl.u32 v63, $0x3;
	v7 =	vld [tilespmem:s1+$0x180];
	v5 =	vmov s12;
	[tilespmem:v4+s25+$0x0] =	vst.idx.msk $0xffff, v51;
	v2 =	vadd.s32 v23, v2  }
.Ltmp16:
0x342: {  	v63 =	vmov s6;
	s6 =	simm.s32 $0x17;
	v11 =	vmov s5;
	s12 =	simm.s32 $0x1D;
	v60 =	vmov s11;
	[tilespmem:v6+s25+$0x0] =	vst.idx.msk $0xffff, v53;
	(pc) =	sbr.rel @!p3 .LBB2_25-.Ltmp16, $4  }
0x343: {  	s0 =	simm.s32 $0x11;
	s7 =	simm.s32 $0x18;
	v50 =	vmov s6;
	v59 =	vmov s12;
	v58 =	vshrl.u32 v5, $0x3;
	[tilespmem:v0+s25+$0x0] =	vst.idx.msk $0xffff, v54  }
0x344: {  	s10 =	simm.s32 $0x1B;
	v52 =	vshrl.u32 v63, $0x3;
	v4 =	vmov s0;
	v51 =	vmov s7;
	[tilespmem:v3+s25+$0x0] =	vst.idx.msk $0xffff, v56  }
0x345: {  	p2 =	por $0x1, $0x1;
	s24 =	simm.s32 $0x1E;
	v53 =	vmov s10;
	v61 =	vshrl.u32 v8, $0x3;
	v62 =	vshrl.u32 v4, $0x3;
	[tilespmem:v9+s25+$0x0] =	vst.idx.msk $0xffff, v49  }
0x346: {  	s5 =	simm.s32 $0x20;
	s6 =	simm.s32 $0x1F;
	s0 =	simm.s32 $0x3B20;
	v54 =	vshrl.u32 v10, $0x3;
	v56 =	vmov s24;
	v49 =	vshrl.u32 v11, $0x3;
	[tilespmem:v2+s25+$0x0] =	vst.idx.msk $0xffff, v7  }
.LBB2_26:
0x347: {  	p3 =	slt.u32 s5, $0x70;
	v0 =	vshrl.u32 v50, $0x3;
	v2 =	vshrl.u32 v51, $0x3;
	v3 =	vmov s6  }
0x348: {  	v4 =	vshrl.u32 v55, $0x3;
	v5 =	vshrl.u32 v57, $0x3;
	v3 =	vshrl.u32 v3, $0x3  }
0x349: {  	v6 =	vshrl.u32 v53, $0x3;
	v7 =	vshrl.u32 v60, $0x3;
	v3 =	vshll.u32 v3, v1  }
0x34a: {  	v8 =	vshll.u32 v62, v1;
	v9 =	vshrl.u32 v59, $0x3;
	v3 =	vbroadcast v3, $0x0  }
0x34b: {  	v50 =	vshll.u32 v61, v1;
	v51 =	vshrl.u32 v56, $0x3;
	s0 =	sadd.s32 $0x400, s0;
	v8 =	vbroadcast v8, $0x0  }
0x34c: {  	v53 =	vshll.u32 v58, v1;
	v50 =	vbroadcast v50, $0x0;
	v55 =	vld [tilespmem:s0+$0x1C0];
	v3 =	vadd.s32 v24, v3  }
0x34d: {  	v54 =	vshll.u32 v54, v1;
	v53 =	vbroadcast v53, $0x0;
	v8 =	vadd.s32 v18, v8;
	v56 =	vld [tilespmem:s0+$0xFFFFFE40]  }
0x34e: {  	v52 =	vshll.u32 v52, v1;
	v54 =	vbroadcast v54, $0x0;
	v50 =	vadd.s32 v19, v50;
	v57 =	vld [tilespmem:s0+$0xFFFFFE80]  }
0x34f: {  	v49 =	vshll.u32 v49, v1;
	v52 =	vbroadcast v52, $0x0;
	v53 =	vadd.s32 v20, v53;
	v58 =	vld [tilespmem:s0+$0xFFFFFEC0]  }
0x350: {  	v49 =	vbroadcast v49, $0x0;
	v0 =	vshll.u32 v0, v1;
	v54 =	vadd.s32 v21, v54;
	v59 =	vld [tilespmem:s0+$0xFFFFFF00]  }
0x351: {  	v2 =	vshll.u32 v2, v1;
	v0 =	vbroadcast v0, $0x0;
	v52 =	vadd.s32 v22, v52;
	v60 =	vld [tilespmem:s0+$0xFFFFFF40];
	[tilespmem:v3+s25+$0x0] =	vst.idx.msk $0xffff, v55  }
0x352: {  	v4 =	vshll.u32 v4, v1;
	v2 =	vbroadcast v2, $0x0;
	[tilespmem:v8+s25+$0x0] =	vst.idx.msk $0xffff, v56;
	v3 =	vld [tilespmem:s0+$0xFFFFFF80];
	v8 =	vadd.s32 v23, v49  }
0x353: {  	v5 =	vshll.u32 v5, v1;
	v4 =	vbroadcast v4, $0x0;
	v0 =	vadd.s32 v24, v0;
	[tilespmem:v50+s25+$0x0] =	vst.idx.msk $0xffff, v57;
	v49 =	vld [tilespmem:s0+$0xFFFFFFC0]  }
0x354: {  	v6 =	vshll.u32 v6, v1;
	v5 =	vbroadcast v5, $0x0;
	v2 =	vadd.s32 v17, v2;
	[tilespmem:v53+s25+$0x0] =	vst.idx.msk $0xffff, v58;
	v50 =	vld [tilespmem:s0+$0x0]  }
0x355: {  	v7 =	vshll.u32 v7, v1;
	v6 =	vbroadcast v6, $0x0;
	v4 =	vadd.s32 v18, v4;
	[tilespmem:v54+s25+$0x0] =	vst.idx.msk $0xffff, v59;
	v53 =	vld [tilespmem:s0+$0x40]  }
0x356: {  	v9 =	vshll.u32 v9, v1;
	v7 =	vbroadcast v7, $0x0;
	v5 =	vadd.s32 v19, v5;
	[tilespmem:v52+s25+$0x0] =	vst.idx.msk $0xffff, v60;
	v52 =	vld [tilespmem:s0+$0x80]  }
0x357: {  	v6 =	vadd.s32 v20, v6;
	[tilespmem:v8+s25+$0x0] =	vst.idx.msk $0xffff, v3;
	v3 =	vld [tilespmem:s0+$0xC0];
	v8 =	vbroadcast v9, $0x0;
	v9 =	vshll.u32 v51, v1  }
0x358: {  	v48 =	vshll.u32 v48, v1;
	v7 =	vadd.s32 v21, v7;
	[tilespmem:v0+s25+$0x0] =	vst.idx.msk $0xffff, v49;
	v0 =	vld [tilespmem:s0+$0x100];
	v9 =	vbroadcast v9, $0x0  }
0x359: {  	s8 =	sadd.s32 $0x5, s5;
	v51 =	vbroadcast v48, $0x0;
	v49 =	vmov s5;
	[tilespmem:v2+s25+$0x0] =	vst.idx.msk $0xffff, v50;
	v2 =	vld [tilespmem:s0+$0x140];
	v8 =	vadd.s32 v22, v8  }
0x35a: {  	s6 =	sadd.s32 $0x1, s5;
	s7 =	sadd.s32 $0x2, s5;
	v11 =	vmov s8;
	v48 =	vshrl.u32 v49, $0x3;
	[tilespmem:v4+s25+$0x0] =	vst.idx.msk $0xffff, v53;
	v4 =	vld [tilespmem:s0+$0x180];
	v9 =	vadd.s32 v23, v9  }
0x35b: {  	s8 =	sadd.s32 $0x8, s5;
	v54 =	vmov s7;
	s7 =	sadd.s32 $0x4, s5;
	v49 =	vmov s6;
	s6 =	sadd.s32 $0x3, s5;
	v10 =	vadd.s32 v17, v51;
	v63 =	vld [tilespmem:s0+$0xFFFFFE00];
	[tilespmem:v5+s25+$0x0] =	vst.idx.msk $0xffff, v52  }
0x35c: {  	v51 =	vmov s8;
	s8 =	sadd.s32 $0xB, s5;
	v5 =	vmov s6;
	v52 =	vmov s7;
	s6 =	sadd.s32 $0x6, s5;
	s7 =	sadd.s32 $0x7, s5;
	[tilespmem:v6+s25+$0x0] =	vst.idx.msk $0xffff, v3  }
.Ltmp17:
0x35d: {  	v3 =	vmov s6;
	v50 =	vmov s7;
	s6 =	sadd.s32 $0x9, s5;
	s7 =	sadd.s32 $0xA, s5;
	[tilespmem:v7+s25+$0x0] =	vst.idx.msk $0xffff, v0;
	(pc) =	sbr.rel @p3 .LBB2_26-.Ltmp17, $4  }
0x35e: {  	v53 =	vmov s8;
	s8 =	sadd.s32 $0xE, s5;
	v55 =	vmov s6;
	v57 =	vmov s7;
	s6 =	sadd.s32 $0xC, s5;
	s7 =	sadd.s32 $0xD, s5;
	[tilespmem:v8+s25+$0x0] =	vst.idx.msk $0xffff, v2  }
0x35f: {  	v56 =	vmov s8;
	v60 =	vmov s6;
	v59 =	vmov s7;
	[tilespmem:v9+s25+$0x0] =	vst.idx.msk $0xffff, v4  }
0x360: {  	v61 =	vshrl.u32 v54, $0x3;
	v62 =	vshrl.u32 v49, $0x3;
	v58 =	vshrl.u32 v5, $0x3;
	[tilespmem:v10+s25+$0x0] =	vst.idx.msk $0xffff, v63  }
0x361: {  	v54 =	vshrl.u32 v52, $0x3;
	v52 =	vshrl.u32 v11, $0x3;
	v49 =	vshrl.u32 v3, $0x3;
	s6 =	sadd.s32 $0xF, s5;
	s5 =	sadd.s32 $0x10, s5  }
.LBB2_27:
0x362: {  	v0 =	vshrl.u32 v50, $0x3;
	v2 =	vshrl.u32 v51, $0x3;
	v3 =	vmov s6  }
0x363: {  	v4 =	vshrl.u32 v55, $0x3;
	v5 =	vshrl.u32 v57, $0x3;
	v6 =	vshrl.u32 v53, $0x3  }
0x364: {  	v7 =	vshrl.u32 v60, $0x3;
	v8 =	vshll.u32 v62, v1;
	v9 =	vshrl.u32 v59, $0x3  }
0x365: {  	s0 =	sadd.s32 @p2 $0x400, s0;
	v10 =	vshll.u32 v61, v1;
	v11 =	vshrl.u32 v56, $0x3;
	v8 =	vbroadcast v8, $0x0  }
0x366: {  	v61 =	vshll.u32 v58, v1;
	v54 =	vshll.u32 v54, v1;
	s1 =	smov.u32 @p2 s0;
	v10 =	vbroadcast v10, $0x0  }
0x367: {  	v3 =	vshrl.u32 v3, $0x3;
	v50 =	vbroadcast v61, $0x0;
	v62 =	vld [tilespmem:s1+$0xFFFFFE40];
	v8 =	vadd.s32 v18, v8  }
0x368: {  	v54 =	vbroadcast v54, $0x0;
	v3 =	vshll.u32 v3, v1;
	v63 =	vld [tilespmem:s1+$0xFFFFFE80];
	v10 =	vadd.s32 v19, v10  }
0x369: {  	v52 =	vshll.u32 v52, v1;
	v56 =	vld [tilespmem:s1+$0xFFFFFEC0];
	v3 =	vbroadcast v3, $0x0;
	v50 =	vadd.s32 v20, v50  }
0x36a: {  	v52 =	vbroadcast v52, $0x0;
	v2 =	vshll.u32 v2, v1;
	v60 =	vld [tilespmem:s1+$0xFFFFFF00];
	v54 =	vadd.s32 v21, v54  }
0x36b: {  	v0 =	vshll.u32 v0, v1;
	v51 =	vld [tilespmem:s1+$0x1C0];
	v2 =	vbroadcast v2, $0x0;
	v3 =	vadd.s32 v24, v3  }
0x36c: {  	v5 =	vshll.u32 v5, v1;
	v61 =	vld [tilespmem:s1+$0xFFFFFF40];
	v0 =	vbroadcast v0, $0x0;
	v52 =	vadd.s32 v22, v52;
	[tilespmem:v8+s25+$0x0] =	vst.idx.msk $0xffff, v62  }
0x36d: {  	v49 =	vshll.u32 v49, v1;
	v55 =	vld [tilespmem:s1+$0x0];
	v5 =	vbroadcast v5, $0x0;
	v2 =	vadd.s32 v17, v2;
	[tilespmem:v10+s25+$0x0] =	vst.idx.msk $0xffff, v63  }
0x36e: {  	v49 =	vbroadcast v49, $0x0;
	v4 =	vshll.u32 v4, v1;
	v0 =	vadd.s32 v24, v0;
	v63 =	vld [tilespmem:s1+$0xFFFFFFC0];
	[tilespmem:v50+s25+$0x0] =	vst.idx.msk $0xffff, v56  }
0x36f: {  	v9 =	vshll.u32 v9, v1;
	v4 =	vbroadcast v4, $0x0;
	v57 =	vld [tilespmem:s1+$0x80];
	v5 =	vadd.s32 v19, v5;
	[tilespmem:v54+s25+$0x0] =	vst.idx.msk $0xffff, v60  }
0x370: {  	v7 =	vshll.u32 v7, v1;
	v58 =	vbroadcast v9, $0x0;
	v62 =	vadd.s32 v23, v49;
	[tilespmem:v3+s25+$0x0] =	vst.idx.msk $0xffff, v51;
	v3 =	vld [tilespmem:s1+$0xFFFFFF80]  }
0x371: {  	v7 =	vbroadcast v7, $0x0;
	v4 =	vadd.s32 v18, v4;
	v56 =	vld [tilespmem:s1+$0x40];
	[tilespmem:v52+s25+$0x0] =	vst.idx.msk $0xffff, v61;
	v60 =	vshll.u32 v48, v1  }
0x372: {  	v6 =	vshll.u32 v6, v1;
	v8 =	vadd.s32 v22, v58;
	v61 =	vbroadcast v60, $0x0;
	[tilespmem:v2+s25+$0x0] =	vst.idx.msk $0xffff, v55;
	v2 =	vld [tilespmem:s1+$0x140]  }
0x373: {  	v59 =	vshll.u32 v11, v1;
	v6 =	vbroadcast v6, $0x0;
	v7 =	vadd.s32 v21, v7;
	[tilespmem:v0+s25+$0x0] =	vst.idx.msk $0xffff, v63;
	v0 =	vld [tilespmem:s1+$0x100]  }
0x374: {  	v9 =	vbroadcast v59, $0x0;
	[tilespmem:v5+s25+$0x0] =	vst.idx.msk $0xffff, v57;
	v10 =	vadd.s32 v17, v61;
	v63 =	vld [tilespmem:s1+$0xFFFFFE00]  }
0x375: {  	v6 =	vadd.s32 v20, v6;
	[tilespmem:v62+s25+$0x0] =	vst.idx.msk $0xffff, v3;
	v3 =	vld [tilespmem:s1+$0xC0]  }
0x376: {  	v9 =	vadd.s32 v23, v9;
	[tilespmem:v4+s25+$0x0] =	vst.idx.msk $0xffff, v56;
	v62 =	vld [tilespmem:s1+$0x180]  }
.Ltmp18:
0x377: {  	[tilespmem:v8+s25+$0x0] =	vst.idx.msk $0xffff, v2;
	(pc) =	sbr.rel @!p1 .LBB2_28-.Ltmp18, $4  }
0x378: {  	[tilespmem:v7+s25+$0x0] =	vst.idx.msk $0xffff, v0  }
0x379: {  	[tilespmem:v10+s25+$0x0] =	vst.idx.msk $0xffff, v63  }
0x37a: {  	[tilespmem:v6+s25+$0x0] =	vst.idx.msk $0xffff, v3  }
0x37b: {  	s1 =	simm.s32 $0x3B30;
	[tilespmem:v9+s25+$0x0] =	vst.idx.msk $0xffff, v62  }
0x37c: {  	v0 =	vshrl.u32 v39, $0x3;
	v2 =	vmov s31  }
0x37d: {  	v3 =	vshrl.u32 v38, $0x3;
	v4 =	vshrl.u32 v43, $0x3;
	v5 =	vshrl.u32 v41, $0x3  }
0x37e: {  	v6 =	vshrl.u32 v40, $0x3;
	v7 =	vshrl.u32 v46, $0x3;
	v8 =	vshll.u32 v47, v1  }
0x37f: {  	v9 =	vshrl.u32 v44, $0x3;
	v10 =	vshll.u32 v45, v1;
	v11 =	vshll.u32 v42, v1  }
0x380: {  	v37 =	vshll.u32 v37, v1;
	v36 =	vshll.u32 v36, v1;
	v8 =	vbroadcast v8, $0x0  }
0x381: {  	v35 =	vshll.u32 v35, v1;
	v52 =	vshll.u32 v33, v1;
	v10 =	vbroadcast v10, $0x0  }
0x382: {  	v59 =	vld [tilespmem:s1+$0xFFFFFE40];
	v54 =	vmov s30;
	v11 =	vbroadcast v11, $0x0;
	v8 =	vadd.s32 v26, v8  }
0x383: {  	v60 =	vld [tilespmem:s1+$0xFFFFFE80];
	v2 =	vshrl.u32 v2, $0x3;
	v37 =	vbroadcast v37, $0x0;
	v10 =	vadd.s32 v27, v10  }
0x384: {  	v61 =	vld [tilespmem:s1+$0xFFFFFEC0];
	v36 =	vbroadcast v36, $0x0;
	v35 =	vbroadcast v35, $0x0;
	v11 =	vadd.s32 v28, v11  }
0x385: {  	v62 =	vld [tilespmem:s1+$0xFFFFFF00];
	v0 =	vshll.u32 v0, v1;
	v2 =	vshll.u32 v2, v1;
	v37 =	vadd.s32 v29, v37  }
0x386: {  	v63 =	vld [tilespmem:s1+$0xFFFFFF40];
	v3 =	vshll.u32 v3, v1;
	v2 =	vbroadcast v2, $0x0;
	v36 =	vadd.s32 v30, v36  }
0x387: {  	v44 =	vld [tilespmem:s1+$0xFFFFFF80];
	v4 =	vshll.u32 v4, v1;
	v0 =	vbroadcast v0, $0x0;
	v45 =	vadd.s32 v31, v35;
	[tilespmem:v8+s25+$0x0] =	vst.idx.msk $0xffff, v59  }
0x388: {  	v58 =	vld [tilespmem:s1+$0x1C0];
	v5 =	vshll.u32 v5, v1;
	v3 =	vbroadcast v3, $0x0;
	v2 =	vadd.s32 v32, v2;
	[tilespmem:v10+s25+$0x0] =	vst.idx.msk $0xffff, v60  }
0x389: {  	v46 =	vld [tilespmem:s1+$0xFFFFFFC0];
	v6 =	vshll.u32 v6, v1;
	v4 =	vbroadcast v4, $0x0;
	v0 =	vadd.s32 v32, v0;
	[tilespmem:v11+s25+$0x0] =	vst.idx.msk $0xffff, v61  }
0x38a: {  	v47 =	vld [tilespmem:s1+$0x0];
	v7 =	vshll.u32 v7, v1;
	v5 =	vbroadcast v5, $0x0;
	v3 =	vadd.s32 v25, v3;
	[tilespmem:v37+s25+$0x0] =	vst.idx.msk $0xffff, v62  }
0x38b: {  	v48 =	vld [tilespmem:s1+$0x40];
	v9 =	vshll.u32 v9, v1;
	v6 =	vbroadcast v6, $0x0;
	v4 =	vadd.s32 v26, v4;
	[tilespmem:v36+s25+$0x0] =	vst.idx.msk $0xffff, v63  }
0x38c: {  	v49 =	vld [tilespmem:s1+$0x80];
	v51 =	vbroadcast v9, $0x0;
	v9 =	vbroadcast v52, $0x0;
	v5 =	vadd.s32 v27, v5;
	[tilespmem:v45+s25+$0x0] =	vst.idx.msk $0xffff, v44  }
0x38d: {  	v50 =	vld [tilespmem:s1+$0xC0];
	v7 =	vbroadcast v7, $0x0;
	v6 =	vadd.s32 v28, v6;
	[tilespmem:v2+s25+$0x0] =	vst.idx.msk $0xffff, v58;
	v2 =	vshrl.u32 v34, $0x3  }
0x38e: {  	s0 =	simm.s32 $0x11;
	v33 =	vshrl.u32 v54, $0x3;
	v9 =	vadd.s32 v25, v9;
	v59 =	vld [tilespmem:s1+$0xFFFFFE00];
	[tilespmem:v0+s25+$0x0] =	vst.idx.msk $0xffff, v46;
	v2 =	vshll.u32 v2, v1  }
0x38f: {  	v53 =	vld [tilespmem:s1+$0x100];
	s24 =	simm.s32 $0x13;
	s7 =	simm.s32 $0x17;
	s8 =	simm.s32 $0x18;
	v57 =	vmov s0;
	v0 =	vadd.s32 v29, v7;
	[tilespmem:v3+s25+$0x0] =	vst.idx.msk $0xffff, v47;
	v2 =	vbroadcast v2, $0x0  }
0x390: {  	v55 =	vld [tilespmem:s1+$0x140];
	s30 =	simm.s32 $0x14;
	s9 =	simm.s32 $0x19;
	s10 =	simm.s32 $0x1A;
	v39 =	vmov s7;
	v38 =	vmov s8;
	v3 =	vadd.s32 v30, v51;
	[tilespmem:v4+s25+$0x0] =	vst.idx.msk $0xffff, v48  }
0x391: {  	v56 =	vld [tilespmem:s1+$0x180];
	s6 =	simm.s32 $0x15;
	s11 =	simm.s32 $0x1B;
	p1 =	por $0x1, $0x1;
	v43 =	vmov s9;
	v41 =	vmov s10;
	[tilespmem:v5+s25+$0x0] =	vst.idx.msk $0xffff, v49;
	v2 =	vadd.s32 v31, v2  }
.Ltmp19:
0x392: {  	s12 =	simm.s32 $0x1C;
	v40 =	vmov s11;
	v60 =	vmov s24;
	v62 =	vmov s6;
	s6 =	simm.s32 $0x16;
	[tilespmem:v6+s25+$0x0] =	vst.idx.msk $0xffff, v50;
	(pc) =	sbr.rel @!p1 .LBB2_30-.Ltmp19, $4  }
0x393: {  	v61 =	vmov s30;
	s24 =	simm.s32 $0x1D;
	v63 =	vmov s6;
	v46 =	vmov s12;
	[tilespmem:v9+s25+$0x0] =	vst.idx.msk $0xffff, v59  }
0x394: {  	s5 =	simm.s32 $0x12;
	v44 =	vmov s24;
	v47 =	vshrl.u32 v57, $0x3;
	v42 =	vshrl.u32 v60, $0x3;
	[tilespmem:v0+s25+$0x0] =	vst.idx.msk $0xffff, v53  }
0x395: {  	s31 =	simm.s32 $0x1F;
	s30 =	simm.s32 $0x1E;
	v37 =	vshrl.u32 v61, $0x3;
	v36 =	vshrl.u32 v62, $0x3;
	v58 =	vmov s5;
	[tilespmem:v3+s25+$0x0] =	vst.idx.msk $0xffff, v55  }
0x396: {  	p0 =	por $0x1, $0x1;
	s0 =	simm.s32 $0x3B30;
	v34 =	vmov s30;
	v35 =	vshrl.u32 v63, $0x3;
	s5 =	simm.s32 $0x20;
	v45 =	vshrl.u32 v58, $0x3;
	[tilespmem:v2+s25+$0x0] =	vst.idx.msk $0xffff, v56  }
.LBB2_31:
0x397: {  	p1 =	slt.u32 s5, $0x70;
	v0 =	vshrl.u32 v39, $0x3;
	v2 =	vshrl.u32 v38, $0x3;
	v3 =	vmov s31  }
0x398: {  	v4 =	vshrl.u32 v43, $0x3;
	v5 =	vshrl.u32 v41, $0x3;
	v3 =	vshrl.u32 v3, $0x3  }
0x399: {  	v6 =	vshrl.u32 v40, $0x3;
	v7 =	vshrl.u32 v46, $0x3;
	v3 =	vshll.u32 v3, v1  }
0x39a: {  	v8 =	vshll.u32 v47, v1;
	v9 =	vshrl.u32 v44, $0x3;
	v3 =	vbroadcast v3, $0x0  }
0x39b: {  	v10 =	vshll.u32 v45, v1;
	v11 =	vshrl.u32 v34, $0x3;
	s0 =	sadd.s32 $0x400, s0;
	v8 =	vbroadcast v8, $0x0  }
0x39c: {  	v34 =	vshll.u32 v42, v1;
	v10 =	vbroadcast v10, $0x0;
	v38 =	vld [tilespmem:s0+$0x1C0];
	v3 =	vadd.s32 v32, v3  }
0x39d: {  	v37 =	vshll.u32 v37, v1;
	v34 =	vbroadcast v34, $0x0;
	v8 =	vadd.s32 v26, v8;
	v39 =	vld [tilespmem:s0+$0xFFFFFE40]  }
0x39e: {  	v36 =	vshll.u32 v36, v1;
	v37 =	vbroadcast v37, $0x0;
	v10 =	vadd.s32 v27, v10;
	v40 =	vld [tilespmem:s0+$0xFFFFFE80]  }
0x39f: {  	v35 =	vshll.u32 v35, v1;
	v36 =	vbroadcast v36, $0x0;
	v34 =	vadd.s32 v28, v34;
	v41 =	vld [tilespmem:s0+$0xFFFFFEC0]  }
0x3a0: {  	v35 =	vbroadcast v35, $0x0;
	v0 =	vshll.u32 v0, v1;
	v37 =	vadd.s32 v29, v37;
	v42 =	vld [tilespmem:s0+$0xFFFFFF00]  }
0x3a1: {  	v2 =	vshll.u32 v2, v1;
	v0 =	vbroadcast v0, $0x0;
	v36 =	vadd.s32 v30, v36;
	v43 =	vld [tilespmem:s0+$0xFFFFFF40];
	[tilespmem:v3+s25+$0x0] =	vst.idx.msk $0xffff, v38  }
0x3a2: {  	v4 =	vshll.u32 v4, v1;
	v2 =	vbroadcast v2, $0x0;
	[tilespmem:v8+s25+$0x0] =	vst.idx.msk $0xffff, v39;
	v3 =	vld [tilespmem:s0+$0xFFFFFF80];
	v8 =	vadd.s32 v31, v35  }
0x3a3: {  	v5 =	vshll.u32 v5, v1;
	v4 =	vbroadcast v4, $0x0;
	v0 =	vadd.s32 v32, v0;
	[tilespmem:v10+s25+$0x0] =	vst.idx.msk $0xffff, v40;
	v10 =	vld [tilespmem:s0+$0xFFFFFFC0]  }
0x3a4: {  	v6 =	vshll.u32 v6, v1;
	v5 =	vbroadcast v5, $0x0;
	v2 =	vadd.s32 v25, v2;
	[tilespmem:v34+s25+$0x0] =	vst.idx.msk $0xffff, v41;
	v34 =	vld [tilespmem:s0+$0x0]  }
0x3a5: {  	v7 =	vshll.u32 v7, v1;
	v6 =	vbroadcast v6, $0x0;
	v4 =	vadd.s32 v26, v4;
	[tilespmem:v37+s25+$0x0] =	vst.idx.msk $0xffff, v42;
	v35 =	vld [tilespmem:s0+$0x40]  }
0x3a6: {  	v9 =	vshll.u32 v9, v1;
	v7 =	vbroadcast v7, $0x0;
	v5 =	vadd.s32 v27, v5;
	[tilespmem:v36+s25+$0x0] =	vst.idx.msk $0xffff, v43;
	v36 =	vld [tilespmem:s0+$0x80]  }
0x3a7: {  	v6 =	vadd.s32 v28, v6;
	[tilespmem:v8+s25+$0x0] =	vst.idx.msk $0xffff, v3;
	v3 =	vld [tilespmem:s0+$0xC0];
	v8 =	vbroadcast v9, $0x0;
	v9 =	vshll.u32 v11, v1  }
0x3a8: {  	v7 =	vadd.s32 v29, v7;
	v11 =	vshll.u32 v33, v1;
	[tilespmem:v0+s25+$0x0] =	vst.idx.msk $0xffff, v10;
	v0 =	vld [tilespmem:s0+$0x100];
	v9 =	vbroadcast v9, $0x0  }
0x3a9: {  	s8 =	sadd.s32 $0x5, s5;
	v10 =	vmov s5;
	v11 =	vbroadcast v11, $0x0;
	[tilespmem:v2+s25+$0x0] =	vst.idx.msk $0xffff, v34;
	v2 =	vld [tilespmem:s0+$0x140];
	v8 =	vadd.s32 v30, v8  }
0x3aa: {  	s6 =	sadd.s32 $0x1, s5;
	s7 =	sadd.s32 $0x2, s5;
	v48 =	vmov s8;
	v33 =	vshrl.u32 v10, $0x3;
	[tilespmem:v4+s25+$0x0] =	vst.idx.msk $0xffff, v35;
	v4 =	vld [tilespmem:s0+$0x180];
	v9 =	vadd.s32 v31, v9  }
0x3ab: {  	s8 =	sadd.s32 $0x8, s5;
	v10 =	vmov s6;
	s6 =	sadd.s32 $0x3, s5;
	v35 =	vmov s7;
	s7 =	sadd.s32 $0x4, s5;
	v11 =	vadd.s32 v25, v11;
	v37 =	vld [tilespmem:s0+$0xFFFFFE00];
	[tilespmem:v5+s25+$0x0] =	vst.idx.msk $0xffff, v36  }
0x3ac: {  	v38 =	vmov s8;
	s8 =	sadd.s32 $0xB, s5;
	v5 =	vmov s6;
	v36 =	vmov s7;
	s6 =	sadd.s32 $0x6, s5;
	s7 =	sadd.s32 $0x7, s5;
	[tilespmem:v6+s25+$0x0] =	vst.idx.msk $0xffff, v3  }
.Ltmp20:
0x3ad: {  	v3 =	vmov s6;
	v39 =	vmov s7;
	s6 =	sadd.s32 $0x9, s5;
	s7 =	sadd.s32 $0xA, s5;
	[tilespmem:v7+s25+$0x0] =	vst.idx.msk $0xffff, v0;
	(pc) =	sbr.rel @p1 .LBB2_31-.Ltmp20, $4  }
0x3ae: {  	v40 =	vmov s8;
	s8 =	sadd.s32 $0xE, s5;
	v43 =	vmov s6;
	v41 =	vmov s7;
	s6 =	sadd.s32 $0xC, s5;
	s7 =	sadd.s32 $0xD, s5;
	[tilespmem:v8+s25+$0x0] =	vst.idx.msk $0xffff, v2  }
0x3af: {  	v34 =	vmov s8;
	v46 =	vmov s6;
	v44 =	vmov s7;
	[tilespmem:v9+s25+$0x0] =	vst.idx.msk $0xffff, v4  }
0x3b0: {  	v47 =	vshrl.u32 v10, $0x3;
	v45 =	vshrl.u32 v35, $0x3;
	v42 =	vshrl.u32 v5, $0x3;
	[tilespmem:v11+s25+$0x0] =	vst.idx.msk $0xffff, v37  }
0x3b1: {  	s31 =	sadd.s32 $0xF, s5;
	v35 =	vshrl.u32 v3, $0x3;
	s5 =	sadd.s32 $0x10, s5;
	v37 =	vshrl.u32 v36, $0x3;
	v36 =	vshrl.u32 v48, $0x3  }
.LBB2_32:
0x3b2: {  	v0 =	vmov s31  }
0x3b3: {  	v2 =	vshrl.u32 v39, $0x3;
	v3 =	vshrl.u32 v38, $0x3;
	v4 =	vshrl.u32 v43, $0x3  }
0x3b4: {  	v5 =	vshrl.u32 v41, $0x3;
	v7 =	vshrl.u32 v46, $0x3;
	v8 =	vshll.u32 v47, v1  }
0x3b5: {  	v9 =	vshrl.u32 v44, $0x3;
	v10 =	vshll.u32 v45, v1;
	v11 =	vshrl.u32 v34, $0x3  }
0x3b6: {  	s0 =	sadd.s32 @p0 $0x400, s0;
	v46 =	vshll.u32 v42, v1;
	v37 =	vshll.u32 v37, v1;
	v8 =	vbroadcast v8, $0x0  }
0x3b7: {  	v36 =	vshll.u32 v36, v1;
	v35 =	vshll.u32 v35, v1;
	s1 =	smov.u32 @p0 s0;
	v10 =	vbroadcast v10, $0x0  }
0x3b8: {  	v60 =	vshll.u32 v33, v1;
	v34 =	vbroadcast v46, $0x0;
	v48 =	vld [tilespmem:s1+$0xFFFFFE40];
	v8 =	vadd.s32 v26, v8  }
0x3b9: {  	v0 =	vshrl.u32 v0, $0x3;
	v37 =	vbroadcast v37, $0x0;
	v49 =	vld [tilespmem:s1+$0xFFFFFE80];
	v10 =	vadd.s32 v27, v10  }
0x3ba: {  	v36 =	vbroadcast v36, $0x0;
	v0 =	vshll.u32 v0, v1;
	v50 =	vld [tilespmem:s1+$0xFFFFFEC0];
	v34 =	vadd.s32 v28, v34  }
0x3bb: {  	v2 =	vshll.u32 v2, v1;
	v51 =	vld [tilespmem:s1+$0xFFFFFF00];
	v0 =	vbroadcast v0, $0x0;
	v37 =	vadd.s32 v29, v37  }
0x3bc: {  	v3 =	vshll.u32 v3, v1;
	v52 =	vld [tilespmem:s1+$0xFFFFFF40];
	v2 =	vbroadcast v2, $0x0;
	v36 =	vadd.s32 v30, v36  }
0x3bd: {  	v4 =	vshll.u32 v4, v1;
	v47 =	vld [tilespmem:s1+$0x1C0];
	v3 =	vbroadcast v3, $0x0;
	v0 =	vadd.s32 v32, v0;
	[tilespmem:v8+s25+$0x0] =	vst.idx.msk $0xffff, v48  }
0x3be: {  	v5 =	vshll.u32 v5, v1;
	v54 =	vld [tilespmem:s1+$0xFFFFFFC0];
	v4 =	vbroadcast v4, $0x0;
	v2 =	vadd.s32 v32, v2;
	[tilespmem:v10+s25+$0x0] =	vst.idx.msk $0xffff, v49  }
0x3bf: {  	v9 =	vshll.u32 v9, v1;
	v55 =	vld [tilespmem:s1+$0x0];
	v5 =	vbroadcast v5, $0x0;
	v3 =	vadd.s32 v25, v3;
	[tilespmem:v34+s25+$0x0] =	vst.idx.msk $0xffff, v50  }
0x3c0: {  	v35 =	vbroadcast v35, $0x0;
	v59 =	vshll.u32 v11, v1;
	v56 =	vld [tilespmem:s1+$0x40];
	v4 =	vadd.s32 v26, v4;
	[tilespmem:v37+s25+$0x0] =	vst.idx.msk $0xffff, v51  }
0x3c1: {  	v57 =	vld [tilespmem:s1+$0x80];
	v58 =	vbroadcast v9, $0x0;
	v9 =	vbroadcast v59, $0x0;
	v5 =	vadd.s32 v27, v5;
	[tilespmem:v36+s25+$0x0] =	vst.idx.msk $0xffff, v52  }
0x3c2: {  	v7 =	vshll.u32 v7, v1;
	v61 =	vbroadcast v60, $0x0;
	v53 =	vadd.s32 v31, v35;
	[tilespmem:v0+s25+$0x0] =	vst.idx.msk $0xffff, v47;
	v0 =	vld [tilespmem:s1+$0xFFFFFF80]  }
0x3c3: {  	v6 =	vshrl.u32 v40, $0x3;
	v7 =	vbroadcast v7, $0x0;
	v62 =	vld [tilespmem:s1+$0x180];
	v9 =	vadd.s32 v31, v9;
	[tilespmem:v2+s25+$0x0] =	vst.idx.msk $0xffff, v54  }
0x3c4: {  	v6 =	vshll.u32 v6, v1;
	v63 =	vld [tilespmem:s1+$0xFFFFFE00];
	v10 =	vadd.s32 v25, v61;
	[tilespmem:v3+s25+$0x0] =	vst.idx.msk $0xffff, v55  }
0x3c5: {  	v6 =	vbroadcast v6, $0x0;
	v7 =	vadd.s32 v29, v7;
	v2 =	vld [tilespmem:s1+$0x100];
	[tilespmem:v4+s25+$0x0] =	vst.idx.msk $0xffff, v56  }
0x3c6: {  	v8 =	vadd.s32 v30, v58;
	v3 =	vld [tilespmem:s1+$0x140];
	[tilespmem:v5+s25+$0x0] =	vst.idx.msk $0xffff, v57  }
0x3c7: {  	v6 =	vadd.s32 v28, v6;
	[tilespmem:v53+s25+$0x0] =	vst.idx.msk $0xffff, v0;
	v0 =	vld [tilespmem:s1+$0xC0]  }
0x3c8: {  	[tilespmem:v9+s25+$0x0] =	vst.idx.msk $0xffff, v62  }
0x3c9: {  	[tilespmem:v10+s25+$0x0] =	vst.idx.msk $0xffff, v63  }
0x3ca: {  	[tilespmem:v7+s25+$0x0] =	vst.idx.msk $0xffff, v2  }
0x3cb: {  	[tilespmem:v8+s25+$0x0] =	vst.idx.msk $0xffff, v3  }
0x3cc: {  	s0 =	sadd.s32 s26, s14;
	[tilespmem:v6+s25+$0x0] =	vst.idx.msk $0xffff, v0  }
0x3cd: {  	[hbm4b:s0+s3] =	stream.linear.scatter [tilespmem:s25], [sflag:$0x4], $0x80, $0x38;
	[tilespmem:$0x9D00] =	vst v63  }
0x3ce: {  	s5 =	simm.s32 $0x7B88;
	s11 =	sadd.s32 $0x10, s0  }
0x3cf: {  	[hbm4b:s11+s3] =	stream.linear.scatter [tilespmem:s5], [sflag:$0x4], $0x80, $0x38;
	[tilespmem:$0x9D00] =	vst v63  }
0x3d0: {  	s24 =	simm.s32 $0x7C10;
	s12 =	sadd.s32 $0x20, s0  }
0x3d1: {  	[hbm4b:s12+s3] =	stream.linear.scatter [tilespmem:s24], [sflag:$0x4], $0x80, $0x38;
	[tilespmem:$0x9D00] =	vst v63  }
0x3d2: {  	s31 =	simm.s32 $0x7C98;
	s30 =	sadd.s32 $0x30, s0  }
0x3d3: {  	[hbm4b:s30+s3] =	stream.linear.scatter [tilespmem:s31], [sflag:$0x4], $0x80, $0x38;
	[tilespmem:$0x9D00] =	vst v63  }
0x3d4: {  	s7 =	simm.s32 $0x7D20;
	s6 =	sadd.s32 $0x40, s0  }
0x3d5: {  	[hbm4b:s6+s3] =	stream.linear.scatter [tilespmem:s7], [sflag:$0x4], $0x80, $0x38;
	[tilespmem:$0x9D00] =	vst v63  }
0x3d6: {  	s9 =	simm.s32 $0x7DA8;
	s8 =	sadd.s32 $0x50, s0  }
0x3d7: {  	[hbm4b:s8+s3] =	stream.linear.scatter [tilespmem:s9], [sflag:$0x4], $0x80, $0x38;
	[tilespmem:$0x9D00] =	vst v63  }
0x3d8: {  	s10 =	sadd.s32 $0x60, s0;
	s11 =	simm.s32 $0x7E30  }
0x3d9: {  	[hbm4b:s10+s3] =	stream.linear.scatter [tilespmem:s11], [sflag:$0x4], $0x80, $0x38;
	[tilespmem:$0x9D00] =	vst v63  }
0x3da: {  	s0 =	sadd.s32 $0x70, s0;
	s12 =	simm.s32 $0x7EB8  }
0x3db: {  	[hbm4b:s0+s3] =	stream.linear.scatter [tilespmem:s12], [sflag:$0x4], $0x80, $0x38;
	[tilespmem:$0x9D00] =	vst v63  }
0x3dc: {  	s24 =	simm.s32 $0x7F40;
	s0 =	sadd.s32 s26, s15  }
0x3dd: {  	[hbm4b:s0+s3] =	stream.linear.scatter [tilespmem:s24], [sflag:$0x4], $0x80, $0x38;
	[tilespmem:$0x9D00] =	vst v63  }
0x3de: {  	s31 =	simm.s32 $0x7FC8;
	s30 =	sadd.s32 $0x10, s0  }
0x3df: {  	[hbm4b:s30+s3] =	stream.linear.scatter [tilespmem:s31], [sflag:$0x4], $0x80, $0x38;
	[tilespmem:$0x9D00] =	vst v63  }
0x3e0: {  	s6 =	simm.s32 $0x8050;
	s5 =	sadd.s32 $0x20, s0  }
0x3e1: {  	[hbm4b:s5+s3] =	stream.linear.scatter [tilespmem:s6], [sflag:$0x4], $0x80, $0x38;
	[tilespmem:$0x9D00] =	vst v63  }
0x3e2: {  	s8 =	simm.s32 $0x80D8;
	s7 =	sadd.s32 $0x30, s0  }
0x3e3: {  	[hbm4b:s7+s3] =	stream.linear.scatter [tilespmem:s8], [sflag:$0x4], $0x80, $0x38;
	[tilespmem:$0x9D00] =	vst v63  }
0x3e4: {  	s10 =	simm.s32 $0x8160;
	s9 =	sadd.s32 $0x40, s0  }
0x3e5: {  	[hbm4b:s9+s3] =	stream.linear.scatter [tilespmem:s10], [sflag:$0x4], $0x80, $0x38;
	[tilespmem:$0x9D00] =	vst v63  }
0x3e6: {  	s12 =	simm.s32 $0x81E8;
	s11 =	sadd.s32 $0x50, s0  }
0x3e7: {  	[hbm4b:s11+s3] =	stream.linear.scatter [tilespmem:s12], [sflag:$0x4], $0x80, $0x38;
	[tilespmem:$0x9D00] =	vst v63  }
0x3e8: {  	s24 =	sadd.s32 $0x60, s0;
	s30 =	simm.s32 $0x8270  }
0x3e9: {  	[hbm4b:s24+s3] =	stream.linear.scatter [tilespmem:s30], [sflag:$0x4], $0x80, $0x38;
	[tilespmem:$0x9D00] =	vst v63  }
0x3ea: {  	s0 =	sadd.s32 $0x70, s0;
	s31 =	simm.s32 $0x82F8  }
0x3eb: {  	[hbm4b:s0+s3] =	stream.linear.scatter [tilespmem:s31], [sflag:$0x4], $0x80, $0x38;
	[tilespmem:$0x9D00] =	vst v63  }
0x3ec: {  	s5 =	simm.s32 $0x8380;
	s0 =	sadd.s32 s26, s16  }
0x3ed: {  	[hbm4b:s0+s3] =	stream.linear.scatter [tilespmem:s5], [sflag:$0x4], $0x80, $0x38;
	[tilespmem:$0x9D00] =	vst v63  }
0x3ee: {  	s7 =	simm.s32 $0x8408;
	s6 =	sadd.s32 $0x10, s0  }
0x3ef: {  	[hbm4b:s6+s3] =	stream.linear.scatter [tilespmem:s7], [sflag:$0x4], $0x80, $0x38;
	[tilespmem:$0x9D00] =	vst v63  }
0x3f0: {  	s9 =	simm.s32 $0x8490;
	s8 =	sadd.s32 $0x20, s0  }
0x3f1: {  	[hbm4b:s8+s3] =	stream.linear.scatter [tilespmem:s9], [sflag:$0x4], $0x80, $0x38;
	[tilespmem:$0x9D00] =	vst v63  }
0x3f2: {  	s11 =	simm.s32 $0x8518;
	s10 =	sadd.s32 $0x30, s0  }
0x3f3: {  	[hbm4b:s10+s3] =	stream.linear.scatter [tilespmem:s11], [sflag:$0x4], $0x80, $0x38;
	[tilespmem:$0x9D00] =	vst v63  }
0x3f4: {  	s24 =	simm.s32 $0x85A0;
	s12 =	sadd.s32 $0x40, s0  }
0x3f5: {  	[hbm4b:s12+s3] =	stream.linear.scatter [tilespmem:s24], [sflag:$0x4], $0x80, $0x38;
	[tilespmem:$0x9D00] =	vst v63  }
0x3f6: {  	s31 =	simm.s32 $0x8628;
	s30 =	sadd.s32 $0x50, s0  }
0x3f7: {  	[hbm4b:s30+s3] =	stream.linear.scatter [tilespmem:s31], [sflag:$0x4], $0x80, $0x38;
	[tilespmem:$0x9D00] =	vst v63  }
0x3f8: {  	s6 =	sadd.s32 $0x60, s0;
	s7 =	simm.s32 $0x86B0  }
0x3f9: {  	[hbm4b:s6+s3] =	stream.linear.scatter [tilespmem:s7], [sflag:$0x4], $0x80, $0x38;
	[tilespmem:$0x9D00] =	vst v63  }
0x3fa: {  	s0 =	sadd.s32 $0x70, s0;
	s8 =	simm.s32 $0x8738  }
0x3fb: {  	[hbm4b:s0+s3] =	stream.linear.scatter [tilespmem:s8], [sflag:$0x4], $0x80, $0x38;
	[tilespmem:$0x9D00] =	vst v63  }
0x3fc: {  	s9 =	simm.s32 $0x87C0;
	s0 =	sadd.s32 s26, s17  }
0x3fd: {  	[hbm4b:s0+s3] =	stream.linear.scatter [tilespmem:s9], [sflag:$0x4], $0x80, $0x38;
	[tilespmem:$0x9D00] =	vst v63  }
0x3fe: {  	s11 =	simm.s32 $0x8848;
	s10 =	sadd.s32 $0x10, s0  }
0x3ff: {  	[hbm4b:s10+s3] =	stream.linear.scatter [tilespmem:s11], [sflag:$0x4], $0x80, $0x38;
	[tilespmem:$0x9D00] =	vst v63  }
0x400: {  	s24 =	simm.s32 $0x88D0;
	s12 =	sadd.s32 $0x20, s0  }
0x401: {  	[hbm4b:s12+s3] =	stream.linear.scatter [tilespmem:s24], [sflag:$0x4], $0x80, $0x38;
	[tilespmem:$0x9D00] =	vst v63  }
0x402: {  	s31 =	simm.s32 $0x8958;
	s30 =	sadd.s32 $0x30, s0  }
0x403: {  	[hbm4b:s30+s3] =	stream.linear.scatter [tilespmem:s31], [sflag:$0x4], $0x80, $0x38;
	[tilespmem:$0x9D00] =	vst v63  }
0x404: {  	s7 =	simm.s32 $0x89E0;
	s6 =	sadd.s32 $0x40, s0  }
0x405: {  	[hbm4b:s6+s3] =	stream.linear.scatter [tilespmem:s7], [sflag:$0x4], $0x80, $0x38;
	[tilespmem:$0x9D00] =	vst v63  }
0x406: {  	s8 =	sadd.s32 $0x50, s0;
	s9 =	simm.s32 $0x8A68  }
0x407: {  	[hbm4b:s8+s3] =	stream.linear.scatter [tilespmem:s9], [sflag:$0x4], $0x80, $0x38;
	[tilespmem:$0x9D00] =	vst v63  }
0x408: {  	s10 =	sadd.s32 $0x60, s0;
	s11 =	simm.s32 $0x8AF0  }
0x409: {  	[hbm4b:s10+s3] =	stream.linear.scatter [tilespmem:s11], [sflag:$0x4], $0x80, $0x38;
	[tilespmem:$0x9D00] =	vst v63  }
0x40a: {  	s0 =	sadd.s32 $0x70, s0;
	s12 =	simm.s32 $0x8B78  }
0x40b: {  	[hbm4b:s0+s3] =	stream.linear.scatter [tilespmem:s12], [sflag:$0x4], $0x80, $0x38;
	[tilespmem:$0x9D00] =	vst v63  }
0x40c: {  	s24 =	simm.s32 $0x8C00;
	s0 =	sadd.s32 s26, s18  }
0x40d: {  	[hbm4b:s0+s3] =	stream.linear.scatter [tilespmem:s24], [sflag:$0x4], $0x80, $0x38;
	[tilespmem:$0x9D00] =	vst v63  }
0x40e: {  	s31 =	simm.s32 $0x8C88;
	s30 =	sadd.s32 $0x10, s0  }
0x40f: {  	[hbm4b:s30+s3] =	stream.linear.scatter [tilespmem:s31], [sflag:$0x4], $0x80, $0x38;
	[tilespmem:$0x9D00] =	vst v63  }
0x410: {  	s7 =	simm.s32 $0x8D10;
	s6 =	sadd.s32 $0x20, s0  }
0x411: {  	[hbm4b:s6+s3] =	stream.linear.scatter [tilespmem:s7], [sflag:$0x4], $0x80, $0x38;
	[tilespmem:$0x9D00] =	vst v63  }
0x412: {  	s9 =	simm.s32 $0x8D98;
	s8 =	sadd.s32 $0x30, s0  }
0x413: {  	[hbm4b:s8+s3] =	stream.linear.scatter [tilespmem:s9], [sflag:$0x4], $0x80, $0x38;
	[tilespmem:$0x9D00] =	vst v63  }
0x414: {  	s11 =	simm.s32 $0x8E20;
	s10 =	sadd.s32 $0x40, s0  }
0x415: {  	[hbm4b:s10+s3] =	stream.linear.scatter [tilespmem:s11], [sflag:$0x4], $0x80, $0x38;
	[tilespmem:$0x9D00] =	vst v63  }
0x416: {  	s12 =	sadd.s32 $0x50, s0;
	s24 =	simm.s32 $0x8EA8  }
0x417: {  	[hbm4b:s12+s3] =	stream.linear.scatter [tilespmem:s24], [sflag:$0x4], $0x80, $0x38;
	[tilespmem:$0x9D00] =	vst v63  }
0x418: {  	s30 =	sadd.s32 $0x60, s0;
	s31 =	simm.s32 $0x8F30  }
0x419: {  	[hbm4b:s30+s3] =	stream.linear.scatter [tilespmem:s31], [sflag:$0x4], $0x80, $0x38;
	[tilespmem:$0x9D00] =	vst v63  }
0x41a: {  	s0 =	sadd.s32 $0x70, s0;
	s6 =	simm.s32 $0x8FB8  }
0x41b: {  	[hbm4b:s0+s3] =	stream.linear.scatter [tilespmem:s6], [sflag:$0x4], $0x80, $0x38;
	[tilespmem:$0x9D00] =	vst v63  }
0x41c: {  	s7 =	simm.s32 $0x9040;
	s0 =	sadd.s32 s26, s19  }
0x41d: {  	[hbm4b:s0+s3] =	stream.linear.scatter [tilespmem:s7], [sflag:$0x4], $0x80, $0x38;
	[tilespmem:$0x9D00] =	vst v63  }
0x41e: {  	s9 =	simm.s32 $0x90C8;
	s8 =	sadd.s32 $0x10, s0  }
0x41f: {  	[hbm4b:s8+s3] =	stream.linear.scatter [tilespmem:s9], [sflag:$0x4], $0x80, $0x38;
	[tilespmem:$0x9D00] =	vst v63  }
0x420: {  	s11 =	simm.s32 $0x9150;
	s10 =	sadd.s32 $0x20, s0  }
0x421: {  	[hbm4b:s10+s3] =	stream.linear.scatter [tilespmem:s11], [sflag:$0x4], $0x80, $0x38;
	[tilespmem:$0x9D00] =	vst v63  }
0x422: {  	s24 =	simm.s32 $0x91D8;
	s12 =	sadd.s32 $0x30, s0  }
0x423: {  	[hbm4b:s12+s3] =	stream.linear.scatter [tilespmem:s24], [sflag:$0x4], $0x80, $0x38;
	[tilespmem:$0x9D00] =	vst v63  }
0x424: {  	s31 =	simm.s32 $0x9260;
	s30 =	sadd.s32 $0x40, s0  }
0x425: {  	[hbm4b:s30+s3] =	stream.linear.scatter [tilespmem:s31], [sflag:$0x4], $0x80, $0x38;
	[tilespmem:$0x9D00] =	vst v63  }
0x426: {  	s6 =	sadd.s32 $0x50, s0;
	s7 =	simm.s32 $0x92E8  }
0x427: {  	[hbm4b:s6+s3] =	stream.linear.scatter [tilespmem:s7], [sflag:$0x4], $0x80, $0x38;
	[tilespmem:$0x9D00] =	vst v63  }
0x428: {  	s8 =	sadd.s32 $0x60, s0;
	s9 =	simm.s32 $0x9370  }
0x429: {  	[hbm4b:s8+s3] =	stream.linear.scatter [tilespmem:s9], [sflag:$0x4], $0x80, $0x38;
	[tilespmem:$0x9D00] =	vst v63  }
0x42a: {  	s0 =	sadd.s32 $0x70, s0;
	s10 =	simm.s32 $0x93F8  }
0x42b: {  	[hbm4b:s0+s3] =	stream.linear.scatter [tilespmem:s10], [sflag:$0x4], $0x80, $0x38;
	[tilespmem:$0x9D00] =	vst v63  }
0x42c: {  	s11 =	simm.s32 $0x9480;
	s0 =	sadd.s32 s26, s20  }
0x42d: {  	[hbm4b:s0+s3] =	stream.linear.scatter [tilespmem:s11], [sflag:$0x4], $0x80, $0x38;
	[tilespmem:$0x9D00] =	vst v63  }
0x42e: {  	s24 =	simm.s32 $0x9508;
	s12 =	sadd.s32 $0x10, s0  }
0x42f: {  	[hbm4b:s12+s3] =	stream.linear.scatter [tilespmem:s24], [sflag:$0x4], $0x80, $0x38;
	[tilespmem:$0x9D00] =	vst v63  }
0x430: {  	s31 =	simm.s32 $0x9590;
	s30 =	sadd.s32 $0x20, s0  }
0x431: {  	[hbm4b:s30+s3] =	stream.linear.scatter [tilespmem:s31], [sflag:$0x4], $0x80, $0x38;
	[tilespmem:$0x9D00] =	vst v63  }
0x432: {  	s6 =	simm.s32 $0x9618;
	s5 =	sadd.s32 $0x30, s0  }
0x433: {  	[hbm4b:s5+s3] =	stream.linear.scatter [tilespmem:s6], [sflag:$0x4], $0x80, $0x38;
	[tilespmem:$0x9D00] =	vst v63  }
0x434: {  	s8 =	simm.s32 $0x96A0;
	s7 =	sadd.s32 $0x40, s0  }
0x435: {  	[hbm4b:s7+s3] =	stream.linear.scatter [tilespmem:s8], [sflag:$0x4], $0x80, $0x38;
	[tilespmem:$0x9D00] =	vst v63  }
0x436: {  	s10 =	simm.s32 $0x9728;
	s9 =	sadd.s32 $0x50, s0  }
0x437: {  	[hbm4b:s9+s3] =	stream.linear.scatter [tilespmem:s10], [sflag:$0x4], $0x80, $0x38;
	[tilespmem:$0x9D00] =	vst v63  }
0x438: {  	s11 =	sadd.s32 $0x60, s0;
	s12 =	simm.s32 $0x97B0  }
0x439: {  	[hbm4b:s11+s3] =	stream.linear.scatter [tilespmem:s12], [sflag:$0x4], $0x80, $0x38;
	[tilespmem:$0x9D00] =	vst v63  }
0x43a: {  	s0 =	sadd.s32 $0x70, s0;
	s24 =	simm.s32 $0x9838  }
0x43b: {  	[hbm4b:s0+s3] =	stream.linear.scatter [tilespmem:s24], [sflag:$0x4], $0x80, $0x38;
	[tilespmem:$0x9D00] =	vst v63  }
0x43c: {  	s0 =	sadd.s32 s26, s21;
	s26 =	simm.s32 $0x98C0  }
0x43d: {  	[hbm4b:s0+s3] =	stream.linear.scatter [tilespmem:s26], [sflag:$0x4], $0x80, $0x38;
	[tilespmem:$0x9D00] =	vst v63  }
0x43e: {  	s31 =	simm.s32 $0x9948;
	s30 =	sadd.s32 $0x10, s0  }
0x43f: {  	[hbm4b:s30+s3] =	stream.linear.scatter [tilespmem:s31], [sflag:$0x4], $0x80, $0x38;
	[tilespmem:$0x9D00] =	vst v63  }
0x440: {  	s7 =	simm.s32 $0x99D0;
	s6 =	sadd.s32 $0x20, s0  }
0x441: {  	[hbm4b:s6+s3] =	stream.linear.scatter [tilespmem:s7], [sflag:$0x4], $0x80, $0x38;
	[tilespmem:$0x9D00] =	vst v63  }
0x442: {  	s9 =	simm.s32 $0x9A58;
	s8 =	sadd.s32 $0x30, s0  }
0x443: {  	[hbm4b:s8+s3] =	stream.linear.scatter [tilespmem:s9], [sflag:$0x4], $0x80, $0x38;
	[tilespmem:$0x9D00] =	vst v63  }
0x444: {  	s11 =	simm.s32 $0x9AE0;
	s10 =	sadd.s32 $0x40, s0  }
0x445: {  	[hbm4b:s10+s3] =	stream.linear.scatter [tilespmem:s11], [sflag:$0x4], $0x80, $0x38;
	[tilespmem:$0x9D00] =	vst v63  }
0x446: {  	p0 =	seq.s32 s2, $0x18;
	s24 =	simm.s32 $0x9B68;
	s12 =	sadd.s32 $0x50, s0  }
0x447: {  	[hbm4b:s12+s3] =	stream.linear.scatter [tilespmem:s24], [sflag:$0x4], $0x80, $0x38;
	[tilespmem:$0x9D00] =	vst v63  }
.Ltmp21:
0x448: {  	_ = 	snop;
	(pc) =	sbr.rel @p0 .LBB2_34-.Ltmp21, $4  }
0x449: {  	s26 =	sadd.s32 $0x60, s0;
	s30 =	simm.s32 $0x9BF0  }
0x44a: {  	[hbm4b:s26+s3] =	stream.linear.scatter [tilespmem:s30], [sflag:$0x4], $0x80, $0x38;
	[tilespmem:$0x9D00] =	vst v63  }
0x44b: {  	s0 =	sadd.s32 $0x70, s0;
	s31 =	simm.s32 $0x9C78  }
0x44c: {  	[hbm4b:s0+s3] =	stream.linear.scatter [tilespmem:s31], [sflag:$0x4], $0x80, $0x38;
	[tilespmem:$0x9D00] =	vst v63  }
0x44d: {  	v10 =	vld [tilespmem:$0x1FF50]  }
0x44e: {  	v11 =	vld [tilespmem:$0x1FF60]  }
0x44f: {  	v0 =	vld [tilespmem:$0x1FF70]  }
.Ltmp22:
0x450: {  	v2 =	vld [tilespmem:$0x1FF80];
	(pc) =	sbr.rel .LBB2_2-.Ltmp22, $4  }
0x451: {  	s0 =	sshll.u32 s2, $0x8;
	v3 =	vld [tilespmem:$0x1FF90]  }
0x452: {  	s1 =	simm.s32 $0x80;
	v4 =	vld [tilespmem:$0x1FFA0];
	s0 =	sand.u32 $0x3FFFFF00, s0  }
0x453: {  	s5 =	simm.s32 $0x3900;
	s2 =	sadd.s32 $0x1, s2;
	v5 =	vld [tilespmem:$0x1FFB0];
	s0 =	sadd.s32 $0x180, s0  }
0x454: {  	v6 =	vld [tilespmem:$0x1FFC0];
	[tilespmem:s5], [sflag:$0x2] =	stream.indirect.gather [hbm4b:s4+s1], $0x40, s0, s1, $0xb8  }
.LBB2_11:
.Ltmp23:
0x455: {  	(pc) =	sbr.rel .LBB2_15-.Ltmp23, $2  }
0x456: {  	_ =	sdelay $0x2  }
0x457: {  	s0 =	simm.s32 $0x1B30  }
.LBB2_28:
.Ltmp24:
0x458: {  	(pc) =	sbr.rel .LBB2_32-.Ltmp24, $2  }
0x459: {  	_ =	sdelay $0x2  }
0x45a: {  	s0 =	simm.s32 $0x3B30  }
.LBB2_8:
.Ltmp25:
0x45b: {  	(pc) =	sbr.rel .LBB2_10-.Ltmp25, $2  }
0x45c: {  	_ =	sdelay $0x2  }
0x45d: {  	s0 =	simm.s32 $0x1B20  }
.LBB2_13:
.Ltmp26:
0x45e: {  	(pc) =	sbr.rel .LBB2_15-.Ltmp26, $2  }
0x45f: {  	_ =	sdelay $0x2  }
0x460: {  	s0 =	simm.s32 $0x1B30  }
.LBB2_25:
.Ltmp27:
0x461: {  	(pc) =	sbr.rel .LBB2_27-.Ltmp27, $2  }
0x462: {  	_ =	sdelay $0x2  }
0x463: {  	s0 =	simm.s32 $0x3B20  }
.LBB2_30:
.Ltmp28:
0x464: {  	(pc) =	sbr.rel .LBB2_32-.Ltmp28, $2  }
0x465: {  	_ =	sdelay $0x2  }
0x466: {  	s0 =	simm.s32 $0x3B30  }
.LBB2_35:
0x467: {  	_ =	sfence.sel $0x180000  }
0x468: {  	[bflag:$0x0] =	sbarrier.arrive $0xFFFF  }
0x469: {  	_ =	strace $0x90000047  }
0x46a: {  	s0 =	stileid.u32;
	[bflag:$0x2] =	sbarrier.arrive $0xFFFF  }
0x46b: {  	p0 =	sne.s32 s0, $0x0;
	s0 =	rddreg [dreg:$0x2]  }
0x46c: {  	s0 =	sadd.s32 @!p0 $0x100000, s0  }
0x46d: {  	[sflag:s0] =	ssyncadd.tile.s32 @!p0 $0x1;
	_ =	shalt  }
.Lfunc_end2:
_tile_overlayer_lowered:
.L_overlay_start_2:
0x46e: {  	(tag) =	ssettag $0x2  }
0x46f: {  	s0 =	rddreg [dreg:$0x0];
	s2 =	stileid.u32  }
0x470: {  	s1 =	rddreg [dreg:$0x1];
	p0 =	sne.s32 s2, $0x0  }
0x471: {  	s3 =	rddreg [dreg:$0x2];
	[bflag:$0x3] =	sbarrier.arrive $0xFFFF;
	s2 =	simm.s32 @!p0 $0x1C05  }
0x472: {  	[timem:s3], [sflag:s2] =	dma.local @!p0 [hbm:s0], s1  }
0x473: {  	s0 =	simm.s32 @!p0 $0x5  }
0x474: {  	_ =	swait.ge @!p0 [sflag:s0], s1  }
0x475: {  	s1 =	ssub.s32 @!p0 $0x0, s1;
	[sflag:s0] =	ssyncset.done @!p0 $0x0  }
0x476: {  	[sflag:s0] =	ssyncadd.s32 @!p0 s1  }
0x477: {  	[bflag:$0x3] =	sbarrier.arrive $0xFFFF  }
0x478: {  	_ =	shalt  }

</sc_bundles>
